<compile_context>
chip_gen: v7x
topology: tpu7x:2x2x1
jax: 0.10.2.dev20260603
libtpu: 0.0.44.dev20260713+nightly
codegen_flags: <defaults>
</compile_context>

<pallas_src>
import functools

import jax
import jax.numpy as jnp
from jax import lax
from jax.experimental import pallas as pl
from jax.experimental.pallas import tpu as pltpu
from jax.experimental.pallas import tpu_sc as plsc

_BATCH = 16384
_ROWS = 2 * _BATCH
_DIM = 64
_NC = 2
_NS = 16
_NW = _NC * _NS
_LANES = 16
_NT0 = 7813
_K = 245
_NWAVE = (_K + 3) // 4
_CAP = 4096
_ZROWS = 36864

_mesh = plsc.VectorSubcoreMesh(
    core_axis_name="c", subcore_axis_name="s", num_cores=_NC, num_subcores=_NS
)


@functools.partial(
    pl.kernel,
    out_type=jax.ShapeDtypeStruct((_ZROWS, 128), jnp.float32),
    mesh=_mesh,
    scratch_types=[
        pltpu.VMEM((2, 16, 128), jnp.int32),
        pltpu.VMEM((_CAP + 16,), jnp.int32),
        pltpu.VMEM((_CAP + 16,), jnp.int32),
        pltpu.VMEM((_CAP + 16,), jnp.int32),
        pltpu.VMEM((_CAP + 16,), jnp.int32),
        pltpu.VMEM((256,), jnp.int32),
        pltpu.VMEM((256,), jnp.int32),
        pltpu.VMEM((272,), jnp.int32),
        pltpu.VMEM((_CAP + 16,), jnp.int32),
        pltpu.VMEM((_CAP + 16,), jnp.int32),
        pltpu.VMEM((_CAP + 16,), jnp.int32),
        pltpu.VMEM((8, 64, 128), jnp.float32),
        pltpu.VMEM((32, 128), jnp.float32),
        pltpu.VMEM((2, 1, 16), jnp.int32),
        pltpu.SemaphoreType.DMA,
        pltpu.SemaphoreType.DMA,
        pltpu.SemaphoreType.DMA,
        pltpu.SemaphoreType.DMA,
    ],
    compiler_params=pltpu.CompilerParams(
        needs_layout_passes=False, use_tc_tiling_on_sc=True),
)
def _hash_gather(sidx_hbm, tablet_hbm, zbuf_hbm,
                 sidx_v, cand_r, cand_k, cand_j, candp, used, slotpos,
                 fetchlist, sel_j, sel_r, sel_s, ring, wavebuf, widx,
                 sem_in, sem_ring, sem_sc, sem_sc2):
    wid = lax.axis_index("s") * _NC + lax.axis_index("c")
    iota = lax.iota(jnp.int32, _LANES)
    ones = jnp.ones((_LANES,), jnp.int32)
    zeros = jnp.zeros((_LANES,), jnp.int32)

    pltpu.async_copy(sidx_hbm.at[pl.ds(0, 16)], sidx_v.at[0], sem_sc2)

    def scan_chunk(c, nc):
        par = c & 1

        @pl.when(c + 1 < 16)
        def _prefetch():
            pltpu.async_copy(
                sidx_hbm.at[pl.ds((c + 1) * 16, 16)], sidx_v.at[(c + 1) & 1],
                sem_sc2)

        pltpu.make_async_copy(
            sidx_hbm.at[pl.ds(0, 16)], sidx_v.at[par], sem_sc2).wait()

        def scan_row(r8, nc):
            for l in range(8):
                rv = sidx_v[par, r8, pl.ds(l * 16, 16)]
                jv = iota + (c * 2048 + r8 * 128 + l * 16)
                t0 = rv >> 7
                m = (t0 & 31) == wid
                cnt = plsc.all_reduce_population_count(m)[0]
                ncs = jnp.minimum(nc, _CAP)
                plsc.store_compressed(cand_r.at[pl.ds(ncs, 16)], rv & 127, mask=m)
                plsc.store_compressed(cand_k.at[pl.ds(ncs, 16)], rv >> 12, mask=m)
                plsc.store_compressed(cand_j.at[pl.ds(ncs, 16)], jv, mask=m)
                nc = nc + cnt
            return nc

        return lax.fori_loop(0, 16, scan_row, nc)

    nc = lax.fori_loop(0, 16, scan_chunk, jnp.int32(0))
    nc = jnp.minimum(nc, _CAP)
    nchk = (nc + 15) >> 4

    for i in range(16):
        used[pl.ds(i * 16, 16)] = zeros

    def mark(c, carry):
        base = c * 16
        kv = plsc.load_gather(cand_k, [iota + base])
        m = iota < (nc - base)
        plsc.store_scatter(used, [kv & 255], ones, mask=m)
        return carry

    lax.fori_loop(0, nchk, mark, jnp.int32(0))

    nf = jnp.int32(0)
    for i in range(16):
        uv = used[pl.ds(i * 16, 16)]
        m = uv != 0
        kvals = iota + i * 16
        pcnt = plsc.all_reduce_population_count(m)[0]
        pref = plsc.cumsum(m.astype(jnp.int32))
        plsc.store_compressed(fetchlist.at[pl.ds(nf, 16)], kvals, mask=m)
        plsc.store_scatter(slotpos, [kvals], nf + pref - 1, mask=m)
        nf = nf + pcnt

    def fill_candp(c, carry):
        base = c * 16
        kv = plsc.load_gather(cand_k, [iota + base])
        pv = plsc.load_gather(slotpos, [kv & 255])
        candp[pl.ds(base, 16)] = pv
        return carry

    lax.fori_loop(0, nchk, fill_candp, jnp.int32(0))

    def fire(w, par, sem):
        for b in range(4):
            fi = w * 4 + b

            @pl.when(fi < nf)
            def _fire():
                kv16 = fetchlist[pl.ds(fi, 16)]
                col = (kv16[0] * 32 + wid) * 128
                col = pl.multiple_of(col, 128)
                pltpu.async_copy(
                    tablet_hbm.at[:, pl.ds(col, 128)], ring.at[par * 4 + b],
                    sem)

    def process(w, par, sem, gct):
        for b in range(4):

            @pl.when(w * 4 + b < nf)
            def _drain():
                pltpu.make_async_copy(
                    tablet_hbm.at[:, pl.ds(0, 128)], ring.at[par * 4 + b],
                    sem).wait()

        def select(c, p2):
            base = c * 16
            pv = plsc.load_gather(candp, [iota + base])
            m = (iota < (nc - base)) & ((pv >> 2) == w)
            cnt = plsc.all_reduce_population_count(m)[0]

            @pl.when(cnt > 0)
            def _emit():
                p2s = jnp.minimum(p2, _CAP)
                plsc.store_compressed(
                    sel_j.at[pl.ds(p2s, 16)],
                    plsc.load_gather(cand_j, [iota + base]), mask=m)
                plsc.store_compressed(
                    sel_r.at[pl.ds(p2s, 16)],
                    plsc.load_gather(cand_r, [iota + base]), mask=m)
                plsc.store_compressed(
                    sel_s.at[pl.ds(p2s, 16)], pv & 3, mask=m)

            return p2 + cnt

        ptr2 = lax.fori_loop(0, nchk, select, jnp.int32(0))
        ptr2 = jnp.minimum(ptr2, _CAP)

        def group(g, gct):
            base = g * 16
            lane_m = iota < (ptr2 - base)
            jv = plsc.load_gather(sel_j, [iota + base])
            rv = plsc.load_gather(sel_r, [iota + base])
            sv = plsc.load_gather(sel_s, [iota + base]) + par * 4
            gpar = gct & 1

            @pl.when(gct >= 2)
            def _wait_prev():
                pltpu.make_async_copy(
                    wavebuf.at[pl.ds(0, 16)], zbuf_hbm.at[widx.at[0, 0]],
                    sem_sc).wait()

            rowv = gpar * 16 + iota
            for d in range(_DIM):
                dspl = jnp.full((_LANES,), d, jnp.int32)
                vals = plsc.load_gather(
                    ring, [sv, dspl, rv], mask=lane_m)
                plsc.store_scatter(wavebuf, [rowv, dspl], vals)
            idxv = jnp.where(lane_m, jv, _ROWS + wid)
            widx[gpar, 0, :] = idxv
            pltpu.async_copy(
                wavebuf.at[pl.ds(gpar * 16, 16)],
                zbuf_hbm.at[widx.at[gpar, 0]], sem_sc)
            return gct + 1

        ng = (ptr2 + 15) >> 4
        return lax.fori_loop(0, ng, group, gct)

    fire(jnp.int32(0), 0, sem_ring)

    def wave_pair(t, gct):
        w0 = t * 2
        fire(w0 + 1, 1, sem_in)
        gct = process(w0, 0, sem_ring, gct)
        fire(w0 + 2, 0, sem_ring)
        gct = process(w0 + 1, 1, sem_in, gct)
        return gct

    gct = lax.fori_loop(0, _NWAVE // 2, wave_pair, jnp.int32(0))

    def drain_sc(i, carry):
        @pl.when(i < jnp.minimum(gct, 2))
        def _d():
            pltpu.make_async_copy(
                wavebuf.at[pl.ds(0, 16)], zbuf_hbm.at[widx.at[0, 0]],
                sem_sc).wait()
        return carry

    lax.fori_loop(0, 2, drain_sc, jnp.int32(0))


def _tc_body(s_ref, z_ref, o_ref):
    x = z_ref[...]
    y = x.reshape(x.shape[0] // 2, 2, 128)
    d = y[:, 0, :] - y[:, 1, :]
    dmask = lax.broadcasted_iota(jnp.int32, d.shape, 1) < _DIM
    d2 = jnp.sum(jnp.where(dmask, d * d, 0.0), axis=-1) + 1e-12
    dist = jnp.sqrt(d2)
    sim = jnp.exp(-s_ref[4] * dist)
    t = jnp.exp(-s_ref[3] * (sim - s_ref[2]))
    o_ref[...] = s_ref[0] + (s_ref[1] - s_ref[0]) / (1.0 + t)


_BROWS = 4096


def kernel(stimulus_set, percept_table, lower, upper, midpoint, rate, beta):
    sidx = stimulus_set.astype(jnp.int32).reshape(256, 128)
    tablet = percept_table.T
    zbuf = _hash_gather(sidx, tablet)
    zero = jnp.float32(0)
    params = jnp.stack([
        jnp.float32(lower), jnp.float32(upper), jnp.float32(midpoint),
        jnp.float32(rate), jnp.float32(beta), zero, zero, zero,
    ])
    prob = pl.pallas_call(
        _tc_body,
        grid=(_ROWS // _BROWS,),
        in_specs=[
            pl.BlockSpec(memory_space=pltpu.SMEM),
            pl.BlockSpec((_BROWS, 128), lambda i: (i, 0)),
        ],
        out_specs=pl.BlockSpec((_BROWS // 2,), lambda i: (i,)),
        out_shape=jax.ShapeDtypeStruct((_BATCH,), jnp.float32),
    )(params, zbuf)
    return prob.reshape(_BATCH, 1)

# --- scband reference (transcript-rebuilt; emitter-appended) ---
"""Pipeline reference for scband-rate-similarity-base-57080115364046 (READ-ONLY COPY).

The authoritative reference and input builder live on the scoring server;
editing this copy changes nothing except your own understanding.
"""

import jax, jax.numpy as jnp
import numpy as np

BATCH = 16384
VOCAB = 1000000
DIM = 64


def setup_inputs(seed: int = 0) -> dict:
    key = jax.random.key(seed)
    k1, k2 = jax.random.split(key)
    stimulus_set = jax.random.randint(k1, (BATCH, 2), 0, VOCAB, dtype=jnp.int64 if jax.config.jax_enable_x64 else jnp.int32)
    percept_table = jax.random.normal(k2, (VOCAB, DIM), dtype=jnp.float32) * 0.05
    lower = jnp.asarray(0.0, dtype=jnp.float32)
    upper = jnp.asarray(1.0, dtype=jnp.float32)
    midpoint = jnp.asarray(0.5, dtype=jnp.float32)
    rate = jnp.asarray(5.0, dtype=jnp.float32)
    beta = jnp.asarray(10.0, dtype=jnp.float32)  # exponential-similarity kernel sharpness
    return {
        'stimulus_set': stimulus_set,
        'percept_table': percept_table,
        'lower': lower,
        'upper': upper,
        'midpoint': midpoint,
        'rate': rate,
        'beta': beta,
    }


def reference(stimulus_set, percept_table, lower, upper, midpoint, rate, beta):
    # percept: embedding lookup  -> z shape [batch, 2, dim]
    z = jnp.take(percept_table, stimulus_set, axis=0)
    # _split_stimulus_set: gather along stimuli axis (-2 here, since last axis is dim)
    z_q = z[:, 0:1, :]
    z_r = z[:, 1:2, :]
    # kernel: Minkowski (rho=2) distance + exponential similarity
    d = jnp.sqrt(jnp.sum((z_q - z_r) ** 2, axis=-1) + 1e-12)  # [batch, 1]
    sim_qr = jnp.exp(-beta * d)
    # parameterized logistic mapping similarity -> rating probability
    prob = lower + (upper - lower) / (1.0 + jnp.exp(-rate * (sim_qr - midpoint)))
    return prob

if __name__ == "__main__":
    import jax
    _d = setup_inputs()
    print(jax.jit(kernel)(*tuple(_d.values())))

</pallas_src>

<mosaic_0001>
#map = affine_map<(d0, d1) -> (0, 0)>
module attributes {stable_mosaic.version = 14 : i64} {
  func.func @_hash_gather(%arg0: i32, %arg1: i32, %arg2: memref<256x128xi32, #tpu.memory_space<hbm>>, %arg3: memref<64x1000000xf32, #tpu.memory_space<hbm>>, %arg4: memref<36864x128xf32, #tpu.memory_space<hbm>>, %arg5: memref<2x16x128xi32, #tpu.memory_space<vmem>>, %arg6: memref<4112xi32, #tpu.memory_space<vmem>>, %arg7: memref<4112xi32, #tpu.memory_space<vmem>>, %arg8: memref<4112xi32, #tpu.memory_space<vmem>>, %arg9: memref<4112xi32, #tpu.memory_space<vmem>>, %arg10: memref<256xi32, #tpu.memory_space<vmem>>, %arg11: memref<256xi32, #tpu.memory_space<vmem>>, %arg12: memref<272xi32, #tpu.memory_space<vmem>>, %arg13: memref<4112xi32, #tpu.memory_space<vmem>>, %arg14: memref<4112xi32, #tpu.memory_space<vmem>>, %arg15: memref<4112xi32, #tpu.memory_space<vmem>>, %arg16: memref<8x64x128xf32, #tpu.memory_space<vmem>>, %arg17: memref<32x128xf32, #tpu.memory_space<vmem>>, %arg18: memref<2x1x16xi32, #tpu.memory_space<vmem>>, %arg19: memref<!tpu.dma_semaphore, #tpu.memory_space<semaphore_mem>>, %arg20: memref<!tpu.dma_semaphore, #tpu.memory_space<semaphore_mem>>, %arg21: memref<!tpu.dma_semaphore, #tpu.memory_space<semaphore_mem>>, %arg22: memref<!tpu.dma_semaphore, #tpu.memory_space<semaphore_mem>>) attributes {dimension_semantics = [#tpu.dimension_semantics<core_parallel>, #tpu.dimension_semantics<subcore_parallel>], iteration_bounds = array<i64: 2, 16>, scalar_prefetch = 0 : i64, scratch_operands = 18 : i64, tpu.core_type = #tpu.core_type<sc_vector_subcore>, window_params = [{transform_indices = #map}, {transform_indices = #map}, {transform_indices = #map}]} {
    %mul3A = arith.constant 2 : i32
    %mul3A_0 = arith.muli %arg1, %mul3A : i32
    %add3A = arith.addi %mul3A_0, %arg0 : i32
    %iota3A = tpu.iota {dimensions = array<i32: 0>} : vector<16xi32>
    %broadcast_in_dim3A = arith.constant 1 : i32
    %broadcast_in_dim3A_1 = vector.broadcast %broadcast_in_dim3A : i32 to vector<16xi32>
    %broadcast_in_dim3A_2 = arith.constant 0 : i32
    %broadcast_in_dim3A_3 = vector.broadcast %broadcast_in_dim3A_2 : i32 to vector<16xi32>
    %dma_start3A = arith.constant 0 : i32
    %dma_start3A_4 = arith.constant 0 : i32
    %dma_start3A_5 = arith.constant 0 : i32
    %dma_start3A_6 = tpu.memref_slice %arg5[%dma_start3A, %dma_start3A_4, %dma_start3A_5] : memref<2x16x128xi32, #tpu.memory_space<vmem>> -> memref<1x16x128xi32, #tpu.memory_space<vmem>>
    %dma_start3A_7 = tpu.memref_squeeze %dma_start3A_6 : memref<1x16x128xi32, #tpu.memory_space<vmem>> -> memref<16x128xi32, #tpu.memory_space<vmem>>
    %dma_start3A_8 = arith.constant 0 : i32
    %dma_start3A_9 = arith.constant 0 : i32
    %dma_start3A_10 = tpu.memref_slice %arg2[%dma_start3A_8, %dma_start3A_9] : memref<256x128xi32, #tpu.memory_space<hbm>> -> memref<16x128xi32, #tpu.memory_space<hbm>>
    %dma_start3A_11 = arith.constant 0 : i32
    %dma_start3A_12 = arith.constant 0 : i32
    %dma_start3A_13 = tpu.memref_slice %arg5[%dma_start3A, %dma_start3A_11, %dma_start3A_12] : memref<2x16x128xi32, #tpu.memory_space<vmem>> -> memref<1x16x128xi32, #tpu.memory_space<vmem>>
    %dma_start3A_14 = tpu.memref_squeeze %dma_start3A_13 : memref<1x16x128xi32, #tpu.memory_space<vmem>> -> memref<16x128xi32, #tpu.memory_space<vmem>>
    %dma_start3A_15 = arith.constant 0 : i32
    %dma_start3A_16 = arith.constant 0 : i32
    %dma_start3A_17 = tpu.memref_slice %arg2[%dma_start3A_15, %dma_start3A_16] : memref<256x128xi32, #tpu.memory_space<hbm>> -> memref<16x128xi32, #tpu.memory_space<hbm>>
    tpu.enqueue_dma source(%dma_start3A_17 : memref<16x128xi32, #tpu.memory_space<hbm>>) target(%dma_start3A_14 : memref<16x128xi32, #tpu.memory_space<vmem>>) target_semaphore(%arg22 : memref<!tpu.dma_semaphore, #tpu.memory_space<semaphore_mem>>)
    %scan3A = arith.constant 0 : i32
    %scan3A_18 = arith.constant 0 : i32
    %scan3A_19 = arith.constant 16 : i32
    %scan3A_20 = arith.addi %scan3A_18, %scan3A_19 : i32
    %scan3A_21 = arith.constant 1 : i32
    %scan3A_22 = scf.for %scan3A_488 = %scan3A_18 to %scan3A_20 step %scan3A_21 iter_args(%scan3A_489 = %scan3A) -> (i32)  : i32 {
      %and3A = arith.constant 1 : i32
      %and3A_490 = arith.andi %scan3A_488, %and3A : i32
      %add3A_491 = arith.constant 1 : i32
      %add3A_492 = arith.addi %scan3A_488, %add3A_491 : i32
      %lt3A_493 = arith.constant 16 : i32
      %lt3A_494 = arith.cmpi slt, %add3A_492, %lt3A_493 : i32
      %convert_element_type3A_495 = arith.extui %lt3A_494 : i1 to i32
      %cond3A_496 = arith.constant 0 : i32
      %cond3A_497 = arith.cmpi ne, %convert_element_type3A_495, %cond3A_496 : i32
      scf.if %cond3A_497 {
        %add3A_517 = arith.constant 1 : i32
        %add3A_518 = arith.addi %scan3A_488, %add3A_517 : i32
        %mul3A_519 = arith.constant 16 : i32
        %mul3A_520 = arith.muli %add3A_518, %mul3A_519 : i32
        %add3A_521 = arith.constant 1 : i32
        %add3A_522 = arith.addi %scan3A_488, %add3A_521 : i32
        %and3A_523 = arith.constant 1 : i32
        %and3A_524 = arith.andi %add3A_522, %and3A_523 : i32
        %dma_start3A_525 = arith.constant 0 : i32
        %dma_start3A_526 = arith.constant 0 : i32
        %dma_start3A_527 = tpu.memref_slice %arg5[%and3A_524, %dma_start3A_525, %dma_start3A_526] : memref<2x16x128xi32, #tpu.memory_space<vmem>> -> memref<1x16x128xi32, #tpu.memory_space<vmem>>
        %dma_start3A_528 = tpu.memref_squeeze %dma_start3A_527 : memref<1x16x128xi32, #tpu.memory_space<vmem>> -> memref<16x128xi32, #tpu.memory_space<vmem>>
        %dma_start3A_529 = arith.constant 0 : i32
        %dma_start3A_530 = tpu.memref_slice %arg2[%mul3A_520, %dma_start3A_529] : memref<256x128xi32, #tpu.memory_space<hbm>> -> memref<16x128xi32, #tpu.memory_space<hbm>>
        %dma_start3A_531 = arith.constant 0 : i32
        %dma_start3A_532 = arith.constant 0 : i32
        %dma_start3A_533 = tpu.memref_slice %arg5[%and3A_524, %dma_start3A_531, %dma_start3A_532] : memref<2x16x128xi32, #tpu.memory_space<vmem>> -> memref<1x16x128xi32, #tpu.memory_space<vmem>>
        %dma_start3A_534 = tpu.memref_squeeze %dma_start3A_533 : memref<1x16x128xi32, #tpu.memory_space<vmem>> -> memref<16x128xi32, #tpu.memory_space<vmem>>
        %dma_start3A_535 = arith.constant 0 : i32
        %dma_start3A_536 = tpu.memref_slice %arg2[%mul3A_520, %dma_start3A_535] : memref<256x128xi32, #tpu.memory_space<hbm>> -> memref<16x128xi32, #tpu.memory_space<hbm>>
        tpu.enqueue_dma source(%dma_start3A_536 : memref<16x128xi32, #tpu.memory_space<hbm>>) target(%dma_start3A_534 : memref<16x128xi32, #tpu.memory_space<vmem>>) target_semaphore(%arg22 : memref<!tpu.dma_semaphore, #tpu.memory_space<semaphore_mem>>)
      } else {
      }
      %dma_wait3A = arith.constant 0 : i32
      %dma_wait3A_498 = arith.constant 0 : i32
      %dma_wait3A_499 = tpu.memref_slice %arg5[%and3A_490, %dma_wait3A, %dma_wait3A_498] : memref<2x16x128xi32, #tpu.memory_space<vmem>> -> memref<1x16x128xi32, #tpu.memory_space<vmem>>
      %dma_wait3A_500 = tpu.memref_squeeze %dma_wait3A_499 : memref<1x16x128xi32, #tpu.memory_space<vmem>> -> memref<16x128xi32, #tpu.memory_space<vmem>>
      %dma_wait3A_501 = arith.constant 0 : i32
      %dma_wait3A_502 = arith.constant 0 : i32
      %dma_wait3A_503 = tpu.memref_slice %arg2[%dma_wait3A_501, %dma_wait3A_502] : memref<256x128xi32, #tpu.memory_space<hbm>> -> memref<16x128xi32, #tpu.memory_space<hbm>>
      %dma_wait3A_504 = arith.constant 0 : i32
      %dma_wait3A_505 = arith.constant 0 : i32
      %dma_wait3A_506 = tpu.memref_slice %arg5[%and3A_490, %dma_wait3A_504, %dma_wait3A_505] : memref<2x16x128xi32, #tpu.memory_space<vmem>> -> memref<1x16x128xi32, #tpu.memory_space<vmem>>
      %dma_wait3A_507 = tpu.memref_squeeze %dma_wait3A_506 : memref<1x16x128xi32, #tpu.memory_space<vmem>> -> memref<16x128xi32, #tpu.memory_space<vmem>>
      %dma_wait3A_508 = arith.constant 0 : i32
      %dma_wait3A_509 = arith.constant 0 : i32
      %dma_wait3A_510 = tpu.memref_slice %arg2[%dma_wait3A_508, %dma_wait3A_509] : memref<256x128xi32, #tpu.memory_space<hbm>> -> memref<16x128xi32, #tpu.memory_space<hbm>>
      tpu.wait_dma2 semaphore(%arg22 : memref<!tpu.dma_semaphore, #tpu.memory_space<semaphore_mem>>) src(%dma_wait3A_510 : memref<16x128xi32, #tpu.memory_space<hbm>>) dst(%dma_wait3A_507 : memref<16x128xi32, #tpu.memory_space<vmem>>)
      %scan3A_511 = arith.constant 0 : i32
      %scan3A_512 = arith.constant 16 : i32
      %scan3A_513 = arith.addi %scan3A_511, %scan3A_512 : i32
      %scan3A_514 = arith.constant 1 : i32
      %scan3A_515 = scf.for %scan3A_517 = %scan3A_511 to %scan3A_513 step %scan3A_514 iter_args(%scan3A_518 = %scan3A_489) -> (i32)  : i32 {
        %get3A_519 = arith.index_cast %and3A_490 : i32 to index
        %get3A_520 = arith.index_cast %scan3A_517 : i32 to index
        %get3A_521 = arith.constant 0 : index
        %get3A_522 = tpu.vector_load %arg5[%get3A_519, %get3A_520, %get3A_521] {strides = array<i32>} : memref<2x16x128xi32, #tpu.memory_space<vmem>>, vector<16xi32>,
        %mul3A_523 = arith.constant 2048 : i32
        %mul3A_524 = arith.muli %scan3A_488, %mul3A_523 : i32
        %mul3A_525 = arith.constant 128 : i32
        %mul3A_526 = arith.muli %scan3A_517, %mul3A_525 : i32
        %add3A_527 = arith.addi %mul3A_524, %mul3A_526 : i32
        %add3A_528 = arith.constant 0 : i32
        %add3A_529 = arith.addi %add3A_527, %add3A_528 : i32
        %add3A_530 = vector.broadcast %add3A_529 : i32 to vector<16xi32>
        %add3A_531 = arith.addi %iota3A, %add3A_530 : vector<16xi32>
        %shift_right_arithmetic3A_532 = arith.constant 7 : i32
        %shift_right_arithmetic3A_533 = vector.broadcast %shift_right_arithmetic3A_532 : i32 to vector<16xi32>
        %shift_right_arithmetic3A_534 = arith.shrsi %get3A_522, %shift_right_arithmetic3A_533 : vector<16xi32>
        %and3A_535 = arith.constant 31 : i32
        %and3A_536 = vector.broadcast %and3A_535 : i32 to vector<16xi32>
        %and3A_537 = arith.andi %shift_right_arithmetic3A_534, %and3A_536 : vector<16xi32>
        %eq3A = vector.broadcast %add3A : i32 to vector<16xi32>
        %eq3A_538 = arith.cmpi eq, %and3A_537, %eq3A : vector<16xi32>
        %all_reduce_population_count3A_539 = tpu.all_reduce %eq3A_538 {dim = 0 : i64, kind = #tpu.reduction_kind<sum>} : vector<16xi1> -> vector<16xi32>
        %slice3A_540 = vector.extract_strided_slice %all_reduce_population_count3A_539 {offsets = [0], sizes = [1], strides = [1]} : vector<16xi32> to vector<1xi32>
        %squeeze3A_541 = vector.extract %slice3A_540[0] : i32 from vector<1xi32>
        %min3A_542 = arith.constant 4096 : i32
        %min3A_543 = arith.minsi %scan3A_518, %min3A_542 : i32
        %and3A_544 = arith.constant 127 : i32
        %and3A_545 = vector.broadcast %and3A_544 : i32 to vector<16xi32>
        %and3A_546 = arith.andi %get3A_522, %and3A_545 : vector<16xi32>
        %swap3A_547 = arith.index_cast %min3A_543 : i32 to index
        %swap3A_548 = tpu.vector_load %arg6[%swap3A_547] masked %eq3A_538 {strides = array<i32>} : memref<4112xi32, #tpu.memory_space<vmem>>, vector<16xi32>, vector<16xi1>
        tpu.vector_store %arg6[%swap3A_547], %and3A_546 masked %eq3A_538 {strides = array<i32>} : memref<4112xi32, #tpu.memory_space<vmem>>, vector<16xi32>, vector<16xi1>
        %shift_right_arithmetic3A_549 = arith.constant 12 : i32
        %shift_right_arithmetic3A_550 = vector.broadcast %shift_right_arithmetic3A_549 : i32 to vector<16xi32>
        %shift_right_arithmetic3A_551 = arith.shrsi %get3A_522, %shift_right_arithmetic3A_550 : vector<16xi32>
        %swap3A_552 = arith.index_cast %min3A_543 : i32 to index
        %swap3A_553 = tpu.vector_load %arg7[%swap3A_552] masked %eq3A_538 {strides = array<i32>} : memref<4112xi32, #tpu.memory_space<vmem>>, vector<16xi32>, vector<16xi1>
        tpu.vector_store %arg7[%swap3A_552], %shift_right_arithmetic3A_551 masked %eq3A_538 {strides = array<i32>} : memref<4112xi32, #tpu.memory_space<vmem>>, vector<16xi32>, vector<16xi1>
        %swap3A_554 = arith.index_cast %min3A_543 : i32 to index
        %swap3A_555 = tpu.vector_load %arg8[%swap3A_554] masked %eq3A_538 {strides = array<i32>} : memref<4112xi32, #tpu.memory_space<vmem>>, vector<16xi32>, vector<16xi1>
        tpu.vector_store %arg8[%swap3A_554], %add3A_531 masked %eq3A_538 {strides = array<i32>} : memref<4112xi32, #tpu.memory_space<vmem>>, vector<16xi32>, vector<16xi1>
        %add3A_556 = arith.addi %scan3A_518, %squeeze3A_541 : i32
        %get3A_557 = arith.index_cast %and3A_490 : i32 to index
        %get3A_558 = arith.index_cast %scan3A_517 : i32 to index
        %get3A_559 = arith.constant 16 : index
        %get3A_560 = tpu.vector_load %arg5[%get3A_557, %get3A_558, %get3A_559] {strides = array<i32>} : memref<2x16x128xi32, #tpu.memory_space<vmem>>, vector<16xi32>,
        %mul3A_561 = arith.constant 2048 : i32
        %mul3A_562 = arith.muli %scan3A_488, %mul3A_561 : i32
        %mul3A_563 = arith.constant 128 : i32
        %mul3A_564 = arith.muli %scan3A_517, %mul3A_563 : i32
        %add3A_565 = arith.addi %mul3A_562, %mul3A_564 : i32
        %add3A_566 = arith.constant 16 : i32
        %add3A_567 = arith.addi %add3A_565, %add3A_566 : i32
        %add3A_568 = vector.broadcast %add3A_567 : i32 to vector<16xi32>
        %add3A_569 = arith.addi %iota3A, %add3A_568 : vector<16xi32>
        %shift_right_arithmetic3A_570 = arith.constant 7 : i32
        %shift_right_arithmetic3A_571 = vector.broadcast %shift_right_arithmetic3A_570 : i32 to vector<16xi32>
        %shift_right_arithmetic3A_572 = arith.shrsi %get3A_560, %shift_right_arithmetic3A_571 : vector<16xi32>
        %and3A_573 = arith.constant 31 : i32
        %and3A_574 = vector.broadcast %and3A_573 : i32 to vector<16xi32>
        %and3A_575 = arith.andi %shift_right_arithmetic3A_572, %and3A_574 : vector<16xi32>
        %eq3A_576 = vector.broadcast %add3A : i32 to vector<16xi32>
        %eq3A_577 = arith.cmpi eq, %and3A_575, %eq3A_576 : vector<16xi32>
        %all_reduce_population_count3A_578 = tpu.all_reduce %eq3A_577 {dim = 0 : i64, kind = #tpu.reduction_kind<sum>} : vector<16xi1> -> vector<16xi32>
        %slice3A_579 = vector.extract_strided_slice %all_reduce_population_count3A_578 {offsets = [0], sizes = [1], strides = [1]} : vector<16xi32> to vector<1xi32>
        %squeeze3A_580 = vector.extract %slice3A_579[0] : i32 from vector<1xi32>
        %min3A_581 = arith.constant 4096 : i32
        %min3A_582 = arith.minsi %add3A_556, %min3A_581 : i32
        %and3A_583 = arith.constant 127 : i32
        %and3A_584 = vector.broadcast %and3A_583 : i32 to vector<16xi32>
        %and3A_585 = arith.andi %get3A_560, %and3A_584 : vector<16xi32>
        %swap3A_586 = arith.index_cast %min3A_582 : i32 to index
        %swap3A_587 = tpu.vector_load %arg6[%swap3A_586] masked %eq3A_577 {strides = array<i32>} : memref<4112xi32, #tpu.memory_space<vmem>>, vector<16xi32>, vector<16xi1>
        tpu.vector_store %arg6[%swap3A_586], %and3A_585 masked %eq3A_577 {strides = array<i32>} : memref<4112xi32, #tpu.memory_space<vmem>>, vector<16xi32>, vector<16xi1>
        %shift_right_arithmetic3A_588 = arith.constant 12 : i32
        %shift_right_arithmetic3A_589 = vector.broadcast %shift_right_arithmetic3A_588 : i32 to vector<16xi32>
        %shift_right_arithmetic3A_590 = arith.shrsi %get3A_560, %shift_right_arithmetic3A_589 : vector<16xi32>
        %swap3A_591 = arith.index_cast %min3A_582 : i32 to index
        %swap3A_592 = tpu.vector_load %arg7[%swap3A_591] masked %eq3A_577 {strides = array<i32>} : memref<4112xi32, #tpu.memory_space<vmem>>, vector<16xi32>, vector<16xi1>
        tpu.vector_store %arg7[%swap3A_591], %shift_right_arithmetic3A_590 masked %eq3A_577 {strides = array<i32>} : memref<4112xi32, #tpu.memory_space<vmem>>, vector<16xi32>, vector<16xi1>
        %swap3A_593 = arith.index_cast %min3A_582 : i32 to index
        %swap3A_594 = tpu.vector_load %arg8[%swap3A_593] masked %eq3A_577 {strides = array<i32>} : memref<4112xi32, #tpu.memory_space<vmem>>, vector<16xi32>, vector<16xi1>
        tpu.vector_store %arg8[%swap3A_593], %add3A_569 masked %eq3A_577 {strides = array<i32>} : memref<4112xi32, #tpu.memory_space<vmem>>, vector<16xi32>, vector<16xi1>
        %add3A_595 = arith.addi %add3A_556, %squeeze3A_580 : i32
        %get3A_596 = arith.index_cast %and3A_490 : i32 to index
        %get3A_597 = arith.index_cast %scan3A_517 : i32 to index
        %get3A_598 = arith.constant 32 : index
        %get3A_599 = tpu.vector_load %arg5[%get3A_596, %get3A_597, %get3A_598] {strides = array<i32>} : memref<2x16x128xi32, #tpu.memory_space<vmem>>, vector<16xi32>,
        %mul3A_600 = arith.constant 2048 : i32
        %mul3A_601 = arith.muli %scan3A_488, %mul3A_600 : i32
        %mul3A_602 = arith.constant 128 : i32
        %mul3A_603 = arith.muli %scan3A_517, %mul3A_602 : i32
        %add3A_604 = arith.addi %mul3A_601, %mul3A_603 : i32
        %add3A_605 = arith.constant 32 : i32
        %add3A_606 = arith.addi %add3A_604, %add3A_605 : i32
        %add3A_607 = vector.broadcast %add3A_606 : i32 to vector<16xi32>
        %add3A_608 = arith.addi %iota3A, %add3A_607 : vector<16xi32>
        %shift_right_arithmetic3A_609 = arith.constant 7 : i32
        %shift_right_arithmetic3A_610 = vector.broadcast %shift_right_arithmetic3A_609 : i32 to vector<16xi32>
        %shift_right_arithmetic3A_611 = arith.shrsi %get3A_599, %shift_right_arithmetic3A_610 : vector<16xi32>
        %and3A_612 = arith.constant 31 : i32
        %and3A_613 = vector.broadcast %and3A_612 : i32 to vector<16xi32>
        %and3A_614 = arith.andi %shift_right_arithmetic3A_611, %and3A_613 : vector<16xi32>
        %eq3A_615 = vector.broadcast %add3A : i32 to vector<16xi32>
        %eq3A_616 = arith.cmpi eq, %and3A_614, %eq3A_615 : vector<16xi32>
        %all_reduce_population_count3A_617 = tpu.all_reduce %eq3A_616 {dim = 0 : i64, kind = #tpu.reduction_kind<sum>} : vector<16xi1> -> vector<16xi32>
        %slice3A_618 = vector.extract_strided_slice %all_reduce_population_count3A_617 {offsets = [0], sizes = [1], strides = [1]} : vector<16xi32> to vector<1xi32>
        %squeeze3A_619 = vector.extract %slice3A_618[0] : i32 from vector<1xi32>
        %min3A_620 = arith.constant 4096 : i32
        %min3A_621 = arith.minsi %add3A_595, %min3A_620 : i32
        %and3A_622 = arith.constant 127 : i32
        %and3A_623 = vector.broadcast %and3A_622 : i32 to vector<16xi32>
        %and3A_624 = arith.andi %get3A_599, %and3A_623 : vector<16xi32>
        %swap3A_625 = arith.index_cast %min3A_621 : i32 to index
        %swap3A_626 = tpu.vector_load %arg6[%swap3A_625] masked %eq3A_616 {strides = array<i32>} : memref<4112xi32, #tpu.memory_space<vmem>>, vector<16xi32>, vector<16xi1>
        tpu.vector_store %arg6[%swap3A_625], %and3A_624 masked %eq3A_616 {strides = array<i32>} : memref<4112xi32, #tpu.memory_space<vmem>>, vector<16xi32>, vector<16xi1>
        %shift_right_arithmetic3A_627 = arith.constant 12 : i32
        %shift_right_arithmetic3A_628 = vector.broadcast %shift_right_arithmetic3A_627 : i32 to vector<16xi32>
        %shift_right_arithmetic3A_629 = arith.shrsi %get3A_599, %shift_right_arithmetic3A_628 : vector<16xi32>
        %swap3A_630 = arith.index_cast %min3A_621 : i32 to index
        %swap3A_631 = tpu.vector_load %arg7[%swap3A_630] masked %eq3A_616 {strides = array<i32>} : memref<4112xi32, #tpu.memory_space<vmem>>, vector<16xi32>, vector<16xi1>
        tpu.vector_store %arg7[%swap3A_630], %shift_right_arithmetic3A_629 masked %eq3A_616 {strides = array<i32>} : memref<4112xi32, #tpu.memory_space<vmem>>, vector<16xi32>, vector<16xi1>
        %swap3A_632 = arith.index_cast %min3A_621 : i32 to index
        %swap3A_633 = tpu.vector_load %arg8[%swap3A_632] masked %eq3A_616 {strides = array<i32>} : memref<4112xi32, #tpu.memory_space<vmem>>, vector<16xi32>, vector<16xi1>
        tpu.vector_store %arg8[%swap3A_632], %add3A_608 masked %eq3A_616 {strides = array<i32>} : memref<4112xi32, #tpu.memory_space<vmem>>, vector<16xi32>, vector<16xi1>
        %add3A_634 = arith.addi %add3A_595, %squeeze3A_619 : i32
        %get3A_635 = arith.index_cast %and3A_490 : i32 to index
        %get3A_636 = arith.index_cast %scan3A_517 : i32 to index
        %get3A_637 = arith.constant 48 : index
        %get3A_638 = tpu.vector_load %arg5[%get3A_635, %get3A_636, %get3A_637] {strides = array<i32>} : memref<2x16x128xi32, #tpu.memory_space<vmem>>, vector<16xi32>,
        %mul3A_639 = arith.constant 2048 : i32
        %mul3A_640 = arith.muli %scan3A_488, %mul3A_639 : i32
        %mul3A_641 = arith.constant 128 : i32
        %mul3A_642 = arith.muli %scan3A_517, %mul3A_641 : i32
        %add3A_643 = arith.addi %mul3A_640, %mul3A_642 : i32
        %add3A_644 = arith.constant 48 : i32
        %add3A_645 = arith.addi %add3A_643, %add3A_644 : i32
        %add3A_646 = vector.broadcast %add3A_645 : i32 to vector<16xi32>
        %add3A_647 = arith.addi %iota3A, %add3A_646 : vector<16xi32>
        %shift_right_arithmetic3A_648 = arith.constant 7 : i32
        %shift_right_arithmetic3A_649 = vector.broadcast %shift_right_arithmetic3A_648 : i32 to vector<16xi32>
        %shift_right_arithmetic3A_650 = arith.shrsi %get3A_638, %shift_right_arithmetic3A_649 : vector<16xi32>
        %and3A_651 = arith.constant 31 : i32
        %and3A_652 = vector.broadcast %and3A_651 : i32 to vector<16xi32>
        %and3A_653 = arith.andi %shift_right_arithmetic3A_650, %and3A_652 : vector<16xi32>
        %eq3A_654 = vector.broadcast %add3A : i32 to vector<16xi32>
        %eq3A_655 = arith.cmpi eq, %and3A_653, %eq3A_654 : vector<16xi32>
        %all_reduce_population_count3A_656 = tpu.all_reduce %eq3A_655 {dim = 0 : i64, kind = #tpu.reduction_kind<sum>} : vector<16xi1> -> vector<16xi32>
        %slice3A_657 = vector.extract_strided_slice %all_reduce_population_count3A_656 {offsets = [0], sizes = [1], strides = [1]} : vector<16xi32> to vector<1xi32>
        %squeeze3A_658 = vector.extract %slice3A_657[0] : i32 from vector<1xi32>
        %min3A_659 = arith.constant 4096 : i32
        %min3A_660 = arith.minsi %add3A_634, %min3A_659 : i32
        %and3A_661 = arith.constant 127 : i32
        %and3A_662 = vector.broadcast %and3A_661 : i32 to vector<16xi32>
        %and3A_663 = arith.andi %get3A_638, %and3A_662 : vector<16xi32>
        %swap3A_664 = arith.index_cast %min3A_660 : i32 to index
        %swap3A_665 = tpu.vector_load %arg6[%swap3A_664] masked %eq3A_655 {strides = array<i32>} : memref<4112xi32, #tpu.memory_space<vmem>>, vector<16xi32>, vector<16xi1>
        tpu.vector_store %arg6[%swap3A_664], %and3A_663 masked %eq3A_655 {strides = array<i32>} : memref<4112xi32, #tpu.memory_space<vmem>>, vector<16xi32>, vector<16xi1>
        %shift_right_arithmetic3A_666 = arith.constant 12 : i32
        %shift_right_arithmetic3A_667 = vector.broadcast %shift_right_arithmetic3A_666 : i32 to vector<16xi32>
        %shift_right_arithmetic3A_668 = arith.shrsi %get3A_638, %shift_right_arithmetic3A_667 : vector<16xi32>
        %swap3A_669 = arith.index_cast %min3A_660 : i32 to index
        %swap3A_670 = tpu.vector_load %arg7[%swap3A_669] masked %eq3A_655 {strides = array<i32>} : memref<4112xi32, #tpu.memory_space<vmem>>, vector<16xi32>, vector<16xi1>
        tpu.vector_store %arg7[%swap3A_669], %shift_right_arithmetic3A_668 masked %eq3A_655 {strides = array<i32>} : memref<4112xi32, #tpu.memory_space<vmem>>, vector<16xi32>, vector<16xi1>
        %swap3A_671 = arith.index_cast %min3A_660 : i32 to index
        %swap3A_672 = tpu.vector_load %arg8[%swap3A_671] masked %eq3A_655 {strides = array<i32>} : memref<4112xi32, #tpu.memory_space<vmem>>, vector<16xi32>, vector<16xi1>
        tpu.vector_store %arg8[%swap3A_671], %add3A_647 masked %eq3A_655 {strides = array<i32>} : memref<4112xi32, #tpu.memory_space<vmem>>, vector<16xi32>, vector<16xi1>
        %add3A_673 = arith.addi %add3A_634, %squeeze3A_658 : i32
        %get3A_674 = arith.index_cast %and3A_490 : i32 to index
        %get3A_675 = arith.index_cast %scan3A_517 : i32 to index
        %get3A_676 = arith.constant 64 : index
        %get3A_677 = tpu.vector_load %arg5[%get3A_674, %get3A_675, %get3A_676] {strides = array<i32>} : memref<2x16x128xi32, #tpu.memory_space<vmem>>, vector<16xi32>,
        %mul3A_678 = arith.constant 2048 : i32
        %mul3A_679 = arith.muli %scan3A_488, %mul3A_678 : i32
        %mul3A_680 = arith.constant 128 : i32
        %mul3A_681 = arith.muli %scan3A_517, %mul3A_680 : i32
        %add3A_682 = arith.addi %mul3A_679, %mul3A_681 : i32
        %add3A_683 = arith.constant 64 : i32
        %add3A_684 = arith.addi %add3A_682, %add3A_683 : i32
        %add3A_685 = vector.broadcast %add3A_684 : i32 to vector<16xi32>
        %add3A_686 = arith.addi %iota3A, %add3A_685 : vector<16xi32>
        %shift_right_arithmetic3A_687 = arith.constant 7 : i32
        %shift_right_arithmetic3A_688 = vector.broadcast %shift_right_arithmetic3A_687 : i32 to vector<16xi32>
        %shift_right_arithmetic3A_689 = arith.shrsi %get3A_677, %shift_right_arithmetic3A_688 : vector<16xi32>
        %and3A_690 = arith.constant 31 : i32
        %and3A_691 = vector.broadcast %and3A_690 : i32 to vector<16xi32>
        %and3A_692 = arith.andi %shift_right_arithmetic3A_689, %and3A_691 : vector<16xi32>
        %eq3A_693 = vector.broadcast %add3A : i32 to vector<16xi32>
        %eq3A_694 = arith.cmpi eq, %and3A_692, %eq3A_693 : vector<16xi32>
        %all_reduce_population_count3A_695 = tpu.all_reduce %eq3A_694 {dim = 0 : i64, kind = #tpu.reduction_kind<sum>} : vector<16xi1> -> vector<16xi32>
        %slice3A_696 = vector.extract_strided_slice %all_reduce_population_count3A_695 {offsets = [0], sizes = [1], strides = [1]} : vector<16xi32> to vector<1xi32>
        %squeeze3A_697 = vector.extract %slice3A_696[0] : i32 from vector<1xi32>
        %min3A_698 = arith.constant 4096 : i32
        %min3A_699 = arith.minsi %add3A_673, %min3A_698 : i32
        %and3A_700 = arith.constant 127 : i32
        %and3A_701 = vector.broadcast %and3A_700 : i32 to vector<16xi32>
        %and3A_702 = arith.andi %get3A_677, %and3A_701 : vector<16xi32>
        %swap3A_703 = arith.index_cast %min3A_699 : i32 to index
        %swap3A_704 = tpu.vector_load %arg6[%swap3A_703] masked %eq3A_694 {strides = array<i32>} : memref<4112xi32, #tpu.memory_space<vmem>>, vector<16xi32>, vector<16xi1>
        tpu.vector_store %arg6[%swap3A_703], %and3A_702 masked %eq3A_694 {strides = array<i32>} : memref<4112xi32, #tpu.memory_space<vmem>>, vector<16xi32>, vector<16xi1>
        %shift_right_arithmetic3A_705 = arith.constant 12 : i32
        %shift_right_arithmetic3A_706 = vector.broadcast %shift_right_arithmetic3A_705 : i32 to vector<16xi32>
        %shift_right_arithmetic3A_707 = arith.shrsi %get3A_677, %shift_right_arithmetic3A_706 : vector<16xi32>
        %swap3A_708 = arith.index_cast %min3A_699 : i32 to index
        %swap3A_709 = tpu.vector_load %arg7[%swap3A_708] masked %eq3A_694 {strides = array<i32>} : memref<4112xi32, #tpu.memory_space<vmem>>, vector<16xi32>, vector<16xi1>
        tpu.vector_store %arg7[%swap3A_708], %shift_right_arithmetic3A_707 masked %eq3A_694 {strides = array<i32>} : memref<4112xi32, #tpu.memory_space<vmem>>, vector<16xi32>, vector<16xi1>
        %swap3A_710 = arith.index_cast %min3A_699 : i32 to index
        %swap3A_711 = tpu.vector_load %arg8[%swap3A_710] masked %eq3A_694 {strides = array<i32>} : memref<4112xi32, #tpu.memory_space<vmem>>, vector<16xi32>, vector<16xi1>
        tpu.vector_store %arg8[%swap3A_710], %add3A_686 masked %eq3A_694 {strides = array<i32>} : memref<4112xi32, #tpu.memory_space<vmem>>, vector<16xi32>, vector<16xi1>
        %add3A_712 = arith.addi %add3A_673, %squeeze3A_697 : i32
        %get3A_713 = arith.index_cast %and3A_490 : i32 to index
        %get3A_714 = arith.index_cast %scan3A_517 : i32 to index
        %get3A_715 = arith.constant 80 : index
        %get3A_716 = tpu.vector_load %arg5[%get3A_713, %get3A_714, %get3A_715] {strides = array<i32>} : memref<2x16x128xi32, #tpu.memory_space<vmem>>, vector<16xi32>,
        %mul3A_717 = arith.constant 2048 : i32
        %mul3A_718 = arith.muli %scan3A_488, %mul3A_717 : i32
        %mul3A_719 = arith.constant 128 : i32
        %mul3A_720 = arith.muli %scan3A_517, %mul3A_719 : i32
        %add3A_721 = arith.addi %mul3A_718, %mul3A_720 : i32
        %add3A_722 = arith.constant 80 : i32
        %add3A_723 = arith.addi %add3A_721, %add3A_722 : i32
        %add3A_724 = vector.broadcast %add3A_723 : i32 to vector<16xi32>
        %add3A_725 = arith.addi %iota3A, %add3A_724 : vector<16xi32>
        %shift_right_arithmetic3A_726 = arith.constant 7 : i32
        %shift_right_arithmetic3A_727 = vector.broadcast %shift_right_arithmetic3A_726 : i32 to vector<16xi32>
        %shift_right_arithmetic3A_728 = arith.shrsi %get3A_716, %shift_right_arithmetic3A_727 : vector<16xi32>
        %and3A_729 = arith.constant 31 : i32
        %and3A_730 = vector.broadcast %and3A_729 : i32 to vector<16xi32>
        %and3A_731 = arith.andi %shift_right_arithmetic3A_728, %and3A_730 : vector<16xi32>
        %eq3A_732 = vector.broadcast %add3A : i32 to vector<16xi32>
        %eq3A_733 = arith.cmpi eq, %and3A_731, %eq3A_732 : vector<16xi32>
        %all_reduce_population_count3A_734 = tpu.all_reduce %eq3A_733 {dim = 0 : i64, kind = #tpu.reduction_kind<sum>} : vector<16xi1> -> vector<16xi32>
        %slice3A_735 = vector.extract_strided_slice %all_reduce_population_count3A_734 {offsets = [0], sizes = [1], strides = [1]} : vector<16xi32> to vector<1xi32>
        %squeeze3A_736 = vector.extract %slice3A_735[0] : i32 from vector<1xi32>
        %min3A_737 = arith.constant 4096 : i32
        %min3A_738 = arith.minsi %add3A_712, %min3A_737 : i32
        %and3A_739 = arith.constant 127 : i32
        %and3A_740 = vector.broadcast %and3A_739 : i32 to vector<16xi32>
        %and3A_741 = arith.andi %get3A_716, %and3A_740 : vector<16xi32>
        %swap3A_742 = arith.index_cast %min3A_738 : i32 to index
        %swap3A_743 = tpu.vector_load %arg6[%swap3A_742] masked %eq3A_733 {strides = array<i32>} : memref<4112xi32, #tpu.memory_space<vmem>>, vector<16xi32>, vector<16xi1>
        tpu.vector_store %arg6[%swap3A_742], %and3A_741 masked %eq3A_733 {strides = array<i32>} : memref<4112xi32, #tpu.memory_space<vmem>>, vector<16xi32>, vector<16xi1>
        %shift_right_arithmetic3A_744 = arith.constant 12 : i32
        %shift_right_arithmetic3A_745 = vector.broadcast %shift_right_arithmetic3A_744 : i32 to vector<16xi32>
        %shift_right_arithmetic3A_746 = arith.shrsi %get3A_716, %shift_right_arithmetic3A_745 : vector<16xi32>
        %swap3A_747 = arith.index_cast %min3A_738 : i32 to index
        %swap3A_748 = tpu.vector_load %arg7[%swap3A_747] masked %eq3A_733 {strides = array<i32>} : memref<4112xi32, #tpu.memory_space<vmem>>, vector<16xi32>, vector<16xi1>
        tpu.vector_store %arg7[%swap3A_747], %shift_right_arithmetic3A_746 masked %eq3A_733 {strides = array<i32>} : memref<4112xi32, #tpu.memory_space<vmem>>, vector<16xi32>, vector<16xi1>
        %swap3A_749 = arith.index_cast %min3A_738 : i32 to index
        %swap3A_750 = tpu.vector_load %arg8[%swap3A_749] masked %eq3A_733 {strides = array<i32>} : memref<4112xi32, #tpu.memory_space<vmem>>, vector<16xi32>, vector<16xi1>
        tpu.vector_store %arg8[%swap3A_749], %add3A_725 masked %eq3A_733 {strides = array<i32>} : memref<4112xi32, #tpu.memory_space<vmem>>, vector<16xi32>, vector<16xi1>
        %add3A_751 = arith.addi %add3A_712, %squeeze3A_736 : i32
        %get3A_752 = arith.index_cast %and3A_490 : i32 to index
        %get3A_753 = arith.index_cast %scan3A_517 : i32 to index
        %get3A_754 = arith.constant 96 : index
        %get3A_755 = tpu.vector_load %arg5[%get3A_752, %get3A_753, %get3A_754] {strides = array<i32>} : memref<2x16x128xi32, #tpu.memory_space<vmem>>, vector<16xi32>,
        %mul3A_756 = arith.constant 2048 : i32
        %mul3A_757 = arith.muli %scan3A_488, %mul3A_756 : i32
        %mul3A_758 = arith.constant 128 : i32
        %mul3A_759 = arith.muli %scan3A_517, %mul3A_758 : i32
        %add3A_760 = arith.addi %mul3A_757, %mul3A_759 : i32
        %add3A_761 = arith.constant 96 : i32
        %add3A_762 = arith.addi %add3A_760, %add3A_761 : i32
        %add3A_763 = vector.broadcast %add3A_762 : i32 to vector<16xi32>
        %add3A_764 = arith.addi %iota3A, %add3A_763 : vector<16xi32>
        %shift_right_arithmetic3A_765 = arith.constant 7 : i32
        %shift_right_arithmetic3A_766 = vector.broadcast %shift_right_arithmetic3A_765 : i32 to vector<16xi32>
        %shift_right_arithmetic3A_767 = arith.shrsi %get3A_755, %shift_right_arithmetic3A_766 : vector<16xi32>
        %and3A_768 = arith.constant 31 : i32
        %and3A_769 = vector.broadcast %and3A_768 : i32 to vector<16xi32>
        %and3A_770 = arith.andi %shift_right_arithmetic3A_767, %and3A_769 : vector<16xi32>
        %eq3A_771 = vector.broadcast %add3A : i32 to vector<16xi32>
        %eq3A_772 = arith.cmpi eq, %and3A_770, %eq3A_771 : vector<16xi32>
        %all_reduce_population_count3A_773 = tpu.all_reduce %eq3A_772 {dim = 0 : i64, kind = #tpu.reduction_kind<sum>} : vector<16xi1> -> vector<16xi32>
        %slice3A_774 = vector.extract_strided_slice %all_reduce_population_count3A_773 {offsets = [0], sizes = [1], strides = [1]} : vector<16xi32> to vector<1xi32>
        %squeeze3A_775 = vector.extract %slice3A_774[0] : i32 from vector<1xi32>
        %min3A_776 = arith.constant 4096 : i32
        %min3A_777 = arith.minsi %add3A_751, %min3A_776 : i32
        %and3A_778 = arith.constant 127 : i32
        %and3A_779 = vector.broadcast %and3A_778 : i32 to vector<16xi32>
        %and3A_780 = arith.andi %get3A_755, %and3A_779 : vector<16xi32>
        %swap3A_781 = arith.index_cast %min3A_777 : i32 to index
        %swap3A_782 = tpu.vector_load %arg6[%swap3A_781] masked %eq3A_772 {strides = array<i32>} : memref<4112xi32, #tpu.memory_space<vmem>>, vector<16xi32>, vector<16xi1>
        tpu.vector_store %arg6[%swap3A_781], %and3A_780 masked %eq3A_772 {strides = array<i32>} : memref<4112xi32, #tpu.memory_space<vmem>>, vector<16xi32>, vector<16xi1>
        %shift_right_arithmetic3A_783 = arith.constant 12 : i32
        %shift_right_arithmetic3A_784 = vector.broadcast %shift_right_arithmetic3A_783 : i32 to vector<16xi32>
        %shift_right_arithmetic3A_785 = arith.shrsi %get3A_755, %shift_right_arithmetic3A_784 : vector<16xi32>
        %swap3A_786 = arith.index_cast %min3A_777 : i32 to index
        %swap3A_787 = tpu.vector_load %arg7[%swap3A_786] masked %eq3A_772 {strides = array<i32>} : memref<4112xi32, #tpu.memory_space<vmem>>, vector<16xi32>, vector<16xi1>
        tpu.vector_store %arg7[%swap3A_786], %shift_right_arithmetic3A_785 masked %eq3A_772 {strides = array<i32>} : memref<4112xi32, #tpu.memory_space<vmem>>, vector<16xi32>, vector<16xi1>
        %swap3A_788 = arith.index_cast %min3A_777 : i32 to index
        %swap3A_789 = tpu.vector_load %arg8[%swap3A_788] masked %eq3A_772 {strides = array<i32>} : memref<4112xi32, #tpu.memory_space<vmem>>, vector<16xi32>, vector<16xi1>
        tpu.vector_store %arg8[%swap3A_788], %add3A_764 masked %eq3A_772 {strides = array<i32>} : memref<4112xi32, #tpu.memory_space<vmem>>, vector<16xi32>, vector<16xi1>
        %add3A_790 = arith.addi %add3A_751, %squeeze3A_775 : i32
        %get3A_791 = arith.index_cast %and3A_490 : i32 to index
        %get3A_792 = arith.index_cast %scan3A_517 : i32 to index
        %get3A_793 = arith.constant 112 : index
        %get3A_794 = tpu.vector_load %arg5[%get3A_791, %get3A_792, %get3A_793] {strides = array<i32>} : memref<2x16x128xi32, #tpu.memory_space<vmem>>, vector<16xi32>,
        %mul3A_795 = arith.constant 2048 : i32
        %mul3A_796 = arith.muli %scan3A_488, %mul3A_795 : i32
        %mul3A_797 = arith.constant 128 : i32
        %mul3A_798 = arith.muli %scan3A_517, %mul3A_797 : i32
        %add3A_799 = arith.addi %mul3A_796, %mul3A_798 : i32
        %add3A_800 = arith.constant 112 : i32
        %add3A_801 = arith.addi %add3A_799, %add3A_800 : i32
        %add3A_802 = vector.broadcast %add3A_801 : i32 to vector<16xi32>
        %add3A_803 = arith.addi %iota3A, %add3A_802 : vector<16xi32>
        %shift_right_arithmetic3A_804 = arith.constant 7 : i32
        %shift_right_arithmetic3A_805 = vector.broadcast %shift_right_arithmetic3A_804 : i32 to vector<16xi32>
        %shift_right_arithmetic3A_806 = arith.shrsi %get3A_794, %shift_right_arithmetic3A_805 : vector<16xi32>
        %and3A_807 = arith.constant 31 : i32
        %and3A_808 = vector.broadcast %and3A_807 : i32 to vector<16xi32>
        %and3A_809 = arith.andi %shift_right_arithmetic3A_806, %and3A_808 : vector<16xi32>
        %eq3A_810 = vector.broadcast %add3A : i32 to vector<16xi32>
        %eq3A_811 = arith.cmpi eq, %and3A_809, %eq3A_810 : vector<16xi32>
        %all_reduce_population_count3A_812 = tpu.all_reduce %eq3A_811 {dim = 0 : i64, kind = #tpu.reduction_kind<sum>} : vector<16xi1> -> vector<16xi32>
        %slice3A_813 = vector.extract_strided_slice %all_reduce_population_count3A_812 {offsets = [0], sizes = [1], strides = [1]} : vector<16xi32> to vector<1xi32>
        %squeeze3A_814 = vector.extract %slice3A_813[0] : i32 from vector<1xi32>
        %min3A_815 = arith.constant 4096 : i32
        %min3A_816 = arith.minsi %add3A_790, %min3A_815 : i32
        %and3A_817 = arith.constant 127 : i32
        %and3A_818 = vector.broadcast %and3A_817 : i32 to vector<16xi32>
        %and3A_819 = arith.andi %get3A_794, %and3A_818 : vector<16xi32>
        %swap3A_820 = arith.index_cast %min3A_816 : i32 to index
        %swap3A_821 = tpu.vector_load %arg6[%swap3A_820] masked %eq3A_811 {strides = array<i32>} : memref<4112xi32, #tpu.memory_space<vmem>>, vector<16xi32>, vector<16xi1>
        tpu.vector_store %arg6[%swap3A_820], %and3A_819 masked %eq3A_811 {strides = array<i32>} : memref<4112xi32, #tpu.memory_space<vmem>>, vector<16xi32>, vector<16xi1>
        %shift_right_arithmetic3A_822 = arith.constant 12 : i32
        %shift_right_arithmetic3A_823 = vector.broadcast %shift_right_arithmetic3A_822 : i32 to vector<16xi32>
        %shift_right_arithmetic3A_824 = arith.shrsi %get3A_794, %shift_right_arithmetic3A_823 : vector<16xi32>
        %swap3A_825 = arith.index_cast %min3A_816 : i32 to index
        %swap3A_826 = tpu.vector_load %arg7[%swap3A_825] masked %eq3A_811 {strides = array<i32>} : memref<4112xi32, #tpu.memory_space<vmem>>, vector<16xi32>, vector<16xi1>
        tpu.vector_store %arg7[%swap3A_825], %shift_right_arithmetic3A_824 masked %eq3A_811 {strides = array<i32>} : memref<4112xi32, #tpu.memory_space<vmem>>, vector<16xi32>, vector<16xi1>
        %swap3A_827 = arith.index_cast %min3A_816 : i32 to index
        %swap3A_828 = tpu.vector_load %arg8[%swap3A_827] masked %eq3A_811 {strides = array<i32>} : memref<4112xi32, #tpu.memory_space<vmem>>, vector<16xi32>, vector<16xi1>
        tpu.vector_store %arg8[%swap3A_827], %add3A_803 masked %eq3A_811 {strides = array<i32>} : memref<4112xi32, #tpu.memory_space<vmem>>, vector<16xi32>, vector<16xi1>
        %add3A_829 = arith.addi %add3A_790, %squeeze3A_814 : i32
        scf.yield %add3A_829 : i32
      }
      %scan3A_516 = arith.constant 16 : i32
      scf.yield %scan3A_515 : i32
    }
    %scan3A_23 = arith.constant 16 : i32
    %min3A = arith.constant 4096 : i32
    %min3A_24 = arith.minsi %scan3A_22, %min3A : i32
    %add3A_25 = arith.constant 15 : i32
    %add3A_26 = arith.addi %min3A_24, %add3A_25 : i32
    %shift_right_arithmetic3A = arith.constant 4 : i32
    %shift_right_arithmetic3A_27 = arith.shrsi %add3A_26, %shift_right_arithmetic3A : i32
    %swap3A = arith.constant 0 : index
    %swap3A_28 = tpu.vector_load %arg10[%swap3A] {strides = array<i32>} : memref<256xi32, #tpu.memory_space<vmem>>, vector<16xi32>,
    tpu.vector_store %arg10[%swap3A], %broadcast_in_dim3A_3 {strides = array<i32>} : memref<256xi32, #tpu.memory_space<vmem>>, vector<16xi32>,
    %swap3A_29 = arith.constant 16 : index
    %swap3A_30 = tpu.vector_load %arg10[%swap3A_29] {strides = array<i32>} : memref<256xi32, #tpu.memory_space<vmem>>, vector<16xi32>,
    tpu.vector_store %arg10[%swap3A_29], %broadcast_in_dim3A_3 {strides = array<i32>} : memref<256xi32, #tpu.memory_space<vmem>>, vector<16xi32>,
    %swap3A_31 = arith.constant 32 : index
    %swap3A_32 = tpu.vector_load %arg10[%swap3A_31] {strides = array<i32>} : memref<256xi32, #tpu.memory_space<vmem>>, vector<16xi32>,
    tpu.vector_store %arg10[%swap3A_31], %broadcast_in_dim3A_3 {strides = array<i32>} : memref<256xi32, #tpu.memory_space<vmem>>, vector<16xi32>,
    %swap3A_33 = arith.constant 48 : index
    %swap3A_34 = tpu.vector_load %arg10[%swap3A_33] {strides = array<i32>} : memref<256xi32, #tpu.memory_space<vmem>>, vector<16xi32>,
    tpu.vector_store %arg10[%swap3A_33], %broadcast_in_dim3A_3 {strides = array<i32>} : memref<256xi32, #tpu.memory_space<vmem>>, vector<16xi32>,
    %swap3A_35 = arith.constant 64 : index
    %swap3A_36 = tpu.vector_load %arg10[%swap3A_35] {strides = array<i32>} : memref<256xi32, #tpu.memory_space<vmem>>, vector<16xi32>,
    tpu.vector_store %arg10[%swap3A_35], %broadcast_in_dim3A_3 {strides = array<i32>} : memref<256xi32, #tpu.memory_space<vmem>>, vector<16xi32>,
    %swap3A_37 = arith.constant 80 : index
    %swap3A_38 = tpu.vector_load %arg10[%swap3A_37] {strides = array<i32>} : memref<256xi32, #tpu.memory_space<vmem>>, vector<16xi32>,
    tpu.vector_store %arg10[%swap3A_37], %broadcast_in_dim3A_3 {strides = array<i32>} : memref<256xi32, #tpu.memory_space<vmem>>, vector<16xi32>,
    %swap3A_39 = arith.constant 96 : index
    %swap3A_40 = tpu.vector_load %arg10[%swap3A_39] {strides = array<i32>} : memref<256xi32, #tpu.memory_space<vmem>>, vector<16xi32>,
    tpu.vector_store %arg10[%swap3A_39], %broadcast_in_dim3A_3 {strides = array<i32>} : memref<256xi32, #tpu.memory_space<vmem>>, vector<16xi32>,
    %swap3A_41 = arith.constant 112 : index
    %swap3A_42 = tpu.vector_load %arg10[%swap3A_41] {strides = array<i32>} : memref<256xi32, #tpu.memory_space<vmem>>, vector<16xi32>,
    tpu.vector_store %arg10[%swap3A_41], %broadcast_in_dim3A_3 {strides = array<i32>} : memref<256xi32, #tpu.memory_space<vmem>>, vector<16xi32>,
    %swap3A_43 = arith.constant 128 : index
    %swap3A_44 = tpu.vector_load %arg10[%swap3A_43] {strides = array<i32>} : memref<256xi32, #tpu.memory_space<vmem>>, vector<16xi32>,
    tpu.vector_store %arg10[%swap3A_43], %broadcast_in_dim3A_3 {strides = array<i32>} : memref<256xi32, #tpu.memory_space<vmem>>, vector<16xi32>,
    %swap3A_45 = arith.constant 144 : index
    %swap3A_46 = tpu.vector_load %arg10[%swap3A_45] {strides = array<i32>} : memref<256xi32, #tpu.memory_space<vmem>>, vector<16xi32>,
    tpu.vector_store %arg10[%swap3A_45], %broadcast_in_dim3A_3 {strides = array<i32>} : memref<256xi32, #tpu.memory_space<vmem>>, vector<16xi32>,
    %swap3A_47 = arith.constant 160 : index
    %swap3A_48 = tpu.vector_load %arg10[%swap3A_47] {strides = array<i32>} : memref<256xi32, #tpu.memory_space<vmem>>, vector<16xi32>,
    tpu.vector_store %arg10[%swap3A_47], %broadcast_in_dim3A_3 {strides = array<i32>} : memref<256xi32, #tpu.memory_space<vmem>>, vector<16xi32>,
    %swap3A_49 = arith.constant 176 : index
    %swap3A_50 = tpu.vector_load %arg10[%swap3A_49] {strides = array<i32>} : memref<256xi32, #tpu.memory_space<vmem>>, vector<16xi32>,
    tpu.vector_store %arg10[%swap3A_49], %broadcast_in_dim3A_3 {strides = array<i32>} : memref<256xi32, #tpu.memory_space<vmem>>, vector<16xi32>,
    %swap3A_51 = arith.constant 192 : index
    %swap3A_52 = tpu.vector_load %arg10[%swap3A_51] {strides = array<i32>} : memref<256xi32, #tpu.memory_space<vmem>>, vector<16xi32>,
    tpu.vector_store %arg10[%swap3A_51], %broadcast_in_dim3A_3 {strides = array<i32>} : memref<256xi32, #tpu.memory_space<vmem>>, vector<16xi32>,
    %swap3A_53 = arith.constant 208 : index
    %swap3A_54 = tpu.vector_load %arg10[%swap3A_53] {strides = array<i32>} : memref<256xi32, #tpu.memory_space<vmem>>, vector<16xi32>,
    tpu.vector_store %arg10[%swap3A_53], %broadcast_in_dim3A_3 {strides = array<i32>} : memref<256xi32, #tpu.memory_space<vmem>>, vector<16xi32>,
    %swap3A_55 = arith.constant 224 : index
    %swap3A_56 = tpu.vector_load %arg10[%swap3A_55] {strides = array<i32>} : memref<256xi32, #tpu.memory_space<vmem>>, vector<16xi32>,
    tpu.vector_store %arg10[%swap3A_55], %broadcast_in_dim3A_3 {strides = array<i32>} : memref<256xi32, #tpu.memory_space<vmem>>, vector<16xi32>,
    %swap3A_57 = arith.constant 240 : index
    %swap3A_58 = tpu.vector_load %arg10[%swap3A_57] {strides = array<i32>} : memref<256xi32, #tpu.memory_space<vmem>>, vector<16xi32>,
    tpu.vector_store %arg10[%swap3A_57], %broadcast_in_dim3A_3 {strides = array<i32>} : memref<256xi32, #tpu.memory_space<vmem>>, vector<16xi32>,
    %while3A = arith.constant 0 : i32
    %while3A_59 = arith.constant 0 : i32
    %while3A_60 = arith.subi %shift_right_arithmetic3A_27, %while3A_59 : i32
    %while3A_61 = arith.addi %while3A_59, %while3A_60 : i32
    %while3A_62 = arith.constant 1 : i32
    %while3A_63 = arith.divsi %while3A_60, %while3A_62 : i32
    %while3A_64 = arith.muli %while3A_63, %while3A_62 : i32
    %while3A_65 = arith.addi %while3A_59, %while3A_64 : i32
    %while3A_66 = arith.constant 1 : i32
    scf.for %while3A_488 = %while3A_59 to %while3A_65 step %while3A_66  : i32 {
      %mul3A_489 = arith.constant 16 : i32
      %mul3A_490 = arith.muli %while3A_488, %mul3A_489 : i32
      %add3A_491 = vector.broadcast %mul3A_490 : i32 to vector<16xi32>
      %add3A_492 = arith.addi %iota3A, %add3A_491 : vector<16xi32>
      %gather3A = tpu.vector_load_idx %arg7[%add3A_492] : memref<4112xi32, #tpu.memory_space<vmem>>[vector<16xi32>], vector<16xi32>,
      %sub3A_493 = arith.subi %min3A_24, %mul3A_490 : i32
      %lt3A_494 = vector.broadcast %sub3A_493 : i32 to vector<16xi32>
      %lt3A_495 = arith.cmpi slt, %iota3A, %lt3A_494 : vector<16xi32>
      %and3A = arith.constant 255 : i32
      %and3A_496 = vector.broadcast %and3A : i32 to vector<16xi32>
      %and3A_497 = arith.andi %gather3A, %and3A_496 : vector<16xi32>
      tpu.vector_store_idx %arg10[%and3A_497], %broadcast_in_dim3A_1 masked %lt3A_495 : memref<256xi32, #tpu.memory_space<vmem>>[vector<16xi32>], vector<16xi32>, vector<16xi1>
    }
    %while3A_67 = arith.constant 1 : i32
    scf.for %while3A_488 = %while3A_65 to %while3A_61 step %while3A_67  : i32 {
      %mul3A_489 = arith.constant 16 : i32
      %mul3A_490 = arith.muli %while3A_488, %mul3A_489 : i32
      %add3A_491 = vector.broadcast %mul3A_490 : i32 to vector<16xi32>
      %add3A_492 = arith.addi %iota3A, %add3A_491 : vector<16xi32>
      %gather3A = tpu.vector_load_idx %arg7[%add3A_492] : memref<4112xi32, #tpu.memory_space<vmem>>[vector<16xi32>], vector<16xi32>,
      %sub3A_493 = arith.subi %min3A_24, %mul3A_490 : i32
      %lt3A_494 = vector.broadcast %sub3A_493 : i32 to vector<16xi32>
      %lt3A_495 = arith.cmpi slt, %iota3A, %lt3A_494 : vector<16xi32>
      %and3A = arith.constant 255 : i32
      %and3A_496 = vector.broadcast %and3A : i32 to vector<16xi32>
      %and3A_497 = arith.andi %gather3A, %and3A_496 : vector<16xi32>
      tpu.vector_store_idx %arg10[%and3A_497], %broadcast_in_dim3A_1 masked %lt3A_495 : memref<256xi32, #tpu.memory_space<vmem>>[vector<16xi32>], vector<16xi32>, vector<16xi1>
    }
    %get3A = arith.constant 0 : index
    %get3A_68 = tpu.vector_load %arg10[%get3A] {strides = array<i32>} : memref<256xi32, #tpu.memory_space<vmem>>, vector<16xi32>,
    %ne3A = arith.constant 0 : i32
    %ne3A_69 = vector.broadcast %ne3A : i32 to vector<16xi32>
    %ne3A_70 = arith.cmpi ne, %get3A_68, %ne3A_69 : vector<16xi32>
    %add3A_71 = arith.constant 0 : i32
    %add3A_72 = vector.broadcast %add3A_71 : i32 to vector<16xi32>
    %add3A_73 = arith.addi %iota3A, %add3A_72 : vector<16xi32>
    %all_reduce_population_count3A = tpu.all_reduce %ne3A_70 {dim = 0 : i64, kind = #tpu.reduction_kind<sum>} : vector<16xi1> -> vector<16xi32>
    %slice3A = vector.extract_strided_slice %all_reduce_population_count3A {offsets = [0], sizes = [1], strides = [1]} : vector<16xi32> to vector<1xi32>
    %squeeze3A = vector.extract %slice3A[0] : i32 from vector<1xi32>
    %convert_element_type3A = arith.extui %ne3A_70 : vector<16xi1> to vector<16xi32>
    %broadcast_in_dim3A_74 = arith.constant true
    %broadcast_in_dim3A_75 = vector.broadcast %broadcast_in_dim3A_74 : i1 to vector<16xi1>
    %masked_cumsum3A = tpu.scan <sum>, %convert_element_type3A masked %broadcast_in_dim3A_75 : vector<16xi32>, vector<16xi1> -> vector<16xi32>
    %swap3A_76 = arith.constant 0 : i32
    %swap3A_77 = arith.index_cast %swap3A_76 : i32 to index
    %swap3A_78 = tpu.vector_load %arg12[%swap3A_77] masked %ne3A_70 {strides = array<i32>} : memref<272xi32, #tpu.memory_space<vmem>>, vector<16xi32>, vector<16xi1>
    tpu.vector_store %arg12[%swap3A_77], %add3A_73 masked %ne3A_70 {strides = array<i32>} : memref<272xi32, #tpu.memory_space<vmem>>, vector<16xi32>, vector<16xi1>
    %add3A_79 = arith.constant 0 : i32
    %add3A_80 = vector.broadcast %add3A_79 : i32 to vector<16xi32>
    %add3A_81 = arith.addi %add3A_80, %masked_cumsum3A : vector<16xi32>
    %sub3A = arith.constant 1 : i32
    %sub3A_82 = vector.broadcast %sub3A : i32 to vector<16xi32>
    %sub3A_83 = arith.subi %add3A_81, %sub3A_82 : vector<16xi32>
    tpu.vector_store_idx %arg11[%add3A_73], %sub3A_83 masked %ne3A_70 : memref<256xi32, #tpu.memory_space<vmem>>[vector<16xi32>], vector<16xi32>, vector<16xi1>
    %add3A_84 = arith.constant 0 : i32
    %add3A_85 = arith.addi %add3A_84, %squeeze3A : i32
    %get3A_86 = arith.constant 16 : index
    %get3A_87 = tpu.vector_load %arg10[%get3A_86] {strides = array<i32>} : memref<256xi32, #tpu.memory_space<vmem>>, vector<16xi32>,
    %ne3A_88 = arith.constant 0 : i32
    %ne3A_89 = vector.broadcast %ne3A_88 : i32 to vector<16xi32>
    %ne3A_90 = arith.cmpi ne, %get3A_87, %ne3A_89 : vector<16xi32>
    %add3A_91 = arith.constant 16 : i32
    %add3A_92 = vector.broadcast %add3A_91 : i32 to vector<16xi32>
    %add3A_93 = arith.addi %iota3A, %add3A_92 : vector<16xi32>
    %all_reduce_population_count3A_94 = tpu.all_reduce %ne3A_90 {dim = 0 : i64, kind = #tpu.reduction_kind<sum>} : vector<16xi1> -> vector<16xi32>
    %slice3A_95 = vector.extract_strided_slice %all_reduce_population_count3A_94 {offsets = [0], sizes = [1], strides = [1]} : vector<16xi32> to vector<1xi32>
    %squeeze3A_96 = vector.extract %slice3A_95[0] : i32 from vector<1xi32>
    %convert_element_type3A_97 = arith.extui %ne3A_90 : vector<16xi1> to vector<16xi32>
    %broadcast_in_dim3A_98 = arith.constant true
    %broadcast_in_dim3A_99 = vector.broadcast %broadcast_in_dim3A_98 : i1 to vector<16xi1>
    %masked_cumsum3A_100 = tpu.scan <sum>, %convert_element_type3A_97 masked %broadcast_in_dim3A_99 : vector<16xi32>, vector<16xi1> -> vector<16xi32>
    %swap3A_101 = arith.index_cast %add3A_85 : i32 to index
    %swap3A_102 = tpu.vector_load %arg12[%swap3A_101] masked %ne3A_90 {strides = array<i32>} : memref<272xi32, #tpu.memory_space<vmem>>, vector<16xi32>, vector<16xi1>
    tpu.vector_store %arg12[%swap3A_101], %add3A_93 masked %ne3A_90 {strides = array<i32>} : memref<272xi32, #tpu.memory_space<vmem>>, vector<16xi32>, vector<16xi1>
    %add3A_103 = vector.broadcast %add3A_85 : i32 to vector<16xi32>
    %add3A_104 = arith.addi %add3A_103, %masked_cumsum3A_100 : vector<16xi32>
    %sub3A_105 = arith.constant 1 : i32
    %sub3A_106 = vector.broadcast %sub3A_105 : i32 to vector<16xi32>
    %sub3A_107 = arith.subi %add3A_104, %sub3A_106 : vector<16xi32>
    tpu.vector_store_idx %arg11[%add3A_93], %sub3A_107 masked %ne3A_90 : memref<256xi32, #tpu.memory_space<vmem>>[vector<16xi32>], vector<16xi32>, vector<16xi1>
    %add3A_108 = arith.addi %add3A_85, %squeeze3A_96 : i32
    %get3A_109 = arith.constant 32 : index
    %get3A_110 = tpu.vector_load %arg10[%get3A_109] {strides = array<i32>} : memref<256xi32, #tpu.memory_space<vmem>>, vector<16xi32>,
    %ne3A_111 = arith.constant 0 : i32
    %ne3A_112 = vector.broadcast %ne3A_111 : i32 to vector<16xi32>
    %ne3A_113 = arith.cmpi ne, %get3A_110, %ne3A_112 : vector<16xi32>
    %add3A_114 = arith.constant 32 : i32
    %add3A_115 = vector.broadcast %add3A_114 : i32 to vector<16xi32>
    %add3A_116 = arith.addi %iota3A, %add3A_115 : vector<16xi32>
    %all_reduce_population_count3A_117 = tpu.all_reduce %ne3A_113 {dim = 0 : i64, kind = #tpu.reduction_kind<sum>} : vector<16xi1> -> vector<16xi32>
    %slice3A_118 = vector.extract_strided_slice %all_reduce_population_count3A_117 {offsets = [0], sizes = [1], strides = [1]} : vector<16xi32> to vector<1xi32>
    %squeeze3A_119 = vector.extract %slice3A_118[0] : i32 from vector<1xi32>
    %convert_element_type3A_120 = arith.extui %ne3A_113 : vector<16xi1> to vector<16xi32>
    %broadcast_in_dim3A_121 = arith.constant true
    %broadcast_in_dim3A_122 = vector.broadcast %broadcast_in_dim3A_121 : i1 to vector<16xi1>
    %masked_cumsum3A_123 = tpu.scan <sum>, %convert_element_type3A_120 masked %broadcast_in_dim3A_122 : vector<16xi32>, vector<16xi1> -> vector<16xi32>
    %swap3A_124 = arith.index_cast %add3A_108 : i32 to index
    %swap3A_125 = tpu.vector_load %arg12[%swap3A_124] masked %ne3A_113 {strides = array<i32>} : memref<272xi32, #tpu.memory_space<vmem>>, vector<16xi32>, vector<16xi1>
    tpu.vector_store %arg12[%swap3A_124], %add3A_116 masked %ne3A_113 {strides = array<i32>} : memref<272xi32, #tpu.memory_space<vmem>>, vector<16xi32>, vector<16xi1>
    %add3A_126 = vector.broadcast %add3A_108 : i32 to vector<16xi32>
    %add3A_127 = arith.addi %add3A_126, %masked_cumsum3A_123 : vector<16xi32>
    %sub3A_128 = arith.constant 1 : i32
    %sub3A_129 = vector.broadcast %sub3A_128 : i32 to vector<16xi32>
    %sub3A_130 = arith.subi %add3A_127, %sub3A_129 : vector<16xi32>
    tpu.vector_store_idx %arg11[%add3A_116], %sub3A_130 masked %ne3A_113 : memref<256xi32, #tpu.memory_space<vmem>>[vector<16xi32>], vector<16xi32>, vector<16xi1>
    %add3A_131 = arith.addi %add3A_108, %squeeze3A_119 : i32
    %get3A_132 = arith.constant 48 : index
    %get3A_133 = tpu.vector_load %arg10[%get3A_132] {strides = array<i32>} : memref<256xi32, #tpu.memory_space<vmem>>, vector<16xi32>,
    %ne3A_134 = arith.constant 0 : i32
    %ne3A_135 = vector.broadcast %ne3A_134 : i32 to vector<16xi32>
    %ne3A_136 = arith.cmpi ne, %get3A_133, %ne3A_135 : vector<16xi32>
    %add3A_137 = arith.constant 48 : i32
    %add3A_138 = vector.broadcast %add3A_137 : i32 to vector<16xi32>
    %add3A_139 = arith.addi %iota3A, %add3A_138 : vector<16xi32>
    %all_reduce_population_count3A_140 = tpu.all_reduce %ne3A_136 {dim = 0 : i64, kind = #tpu.reduction_kind<sum>} : vector<16xi1> -> vector<16xi32>
    %slice3A_141 = vector.extract_strided_slice %all_reduce_population_count3A_140 {offsets = [0], sizes = [1], strides = [1]} : vector<16xi32> to vector<1xi32>
    %squeeze3A_142 = vector.extract %slice3A_141[0] : i32 from vector<1xi32>
    %convert_element_type3A_143 = arith.extui %ne3A_136 : vector<16xi1> to vector<16xi32>
    %broadcast_in_dim3A_144 = arith.constant true
    %broadcast_in_dim3A_145 = vector.broadcast %broadcast_in_dim3A_144 : i1 to vector<16xi1>
    %masked_cumsum3A_146 = tpu.scan <sum>, %convert_element_type3A_143 masked %broadcast_in_dim3A_145 : vector<16xi32>, vector<16xi1> -> vector<16xi32>
    %swap3A_147 = arith.index_cast %add3A_131 : i32 to index
    %swap3A_148 = tpu.vector_load %arg12[%swap3A_147] masked %ne3A_136 {strides = array<i32>} : memref<272xi32, #tpu.memory_space<vmem>>, vector<16xi32>, vector<16xi1>
    tpu.vector_store %arg12[%swap3A_147], %add3A_139 masked %ne3A_136 {strides = array<i32>} : memref<272xi32, #tpu.memory_space<vmem>>, vector<16xi32>, vector<16xi1>
    %add3A_149 = vector.broadcast %add3A_131 : i32 to vector<16xi32>
    %add3A_150 = arith.addi %add3A_149, %masked_cumsum3A_146 : vector<16xi32>
    %sub3A_151 = arith.constant 1 : i32
    %sub3A_152 = vector.broadcast %sub3A_151 : i32 to vector<16xi32>
    %sub3A_153 = arith.subi %add3A_150, %sub3A_152 : vector<16xi32>
    tpu.vector_store_idx %arg11[%add3A_139], %sub3A_153 masked %ne3A_136 : memref<256xi32, #tpu.memory_space<vmem>>[vector<16xi32>], vector<16xi32>, vector<16xi1>
    %add3A_154 = arith.addi %add3A_131, %squeeze3A_142 : i32
    %get3A_155 = arith.constant 64 : index
    %get3A_156 = tpu.vector_load %arg10[%get3A_155] {strides = array<i32>} : memref<256xi32, #tpu.memory_space<vmem>>, vector<16xi32>,
    %ne3A_157 = arith.constant 0 : i32
    %ne3A_158 = vector.broadcast %ne3A_157 : i32 to vector<16xi32>
    %ne3A_159 = arith.cmpi ne, %get3A_156, %ne3A_158 : vector<16xi32>
    %add3A_160 = arith.constant 64 : i32
    %add3A_161 = vector.broadcast %add3A_160 : i32 to vector<16xi32>
    %add3A_162 = arith.addi %iota3A, %add3A_161 : vector<16xi32>
    %all_reduce_population_count3A_163 = tpu.all_reduce %ne3A_159 {dim = 0 : i64, kind = #tpu.reduction_kind<sum>} : vector<16xi1> -> vector<16xi32>
    %slice3A_164 = vector.extract_strided_slice %all_reduce_population_count3A_163 {offsets = [0], sizes = [1], strides = [1]} : vector<16xi32> to vector<1xi32>
    %squeeze3A_165 = vector.extract %slice3A_164[0] : i32 from vector<1xi32>
    %convert_element_type3A_166 = arith.extui %ne3A_159 : vector<16xi1> to vector<16xi32>
    %broadcast_in_dim3A_167 = arith.constant true
    %broadcast_in_dim3A_168 = vector.broadcast %broadcast_in_dim3A_167 : i1 to vector<16xi1>
    %masked_cumsum3A_169 = tpu.scan <sum>, %convert_element_type3A_166 masked %broadcast_in_dim3A_168 : vector<16xi32>, vector<16xi1> -> vector<16xi32>
    %swap3A_170 = arith.index_cast %add3A_154 : i32 to index
    %swap3A_171 = tpu.vector_load %arg12[%swap3A_170] masked %ne3A_159 {strides = array<i32>} : memref<272xi32, #tpu.memory_space<vmem>>, vector<16xi32>, vector<16xi1>
    tpu.vector_store %arg12[%swap3A_170], %add3A_162 masked %ne3A_159 {strides = array<i32>} : memref<272xi32, #tpu.memory_space<vmem>>, vector<16xi32>, vector<16xi1>
    %add3A_172 = vector.broadcast %add3A_154 : i32 to vector<16xi32>
    %add3A_173 = arith.addi %add3A_172, %masked_cumsum3A_169 : vector<16xi32>
    %sub3A_174 = arith.constant 1 : i32
    %sub3A_175 = vector.broadcast %sub3A_174 : i32 to vector<16xi32>
    %sub3A_176 = arith.subi %add3A_173, %sub3A_175 : vector<16xi32>
    tpu.vector_store_idx %arg11[%add3A_162], %sub3A_176 masked %ne3A_159 : memref<256xi32, #tpu.memory_space<vmem>>[vector<16xi32>], vector<16xi32>, vector<16xi1>
    %add3A_177 = arith.addi %add3A_154, %squeeze3A_165 : i32
    %get3A_178 = arith.constant 80 : index
    %get3A_179 = tpu.vector_load %arg10[%get3A_178] {strides = array<i32>} : memref<256xi32, #tpu.memory_space<vmem>>, vector<16xi32>,
    %ne3A_180 = arith.constant 0 : i32
    %ne3A_181 = vector.broadcast %ne3A_180 : i32 to vector<16xi32>
    %ne3A_182 = arith.cmpi ne, %get3A_179, %ne3A_181 : vector<16xi32>
    %add3A_183 = arith.constant 80 : i32
    %add3A_184 = vector.broadcast %add3A_183 : i32 to vector<16xi32>
    %add3A_185 = arith.addi %iota3A, %add3A_184 : vector<16xi32>
    %all_reduce_population_count3A_186 = tpu.all_reduce %ne3A_182 {dim = 0 : i64, kind = #tpu.reduction_kind<sum>} : vector<16xi1> -> vector<16xi32>
    %slice3A_187 = vector.extract_strided_slice %all_reduce_population_count3A_186 {offsets = [0], sizes = [1], strides = [1]} : vector<16xi32> to vector<1xi32>
    %squeeze3A_188 = vector.extract %slice3A_187[0] : i32 from vector<1xi32>
    %convert_element_type3A_189 = arith.extui %ne3A_182 : vector<16xi1> to vector<16xi32>
    %broadcast_in_dim3A_190 = arith.constant true
    %broadcast_in_dim3A_191 = vector.broadcast %broadcast_in_dim3A_190 : i1 to vector<16xi1>
    %masked_cumsum3A_192 = tpu.scan <sum>, %convert_element_type3A_189 masked %broadcast_in_dim3A_191 : vector<16xi32>, vector<16xi1> -> vector<16xi32>
    %swap3A_193 = arith.index_cast %add3A_177 : i32 to index
    %swap3A_194 = tpu.vector_load %arg12[%swap3A_193] masked %ne3A_182 {strides = array<i32>} : memref<272xi32, #tpu.memory_space<vmem>>, vector<16xi32>, vector<16xi1>
    tpu.vector_store %arg12[%swap3A_193], %add3A_185 masked %ne3A_182 {strides = array<i32>} : memref<272xi32, #tpu.memory_space<vmem>>, vector<16xi32>, vector<16xi1>
    %add3A_195 = vector.broadcast %add3A_177 : i32 to vector<16xi32>
    %add3A_196 = arith.addi %add3A_195, %masked_cumsum3A_192 : vector<16xi32>
    %sub3A_197 = arith.constant 1 : i32
    %sub3A_198 = vector.broadcast %sub3A_197 : i32 to vector<16xi32>
    %sub3A_199 = arith.subi %add3A_196, %sub3A_198 : vector<16xi32>
    tpu.vector_store_idx %arg11[%add3A_185], %sub3A_199 masked %ne3A_182 : memref<256xi32, #tpu.memory_space<vmem>>[vector<16xi32>], vector<16xi32>, vector<16xi1>
    %add3A_200 = arith.addi %add3A_177, %squeeze3A_188 : i32
    %get3A_201 = arith.constant 96 : index
    %get3A_202 = tpu.vector_load %arg10[%get3A_201] {strides = array<i32>} : memref<256xi32, #tpu.memory_space<vmem>>, vector<16xi32>,
    %ne3A_203 = arith.constant 0 : i32
    %ne3A_204 = vector.broadcast %ne3A_203 : i32 to vector<16xi32>
    %ne3A_205 = arith.cmpi ne, %get3A_202, %ne3A_204 : vector<16xi32>
    %add3A_206 = arith.constant 96 : i32
    %add3A_207 = vector.broadcast %add3A_206 : i32 to vector<16xi32>
    %add3A_208 = arith.addi %iota3A, %add3A_207 : vector<16xi32>
    %all_reduce_population_count3A_209 = tpu.all_reduce %ne3A_205 {dim = 0 : i64, kind = #tpu.reduction_kind<sum>} : vector<16xi1> -> vector<16xi32>
    %slice3A_210 = vector.extract_strided_slice %all_reduce_population_count3A_209 {offsets = [0], sizes = [1], strides = [1]} : vector<16xi32> to vector<1xi32>
    %squeeze3A_211 = vector.extract %slice3A_210[0] : i32 from vector<1xi32>
    %convert_element_type3A_212 = arith.extui %ne3A_205 : vector<16xi1> to vector<16xi32>
    %broadcast_in_dim3A_213 = arith.constant true
    %broadcast_in_dim3A_214 = vector.broadcast %broadcast_in_dim3A_213 : i1 to vector<16xi1>
    %masked_cumsum3A_215 = tpu.scan <sum>, %convert_element_type3A_212 masked %broadcast_in_dim3A_214 : vector<16xi32>, vector<16xi1> -> vector<16xi32>
    %swap3A_216 = arith.index_cast %add3A_200 : i32 to index
    %swap3A_217 = tpu.vector_load %arg12[%swap3A_216] masked %ne3A_205 {strides = array<i32>} : memref<272xi32, #tpu.memory_space<vmem>>, vector<16xi32>, vector<16xi1>
    tpu.vector_store %arg12[%swap3A_216], %add3A_208 masked %ne3A_205 {strides = array<i32>} : memref<272xi32, #tpu.memory_space<vmem>>, vector<16xi32>, vector<16xi1>
    %add3A_218 = vector.broadcast %add3A_200 : i32 to vector<16xi32>
    %add3A_219 = arith.addi %add3A_218, %masked_cumsum3A_215 : vector<16xi32>
    %sub3A_220 = arith.constant 1 : i32
    %sub3A_221 = vector.broadcast %sub3A_220 : i32 to vector<16xi32>
    %sub3A_222 = arith.subi %add3A_219, %sub3A_221 : vector<16xi32>
    tpu.vector_store_idx %arg11[%add3A_208], %sub3A_222 masked %ne3A_205 : memref<256xi32, #tpu.memory_space<vmem>>[vector<16xi32>], vector<16xi32>, vector<16xi1>
    %add3A_223 = arith.addi %add3A_200, %squeeze3A_211 : i32
    %get3A_224 = arith.constant 112 : index
    %get3A_225 = tpu.vector_load %arg10[%get3A_224] {strides = array<i32>} : memref<256xi32, #tpu.memory_space<vmem>>, vector<16xi32>,
    %ne3A_226 = arith.constant 0 : i32
    %ne3A_227 = vector.broadcast %ne3A_226 : i32 to vector<16xi32>
    %ne3A_228 = arith.cmpi ne, %get3A_225, %ne3A_227 : vector<16xi32>
    %add3A_229 = arith.constant 112 : i32
    %add3A_230 = vector.broadcast %add3A_229 : i32 to vector<16xi32>
    %add3A_231 = arith.addi %iota3A, %add3A_230 : vector<16xi32>
    %all_reduce_population_count3A_232 = tpu.all_reduce %ne3A_228 {dim = 0 : i64, kind = #tpu.reduction_kind<sum>} : vector<16xi1> -> vector<16xi32>
    %slice3A_233 = vector.extract_strided_slice %all_reduce_population_count3A_232 {offsets = [0], sizes = [1], strides = [1]} : vector<16xi32> to vector<1xi32>
    %squeeze3A_234 = vector.extract %slice3A_233[0] : i32 from vector<1xi32>
    %convert_element_type3A_235 = arith.extui %ne3A_228 : vector<16xi1> to vector<16xi32>
    %broadcast_in_dim3A_236 = arith.constant true
    %broadcast_in_dim3A_237 = vector.broadcast %broadcast_in_dim3A_236 : i1 to vector<16xi1>
    %masked_cumsum3A_238 = tpu.scan <sum>, %convert_element_type3A_235 masked %broadcast_in_dim3A_237 : vector<16xi32>, vector<16xi1> -> vector<16xi32>
    %swap3A_239 = arith.index_cast %add3A_223 : i32 to index
    %swap3A_240 = tpu.vector_load %arg12[%swap3A_239] masked %ne3A_228 {strides = array<i32>} : memref<272xi32, #tpu.memory_space<vmem>>, vector<16xi32>, vector<16xi1>
    tpu.vector_store %arg12[%swap3A_239], %add3A_231 masked %ne3A_228 {strides = array<i32>} : memref<272xi32, #tpu.memory_space<vmem>>, vector<16xi32>, vector<16xi1>
    %add3A_241 = vector.broadcast %add3A_223 : i32 to vector<16xi32>
    %add3A_242 = arith.addi %add3A_241, %masked_cumsum3A_238 : vector<16xi32>
    %sub3A_243 = arith.constant 1 : i32
    %sub3A_244 = vector.broadcast %sub3A_243 : i32 to vector<16xi32>
    %sub3A_245 = arith.subi %add3A_242, %sub3A_244 : vector<16xi32>
    tpu.vector_store_idx %arg11[%add3A_231], %sub3A_245 masked %ne3A_228 : memref<256xi32, #tpu.memory_space<vmem>>[vector<16xi32>], vector<16xi32>, vector<16xi1>
    %add3A_246 = arith.addi %add3A_223, %squeeze3A_234 : i32
    %get3A_247 = arith.constant 128 : index
    %get3A_248 = tpu.vector_load %arg10[%get3A_247] {strides = array<i32>} : memref<256xi32, #tpu.memory_space<vmem>>, vector<16xi32>,
    %ne3A_249 = arith.constant 0 : i32
    %ne3A_250 = vector.broadcast %ne3A_249 : i32 to vector<16xi32>
    %ne3A_251 = arith.cmpi ne, %get3A_248, %ne3A_250 : vector<16xi32>
    %add3A_252 = arith.constant 128 : i32
    %add3A_253 = vector.broadcast %add3A_252 : i32 to vector<16xi32>
    %add3A_254 = arith.addi %iota3A, %add3A_253 : vector<16xi32>
    %all_reduce_population_count3A_255 = tpu.all_reduce %ne3A_251 {dim = 0 : i64, kind = #tpu.reduction_kind<sum>} : vector<16xi1> -> vector<16xi32>
    %slice3A_256 = vector.extract_strided_slice %all_reduce_population_count3A_255 {offsets = [0], sizes = [1], strides = [1]} : vector<16xi32> to vector<1xi32>
    %squeeze3A_257 = vector.extract %slice3A_256[0] : i32 from vector<1xi32>
    %convert_element_type3A_258 = arith.extui %ne3A_251 : vector<16xi1> to vector<16xi32>
    %broadcast_in_dim3A_259 = arith.constant true
    %broadcast_in_dim3A_260 = vector.broadcast %broadcast_in_dim3A_259 : i1 to vector<16xi1>
    %masked_cumsum3A_261 = tpu.scan <sum>, %convert_element_type3A_258 masked %broadcast_in_dim3A_260 : vector<16xi32>, vector<16xi1> -> vector<16xi32>
    %swap3A_262 = arith.index_cast %add3A_246 : i32 to index
    %swap3A_263 = tpu.vector_load %arg12[%swap3A_262] masked %ne3A_251 {strides = array<i32>} : memref<272xi32, #tpu.memory_space<vmem>>, vector<16xi32>, vector<16xi1>
    tpu.vector_store %arg12[%swap3A_262], %add3A_254 masked %ne3A_251 {strides = array<i32>} : memref<272xi32, #tpu.memory_space<vmem>>, vector<16xi32>, vector<16xi1>
    %add3A_264 = vector.broadcast %add3A_246 : i32 to vector<16xi32>
    %add3A_265 = arith.addi %add3A_264, %masked_cumsum3A_261 : vector<16xi32>
    %sub3A_266 = arith.constant 1 : i32
    %sub3A_267 = vector.broadcast %sub3A_266 : i32 to vector<16xi32>
    %sub3A_268 = arith.subi %add3A_265, %sub3A_267 : vector<16xi32>
    tpu.vector_store_idx %arg11[%add3A_254], %sub3A_268 masked %ne3A_251 : memref<256xi32, #tpu.memory_space<vmem>>[vector<16xi32>], vector<16xi32>, vector<16xi1>
    %add3A_269 = arith.addi %add3A_246, %squeeze3A_257 : i32
    %get3A_270 = arith.constant 144 : index
    %get3A_271 = tpu.vector_load %arg10[%get3A_270] {strides = array<i32>} : memref<256xi32, #tpu.memory_space<vmem>>, vector<16xi32>,
    %ne3A_272 = arith.constant 0 : i32
    %ne3A_273 = vector.broadcast %ne3A_272 : i32 to vector<16xi32>
    %ne3A_274 = arith.cmpi ne, %get3A_271, %ne3A_273 : vector<16xi32>
    %add3A_275 = arith.constant 144 : i32
    %add3A_276 = vector.broadcast %add3A_275 : i32 to vector<16xi32>
    %add3A_277 = arith.addi %iota3A, %add3A_276 : vector<16xi32>
    %all_reduce_population_count3A_278 = tpu.all_reduce %ne3A_274 {dim = 0 : i64, kind = #tpu.reduction_kind<sum>} : vector<16xi1> -> vector<16xi32>
    %slice3A_279 = vector.extract_strided_slice %all_reduce_population_count3A_278 {offsets = [0], sizes = [1], strides = [1]} : vector<16xi32> to vector<1xi32>
    %squeeze3A_280 = vector.extract %slice3A_279[0] : i32 from vector<1xi32>
    %convert_element_type3A_281 = arith.extui %ne3A_274 : vector<16xi1> to vector<16xi32>
    %broadcast_in_dim3A_282 = arith.constant true
    %broadcast_in_dim3A_283 = vector.broadcast %broadcast_in_dim3A_282 : i1 to vector<16xi1>
    %masked_cumsum3A_284 = tpu.scan <sum>, %convert_element_type3A_281 masked %broadcast_in_dim3A_283 : vector<16xi32>, vector<16xi1> -> vector<16xi32>
    %swap3A_285 = arith.index_cast %add3A_269 : i32 to index
    %swap3A_286 = tpu.vector_load %arg12[%swap3A_285] masked %ne3A_274 {strides = array<i32>} : memref<272xi32, #tpu.memory_space<vmem>>, vector<16xi32>, vector<16xi1>
    tpu.vector_store %arg12[%swap3A_285], %add3A_277 masked %ne3A_274 {strides = array<i32>} : memref<272xi32, #tpu.memory_space<vmem>>, vector<16xi32>, vector<16xi1>
    %add3A_287 = vector.broadcast %add3A_269 : i32 to vector<16xi32>
    %add3A_288 = arith.addi %add3A_287, %masked_cumsum3A_284 : vector<16xi32>
    %sub3A_289 = arith.constant 1 : i32
    %sub3A_290 = vector.broadcast %sub3A_289 : i32 to vector<16xi32>
    %sub3A_291 = arith.subi %add3A_288, %sub3A_290 : vector<16xi32>
    tpu.vector_store_idx %arg11[%add3A_277], %sub3A_291 masked %ne3A_274 : memref<256xi32, #tpu.memory_space<vmem>>[vector<16xi32>], vector<16xi32>, vector<16xi1>
    %add3A_292 = arith.addi %add3A_269, %squeeze3A_280 : i32
    %get3A_293 = arith.constant 160 : index
    %get3A_294 = tpu.vector_load %arg10[%get3A_293] {strides = array<i32>} : memref<256xi32, #tpu.memory_space<vmem>>, vector<16xi32>,
    %ne3A_295 = arith.constant 0 : i32
    %ne3A_296 = vector.broadcast %ne3A_295 : i32 to vector<16xi32>
    %ne3A_297 = arith.cmpi ne, %get3A_294, %ne3A_296 : vector<16xi32>
    %add3A_298 = arith.constant 160 : i32
    %add3A_299 = vector.broadcast %add3A_298 : i32 to vector<16xi32>
    %add3A_300 = arith.addi %iota3A, %add3A_299 : vector<16xi32>
    %all_reduce_population_count3A_301 = tpu.all_reduce %ne3A_297 {dim = 0 : i64, kind = #tpu.reduction_kind<sum>} : vector<16xi1> -> vector<16xi32>
    %slice3A_302 = vector.extract_strided_slice %all_reduce_population_count3A_301 {offsets = [0], sizes = [1], strides = [1]} : vector<16xi32> to vector<1xi32>
    %squeeze3A_303 = vector.extract %slice3A_302[0] : i32 from vector<1xi32>
    %convert_element_type3A_304 = arith.extui %ne3A_297 : vector<16xi1> to vector<16xi32>
    %broadcast_in_dim3A_305 = arith.constant true
    %broadcast_in_dim3A_306 = vector.broadcast %broadcast_in_dim3A_305 : i1 to vector<16xi1>
    %masked_cumsum3A_307 = tpu.scan <sum>, %convert_element_type3A_304 masked %broadcast_in_dim3A_306 : vector<16xi32>, vector<16xi1> -> vector<16xi32>
    %swap3A_308 = arith.index_cast %add3A_292 : i32 to index
    %swap3A_309 = tpu.vector_load %arg12[%swap3A_308] masked %ne3A_297 {strides = array<i32>} : memref<272xi32, #tpu.memory_space<vmem>>, vector<16xi32>, vector<16xi1>
    tpu.vector_store %arg12[%swap3A_308], %add3A_300 masked %ne3A_297 {strides = array<i32>} : memref<272xi32, #tpu.memory_space<vmem>>, vector<16xi32>, vector<16xi1>
    %add3A_310 = vector.broadcast %add3A_292 : i32 to vector<16xi32>
    %add3A_311 = arith.addi %add3A_310, %masked_cumsum3A_307 : vector<16xi32>
    %sub3A_312 = arith.constant 1 : i32
    %sub3A_313 = vector.broadcast %sub3A_312 : i32 to vector<16xi32>
    %sub3A_314 = arith.subi %add3A_311, %sub3A_313 : vector<16xi32>
    tpu.vector_store_idx %arg11[%add3A_300], %sub3A_314 masked %ne3A_297 : memref<256xi32, #tpu.memory_space<vmem>>[vector<16xi32>], vector<16xi32>, vector<16xi1>
    %add3A_315 = arith.addi %add3A_292, %squeeze3A_303 : i32
    %get3A_316 = arith.constant 176 : index
    %get3A_317 = tpu.vector_load %arg10[%get3A_316] {strides = array<i32>} : memref<256xi32, #tpu.memory_space<vmem>>, vector<16xi32>,
    %ne3A_318 = arith.constant 0 : i32
    %ne3A_319 = vector.broadcast %ne3A_318 : i32 to vector<16xi32>
    %ne3A_320 = arith.cmpi ne, %get3A_317, %ne3A_319 : vector<16xi32>
    %add3A_321 = arith.constant 176 : i32
    %add3A_322 = vector.broadcast %add3A_321 : i32 to vector<16xi32>
    %add3A_323 = arith.addi %iota3A, %add3A_322 : vector<16xi32>
    %all_reduce_population_count3A_324 = tpu.all_reduce %ne3A_320 {dim = 0 : i64, kind = #tpu.reduction_kind<sum>} : vector<16xi1> -> vector<16xi32>
    %slice3A_325 = vector.extract_strided_slice %all_reduce_population_count3A_324 {offsets = [0], sizes = [1], strides = [1]} : vector<16xi32> to vector<1xi32>
    %squeeze3A_326 = vector.extract %slice3A_325[0] : i32 from vector<1xi32>
    %convert_element_type3A_327 = arith.extui %ne3A_320 : vector<16xi1> to vector<16xi32>
    %broadcast_in_dim3A_328 = arith.constant true
    %broadcast_in_dim3A_329 = vector.broadcast %broadcast_in_dim3A_328 : i1 to vector<16xi1>
    %masked_cumsum3A_330 = tpu.scan <sum>, %convert_element_type3A_327 masked %broadcast_in_dim3A_329 : vector<16xi32>, vector<16xi1> -> vector<16xi32>
    %swap3A_331 = arith.index_cast %add3A_315 : i32 to index
    %swap3A_332 = tpu.vector_load %arg12[%swap3A_331] masked %ne3A_320 {strides = array<i32>} : memref<272xi32, #tpu.memory_space<vmem>>, vector<16xi32>, vector<16xi1>
    tpu.vector_store %arg12[%swap3A_331], %add3A_323 masked %ne3A_320 {strides = array<i32>} : memref<272xi32, #tpu.memory_space<vmem>>, vector<16xi32>, vector<16xi1>
    %add3A_333 = vector.broadcast %add3A_315 : i32 to vector<16xi32>
    %add3A_334 = arith.addi %add3A_333, %masked_cumsum3A_330 : vector<16xi32>
    %sub3A_335 = arith.constant 1 : i32
    %sub3A_336 = vector.broadcast %sub3A_335 : i32 to vector<16xi32>
    %sub3A_337 = arith.subi %add3A_334, %sub3A_336 : vector<16xi32>
    tpu.vector_store_idx %arg11[%add3A_323], %sub3A_337 masked %ne3A_320 : memref<256xi32, #tpu.memory_space<vmem>>[vector<16xi32>], vector<16xi32>, vector<16xi1>
    %add3A_338 = arith.addi %add3A_315, %squeeze3A_326 : i32
    %get3A_339 = arith.constant 192 : index
    %get3A_340 = tpu.vector_load %arg10[%get3A_339] {strides = array<i32>} : memref<256xi32, #tpu.memory_space<vmem>>, vector<16xi32>,
    %ne3A_341 = arith.constant 0 : i32
    %ne3A_342 = vector.broadcast %ne3A_341 : i32 to vector<16xi32>
    %ne3A_343 = arith.cmpi ne, %get3A_340, %ne3A_342 : vector<16xi32>
    %add3A_344 = arith.constant 192 : i32
    %add3A_345 = vector.broadcast %add3A_344 : i32 to vector<16xi32>
    %add3A_346 = arith.addi %iota3A, %add3A_345 : vector<16xi32>
    %all_reduce_population_count3A_347 = tpu.all_reduce %ne3A_343 {dim = 0 : i64, kind = #tpu.reduction_kind<sum>} : vector<16xi1> -> vector<16xi32>
    %slice3A_348 = vector.extract_strided_slice %all_reduce_population_count3A_347 {offsets = [0], sizes = [1], strides = [1]} : vector<16xi32> to vector<1xi32>
    %squeeze3A_349 = vector.extract %slice3A_348[0] : i32 from vector<1xi32>
    %convert_element_type3A_350 = arith.extui %ne3A_343 : vector<16xi1> to vector<16xi32>
    %broadcast_in_dim3A_351 = arith.constant true
    %broadcast_in_dim3A_352 = vector.broadcast %broadcast_in_dim3A_351 : i1 to vector<16xi1>
    %masked_cumsum3A_353 = tpu.scan <sum>, %convert_element_type3A_350 masked %broadcast_in_dim3A_352 : vector<16xi32>, vector<16xi1> -> vector<16xi32>
    %swap3A_354 = arith.index_cast %add3A_338 : i32 to index
    %swap3A_355 = tpu.vector_load %arg12[%swap3A_354] masked %ne3A_343 {strides = array<i32>} : memref<272xi32, #tpu.memory_space<vmem>>, vector<16xi32>, vector<16xi1>
    tpu.vector_store %arg12[%swap3A_354], %add3A_346 masked %ne3A_343 {strides = array<i32>} : memref<272xi32, #tpu.memory_space<vmem>>, vector<16xi32>, vector<16xi1>
    %add3A_356 = vector.broadcast %add3A_338 : i32 to vector<16xi32>
    %add3A_357 = arith.addi %add3A_356, %masked_cumsum3A_353 : vector<16xi32>
    %sub3A_358 = arith.constant 1 : i32
    %sub3A_359 = vector.broadcast %sub3A_358 : i32 to vector<16xi32>
    %sub3A_360 = arith.subi %add3A_357, %sub3A_359 : vector<16xi32>
    tpu.vector_store_idx %arg11[%add3A_346], %sub3A_360 masked %ne3A_343 : memref<256xi32, #tpu.memory_space<vmem>>[vector<16xi32>], vector<16xi32>, vector<16xi1>
    %add3A_361 = arith.addi %add3A_338, %squeeze3A_349 : i32
    %get3A_362 = arith.constant 208 : index
    %get3A_363 = tpu.vector_load %arg10[%get3A_362] {strides = array<i32>} : memref<256xi32, #tpu.memory_space<vmem>>, vector<16xi32>,
    %ne3A_364 = arith.constant 0 : i32
    %ne3A_365 = vector.broadcast %ne3A_364 : i32 to vector<16xi32>
    %ne3A_366 = arith.cmpi ne, %get3A_363, %ne3A_365 : vector<16xi32>
    %add3A_367 = arith.constant 208 : i32
    %add3A_368 = vector.broadcast %add3A_367 : i32 to vector<16xi32>
    %add3A_369 = arith.addi %iota3A, %add3A_368 : vector<16xi32>
    %all_reduce_population_count3A_370 = tpu.all_reduce %ne3A_366 {dim = 0 : i64, kind = #tpu.reduction_kind<sum>} : vector<16xi1> -> vector<16xi32>
    %slice3A_371 = vector.extract_strided_slice %all_reduce_population_count3A_370 {offsets = [0], sizes = [1], strides = [1]} : vector<16xi32> to vector<1xi32>
    %squeeze3A_372 = vector.extract %slice3A_371[0] : i32 from vector<1xi32>
    %convert_element_type3A_373 = arith.extui %ne3A_366 : vector<16xi1> to vector<16xi32>
    %broadcast_in_dim3A_374 = arith.constant true
    %broadcast_in_dim3A_375 = vector.broadcast %broadcast_in_dim3A_374 : i1 to vector<16xi1>
    %masked_cumsum3A_376 = tpu.scan <sum>, %convert_element_type3A_373 masked %broadcast_in_dim3A_375 : vector<16xi32>, vector<16xi1> -> vector<16xi32>
    %swap3A_377 = arith.index_cast %add3A_361 : i32 to index
    %swap3A_378 = tpu.vector_load %arg12[%swap3A_377] masked %ne3A_366 {strides = array<i32>} : memref<272xi32, #tpu.memory_space<vmem>>, vector<16xi32>, vector<16xi1>
    tpu.vector_store %arg12[%swap3A_377], %add3A_369 masked %ne3A_366 {strides = array<i32>} : memref<272xi32, #tpu.memory_space<vmem>>, vector<16xi32>, vector<16xi1>
    %add3A_379 = vector.broadcast %add3A_361 : i32 to vector<16xi32>
    %add3A_380 = arith.addi %add3A_379, %masked_cumsum3A_376 : vector<16xi32>
    %sub3A_381 = arith.constant 1 : i32
    %sub3A_382 = vector.broadcast %sub3A_381 : i32 to vector<16xi32>
    %sub3A_383 = arith.subi %add3A_380, %sub3A_382 : vector<16xi32>
    tpu.vector_store_idx %arg11[%add3A_369], %sub3A_383 masked %ne3A_366 : memref<256xi32, #tpu.memory_space<vmem>>[vector<16xi32>], vector<16xi32>, vector<16xi1>
    %add3A_384 = arith.addi %add3A_361, %squeeze3A_372 : i32
    %get3A_385 = arith.constant 224 : index
    %get3A_386 = tpu.vector_load %arg10[%get3A_385] {strides = array<i32>} : memref<256xi32, #tpu.memory_space<vmem>>, vector<16xi32>,
    %ne3A_387 = arith.constant 0 : i32
    %ne3A_388 = vector.broadcast %ne3A_387 : i32 to vector<16xi32>
    %ne3A_389 = arith.cmpi ne, %get3A_386, %ne3A_388 : vector<16xi32>
    %add3A_390 = arith.constant 224 : i32
    %add3A_391 = vector.broadcast %add3A_390 : i32 to vector<16xi32>
    %add3A_392 = arith.addi %iota3A, %add3A_391 : vector<16xi32>
    %all_reduce_population_count3A_393 = tpu.all_reduce %ne3A_389 {dim = 0 : i64, kind = #tpu.reduction_kind<sum>} : vector<16xi1> -> vector<16xi32>
    %slice3A_394 = vector.extract_strided_slice %all_reduce_population_count3A_393 {offsets = [0], sizes = [1], strides = [1]} : vector<16xi32> to vector<1xi32>
    %squeeze3A_395 = vector.extract %slice3A_394[0] : i32 from vector<1xi32>
    %convert_element_type3A_396 = arith.extui %ne3A_389 : vector<16xi1> to vector<16xi32>
    %broadcast_in_dim3A_397 = arith.constant true
    %broadcast_in_dim3A_398 = vector.broadcast %broadcast_in_dim3A_397 : i1 to vector<16xi1>
    %masked_cumsum3A_399 = tpu.scan <sum>, %convert_element_type3A_396 masked %broadcast_in_dim3A_398 : vector<16xi32>, vector<16xi1> -> vector<16xi32>
    %swap3A_400 = arith.index_cast %add3A_384 : i32 to index
    %swap3A_401 = tpu.vector_load %arg12[%swap3A_400] masked %ne3A_389 {strides = array<i32>} : memref<272xi32, #tpu.memory_space<vmem>>, vector<16xi32>, vector<16xi1>
    tpu.vector_store %arg12[%swap3A_400], %add3A_392 masked %ne3A_389 {strides = array<i32>} : memref<272xi32, #tpu.memory_space<vmem>>, vector<16xi32>, vector<16xi1>
    %add3A_402 = vector.broadcast %add3A_384 : i32 to vector<16xi32>
    %add3A_403 = arith.addi %add3A_402, %masked_cumsum3A_399 : vector<16xi32>
    %sub3A_404 = arith.constant 1 : i32
    %sub3A_405 = vector.broadcast %sub3A_404 : i32 to vector<16xi32>
    %sub3A_406 = arith.subi %add3A_403, %sub3A_405 : vector<16xi32>
    tpu.vector_store_idx %arg11[%add3A_392], %sub3A_406 masked %ne3A_389 : memref<256xi32, #tpu.memory_space<vmem>>[vector<16xi32>], vector<16xi32>, vector<16xi1>
    %add3A_407 = arith.addi %add3A_384, %squeeze3A_395 : i32
    %get3A_408 = arith.constant 240 : index
    %get3A_409 = tpu.vector_load %arg10[%get3A_408] {strides = array<i32>} : memref<256xi32, #tpu.memory_space<vmem>>, vector<16xi32>,
    %ne3A_410 = arith.constant 0 : i32
    %ne3A_411 = vector.broadcast %ne3A_410 : i32 to vector<16xi32>
    %ne3A_412 = arith.cmpi ne, %get3A_409, %ne3A_411 : vector<16xi32>
    %add3A_413 = arith.constant 240 : i32
    %add3A_414 = vector.broadcast %add3A_413 : i32 to vector<16xi32>
    %add3A_415 = arith.addi %iota3A, %add3A_414 : vector<16xi32>
    %all_reduce_population_count3A_416 = tpu.all_reduce %ne3A_412 {dim = 0 : i64, kind = #tpu.reduction_kind<sum>} : vector<16xi1> -> vector<16xi32>
    %slice3A_417 = vector.extract_strided_slice %all_reduce_population_count3A_416 {offsets = [0], sizes = [1], strides = [1]} : vector<16xi32> to vector<1xi32>
    %squeeze3A_418 = vector.extract %slice3A_417[0] : i32 from vector<1xi32>
    %convert_element_type3A_419 = arith.extui %ne3A_412 : vector<16xi1> to vector<16xi32>
    %broadcast_in_dim3A_420 = arith.constant true
    %broadcast_in_dim3A_421 = vector.broadcast %broadcast_in_dim3A_420 : i1 to vector<16xi1>
    %masked_cumsum3A_422 = tpu.scan <sum>, %convert_element_type3A_419 masked %broadcast_in_dim3A_421 : vector<16xi32>, vector<16xi1> -> vector<16xi32>
    %swap3A_423 = arith.index_cast %add3A_407 : i32 to index
    %swap3A_424 = tpu.vector_load %arg12[%swap3A_423] masked %ne3A_412 {strides = array<i32>} : memref<272xi32, #tpu.memory_space<vmem>>, vector<16xi32>, vector<16xi1>
    tpu.vector_store %arg12[%swap3A_423], %add3A_415 masked %ne3A_412 {strides = array<i32>} : memref<272xi32, #tpu.memory_space<vmem>>, vector<16xi32>, vector<16xi1>
    %add3A_425 = vector.broadcast %add3A_407 : i32 to vector<16xi32>
    %add3A_426 = arith.addi %add3A_425, %masked_cumsum3A_422 : vector<16xi32>
    %sub3A_427 = arith.constant 1 : i32
    %sub3A_428 = vector.broadcast %sub3A_427 : i32 to vector<16xi32>
    %sub3A_429 = arith.subi %add3A_426, %sub3A_428 : vector<16xi32>
    tpu.vector_store_idx %arg11[%add3A_415], %sub3A_429 masked %ne3A_412 : memref<256xi32, #tpu.memory_space<vmem>>[vector<16xi32>], vector<16xi32>, vector<16xi1>
    %add3A_430 = arith.addi %add3A_407, %squeeze3A_418 : i32
    %while3A_431 = arith.constant 0 : i32
    %while3A_432 = arith.constant 0 : i32
    %while3A_433 = arith.subi %shift_right_arithmetic3A_27, %while3A_432 : i32
    %while3A_434 = arith.addi %while3A_432, %while3A_433 : i32
    %while3A_435 = arith.constant 1 : i32
    %while3A_436 = arith.divsi %while3A_433, %while3A_435 : i32
    %while3A_437 = arith.muli %while3A_436, %while3A_435 : i32
    %while3A_438 = arith.addi %while3A_432, %while3A_437 : i32
    %while3A_439 = arith.constant 1 : i32
    scf.for %while3A_488 = %while3A_432 to %while3A_438 step %while3A_439  : i32 {
      %mul3A_489 = arith.constant 16 : i32
      %mul3A_490 = arith.muli %while3A_488, %mul3A_489 : i32
      %add3A_491 = vector.broadcast %mul3A_490 : i32 to vector<16xi32>
      %add3A_492 = arith.addi %iota3A, %add3A_491 : vector<16xi32>
      %gather3A = tpu.vector_load_idx %arg7[%add3A_492] : memref<4112xi32, #tpu.memory_space<vmem>>[vector<16xi32>], vector<16xi32>,
      %and3A = arith.constant 255 : i32
      %and3A_493 = vector.broadcast %and3A : i32 to vector<16xi32>
      %and3A_494 = arith.andi %gather3A, %and3A_493 : vector<16xi32>
      %gather3A_495 = tpu.vector_load_idx %arg11[%and3A_494] : memref<256xi32, #tpu.memory_space<vmem>>[vector<16xi32>], vector<16xi32>,
      %swap3A_496 = arith.index_cast %mul3A_490 : i32 to index
      %swap3A_497 = tpu.vector_load %arg9[%swap3A_496] {strides = array<i32>} : memref<4112xi32, #tpu.memory_space<vmem>>, vector<16xi32>,
      tpu.vector_store %arg9[%swap3A_496], %gather3A_495 {strides = array<i32>} : memref<4112xi32, #tpu.memory_space<vmem>>, vector<16xi32>,
    }
    %while3A_440 = arith.constant 1 : i32
    scf.for %while3A_488 = %while3A_438 to %while3A_434 step %while3A_440  : i32 {
      %mul3A_489 = arith.constant 16 : i32
      %mul3A_490 = arith.muli %while3A_488, %mul3A_489 : i32
      %add3A_491 = vector.broadcast %mul3A_490 : i32 to vector<16xi32>
      %add3A_492 = arith.addi %iota3A, %add3A_491 : vector<16xi32>
      %gather3A = tpu.vector_load_idx %arg7[%add3A_492] : memref<4112xi32, #tpu.memory_space<vmem>>[vector<16xi32>], vector<16xi32>,
      %and3A = arith.constant 255 : i32
      %and3A_493 = vector.broadcast %and3A : i32 to vector<16xi32>
      %and3A_494 = arith.andi %gather3A, %and3A_493 : vector<16xi32>
      %gather3A_495 = tpu.vector_load_idx %arg11[%and3A_494] : memref<256xi32, #tpu.memory_space<vmem>>[vector<16xi32>], vector<16xi32>,
      %swap3A_496 = arith.index_cast %mul3A_490 : i32 to index
      %swap3A_497 = tpu.vector_load %arg9[%swap3A_496] {strides = array<i32>} : memref<4112xi32, #tpu.memory_space<vmem>>, vector<16xi32>,
      tpu.vector_store %arg9[%swap3A_496], %gather3A_495 {strides = array<i32>} : memref<4112xi32, #tpu.memory_space<vmem>>, vector<16xi32>,
    }
    %mul3A_441 = arith.constant 0 : i32
    %mul3A_442 = arith.constant 4 : i32
    %mul3A_443 = arith.muli %mul3A_441, %mul3A_442 : i32
    %add3A_444 = arith.constant 0 : i32
    %add3A_445 = arith.addi %mul3A_443, %add3A_444 : i32
    %lt3A = arith.cmpi slt, %add3A_445, %add3A_430 : i32
    %convert_element_type3A_446 = arith.extui %lt3A : i1 to i32
    %cond3A = arith.constant 0 : i32
    %cond3A_447 = arith.cmpi ne, %convert_element_type3A_446, %cond3A : i32
    scf.if %cond3A_447 {
      %get3A_488 = arith.index_cast %add3A_445 : i32 to index
      %get3A_489 = tpu.vector_load %arg12[%get3A_488] {strides = array<i32>} : memref<272xi32, #tpu.memory_space<vmem>>, vector<16xi32>,
      %slice3A_490 = vector.extract_strided_slice %get3A_489 {offsets = [0], sizes = [1], strides = [1]} : vector<16xi32> to vector<1xi32>
      %squeeze3A_491 = vector.extract %slice3A_490[0] : i32 from vector<1xi32>
      %mul3A_492 = arith.constant 32 : i32
      %mul3A_493 = arith.muli %squeeze3A_491, %mul3A_492 : i32
      %add3A_494 = arith.addi %mul3A_493, %add3A : i32
      %mul3A_495 = arith.constant 128 : i32
      %mul3A_496 = arith.muli %add3A_494, %mul3A_495 : i32
      %multiple_of3A = tpu.assume_multiple %mul3A_496, 128 : i32
      %dma_start3A_497 = arith.constant 0 : i32
      %dma_start3A_498 = arith.constant 0 : i32
      %dma_start3A_499 = arith.constant 0 : i32
      %dma_start3A_500 = tpu.memref_slice %arg16[%dma_start3A_497, %dma_start3A_498, %dma_start3A_499] : memref<8x64x128xf32, #tpu.memory_space<vmem>> -> memref<1x64x128xf32, #tpu.memory_space<vmem>>
      %dma_start3A_501 = tpu.memref_squeeze %dma_start3A_500 : memref<1x64x128xf32, #tpu.memory_space<vmem>> -> memref<64x128xf32, #tpu.memory_space<vmem>>
      %dma_start3A_502 = arith.constant 0 : i32
      %dma_start3A_503 = tpu.memref_slice %arg3[%dma_start3A_502, %multiple_of3A] : memref<64x1000000xf32, #tpu.memory_space<hbm>> -> memref<64x128xf32, #tpu.memory_space<hbm>>
      %dma_start3A_504 = arith.constant 0 : i32
      %dma_start3A_505 = arith.constant 0 : i32
      %dma_start3A_506 = tpu.memref_slice %arg16[%dma_start3A_497, %dma_start3A_504, %dma_start3A_505] : memref<8x64x128xf32, #tpu.memory_space<vmem>> -> memref<1x64x128xf32, #tpu.memory_space<vmem>>
      %dma_start3A_507 = tpu.memref_squeeze %dma_start3A_506 : memref<1x64x128xf32, #tpu.memory_space<vmem>> -> memref<64x128xf32, #tpu.memory_space<vmem>>
      %dma_start3A_508 = arith.constant 0 : i32
      %dma_start3A_509 = tpu.memref_slice %arg3[%dma_start3A_508, %multiple_of3A] : memref<64x1000000xf32, #tpu.memory_space<hbm>> -> memref<64x128xf32, #tpu.memory_space<hbm>>
      tpu.enqueue_dma source(%dma_start3A_509 : memref<64x128xf32, #tpu.memory_space<hbm>>) target(%dma_start3A_507 : memref<64x128xf32, #tpu.memory_space<vmem>>) target_semaphore(%arg20 : memref<!tpu.dma_semaphore, #tpu.memory_space<semaphore_mem>>)
    } else {
    }
    %mul3A_448 = arith.constant 0 : i32
    %mul3A_449 = arith.constant 4 : i32
    %mul3A_450 = arith.muli %mul3A_448, %mul3A_449 : i32
    %add3A_451 = arith.constant 1 : i32
    %add3A_452 = arith.addi %mul3A_450, %add3A_451 : i32
    %lt3A_453 = arith.cmpi slt, %add3A_452, %add3A_430 : i32
    %convert_element_type3A_454 = arith.extui %lt3A_453 : i1 to i32
    %cond3A_455 = arith.constant 0 : i32
    %cond3A_456 = arith.cmpi ne, %convert_element_type3A_454, %cond3A_455 : i32
    scf.if %cond3A_456 {
      %get3A_488 = arith.index_cast %add3A_452 : i32 to index
      %get3A_489 = tpu.vector_load %arg12[%get3A_488] {strides = array<i32>} : memref<272xi32, #tpu.memory_space<vmem>>, vector<16xi32>,
      %slice3A_490 = vector.extract_strided_slice %get3A_489 {offsets = [0], sizes = [1], strides = [1]} : vector<16xi32> to vector<1xi32>
      %squeeze3A_491 = vector.extract %slice3A_490[0] : i32 from vector<1xi32>
      %mul3A_492 = arith.constant 32 : i32
      %mul3A_493 = arith.muli %squeeze3A_491, %mul3A_492 : i32
      %add3A_494 = arith.addi %mul3A_493, %add3A : i32
      %mul3A_495 = arith.constant 128 : i32
      %mul3A_496 = arith.muli %add3A_494, %mul3A_495 : i32
      %multiple_of3A = tpu.assume_multiple %mul3A_496, 128 : i32
      %dma_start3A_497 = arith.constant 1 : i32
      %dma_start3A_498 = arith.constant 0 : i32
      %dma_start3A_499 = arith.constant 0 : i32
      %dma_start3A_500 = tpu.memref_slice %arg16[%dma_start3A_497, %dma_start3A_498, %dma_start3A_499] : memref<8x64x128xf32, #tpu.memory_space<vmem>> -> memref<1x64x128xf32, #tpu.memory_space<vmem>>
      %dma_start3A_501 = tpu.memref_squeeze %dma_start3A_500 : memref<1x64x128xf32, #tpu.memory_space<vmem>> -> memref<64x128xf32, #tpu.memory_space<vmem>>
      %dma_start3A_502 = arith.constant 0 : i32
      %dma_start3A_503 = tpu.memref_slice %arg3[%dma_start3A_502, %multiple_of3A] : memref<64x1000000xf32, #tpu.memory_space<hbm>> -> memref<64x128xf32, #tpu.memory_space<hbm>>
      %dma_start3A_504 = arith.constant 0 : i32
      %dma_start3A_505 = arith.constant 0 : i32
      %dma_start3A_506 = tpu.memref_slice %arg16[%dma_start3A_497, %dma_start3A_504, %dma_start3A_505] : memref<8x64x128xf32, #tpu.memory_space<vmem>> -> memref<1x64x128xf32, #tpu.memory_space<vmem>>
      %dma_start3A_507 = tpu.memref_squeeze %dma_start3A_506 : memref<1x64x128xf32, #tpu.memory_space<vmem>> -> memref<64x128xf32, #tpu.memory_space<vmem>>
      %dma_start3A_508 = arith.constant 0 : i32
      %dma_start3A_509 = tpu.memref_slice %arg3[%dma_start3A_508, %multiple_of3A] : memref<64x1000000xf32, #tpu.memory_space<hbm>> -> memref<64x128xf32, #tpu.memory_space<hbm>>
      tpu.enqueue_dma source(%dma_start3A_509 : memref<64x128xf32, #tpu.memory_space<hbm>>) target(%dma_start3A_507 : memref<64x128xf32, #tpu.memory_space<vmem>>) target_semaphore(%arg20 : memref<!tpu.dma_semaphore, #tpu.memory_space<semaphore_mem>>)
    } else {
    }
    %mul3A_457 = arith.constant 0 : i32
    %mul3A_458 = arith.constant 4 : i32
    %mul3A_459 = arith.muli %mul3A_457, %mul3A_458 : i32
    %add3A_460 = arith.constant 2 : i32
    %add3A_461 = arith.addi %mul3A_459, %add3A_460 : i32
    %lt3A_462 = arith.cmpi slt, %add3A_461, %add3A_430 : i32
    %convert_element_type3A_463 = arith.extui %lt3A_462 : i1 to i32
    %cond3A_464 = arith.constant 0 : i32
    %cond3A_465 = arith.cmpi ne, %convert_element_type3A_463, %cond3A_464 : i32
    scf.if %cond3A_465 {
      %get3A_488 = arith.index_cast %add3A_461 : i32 to index
      %get3A_489 = tpu.vector_load %arg12[%get3A_488] {strides = array<i32>} : memref<272xi32, #tpu.memory_space<vmem>>, vector<16xi32>,
      %slice3A_490 = vector.extract_strided_slice %get3A_489 {offsets = [0], sizes = [1], strides = [1]} : vector<16xi32> to vector<1xi32>
      %squeeze3A_491 = vector.extract %slice3A_490[0] : i32 from vector<1xi32>
      %mul3A_492 = arith.constant 32 : i32
      %mul3A_493 = arith.muli %squeeze3A_491, %mul3A_492 : i32
      %add3A_494 = arith.addi %mul3A_493, %add3A : i32
      %mul3A_495 = arith.constant 128 : i32
      %mul3A_496 = arith.muli %add3A_494, %mul3A_495 : i32
      %multiple_of3A = tpu.assume_multiple %mul3A_496, 128 : i32
      %dma_start3A_497 = arith.constant 2 : i32
      %dma_start3A_498 = arith.constant 0 : i32
      %dma_start3A_499 = arith.constant 0 : i32
      %dma_start3A_500 = tpu.memref_slice %arg16[%dma_start3A_497, %dma_start3A_498, %dma_start3A_499] : memref<8x64x128xf32, #tpu.memory_space<vmem>> -> memref<1x64x128xf32, #tpu.memory_space<vmem>>
      %dma_start3A_501 = tpu.memref_squeeze %dma_start3A_500 : memref<1x64x128xf32, #tpu.memory_space<vmem>> -> memref<64x128xf32, #tpu.memory_space<vmem>>
      %dma_start3A_502 = arith.constant 0 : i32
      %dma_start3A_503 = tpu.memref_slice %arg3[%dma_start3A_502, %multiple_of3A] : memref<64x1000000xf32, #tpu.memory_space<hbm>> -> memref<64x128xf32, #tpu.memory_space<hbm>>
      %dma_start3A_504 = arith.constant 0 : i32
      %dma_start3A_505 = arith.constant 0 : i32
      %dma_start3A_506 = tpu.memref_slice %arg16[%dma_start3A_497, %dma_start3A_504, %dma_start3A_505] : memref<8x64x128xf32, #tpu.memory_space<vmem>> -> memref<1x64x128xf32, #tpu.memory_space<vmem>>
      %dma_start3A_507 = tpu.memref_squeeze %dma_start3A_506 : memref<1x64x128xf32, #tpu.memory_space<vmem>> -> memref<64x128xf32, #tpu.memory_space<vmem>>
      %dma_start3A_508 = arith.constant 0 : i32
      %dma_start3A_509 = tpu.memref_slice %arg3[%dma_start3A_508, %multiple_of3A] : memref<64x1000000xf32, #tpu.memory_space<hbm>> -> memref<64x128xf32, #tpu.memory_space<hbm>>
      tpu.enqueue_dma source(%dma_start3A_509 : memref<64x128xf32, #tpu.memory_space<hbm>>) target(%dma_start3A_507 : memref<64x128xf32, #tpu.memory_space<vmem>>) target_semaphore(%arg20 : memref<!tpu.dma_semaphore, #tpu.memory_space<semaphore_mem>>)
    } else {
    }
    %mul3A_466 = arith.constant 0 : i32
    %mul3A_467 = arith.constant 4 : i32
    %mul3A_468 = arith.muli %mul3A_466, %mul3A_467 : i32
    %add3A_469 = arith.constant 3 : i32
    %add3A_470 = arith.addi %mul3A_468, %add3A_469 : i32
    %lt3A_471 = arith.cmpi slt, %add3A_470, %add3A_430 : i32
    %convert_element_type3A_472 = arith.extui %lt3A_471 : i1 to i32
    %cond3A_473 = arith.constant 0 : i32
    %cond3A_474 = arith.cmpi ne, %convert_element_type3A_472, %cond3A_473 : i32
    scf.if %cond3A_474 {
      %get3A_488 = arith.index_cast %add3A_470 : i32 to index
      %get3A_489 = tpu.vector_load %arg12[%get3A_488] {strides = array<i32>} : memref<272xi32, #tpu.memory_space<vmem>>, vector<16xi32>,
      %slice3A_490 = vector.extract_strided_slice %get3A_489 {offsets = [0], sizes = [1], strides = [1]} : vector<16xi32> to vector<1xi32>
      %squeeze3A_491 = vector.extract %slice3A_490[0] : i32 from vector<1xi32>
      %mul3A_492 = arith.constant 32 : i32
      %mul3A_493 = arith.muli %squeeze3A_491, %mul3A_492 : i32
      %add3A_494 = arith.addi %mul3A_493, %add3A : i32
      %mul3A_495 = arith.constant 128 : i32
      %mul3A_496 = arith.muli %add3A_494, %mul3A_495 : i32
      %multiple_of3A = tpu.assume_multiple %mul3A_496, 128 : i32
      %dma_start3A_497 = arith.constant 3 : i32
      %dma_start3A_498 = arith.constant 0 : i32
      %dma_start3A_499 = arith.constant 0 : i32
      %dma_start3A_500 = tpu.memref_slice %arg16[%dma_start3A_497, %dma_start3A_498, %dma_start3A_499] : memref<8x64x128xf32, #tpu.memory_space<vmem>> -> memref<1x64x128xf32, #tpu.memory_space<vmem>>
      %dma_start3A_501 = tpu.memref_squeeze %dma_start3A_500 : memref<1x64x128xf32, #tpu.memory_space<vmem>> -> memref<64x128xf32, #tpu.memory_space<vmem>>
      %dma_start3A_502 = arith.constant 0 : i32
      %dma_start3A_503 = tpu.memref_slice %arg3[%dma_start3A_502, %multiple_of3A] : memref<64x1000000xf32, #tpu.memory_space<hbm>> -> memref<64x128xf32, #tpu.memory_space<hbm>>
      %dma_start3A_504 = arith.constant 0 : i32
      %dma_start3A_505 = arith.constant 0 : i32
      %dma_start3A_506 = tpu.memref_slice %arg16[%dma_start3A_497, %dma_start3A_504, %dma_start3A_505] : memref<8x64x128xf32, #tpu.memory_space<vmem>> -> memref<1x64x128xf32, #tpu.memory_space<vmem>>
      %dma_start3A_507 = tpu.memref_squeeze %dma_start3A_506 : memref<1x64x128xf32, #tpu.memory_space<vmem>> -> memref<64x128xf32, #tpu.memory_space<vmem>>
      %dma_start3A_508 = arith.constant 0 : i32
      %dma_start3A_509 = tpu.memref_slice %arg3[%dma_start3A_508, %multiple_of3A] : memref<64x1000000xf32, #tpu.memory_space<hbm>> -> memref<64x128xf32, #tpu.memory_space<hbm>>
      tpu.enqueue_dma source(%dma_start3A_509 : memref<64x128xf32, #tpu.memory_space<hbm>>) target(%dma_start3A_507 : memref<64x128xf32, #tpu.memory_space<vmem>>) target_semaphore(%arg20 : memref<!tpu.dma_semaphore, #tpu.memory_space<semaphore_mem>>)
    } else {
    }
    %scan3A_475 = arith.constant 0 : i32
    %scan3A_476 = arith.constant 0 : i32
    %scan3A_477 = arith.constant 31 : i32
    %scan3A_478 = arith.addi %scan3A_476, %scan3A_477 : i32
    %scan3A_479 = arith.constant 1 : i32
    %scan3A_480 = scf.for %scan3A_488 = %scan3A_476 to %scan3A_478 step %scan3A_479 iter_args(%scan3A_489 = %scan3A_475) -> (i32)  : i32 {
      %mul3A_490 = arith.constant 2 : i32
      %mul3A_491 = arith.muli %scan3A_488, %mul3A_490 : i32
      %add3A_492 = arith.constant 1 : i32
      %add3A_493 = arith.addi %mul3A_491, %add3A_492 : i32
      %mul3A_494 = arith.constant 4 : i32
      %mul3A_495 = arith.muli %add3A_493, %mul3A_494 : i32
      %add3A_496 = arith.constant 0 : i32
      %add3A_497 = arith.addi %mul3A_495, %add3A_496 : i32
      %lt3A_498 = arith.cmpi slt, %add3A_497, %add3A_430 : i32
      %convert_element_type3A_499 = arith.extui %lt3A_498 : i1 to i32
      %cond3A_500 = arith.constant 0 : i32
      %cond3A_501 = arith.cmpi ne, %convert_element_type3A_499, %cond3A_500 : i32
      scf.if %cond3A_501 {
        %get3A_684 = arith.index_cast %add3A_497 : i32 to index
        %get3A_685 = tpu.vector_load %arg12[%get3A_684] {strides = array<i32>} : memref<272xi32, #tpu.memory_space<vmem>>, vector<16xi32>,
        %slice3A_686 = vector.extract_strided_slice %get3A_685 {offsets = [0], sizes = [1], strides = [1]} : vector<16xi32> to vector<1xi32>
        %squeeze3A_687 = vector.extract %slice3A_686[0] : i32 from vector<1xi32>
        %mul3A_688 = arith.constant 32 : i32
        %mul3A_689 = arith.muli %squeeze3A_687, %mul3A_688 : i32
        %add3A_690 = arith.addi %mul3A_689, %add3A : i32
        %mul3A_691 = arith.constant 128 : i32
        %mul3A_692 = arith.muli %add3A_690, %mul3A_691 : i32
        %multiple_of3A = tpu.assume_multiple %mul3A_692, 128 : i32
        %dma_start3A_693 = arith.constant 4 : i32
        %dma_start3A_694 = arith.constant 0 : i32
        %dma_start3A_695 = arith.constant 0 : i32
        %dma_start3A_696 = tpu.memref_slice %arg16[%dma_start3A_693, %dma_start3A_694, %dma_start3A_695] : memref<8x64x128xf32, #tpu.memory_space<vmem>> -> memref<1x64x128xf32, #tpu.memory_space<vmem>>
        %dma_start3A_697 = tpu.memref_squeeze %dma_start3A_696 : memref<1x64x128xf32, #tpu.memory_space<vmem>> -> memref<64x128xf32, #tpu.memory_space<vmem>>
        %dma_start3A_698 = arith.constant 0 : i32
        %dma_start3A_699 = tpu.memref_slice %arg3[%dma_start3A_698, %multiple_of3A] : memref<64x1000000xf32, #tpu.memory_space<hbm>> -> memref<64x128xf32, #tpu.memory_space<hbm>>
        %dma_start3A_700 = arith.constant 0 : i32
        %dma_start3A_701 = arith.constant 0 : i32
        %dma_start3A_702 = tpu.memref_slice %arg16[%dma_start3A_693, %dma_start3A_700, %dma_start3A_701] : memref<8x64x128xf32, #tpu.memory_space<vmem>> -> memref<1x64x128xf32, #tpu.memory_space<vmem>>
        %dma_start3A_703 = tpu.memref_squeeze %dma_start3A_702 : memref<1x64x128xf32, #tpu.memory_space<vmem>> -> memref<64x128xf32, #tpu.memory_space<vmem>>
        %dma_start3A_704 = arith.constant 0 : i32
        %dma_start3A_705 = tpu.memref_slice %arg3[%dma_start3A_704, %multiple_of3A] : memref<64x1000000xf32, #tpu.memory_space<hbm>> -> memref<64x128xf32, #tpu.memory_space<hbm>>
        tpu.enqueue_dma source(%dma_start3A_705 : memref<64x128xf32, #tpu.memory_space<hbm>>) target(%dma_start3A_703 : memref<64x128xf32, #tpu.memory_space<vmem>>) target_semaphore(%arg19 : memref<!tpu.dma_semaphore, #tpu.memory_space<semaphore_mem>>)
      } else {
      }
      %mul3A_502 = arith.constant 4 : i32
      %mul3A_503 = arith.muli %add3A_493, %mul3A_502 : i32
      %add3A_504 = arith.constant 1 : i32
      %add3A_505 = arith.addi %mul3A_503, %add3A_504 : i32
      %lt3A_506 = arith.cmpi slt, %add3A_505, %add3A_430 : i32
      %convert_element_type3A_507 = arith.extui %lt3A_506 : i1 to i32
      %cond3A_508 = arith.constant 0 : i32
      %cond3A_509 = arith.cmpi ne, %convert_element_type3A_507, %cond3A_508 : i32
      scf.if %cond3A_509 {
        %get3A_684 = arith.index_cast %add3A_505 : i32 to index
        %get3A_685 = tpu.vector_load %arg12[%get3A_684] {strides = array<i32>} : memref<272xi32, #tpu.memory_space<vmem>>, vector<16xi32>,
        %slice3A_686 = vector.extract_strided_slice %get3A_685 {offsets = [0], sizes = [1], strides = [1]} : vector<16xi32> to vector<1xi32>
        %squeeze3A_687 = vector.extract %slice3A_686[0] : i32 from vector<1xi32>
        %mul3A_688 = arith.constant 32 : i32
        %mul3A_689 = arith.muli %squeeze3A_687, %mul3A_688 : i32
        %add3A_690 = arith.addi %mul3A_689, %add3A : i32
        %mul3A_691 = arith.constant 128 : i32
        %mul3A_692 = arith.muli %add3A_690, %mul3A_691 : i32
        %multiple_of3A = tpu.assume_multiple %mul3A_692, 128 : i32
        %dma_start3A_693 = arith.constant 5 : i32
        %dma_start3A_694 = arith.constant 0 : i32
        %dma_start3A_695 = arith.constant 0 : i32
        %dma_start3A_696 = tpu.memref_slice %arg16[%dma_start3A_693, %dma_start3A_694, %dma_start3A_695] : memref<8x64x128xf32, #tpu.memory_space<vmem>> -> memref<1x64x128xf32, #tpu.memory_space<vmem>>
        %dma_start3A_697 = tpu.memref_squeeze %dma_start3A_696 : memref<1x64x128xf32, #tpu.memory_space<vmem>> -> memref<64x128xf32, #tpu.memory_space<vmem>>
        %dma_start3A_698 = arith.constant 0 : i32
        %dma_start3A_699 = tpu.memref_slice %arg3[%dma_start3A_698, %multiple_of3A] : memref<64x1000000xf32, #tpu.memory_space<hbm>> -> memref<64x128xf32, #tpu.memory_space<hbm>>
        %dma_start3A_700 = arith.constant 0 : i32
        %dma_start3A_701 = arith.constant 0 : i32
        %dma_start3A_702 = tpu.memref_slice %arg16[%dma_start3A_693, %dma_start3A_700, %dma_start3A_701] : memref<8x64x128xf32, #tpu.memory_space<vmem>> -> memref<1x64x128xf32, #tpu.memory_space<vmem>>
        %dma_start3A_703 = tpu.memref_squeeze %dma_start3A_702 : memref<1x64x128xf32, #tpu.memory_space<vmem>> -> memref<64x128xf32, #tpu.memory_space<vmem>>
        %dma_start3A_704 = arith.constant 0 : i32
        %dma_start3A_705 = tpu.memref_slice %arg3[%dma_start3A_704, %multiple_of3A] : memref<64x1000000xf32, #tpu.memory_space<hbm>> -> memref<64x128xf32, #tpu.memory_space<hbm>>
        tpu.enqueue_dma source(%dma_start3A_705 : memref<64x128xf32, #tpu.memory_space<hbm>>) target(%dma_start3A_703 : memref<64x128xf32, #tpu.memory_space<vmem>>) target_semaphore(%arg19 : memref<!tpu.dma_semaphore, #tpu.memory_space<semaphore_mem>>)
      } else {
      }
      %mul3A_510 = arith.constant 4 : i32
      %mul3A_511 = arith.muli %add3A_493, %mul3A_510 : i32
      %add3A_512 = arith.constant 2 : i32
      %add3A_513 = arith.addi %mul3A_511, %add3A_512 : i32
      %lt3A_514 = arith.cmpi slt, %add3A_513, %add3A_430 : i32
      %convert_element_type3A_515 = arith.extui %lt3A_514 : i1 to i32
      %cond3A_516 = arith.constant 0 : i32
      %cond3A_517 = arith.cmpi ne, %convert_element_type3A_515, %cond3A_516 : i32
      scf.if %cond3A_517 {
        %get3A_684 = arith.index_cast %add3A_513 : i32 to index
        %get3A_685 = tpu.vector_load %arg12[%get3A_684] {strides = array<i32>} : memref<272xi32, #tpu.memory_space<vmem>>, vector<16xi32>,
        %slice3A_686 = vector.extract_strided_slice %get3A_685 {offsets = [0], sizes = [1], strides = [1]} : vector<16xi32> to vector<1xi32>
        %squeeze3A_687 = vector.extract %slice3A_686[0] : i32 from vector<1xi32>
        %mul3A_688 = arith.constant 32 : i32
        %mul3A_689 = arith.muli %squeeze3A_687, %mul3A_688 : i32
        %add3A_690 = arith.addi %mul3A_689, %add3A : i32
        %mul3A_691 = arith.constant 128 : i32
        %mul3A_692 = arith.muli %add3A_690, %mul3A_691 : i32
        %multiple_of3A = tpu.assume_multiple %mul3A_692, 128 : i32
        %dma_start3A_693 = arith.constant 6 : i32
        %dma_start3A_694 = arith.constant 0 : i32
        %dma_start3A_695 = arith.constant 0 : i32
        %dma_start3A_696 = tpu.memref_slice %arg16[%dma_start3A_693, %dma_start3A_694, %dma_start3A_695] : memref<8x64x128xf32, #tpu.memory_space<vmem>> -> memref<1x64x128xf32, #tpu.memory_space<vmem>>
        %dma_start3A_697 = tpu.memref_squeeze %dma_start3A_696 : memref<1x64x128xf32, #tpu.memory_space<vmem>> -> memref<64x128xf32, #tpu.memory_space<vmem>>
        %dma_start3A_698 = arith.constant 0 : i32
        %dma_start3A_699 = tpu.memref_slice %arg3[%dma_start3A_698, %multiple_of3A] : memref<64x1000000xf32, #tpu.memory_space<hbm>> -> memref<64x128xf32, #tpu.memory_space<hbm>>
        %dma_start3A_700 = arith.constant 0 : i32
        %dma_start3A_701 = arith.constant 0 : i32
        %dma_start3A_702 = tpu.memref_slice %arg16[%dma_start3A_693, %dma_start3A_700, %dma_start3A_701] : memref<8x64x128xf32, #tpu.memory_space<vmem>> -> memref<1x64x128xf32, #tpu.memory_space<vmem>>
        %dma_start3A_703 = tpu.memref_squeeze %dma_start3A_702 : memref<1x64x128xf32, #tpu.memory_space<vmem>> -> memref<64x128xf32, #tpu.memory_space<vmem>>
        %dma_start3A_704 = arith.constant 0 : i32
        %dma_start3A_705 = tpu.memref_slice %arg3[%dma_start3A_704, %multiple_of3A] : memref<64x1000000xf32, #tpu.memory_space<hbm>> -> memref<64x128xf32, #tpu.memory_space<hbm>>
        tpu.enqueue_dma source(%dma_start3A_705 : memref<64x128xf32, #tpu.memory_space<hbm>>) target(%dma_start3A_703 : memref<64x128xf32, #tpu.memory_space<vmem>>) target_semaphore(%arg19 : memref<!tpu.dma_semaphore, #tpu.memory_space<semaphore_mem>>)
      } else {
      }
      %mul3A_518 = arith.constant 4 : i32
      %mul3A_519 = arith.muli %add3A_493, %mul3A_518 : i32
      %add3A_520 = arith.constant 3 : i32
      %add3A_521 = arith.addi %mul3A_519, %add3A_520 : i32
      %lt3A_522 = arith.cmpi slt, %add3A_521, %add3A_430 : i32
      %convert_element_type3A_523 = arith.extui %lt3A_522 : i1 to i32
      %cond3A_524 = arith.constant 0 : i32
      %cond3A_525 = arith.cmpi ne, %convert_element_type3A_523, %cond3A_524 : i32
      scf.if %cond3A_525 {
        %get3A_684 = arith.index_cast %add3A_521 : i32 to index
        %get3A_685 = tpu.vector_load %arg12[%get3A_684] {strides = array<i32>} : memref<272xi32, #tpu.memory_space<vmem>>, vector<16xi32>,
        %slice3A_686 = vector.extract_strided_slice %get3A_685 {offsets = [0], sizes = [1], strides = [1]} : vector<16xi32> to vector<1xi32>
        %squeeze3A_687 = vector.extract %slice3A_686[0] : i32 from vector<1xi32>
        %mul3A_688 = arith.constant 32 : i32
        %mul3A_689 = arith.muli %squeeze3A_687, %mul3A_688 : i32
        %add3A_690 = arith.addi %mul3A_689, %add3A : i32
        %mul3A_691 = arith.constant 128 : i32
        %mul3A_692 = arith.muli %add3A_690, %mul3A_691 : i32
        %multiple_of3A = tpu.assume_multiple %mul3A_692, 128 : i32
        %dma_start3A_693 = arith.constant 7 : i32
        %dma_start3A_694 = arith.constant 0 : i32
        %dma_start3A_695 = arith.constant 0 : i32
        %dma_start3A_696 = tpu.memref_slice %arg16[%dma_start3A_693, %dma_start3A_694, %dma_start3A_695] : memref<8x64x128xf32, #tpu.memory_space<vmem>> -> memref<1x64x128xf32, #tpu.memory_space<vmem>>
        %dma_start3A_697 = tpu.memref_squeeze %dma_start3A_696 : memref<1x64x128xf32, #tpu.memory_space<vmem>> -> memref<64x128xf32, #tpu.memory_space<vmem>>
        %dma_start3A_698 = arith.constant 0 : i32
        %dma_start3A_699 = tpu.memref_slice %arg3[%dma_start3A_698, %multiple_of3A] : memref<64x1000000xf32, #tpu.memory_space<hbm>> -> memref<64x128xf32, #tpu.memory_space<hbm>>
        %dma_start3A_700 = arith.constant 0 : i32
        %dma_start3A_701 = arith.constant 0 : i32
        %dma_start3A_702 = tpu.memref_slice %arg16[%dma_start3A_693, %dma_start3A_700, %dma_start3A_701] : memref<8x64x128xf32, #tpu.memory_space<vmem>> -> memref<1x64x128xf32, #tpu.memory_space<vmem>>
        %dma_start3A_703 = tpu.memref_squeeze %dma_start3A_702 : memref<1x64x128xf32, #tpu.memory_space<vmem>> -> memref<64x128xf32, #tpu.memory_space<vmem>>
        %dma_start3A_704 = arith.constant 0 : i32
        %dma_start3A_705 = tpu.memref_slice %arg3[%dma_start3A_704, %multiple_of3A] : memref<64x1000000xf32, #tpu.memory_space<hbm>> -> memref<64x128xf32, #tpu.memory_space<hbm>>
        tpu.enqueue_dma source(%dma_start3A_705 : memref<64x128xf32, #tpu.memory_space<hbm>>) target(%dma_start3A_703 : memref<64x128xf32, #tpu.memory_space<vmem>>) target_semaphore(%arg19 : memref<!tpu.dma_semaphore, #tpu.memory_space<semaphore_mem>>)
      } else {
      }
      %mul3A_526 = arith.constant 4 : i32
      %mul3A_527 = arith.muli %mul3A_491, %mul3A_526 : i32
      %add3A_528 = arith.constant 0 : i32
      %add3A_529 = arith.addi %mul3A_527, %add3A_528 : i32
      %lt3A_530 = arith.cmpi slt, %add3A_529, %add3A_430 : i32
      %convert_element_type3A_531 = arith.extui %lt3A_530 : i1 to i32
      %cond3A_532 = arith.constant 0 : i32
      %cond3A_533 = arith.cmpi ne, %convert_element_type3A_531, %cond3A_532 : i32
      scf.if %cond3A_533 {
        %dma_wait3A = arith.constant 0 : i32
        %dma_wait3A_684 = arith.constant 0 : i32
        %dma_wait3A_685 = arith.constant 0 : i32
        %dma_wait3A_686 = tpu.memref_slice %arg16[%dma_wait3A, %dma_wait3A_684, %dma_wait3A_685] : memref<8x64x128xf32, #tpu.memory_space<vmem>> -> memref<1x64x128xf32, #tpu.memory_space<vmem>>
        %dma_wait3A_687 = tpu.memref_squeeze %dma_wait3A_686 : memref<1x64x128xf32, #tpu.memory_space<vmem>> -> memref<64x128xf32, #tpu.memory_space<vmem>>
        %dma_wait3A_688 = arith.constant 0 : i32
        %dma_wait3A_689 = arith.constant 0 : i32
        %dma_wait3A_690 = tpu.memref_slice %arg3[%dma_wait3A_688, %dma_wait3A_689] : memref<64x1000000xf32, #tpu.memory_space<hbm>> -> memref<64x128xf32, #tpu.memory_space<hbm>>
        %dma_wait3A_691 = arith.constant 0 : i32
        %dma_wait3A_692 = arith.constant 0 : i32
        %dma_wait3A_693 = tpu.memref_slice %arg16[%dma_wait3A, %dma_wait3A_691, %dma_wait3A_692] : memref<8x64x128xf32, #tpu.memory_space<vmem>> -> memref<1x64x128xf32, #tpu.memory_space<vmem>>
        %dma_wait3A_694 = tpu.memref_squeeze %dma_wait3A_693 : memref<1x64x128xf32, #tpu.memory_space<vmem>> -> memref<64x128xf32, #tpu.memory_space<vmem>>
        %dma_wait3A_695 = arith.constant 0 : i32
        %dma_wait3A_696 = arith.constant 0 : i32
        %dma_wait3A_697 = tpu.memref_slice %arg3[%dma_wait3A_695, %dma_wait3A_696] : memref<64x1000000xf32, #tpu.memory_space<hbm>> -> memref<64x128xf32, #tpu.memory_space<hbm>>
        tpu.wait_dma2 semaphore(%arg20 : memref<!tpu.dma_semaphore, #tpu.memory_space<semaphore_mem>>) src(%dma_wait3A_697 : memref<64x128xf32, #tpu.memory_space<hbm>>) dst(%dma_wait3A_694 : memref<64x128xf32, #tpu.memory_space<vmem>>)
      } else {
      }
      %mul3A_534 = arith.constant 4 : i32
      %mul3A_535 = arith.muli %mul3A_491, %mul3A_534 : i32
      %add3A_536 = arith.constant 1 : i32
      %add3A_537 = arith.addi %mul3A_535, %add3A_536 : i32
      %lt3A_538 = arith.cmpi slt, %add3A_537, %add3A_430 : i32
      %convert_element_type3A_539 = arith.extui %lt3A_538 : i1 to i32
      %cond3A_540 = arith.constant 0 : i32
      %cond3A_541 = arith.cmpi ne, %convert_element_type3A_539, %cond3A_540 : i32
      scf.if %cond3A_541 {
        %dma_wait3A = arith.constant 1 : i32
        %dma_wait3A_684 = arith.constant 0 : i32
        %dma_wait3A_685 = arith.constant 0 : i32
        %dma_wait3A_686 = tpu.memref_slice %arg16[%dma_wait3A, %dma_wait3A_684, %dma_wait3A_685] : memref<8x64x128xf32, #tpu.memory_space<vmem>> -> memref<1x64x128xf32, #tpu.memory_space<vmem>>
        %dma_wait3A_687 = tpu.memref_squeeze %dma_wait3A_686 : memref<1x64x128xf32, #tpu.memory_space<vmem>> -> memref<64x128xf32, #tpu.memory_space<vmem>>
        %dma_wait3A_688 = arith.constant 0 : i32
        %dma_wait3A_689 = arith.constant 0 : i32
        %dma_wait3A_690 = tpu.memref_slice %arg3[%dma_wait3A_688, %dma_wait3A_689] : memref<64x1000000xf32, #tpu.memory_space<hbm>> -> memref<64x128xf32, #tpu.memory_space<hbm>>
        %dma_wait3A_691 = arith.constant 0 : i32
        %dma_wait3A_692 = arith.constant 0 : i32
        %dma_wait3A_693 = tpu.memref_slice %arg16[%dma_wait3A, %dma_wait3A_691, %dma_wait3A_692] : memref<8x64x128xf32, #tpu.memory_space<vmem>> -> memref<1x64x128xf32, #tpu.memory_space<vmem>>
        %dma_wait3A_694 = tpu.memref_squeeze %dma_wait3A_693 : memref<1x64x128xf32, #tpu.memory_space<vmem>> -> memref<64x128xf32, #tpu.memory_space<vmem>>
        %dma_wait3A_695 = arith.constant 0 : i32
        %dma_wait3A_696 = arith.constant 0 : i32
        %dma_wait3A_697 = tpu.memref_slice %arg3[%dma_wait3A_695, %dma_wait3A_696] : memref<64x1000000xf32, #tpu.memory_space<hbm>> -> memref<64x128xf32, #tpu.memory_space<hbm>>
        tpu.wait_dma2 semaphore(%arg20 : memref<!tpu.dma_semaphore, #tpu.memory_space<semaphore_mem>>) src(%dma_wait3A_697 : memref<64x128xf32, #tpu.memory_space<hbm>>) dst(%dma_wait3A_694 : memref<64x128xf32, #tpu.memory_space<vmem>>)
      } else {
      }
      %mul3A_542 = arith.constant 4 : i32
      %mul3A_543 = arith.muli %mul3A_491, %mul3A_542 : i32
      %add3A_544 = arith.constant 2 : i32
      %add3A_545 = arith.addi %mul3A_543, %add3A_544 : i32
      %lt3A_546 = arith.cmpi slt, %add3A_545, %add3A_430 : i32
      %convert_element_type3A_547 = arith.extui %lt3A_546 : i1 to i32
      %cond3A_548 = arith.constant 0 : i32
      %cond3A_549 = arith.cmpi ne, %convert_element_type3A_547, %cond3A_548 : i32
      scf.if %cond3A_549 {
        %dma_wait3A = arith.constant 2 : i32
        %dma_wait3A_684 = arith.constant 0 : i32
        %dma_wait3A_685 = arith.constant 0 : i32
        %dma_wait3A_686 = tpu.memref_slice %arg16[%dma_wait3A, %dma_wait3A_684, %dma_wait3A_685] : memref<8x64x128xf32, #tpu.memory_space<vmem>> -> memref<1x64x128xf32, #tpu.memory_space<vmem>>
        %dma_wait3A_687 = tpu.memref_squeeze %dma_wait3A_686 : memref<1x64x128xf32, #tpu.memory_space<vmem>> -> memref<64x128xf32, #tpu.memory_space<vmem>>
        %dma_wait3A_688 = arith.constant 0 : i32
        %dma_wait3A_689 = arith.constant 0 : i32
        %dma_wait3A_690 = tpu.memref_slice %arg3[%dma_wait3A_688, %dma_wait3A_689] : memref<64x1000000xf32, #tpu.memory_space<hbm>> -> memref<64x128xf32, #tpu.memory_space<hbm>>
        %dma_wait3A_691 = arith.constant 0 : i32
        %dma_wait3A_692 = arith.constant 0 : i32
        %dma_wait3A_693 = tpu.memref_slice %arg16[%dma_wait3A, %dma_wait3A_691, %dma_wait3A_692] : memref<8x64x128xf32, #tpu.memory_space<vmem>> -> memref<1x64x128xf32, #tpu.memory_space<vmem>>
        %dma_wait3A_694 = tpu.memref_squeeze %dma_wait3A_693 : memref<1x64x128xf32, #tpu.memory_space<vmem>> -> memref<64x128xf32, #tpu.memory_space<vmem>>
        %dma_wait3A_695 = arith.constant 0 : i32
        %dma_wait3A_696 = arith.constant 0 : i32
        %dma_wait3A_697 = tpu.memref_slice %arg3[%dma_wait3A_695, %dma_wait3A_696] : memref<64x1000000xf32, #tpu.memory_space<hbm>> -> memref<64x128xf32, #tpu.memory_space<hbm>>
        tpu.wait_dma2 semaphore(%arg20 : memref<!tpu.dma_semaphore, #tpu.memory_space<semaphore_mem>>) src(%dma_wait3A_697 : memref<64x128xf32, #tpu.memory_space<hbm>>) dst(%dma_wait3A_694 : memref<64x128xf32, #tpu.memory_space<vmem>>)
      } else {
      }
      %mul3A_550 = arith.constant 4 : i32
      %mul3A_551 = arith.muli %mul3A_491, %mul3A_550 : i32
      %add3A_552 = arith.constant 3 : i32
      %add3A_553 = arith.addi %mul3A_551, %add3A_552 : i32
      %lt3A_554 = arith.cmpi slt, %add3A_553, %add3A_430 : i32
      %convert_element_type3A_555 = arith.extui %lt3A_554 : i1 to i32
      %cond3A_556 = arith.constant 0 : i32
      %cond3A_557 = arith.cmpi ne, %convert_element_type3A_555, %cond3A_556 : i32
      scf.if %cond3A_557 {
        %dma_wait3A = arith.constant 3 : i32
        %dma_wait3A_684 = arith.constant 0 : i32
        %dma_wait3A_685 = arith.constant 0 : i32
        %dma_wait3A_686 = tpu.memref_slice %arg16[%dma_wait3A, %dma_wait3A_684, %dma_wait3A_685] : memref<8x64x128xf32, #tpu.memory_space<vmem>> -> memref<1x64x128xf32, #tpu.memory_space<vmem>>
        %dma_wait3A_687 = tpu.memref_squeeze %dma_wait3A_686 : memref<1x64x128xf32, #tpu.memory_space<vmem>> -> memref<64x128xf32, #tpu.memory_space<vmem>>
        %dma_wait3A_688 = arith.constant 0 : i32
        %dma_wait3A_689 = arith.constant 0 : i32
        %dma_wait3A_690 = tpu.memref_slice %arg3[%dma_wait3A_688, %dma_wait3A_689] : memref<64x1000000xf32, #tpu.memory_space<hbm>> -> memref<64x128xf32, #tpu.memory_space<hbm>>
        %dma_wait3A_691 = arith.constant 0 : i32
        %dma_wait3A_692 = arith.constant 0 : i32
        %dma_wait3A_693 = tpu.memref_slice %arg16[%dma_wait3A, %dma_wait3A_691, %dma_wait3A_692] : memref<8x64x128xf32, #tpu.memory_space<vmem>> -> memref<1x64x128xf32, #tpu.memory_space<vmem>>
        %dma_wait3A_694 = tpu.memref_squeeze %dma_wait3A_693 : memref<1x64x128xf32, #tpu.memory_space<vmem>> -> memref<64x128xf32, #tpu.memory_space<vmem>>
        %dma_wait3A_695 = arith.constant 0 : i32
        %dma_wait3A_696 = arith.constant 0 : i32
        %dma_wait3A_697 = tpu.memref_slice %arg3[%dma_wait3A_695, %dma_wait3A_696] : memref<64x1000000xf32, #tpu.memory_space<hbm>> -> memref<64x128xf32, #tpu.memory_space<hbm>>
        tpu.wait_dma2 semaphore(%arg20 : memref<!tpu.dma_semaphore, #tpu.memory_space<semaphore_mem>>) src(%dma_wait3A_697 : memref<64x128xf32, #tpu.memory_space<hbm>>) dst(%dma_wait3A_694 : memref<64x128xf32, #tpu.memory_space<vmem>>)
      } else {
      }
      %while3A_558 = arith.constant 0 : i32
      %while3A_559 = arith.constant 0 : i32
      %while3A_560 = arith.subi %shift_right_arithmetic3A_27, %while3A_558 : i32
      %while3A_561 = arith.addi %while3A_558, %while3A_560 : i32
      %while3A_562 = arith.constant 1 : i32
      %while3A_563 = arith.divsi %while3A_560, %while3A_562 : i32
      %while3A_564 = arith.muli %while3A_563, %while3A_562 : i32
      %while3A_565 = arith.addi %while3A_558, %while3A_564 : i32
      %while3A_566 = arith.constant 1 : i32
      %while3A_567 = scf.for %while3A_684 = %while3A_558 to %while3A_565 step %while3A_566 iter_args(%while3A_685 = %while3A_559) -> (i32)  : i32 {
        %mul3A_686 = arith.constant 16 : i32
        %mul3A_687 = arith.muli %while3A_684, %mul3A_686 : i32
        %add3A_688 = vector.broadcast %mul3A_687 : i32 to vector<16xi32>
        %add3A_689 = arith.addi %iota3A, %add3A_688 : vector<16xi32>
        %gather3A = tpu.vector_load_idx %arg9[%add3A_689] : memref<4112xi32, #tpu.memory_space<vmem>>[vector<16xi32>], vector<16xi32>,
        %sub3A_690 = arith.subi %min3A_24, %mul3A_687 : i32
        %lt3A_691 = vector.broadcast %sub3A_690 : i32 to vector<16xi32>
        %lt3A_692 = arith.cmpi slt, %iota3A, %lt3A_691 : vector<16xi32>
        %shift_right_arithmetic3A_693 = arith.constant 2 : i32
        %shift_right_arithmetic3A_694 = vector.broadcast %shift_right_arithmetic3A_693 : i32 to vector<16xi32>
        %shift_right_arithmetic3A_695 = arith.shrsi %gather3A, %shift_right_arithmetic3A_694 : vector<16xi32>
        %eq3A = vector.broadcast %mul3A_491 : i32 to vector<16xi32>
        %eq3A_696 = arith.cmpi eq, %shift_right_arithmetic3A_695, %eq3A : vector<16xi32>
        %and3A = arith.andi %lt3A_692, %eq3A_696 : vector<16xi1>
        %all_reduce_population_count3A_697 = tpu.all_reduce %and3A {dim = 0 : i64, kind = #tpu.reduction_kind<sum>} : vector<16xi1> -> vector<16xi32>
        %slice3A_698 = vector.extract_strided_slice %all_reduce_population_count3A_697 {offsets = [0], sizes = [1], strides = [1]} : vector<16xi32> to vector<1xi32>
        %squeeze3A_699 = vector.extract %slice3A_698[0] : i32 from vector<1xi32>
        %gt3A = arith.constant 0 : i32
        %gt3A_700 = arith.cmpi sgt, %squeeze3A_699, %gt3A : i32
        %convert_element_type3A_701 = arith.extui %gt3A_700 : i1 to i32
        %cond3A_702 = arith.constant 0 : i32
        %cond3A_703 = arith.cmpi ne, %convert_element_type3A_701, %cond3A_702 : i32
        scf.if %cond3A_703 {
          %min3A_705 = arith.constant 4096 : i32
          %min3A_706 = arith.minsi %while3A_685, %min3A_705 : i32
          %add3A_707 = vector.broadcast %mul3A_687 : i32 to vector<16xi32>
          %add3A_708 = arith.addi %iota3A, %add3A_707 : vector<16xi32>
          %gather3A_709 = tpu.vector_load_idx %arg8[%add3A_708] : memref<4112xi32, #tpu.memory_space<vmem>>[vector<16xi32>], vector<16xi32>,
          %swap3A_710 = arith.index_cast %min3A_706 : i32 to index
          %swap3A_711 = tpu.vector_load %arg13[%swap3A_710] masked %and3A {strides = array<i32>} : memref<4112xi32, #tpu.memory_space<vmem>>, vector<16xi32>, vector<16xi1>
          tpu.vector_store %arg13[%swap3A_710], %gather3A_709 masked %and3A {strides = array<i32>} : memref<4112xi32, #tpu.memory_space<vmem>>, vector<16xi32>, vector<16xi1>
          %add3A_712 = vector.broadcast %mul3A_687 : i32 to vector<16xi32>
          %add3A_713 = arith.addi %iota3A, %add3A_712 : vector<16xi32>
          %gather3A_714 = tpu.vector_load_idx %arg6[%add3A_713] : memref<4112xi32, #tpu.memory_space<vmem>>[vector<16xi32>], vector<16xi32>,
          %swap3A_715 = arith.index_cast %min3A_706 : i32 to index
          %swap3A_716 = tpu.vector_load %arg14[%swap3A_715] masked %and3A {strides = array<i32>} : memref<4112xi32, #tpu.memory_space<vmem>>, vector<16xi32>, vector<16xi1>
          tpu.vector_store %arg14[%swap3A_715], %gather3A_714 masked %and3A {strides = array<i32>} : memref<4112xi32, #tpu.memory_space<vmem>>, vector<16xi32>, vector<16xi1>
          %and3A_717 = arith.constant 3 : i32
          %and3A_718 = vector.broadcast %and3A_717 : i32 to vector<16xi32>
          %and3A_719 = arith.andi %gather3A, %and3A_718 : vector<16xi32>
          %swap3A_720 = arith.index_cast %min3A_706 : i32 to index
          %swap3A_721 = tpu.vector_load %arg15[%swap3A_720] masked %and3A {strides = array<i32>} : memref<4112xi32, #tpu.memory_space<vmem>>, vector<16xi32>, vector<16xi1>
          tpu.vector_store %arg15[%swap3A_720], %and3A_719 masked %and3A {strides = array<i32>} : memref<4112xi32, #tpu.memory_space<vmem>>, vector<16xi32>, vector<16xi1>
        } else {
        }
        %add3A_704 = arith.addi %while3A_685, %squeeze3A_699 : i32
        scf.yield %add3A_704 : i32
      }
      %while3A_568 = arith.constant 1 : i32
      %while3A_569 = scf.for %while3A_684 = %while3A_565 to %while3A_561 step %while3A_568 iter_args(%while3A_685 = %while3A_567) -> (i32)  : i32 {
        %mul3A_686 = arith.constant 16 : i32
        %mul3A_687 = arith.muli %while3A_684, %mul3A_686 : i32
        %add3A_688 = vector.broadcast %mul3A_687 : i32 to vector<16xi32>
        %add3A_689 = arith.addi %iota3A, %add3A_688 : vector<16xi32>
        %gather3A = tpu.vector_load_idx %arg9[%add3A_689] : memref<4112xi32, #tpu.memory_space<vmem>>[vector<16xi32>], vector<16xi32>,
        %sub3A_690 = arith.subi %min3A_24, %mul3A_687 : i32
        %lt3A_691 = vector.broadcast %sub3A_690 : i32 to vector<16xi32>
        %lt3A_692 = arith.cmpi slt, %iota3A, %lt3A_691 : vector<16xi32>
        %shift_right_arithmetic3A_693 = arith.constant 2 : i32
        %shift_right_arithmetic3A_694 = vector.broadcast %shift_right_arithmetic3A_693 : i32 to vector<16xi32>
        %shift_right_arithmetic3A_695 = arith.shrsi %gather3A, %shift_right_arithmetic3A_694 : vector<16xi32>
        %eq3A = vector.broadcast %mul3A_491 : i32 to vector<16xi32>
        %eq3A_696 = arith.cmpi eq, %shift_right_arithmetic3A_695, %eq3A : vector<16xi32>
        %and3A = arith.andi %lt3A_692, %eq3A_696 : vector<16xi1>
        %all_reduce_population_count3A_697 = tpu.all_reduce %and3A {dim = 0 : i64, kind = #tpu.reduction_kind<sum>} : vector<16xi1> -> vector<16xi32>
        %slice3A_698 = vector.extract_strided_slice %all_reduce_population_count3A_697 {offsets = [0], sizes = [1], strides = [1]} : vector<16xi32> to vector<1xi32>
        %squeeze3A_699 = vector.extract %slice3A_698[0] : i32 from vector<1xi32>
        %gt3A = arith.constant 0 : i32
        %gt3A_700 = arith.cmpi sgt, %squeeze3A_699, %gt3A : i32
        %convert_element_type3A_701 = arith.extui %gt3A_700 : i1 to i32
        %cond3A_702 = arith.constant 0 : i32
        %cond3A_703 = arith.cmpi ne, %convert_element_type3A_701, %cond3A_702 : i32
        scf.if %cond3A_703 {
          %min3A_705 = arith.constant 4096 : i32
          %min3A_706 = arith.minsi %while3A_685, %min3A_705 : i32
          %add3A_707 = vector.broadcast %mul3A_687 : i32 to vector<16xi32>
          %add3A_708 = arith.addi %iota3A, %add3A_707 : vector<16xi32>
          %gather3A_709 = tpu.vector_load_idx %arg8[%add3A_708] : memref<4112xi32, #tpu.memory_space<vmem>>[vector<16xi32>], vector<16xi32>,
          %swap3A_710 = arith.index_cast %min3A_706 : i32 to index
          %swap3A_711 = tpu.vector_load %arg13[%swap3A_710] masked %and3A {strides = array<i32>} : memref<4112xi32, #tpu.memory_space<vmem>>, vector<16xi32>, vector<16xi1>
          tpu.vector_store %arg13[%swap3A_710], %gather3A_709 masked %and3A {strides = array<i32>} : memref<4112xi32, #tpu.memory_space<vmem>>, vector<16xi32>, vector<16xi1>
          %add3A_712 = vector.broadcast %mul3A_687 : i32 to vector<16xi32>
          %add3A_713 = arith.addi %iota3A, %add3A_712 : vector<16xi32>
          %gather3A_714 = tpu.vector_load_idx %arg6[%add3A_713] : memref<4112xi32, #tpu.memory_space<vmem>>[vector<16xi32>], vector<16xi32>,
          %swap3A_715 = arith.index_cast %min3A_706 : i32 to index
          %swap3A_716 = tpu.vector_load %arg14[%swap3A_715] masked %and3A {strides = array<i32>} : memref<4112xi32, #tpu.memory_space<vmem>>, vector<16xi32>, vector<16xi1>
          tpu.vector_store %arg14[%swap3A_715], %gather3A_714 masked %and3A {strides = array<i32>} : memref<4112xi32, #tpu.memory_space<vmem>>, vector<16xi32>, vector<16xi1>
          %and3A_717 = arith.constant 3 : i32
          %and3A_718 = vector.broadcast %and3A_717 : i32 to vector<16xi32>
          %and3A_719 = arith.andi %gather3A, %and3A_718 : vector<16xi32>
          %swap3A_720 = arith.index_cast %min3A_706 : i32 to index
          %swap3A_721 = tpu.vector_load %arg15[%swap3A_720] masked %and3A {strides = array<i32>} : memref<4112xi32, #tpu.memory_space<vmem>>, vector<16xi32>, vector<16xi1>
          tpu.vector_store %arg15[%swap3A_720], %and3A_719 masked %and3A {strides = array<i32>} : memref<4112xi32, #tpu.memory_space<vmem>>, vector<16xi32>, vector<16xi1>
        } else {
        }
        %add3A_704 = arith.addi %while3A_685, %squeeze3A_699 : i32
        scf.yield %add3A_704 : i32
      }
      %min3A_570 = arith.constant 4096 : i32
      %min3A_571 = arith.minsi %while3A_569, %min3A_570 : i32
      %add3A_572 = arith.constant 15 : i32
      %add3A_573 = arith.addi %min3A_571, %add3A_572 : i32
      %shift_right_arithmetic3A_574 = arith.constant 4 : i32
      %shift_right_arithmetic3A_575 = arith.shrsi %add3A_573, %shift_right_arithmetic3A_574 : i32
      %while3A_576 = arith.constant 0 : i32
      %while3A_577 = arith.subi %shift_right_arithmetic3A_575, %while3A_576 : i32
      %while3A_578 = arith.addi %while3A_576, %while3A_577 : i32
      %while3A_579 = arith.constant 1 : i32
      %while3A_580 = arith.divsi %while3A_577, %while3A_579 : i32
      %while3A_581 = arith.muli %while3A_580, %while3A_579 : i32
      %while3A_582 = arith.addi %while3A_576, %while3A_581 : i32
      %while3A_583 = arith.constant 1 : i32
      %while3A_584 = scf.for %while3A_684 = %while3A_576 to %while3A_582 step %while3A_583 iter_args(%while3A_685 = %scan3A_489) -> (i32)  : i32 {
        %mul3A_686 = arith.constant 16 : i32
        %mul3A_687 = arith.muli %while3A_684, %mul3A_686 : i32
        %sub3A_688 = arith.subi %min3A_571, %mul3A_687 : i32
        %lt3A_689 = vector.broadcast %sub3A_688 : i32 to vector<16xi32>
        %lt3A_690 = arith.cmpi slt, %iota3A, %lt3A_689 : vector<16xi32>
        %add3A_691 = vector.broadcast %mul3A_687 : i32 to vector<16xi32>
        %add3A_692 = arith.addi %iota3A, %add3A_691 : vector<16xi32>
        %gather3A = tpu.vector_load_idx %arg13[%add3A_692] : memref<4112xi32, #tpu.memory_space<vmem>>[vector<16xi32>], vector<16xi32>,
        %add3A_693 = vector.broadcast %mul3A_687 : i32 to vector<16xi32>
        %add3A_694 = arith.addi %iota3A, %add3A_693 : vector<16xi32>
        %gather3A_695 = tpu.vector_load_idx %arg14[%add3A_694] : memref<4112xi32, #tpu.memory_space<vmem>>[vector<16xi32>], vector<16xi32>,
        %add3A_696 = vector.broadcast %mul3A_687 : i32 to vector<16xi32>
        %add3A_697 = arith.addi %iota3A, %add3A_696 : vector<16xi32>
        %gather3A_698 = tpu.vector_load_idx %arg15[%add3A_697] : memref<4112xi32, #tpu.memory_space<vmem>>[vector<16xi32>], vector<16xi32>,
        %add3A_699 = arith.constant 0 : i32
        %add3A_700 = vector.broadcast %add3A_699 : i32 to vector<16xi32>
        %add3A_701 = arith.addi %gather3A_698, %add3A_700 : vector<16xi32>
        %and3A = arith.constant 1 : i32
        %and3A_702 = arith.andi %while3A_685, %and3A : i32
        %ge3A = arith.constant 2 : i32
        %ge3A_703 = arith.cmpi sge, %while3A_685, %ge3A : i32
        %convert_element_type3A_704 = arith.extui %ge3A_703 : i1 to i32
        %cond3A_705 = arith.constant 0 : i32
        %cond3A_706 = arith.cmpi ne, %convert_element_type3A_704, %cond3A_705 : i32
        scf.if %cond3A_706 {
          %dma_wait3A = arith.constant 0 : i32
          %dma_wait3A_924 = arith.constant 0 : i32
          %dma_wait3A_925 = arith.constant 0 : i32
          %dma_wait3A_926 = arith.constant 0 : i32
          %dma_wait3A_927 = tpu.memref_slice %arg17[%dma_wait3A_925, %dma_wait3A_926] : memref<32x128xf32, #tpu.memory_space<vmem>> -> memref<16x128xf32, #tpu.memory_space<vmem>>
          %dma_wait3A_928 = arith.constant 0 : i32
          %dma_wait3A_929 = tpu.memref_slice %arg18[%dma_wait3A, %dma_wait3A_924, %dma_wait3A_928] : memref<2x1x16xi32, #tpu.memory_space<vmem>> -> memref<1x1x16xi32, #tpu.memory_space<vmem>>
          %dma_wait3A_930 = tpu.memref_squeeze %dma_wait3A_929 : memref<1x1x16xi32, #tpu.memory_space<vmem>> -> memref<16xi32, #tpu.memory_space<vmem>>
          %dma_wait3A_931 = arith.constant 0 : i32
          %dma_wait3A_932 = arith.constant 0 : i32
          %dma_wait3A_933 = tpu.memref_slice %arg4[%dma_wait3A_931, %dma_wait3A_932] : memref<36864x128xf32, #tpu.memory_space<hbm>> -> memref<36864x128xf32, #tpu.memory_space<hbm>>
          tpu.wait_indirect_dma semaphore(%arg21 : memref<!tpu.dma_semaphore, #tpu.memory_space<semaphore_mem>>) src(%dma_wait3A_927 : memref<16x128xf32, #tpu.memory_space<vmem>>) dst(%dma_wait3A_933 : memref<36864x128xf32, #tpu.memory_space<hbm>>)
        } else {
        }
        %mul3A_707 = arith.constant 16 : i32
        %mul3A_708 = arith.muli %and3A_702, %mul3A_707 : i32
        %add3A_709 = vector.broadcast %mul3A_708 : i32 to vector<16xi32>
        %add3A_710 = arith.addi %add3A_709, %iota3A : vector<16xi32>
        %broadcast_in_dim3A_711 = arith.constant 0 : i32
        %broadcast_in_dim3A_712 = vector.broadcast %broadcast_in_dim3A_711 : i32 to vector<16xi32>
        %gather3A_713 = tpu.vector_load_idx %arg16[%add3A_701, %broadcast_in_dim3A_712, %gather3A_695] masked %lt3A_690 : memref<8x64x128xf32, #tpu.memory_space<vmem>>[vector<16xi32>, vector<16xi32>, vector<16xi32>], vector<16xf32>, vector<16xi1>
        tpu.vector_store_idx %arg17[%add3A_710, %broadcast_in_dim3A_712], %gather3A_713 : memref<32x128xf32, #tpu.memory_space<vmem>>[vector<16xi32>, vector<16xi32>], vector<16xf32>,
        %broadcast_in_dim3A_714 = arith.constant 1 : i32
        %broadcast_in_dim3A_715 = vector.broadcast %broadcast_in_dim3A_714 : i32 to vector<16xi32>
        %gather3A_716 = tpu.vector_load_idx %arg16[%add3A_701, %broadcast_in_dim3A_715, %gather3A_695] masked %lt3A_690 : memref<8x64x128xf32, #tpu.memory_space<vmem>>[vector<16xi32>, vector<16xi32>, vector<16xi32>], vector<16xf32>, vector<16xi1>
        tpu.vector_store_idx %arg17[%add3A_710, %broadcast_in_dim3A_715], %gather3A_716 : memref<32x128xf32, #tpu.memory_space<vmem>>[vector<16xi32>, vector<16xi32>], vector<16xf32>,
        %broadcast_in_dim3A_717 = arith.constant 2 : i32
        %broadcast_in_dim3A_718 = vector.broadcast %broadcast_in_dim3A_717 : i32 to vector<16xi32>
        %gather3A_719 = tpu.vector_load_idx %arg16[%add3A_701, %broadcast_in_dim3A_718, %gather3A_695] masked %lt3A_690 : memref<8x64x128xf32, #tpu.memory_space<vmem>>[vector<16xi32>, vector<16xi32>, vector<16xi32>], vector<16xf32>, vector<16xi1>
        tpu.vector_store_idx %arg17[%add3A_710, %broadcast_in_dim3A_718], %gather3A_719 : memref<32x128xf32, #tpu.memory_space<vmem>>[vector<16xi32>, vector<16xi32>], vector<16xf32>,
        %broadcast_in_dim3A_720 = arith.constant 3 : i32
        %broadcast_in_dim3A_721 = vector.broadcast %broadcast_in_dim3A_720 : i32 to vector<16xi32>
        %gather3A_722 = tpu.vector_load_idx %arg16[%add3A_701, %broadcast_in_dim3A_721, %gather3A_695] masked %lt3A_690 : memref<8x64x128xf32, #tpu.memory_space<vmem>>[vector<16xi32>, vector<16xi32>, vector<16xi32>], vector<16xf32>, vector<16xi1>
        tpu.vector_store_idx %arg17[%add3A_710, %broadcast_in_dim3A_721], %gather3A_722 : memref<32x128xf32, #tpu.memory_space<vmem>>[vector<16xi32>, vector<16xi32>], vector<16xf32>,
        %broadcast_in_dim3A_723 = arith.constant 4 : i32
        %broadcast_in_dim3A_724 = vector.broadcast %broadcast_in_dim3A_723 : i32 to vector<16xi32>
        %gather3A_725 = tpu.vector_load_idx %arg16[%add3A_701, %broadcast_in_dim3A_724, %gather3A_695] masked %lt3A_690 : memref<8x64x128xf32, #tpu.memory_space<vmem>>[vector<16xi32>, vector<16xi32>, vector<16xi32>], vector<16xf32>, vector<16xi1>
        tpu.vector_store_idx %arg17[%add3A_710, %broadcast_in_dim3A_724], %gather3A_725 : memref<32x128xf32, #tpu.memory_space<vmem>>[vector<16xi32>, vector<16xi32>], vector<16xf32>,
        %broadcast_in_dim3A_726 = arith.constant 5 : i32
        %broadcast_in_dim3A_727 = vector.broadcast %broadcast_in_dim3A_726 : i32 to vector<16xi32>
        %gather3A_728 = tpu.vector_load_idx %arg16[%add3A_701, %broadcast_in_dim3A_727, %gather3A_695] masked %lt3A_690 : memref<8x64x128xf32, #tpu.memory_space<vmem>>[vector<16xi32>, vector<16xi32>, vector<16xi32>], vector<16xf32>, vector<16xi1>
        tpu.vector_store_idx %arg17[%add3A_710, %broadcast_in_dim3A_727], %gather3A_728 : memref<32x128xf32, #tpu.memory_space<vmem>>[vector<16xi32>, vector<16xi32>], vector<16xf32>,
        %broadcast_in_dim3A_729 = arith.constant 6 : i32
        %broadcast_in_dim3A_730 = vector.broadcast %broadcast_in_dim3A_729 : i32 to vector<16xi32>
        %gather3A_731 = tpu.vector_load_idx %arg16[%add3A_701, %broadcast_in_dim3A_730, %gather3A_695] masked %lt3A_690 : memref<8x64x128xf32, #tpu.memory_space<vmem>>[vector<16xi32>, vector<16xi32>, vector<16xi32>], vector<16xf32>, vector<16xi1>
        tpu.vector_store_idx %arg17[%add3A_710, %broadcast_in_dim3A_730], %gather3A_731 : memref<32x128xf32, #tpu.memory_space<vmem>>[vector<16xi32>, vector<16xi32>], vector<16xf32>,
        %broadcast_in_dim3A_732 = arith.constant 7 : i32
        %broadcast_in_dim3A_733 = vector.broadcast %broadcast_in_dim3A_732 : i32 to vector<16xi32>
        %gather3A_734 = tpu.vector_load_idx %arg16[%add3A_701, %broadcast_in_dim3A_733, %gather3A_695] masked %lt3A_690 : memref<8x64x128xf32, #tpu.memory_space<vmem>>[vector<16xi32>, vector<16xi32>, vector<16xi32>], vector<16xf32>, vector<16xi1>
        tpu.vector_store_idx %arg17[%add3A_710, %broadcast_in_dim3A_733], %gather3A_734 : memref<32x128xf32, #tpu.memory_space<vmem>>[vector<16xi32>, vector<16xi32>], vector<16xf32>,
        %broadcast_in_dim3A_735 = arith.constant 8 : i32
        %broadcast_in_dim3A_736 = vector.broadcast %broadcast_in_dim3A_735 : i32 to vector<16xi32>
        %gather3A_737 = tpu.vector_load_idx %arg16[%add3A_701, %broadcast_in_dim3A_736, %gather3A_695] masked %lt3A_690 : memref<8x64x128xf32, #tpu.memory_space<vmem>>[vector<16xi32>, vector<16xi32>, vector<16xi32>], vector<16xf32>, vector<16xi1>
        tpu.vector_store_idx %arg17[%add3A_710, %broadcast_in_dim3A_736], %gather3A_737 : memref<32x128xf32, #tpu.memory_space<vmem>>[vector<16xi32>, vector<16xi32>], vector<16xf32>,
        %broadcast_in_dim3A_738 = arith.constant 9 : i32
        %broadcast_in_dim3A_739 = vector.broadcast %broadcast_in_dim3A_738 : i32 to vector<16xi32>
        %gather3A_740 = tpu.vector_load_idx %arg16[%add3A_701, %broadcast_in_dim3A_739, %gather3A_695] masked %lt3A_690 : memref<8x64x128xf32, #tpu.memory_space<vmem>>[vector<16xi32>, vector<16xi32>, vector<16xi32>], vector<16xf32>, vector<16xi1>
        tpu.vector_store_idx %arg17[%add3A_710, %broadcast_in_dim3A_739], %gather3A_740 : memref<32x128xf32, #tpu.memory_space<vmem>>[vector<16xi32>, vector<16xi32>], vector<16xf32>,
        %broadcast_in_dim3A_741 = arith.constant 10 : i32
        %broadcast_in_dim3A_742 = vector.broadcast %broadcast_in_dim3A_741 : i32 to vector<16xi32>
        %gather3A_743 = tpu.vector_load_idx %arg16[%add3A_701, %broadcast_in_dim3A_742, %gather3A_695] masked %lt3A_690 : memref<8x64x128xf32, #tpu.memory_space<vmem>>[vector<16xi32>, vector<16xi32>, vector<16xi32>], vector<16xf32>, vector<16xi1>
        tpu.vector_store_idx %arg17[%add3A_710, %broadcast_in_dim3A_742], %gather3A_743 : memref<32x128xf32, #tpu.memory_space<vmem>>[vector<16xi32>, vector<16xi32>], vector<16xf32>,
        %broadcast_in_dim3A_744 = arith.constant 11 : i32
        %broadcast_in_dim3A_745 = vector.broadcast %broadcast_in_dim3A_744 : i32 to vector<16xi32>
        %gather3A_746 = tpu.vector_load_idx %arg16[%add3A_701, %broadcast_in_dim3A_745, %gather3A_695] masked %lt3A_690 : memref<8x64x128xf32, #tpu.memory_space<vmem>>[vector<16xi32>, vector<16xi32>, vector<16xi32>], vector<16xf32>, vector<16xi1>
        tpu.vector_store_idx %arg17[%add3A_710, %broadcast_in_dim3A_745], %gather3A_746 : memref<32x128xf32, #tpu.memory_space<vmem>>[vector<16xi32>, vector<16xi32>], vector<16xf32>,
        %broadcast_in_dim3A_747 = arith.constant 12 : i32
        %broadcast_in_dim3A_748 = vector.broadcast %broadcast_in_dim3A_747 : i32 to vector<16xi32>
        %gather3A_749 = tpu.vector_load_idx %arg16[%add3A_701, %broadcast_in_dim3A_748, %gather3A_695] masked %lt3A_690 : memref<8x64x128xf32, #tpu.memory_space<vmem>>[vector<16xi32>, vector<16xi32>, vector<16xi32>], vector<16xf32>, vector<16xi1>
        tpu.vector_store_idx %arg17[%add3A_710, %broadcast_in_dim3A_748], %gather3A_749 : memref<32x128xf32, #tpu.memory_space<vmem>>[vector<16xi32>, vector<16xi32>], vector<16xf32>,
        %broadcast_in_dim3A_750 = arith.constant 13 : i32
        %broadcast_in_dim3A_751 = vector.broadcast %broadcast_in_dim3A_750 : i32 to vector<16xi32>
        %gather3A_752 = tpu.vector_load_idx %arg16[%add3A_701, %broadcast_in_dim3A_751, %gather3A_695] masked %lt3A_690 : memref<8x64x128xf32, #tpu.memory_space<vmem>>[vector<16xi32>, vector<16xi32>, vector<16xi32>], vector<16xf32>, vector<16xi1>
        tpu.vector_store_idx %arg17[%add3A_710, %broadcast_in_dim3A_751], %gather3A_752 : memref<32x128xf32, #tpu.memory_space<vmem>>[vector<16xi32>, vector<16xi32>], vector<16xf32>,
        %broadcast_in_dim3A_753 = arith.constant 14 : i32
        %broadcast_in_dim3A_754 = vector.broadcast %broadcast_in_dim3A_753 : i32 to vector<16xi32>
        %gather3A_755 = tpu.vector_load_idx %arg16[%add3A_701, %broadcast_in_dim3A_754, %gather3A_695] masked %lt3A_690 : memref<8x64x128xf32, #tpu.memory_space<vmem>>[vector<16xi32>, vector<16xi32>, vector<16xi32>], vector<16xf32>, vector<16xi1>
        tpu.vector_store_idx %arg17[%add3A_710, %broadcast_in_dim3A_754], %gather3A_755 : memref<32x128xf32, #tpu.memory_space<vmem>>[vector<16xi32>, vector<16xi32>], vector<16xf32>,
        %broadcast_in_dim3A_756 = arith.constant 15 : i32
        %broadcast_in_dim3A_757 = vector.broadcast %broadcast_in_dim3A_756 : i32 to vector<16xi32>
        %gather3A_758 = tpu.vector_load_idx %arg16[%add3A_701, %broadcast_in_dim3A_757, %gather3A_695] masked %lt3A_690 : memref<8x64x128xf32, #tpu.memory_space<vmem>>[vector<16xi32>, vector<16xi32>, vector<16xi32>], vector<16xf32>, vector<16xi1>
        tpu.vector_store_idx %arg17[%add3A_710, %broadcast_in_dim3A_757], %gather3A_758 : memref<32x128xf32, #tpu.memory_space<vmem>>[vector<16xi32>, vector<16xi32>], vector<16xf32>,
        %broadcast_in_dim3A_759 = arith.constant 16 : i32
        %broadcast_in_dim3A_760 = vector.broadcast %broadcast_in_dim3A_759 : i32 to vector<16xi32>
        %gather3A_761 = tpu.vector_load_idx %arg16[%add3A_701, %broadcast_in_dim3A_760, %gather3A_695] masked %lt3A_690 : memref<8x64x128xf32, #tpu.memory_space<vmem>>[vector<16xi32>, vector<16xi32>, vector<16xi32>], vector<16xf32>, vector<16xi1>
        tpu.vector_store_idx %arg17[%add3A_710, %broadcast_in_dim3A_760], %gather3A_761 : memref<32x128xf32, #tpu.memory_space<vmem>>[vector<16xi32>, vector<16xi32>], vector<16xf32>,
        %broadcast_in_dim3A_762 = arith.constant 17 : i32
        %broadcast_in_dim3A_763 = vector.broadcast %broadcast_in_dim3A_762 : i32 to vector<16xi32>
        %gather3A_764 = tpu.vector_load_idx %arg16[%add3A_701, %broadcast_in_dim3A_763, %gather3A_695] masked %lt3A_690 : memref<8x64x128xf32, #tpu.memory_space<vmem>>[vector<16xi32>, vector<16xi32>, vector<16xi32>], vector<16xf32>, vector<16xi1>
        tpu.vector_store_idx %arg17[%add3A_710, %broadcast_in_dim3A_763], %gather3A_764 : memref<32x128xf32, #tpu.memory_space<vmem>>[vector<16xi32>, vector<16xi32>], vector<16xf32>,
        %broadcast_in_dim3A_765 = arith.constant 18 : i32
        %broadcast_in_dim3A_766 = vector.broadcast %broadcast_in_dim3A_765 : i32 to vector<16xi32>
        %gather3A_767 = tpu.vector_load_idx %arg16[%add3A_701, %broadcast_in_dim3A_766, %gather3A_695] masked %lt3A_690 : memref<8x64x128xf32, #tpu.memory_space<vmem>>[vector<16xi32>, vector<16xi32>, vector<16xi32>], vector<16xf32>, vector<16xi1>
        tpu.vector_store_idx %arg17[%add3A_710, %broadcast_in_dim3A_766], %gather3A_767 : memref<32x128xf32, #tpu.memory_space<vmem>>[vector<16xi32>, vector<16xi32>], vector<16xf32>,
        %broadcast_in_dim3A_768 = arith.constant 19 : i32
        %broadcast_in_dim3A_769 = vector.broadcast %broadcast_in_dim3A_768 : i32 to vector<16xi32>
        %gather3A_770 = tpu.vector_load_idx %arg16[%add3A_701, %broadcast_in_dim3A_769, %gather3A_695] masked %lt3A_690 : memref<8x64x128xf32, #tpu.memory_space<vmem>>[vector<16xi32>, vector<16xi32>, vector<16xi32>], vector<16xf32>, vector<16xi1>
        tpu.vector_store_idx %arg17[%add3A_710, %broadcast_in_dim3A_769], %gather3A_770 : memref<32x128xf32, #tpu.memory_space<vmem>>[vector<16xi32>, vector<16xi32>], vector<16xf32>,
        %broadcast_in_dim3A_771 = arith.constant 20 : i32
        %broadcast_in_dim3A_772 = vector.broadcast %broadcast_in_dim3A_771 : i32 to vector<16xi32>
        %gather3A_773 = tpu.vector_load_idx %arg16[%add3A_701, %broadcast_in_dim3A_772, %gather3A_695] masked %lt3A_690 : memref<8x64x128xf32, #tpu.memory_space<vmem>>[vector<16xi32>, vector<16xi32>, vector<16xi32>], vector<16xf32>, vector<16xi1>
        tpu.vector_store_idx %arg17[%add3A_710, %broadcast_in_dim3A_772], %gather3A_773 : memref<32x128xf32, #tpu.memory_space<vmem>>[vector<16xi32>, vector<16xi32>], vector<16xf32>,
        %broadcast_in_dim3A_774 = arith.constant 21 : i32
        %broadcast_in_dim3A_775 = vector.broadcast %broadcast_in_dim3A_774 : i32 to vector<16xi32>
        %gather3A_776 = tpu.vector_load_idx %arg16[%add3A_701, %broadcast_in_dim3A_775, %gather3A_695] masked %lt3A_690 : memref<8x64x128xf32, #tpu.memory_space<vmem>>[vector<16xi32>, vector<16xi32>, vector<16xi32>], vector<16xf32>, vector<16xi1>
        tpu.vector_store_idx %arg17[%add3A_710, %broadcast_in_dim3A_775], %gather3A_776 : memref<32x128xf32, #tpu.memory_space<vmem>>[vector<16xi32>, vector<16xi32>], vector<16xf32>,
        %broadcast_in_dim3A_777 = arith.constant 22 : i32
        %broadcast_in_dim3A_778 = vector.broadcast %broadcast_in_dim3A_777 : i32 to vector<16xi32>
        %gather3A_779 = tpu.vector_load_idx %arg16[%add3A_701, %broadcast_in_dim3A_778, %gather3A_695] masked %lt3A_690 : memref<8x64x128xf32, #tpu.memory_space<vmem>>[vector<16xi32>, vector<16xi32>, vector<16xi32>], vector<16xf32>, vector<16xi1>
        tpu.vector_store_idx %arg17[%add3A_710, %broadcast_in_dim3A_778], %gather3A_779 : memref<32x128xf32, #tpu.memory_space<vmem>>[vector<16xi32>, vector<16xi32>], vector<16xf32>,
        %broadcast_in_dim3A_780 = arith.constant 23 : i32
        %broadcast_in_dim3A_781 = vector.broadcast %broadcast_in_dim3A_780 : i32 to vector<16xi32>
        %gather3A_782 = tpu.vector_load_idx %arg16[%add3A_701, %broadcast_in_dim3A_781, %gather3A_695] masked %lt3A_690 : memref<8x64x128xf32, #tpu.memory_space<vmem>>[vector<16xi32>, vector<16xi32>, vector<16xi32>], vector<16xf32>, vector<16xi1>
        tpu.vector_store_idx %arg17[%add3A_710, %broadcast_in_dim3A_781], %gather3A_782 : memref<32x128xf32, #tpu.memory_space<vmem>>[vector<16xi32>, vector<16xi32>], vector<16xf32>,
        %broadcast_in_dim3A_783 = arith.constant 24 : i32
        %broadcast_in_dim3A_784 = vector.broadcast %broadcast_in_dim3A_783 : i32 to vector<16xi32>
        %gather3A_785 = tpu.vector_load_idx %arg16[%add3A_701, %broadcast_in_dim3A_784, %gather3A_695] masked %lt3A_690 : memref<8x64x128xf32, #tpu.memory_space<vmem>>[vector<16xi32>, vector<16xi32>, vector<16xi32>], vector<16xf32>, vector<16xi1>
        tpu.vector_store_idx %arg17[%add3A_710, %broadcast_in_dim3A_784], %gather3A_785 : memref<32x128xf32, #tpu.memory_space<vmem>>[vector<16xi32>, vector<16xi32>], vector<16xf32>,
        %broadcast_in_dim3A_786 = arith.constant 25 : i32
        %broadcast_in_dim3A_787 = vector.broadcast %broadcast_in_dim3A_786 : i32 to vector<16xi32>
        %gather3A_788 = tpu.vector_load_idx %arg16[%add3A_701, %broadcast_in_dim3A_787, %gather3A_695] masked %lt3A_690 : memref<8x64x128xf32, #tpu.memory_space<vmem>>[vector<16xi32>, vector<16xi32>, vector<16xi32>], vector<16xf32>, vector<16xi1>
        tpu.vector_store_idx %arg17[%add3A_710, %broadcast_in_dim3A_787], %gather3A_788 : memref<32x128xf32, #tpu.memory_space<vmem>>[vector<16xi32>, vector<16xi32>], vector<16xf32>,
        %broadcast_in_dim3A_789 = arith.constant 26 : i32
        %broadcast_in_dim3A_790 = vector.broadcast %broadcast_in_dim3A_789 : i32 to vector<16xi32>
        %gather3A_791 = tpu.vector_load_idx %arg16[%add3A_701, %broadcast_in_dim3A_790, %gather3A_695] masked %lt3A_690 : memref<8x64x128xf32, #tpu.memory_space<vmem>>[vector<16xi32>, vector<16xi32>, vector<16xi32>], vector<16xf32>, vector<16xi1>
        tpu.vector_store_idx %arg17[%add3A_710, %broadcast_in_dim3A_790], %gather3A_791 : memref<32x128xf32, #tpu.memory_space<vmem>>[vector<16xi32>, vector<16xi32>], vector<16xf32>,
        %broadcast_in_dim3A_792 = arith.constant 27 : i32
        %broadcast_in_dim3A_793 = vector.broadcast %broadcast_in_dim3A_792 : i32 to vector<16xi32>
        %gather3A_794 = tpu.vector_load_idx %arg16[%add3A_701, %broadcast_in_dim3A_793, %gather3A_695] masked %lt3A_690 : memref<8x64x128xf32, #tpu.memory_space<vmem>>[vector<16xi32>, vector<16xi32>, vector<16xi32>], vector<16xf32>, vector<16xi1>
        tpu.vector_store_idx %arg17[%add3A_710, %broadcast_in_dim3A_793], %gather3A_794 : memref<32x128xf32, #tpu.memory_space<vmem>>[vector<16xi32>, vector<16xi32>], vector<16xf32>,
        %broadcast_in_dim3A_795 = arith.constant 28 : i32
        %broadcast_in_dim3A_796 = vector.broadcast %broadcast_in_dim3A_795 : i32 to vector<16xi32>
        %gather3A_797 = tpu.vector_load_idx %arg16[%add3A_701, %broadcast_in_dim3A_796, %gather3A_695] masked %lt3A_690 : memref<8x64x128xf32, #tpu.memory_space<vmem>>[vector<16xi32>, vector<16xi32>, vector<16xi32>], vector<16xf32>, vector<16xi1>
        tpu.vector_store_idx %arg17[%add3A_710, %broadcast_in_dim3A_796], %gather3A_797 : memref<32x128xf32, #tpu.memory_space<vmem>>[vector<16xi32>, vector<16xi32>], vector<16xf32>,
        %broadcast_in_dim3A_798 = arith.constant 29 : i32
        %broadcast_in_dim3A_799 = vector.broadcast %broadcast_in_dim3A_798 : i32 to vector<16xi32>
        %gather3A_800 = tpu.vector_load_idx %arg16[%add3A_701, %broadcast_in_dim3A_799, %gather3A_695] masked %lt3A_690 : memref<8x64x128xf32, #tpu.memory_space<vmem>>[vector<16xi32>, vector<16xi32>, vector<16xi32>], vector<16xf32>, vector<16xi1>
        tpu.vector_store_idx %arg17[%add3A_710, %broadcast_in_dim3A_799], %gather3A_800 : memref<32x128xf32, #tpu.memory_space<vmem>>[vector<16xi32>, vector<16xi32>], vector<16xf32>,
        %broadcast_in_dim3A_801 = arith.constant 30 : i32
        %broadcast_in_dim3A_802 = vector.broadcast %broadcast_in_dim3A_801 : i32 to vector<16xi32>
        %gather3A_803 = tpu.vector_load_idx %arg16[%add3A_701, %broadcast_in_dim3A_802, %gather3A_695] masked %lt3A_690 : memref<8x64x128xf32, #tpu.memory_space<vmem>>[vector<16xi32>, vector<16xi32>, vector<16xi32>], vector<16xf32>, vector<16xi1>
        tpu.vector_store_idx %arg17[%add3A_710, %broadcast_in_dim3A_802], %gather3A_803 : memref<32x128xf32, #tpu.memory_space<vmem>>[vector<16xi32>, vector<16xi32>], vector<16xf32>,
        %broadcast_in_dim3A_804 = arith.constant 31 : i32
        %broadcast_in_dim3A_805 = vector.broadcast %broadcast_in_dim3A_804 : i32 to vector<16xi32>
        %gather3A_806 = tpu.vector_load_idx %arg16[%add3A_701, %broadcast_in_dim3A_805, %gather3A_695] masked %lt3A_690 : memref<8x64x128xf32, #tpu.memory_space<vmem>>[vector<16xi32>, vector<16xi32>, vector<16xi32>], vector<16xf32>, vector<16xi1>
        tpu.vector_store_idx %arg17[%add3A_710, %broadcast_in_dim3A_805], %gather3A_806 : memref<32x128xf32, #tpu.memory_space<vmem>>[vector<16xi32>, vector<16xi32>], vector<16xf32>,
        %broadcast_in_dim3A_807 = arith.constant 32 : i32
        %broadcast_in_dim3A_808 = vector.broadcast %broadcast_in_dim3A_807 : i32 to vector<16xi32>
        %gather3A_809 = tpu.vector_load_idx %arg16[%add3A_701, %broadcast_in_dim3A_808, %gather3A_695] masked %lt3A_690 : memref<8x64x128xf32, #tpu.memory_space<vmem>>[vector<16xi32>, vector<16xi32>, vector<16xi32>], vector<16xf32>, vector<16xi1>
        tpu.vector_store_idx %arg17[%add3A_710, %broadcast_in_dim3A_808], %gather3A_809 : memref<32x128xf32, #tpu.memory_space<vmem>>[vector<16xi32>, vector<16xi32>], vector<16xf32>,
        %broadcast_in_dim3A_810 = arith.constant 33 : i32
        %broadcast_in_dim3A_811 = vector.broadcast %broadcast_in_dim3A_810 : i32 to vector<16xi32>
        %gather3A_812 = tpu.vector_load_idx %arg16[%add3A_701, %broadcast_in_dim3A_811, %gather3A_695] masked %lt3A_690 : memref<8x64x128xf32, #tpu.memory_space<vmem>>[vector<16xi32>, vector<16xi32>, vector<16xi32>], vector<16xf32>, vector<16xi1>
        tpu.vector_store_idx %arg17[%add3A_710, %broadcast_in_dim3A_811], %gather3A_812 : memref<32x128xf32, #tpu.memory_space<vmem>>[vector<16xi32>, vector<16xi32>], vector<16xf32>,
        %broadcast_in_dim3A_813 = arith.constant 34 : i32
        %broadcast_in_dim3A_814 = vector.broadcast %broadcast_in_dim3A_813 : i32 to vector<16xi32>
        %gather3A_815 = tpu.vector_load_idx %arg16[%add3A_701, %broadcast_in_dim3A_814, %gather3A_695] masked %lt3A_690 : memref<8x64x128xf32, #tpu.memory_space<vmem>>[vector<16xi32>, vector<16xi32>, vector<16xi32>], vector<16xf32>, vector<16xi1>
        tpu.vector_store_idx %arg17[%add3A_710, %broadcast_in_dim3A_814], %gather3A_815 : memref<32x128xf32, #tpu.memory_space<vmem>>[vector<16xi32>, vector<16xi32>], vector<16xf32>,
        %broadcast_in_dim3A_816 = arith.constant 35 : i32
        %broadcast_in_dim3A_817 = vector.broadcast %broadcast_in_dim3A_816 : i32 to vector<16xi32>
        %gather3A_818 = tpu.vector_load_idx %arg16[%add3A_701, %broadcast_in_dim3A_817, %gather3A_695] masked %lt3A_690 : memref<8x64x128xf32, #tpu.memory_space<vmem>>[vector<16xi32>, vector<16xi32>, vector<16xi32>], vector<16xf32>, vector<16xi1>
        tpu.vector_store_idx %arg17[%add3A_710, %broadcast_in_dim3A_817], %gather3A_818 : memref<32x128xf32, #tpu.memory_space<vmem>>[vector<16xi32>, vector<16xi32>], vector<16xf32>,
        %broadcast_in_dim3A_819 = arith.constant 36 : i32
        %broadcast_in_dim3A_820 = vector.broadcast %broadcast_in_dim3A_819 : i32 to vector<16xi32>
        %gather3A_821 = tpu.vector_load_idx %arg16[%add3A_701, %broadcast_in_dim3A_820, %gather3A_695] masked %lt3A_690 : memref<8x64x128xf32, #tpu.memory_space<vmem>>[vector<16xi32>, vector<16xi32>, vector<16xi32>], vector<16xf32>, vector<16xi1>
        tpu.vector_store_idx %arg17[%add3A_710, %broadcast_in_dim3A_820], %gather3A_821 : memref<32x128xf32, #tpu.memory_space<vmem>>[vector<16xi32>, vector<16xi32>], vector<16xf32>,
        %broadcast_in_dim3A_822 = arith.constant 37 : i32
        %broadcast_in_dim3A_823 = vector.broadcast %broadcast_in_dim3A_822 : i32 to vector<16xi32>
        %gather3A_824 = tpu.vector_load_idx %arg16[%add3A_701, %broadcast_in_dim3A_823, %gather3A_695] masked %lt3A_690 : memref<8x64x128xf32, #tpu.memory_space<vmem>>[vector<16xi32>, vector<16xi32>, vector<16xi32>], vector<16xf32>, vector<16xi1>
        tpu.vector_store_idx %arg17[%add3A_710, %broadcast_in_dim3A_823], %gather3A_824 : memref<32x128xf32, #tpu.memory_space<vmem>>[vector<16xi32>, vector<16xi32>], vector<16xf32>,
        %broadcast_in_dim3A_825 = arith.constant 38 : i32
        %broadcast_in_dim3A_826 = vector.broadcast %broadcast_in_dim3A_825 : i32 to vector<16xi32>
        %gather3A_827 = tpu.vector_load_idx %arg16[%add3A_701, %broadcast_in_dim3A_826, %gather3A_695] masked %lt3A_690 : memref<8x64x128xf32, #tpu.memory_space<vmem>>[vector<16xi32>, vector<16xi32>, vector<16xi32>], vector<16xf32>, vector<16xi1>
        tpu.vector_store_idx %arg17[%add3A_710, %broadcast_in_dim3A_826], %gather3A_827 : memref<32x128xf32, #tpu.memory_space<vmem>>[vector<16xi32>, vector<16xi32>], vector<16xf32>,
        %broadcast_in_dim3A_828 = arith.constant 39 : i32
        %broadcast_in_dim3A_829 = vector.broadcast %broadcast_in_dim3A_828 : i32 to vector<16xi32>
        %gather3A_830 = tpu.vector_load_idx %arg16[%add3A_701, %broadcast_in_dim3A_829, %gather3A_695] masked %lt3A_690 : memref<8x64x128xf32, #tpu.memory_space<vmem>>[vector<16xi32>, vector<16xi32>, vector<16xi32>], vector<16xf32>, vector<16xi1>
        tpu.vector_store_idx %arg17[%add3A_710, %broadcast_in_dim3A_829], %gather3A_830 : memref<32x128xf32, #tpu.memory_space<vmem>>[vector<16xi32>, vector<16xi32>], vector<16xf32>,
        %broadcast_in_dim3A_831 = arith.constant 40 : i32
        %broadcast_in_dim3A_832 = vector.broadcast %broadcast_in_dim3A_831 : i32 to vector<16xi32>
        %gather3A_833 = tpu.vector_load_idx %arg16[%add3A_701, %broadcast_in_dim3A_832, %gather3A_695] masked %lt3A_690 : memref<8x64x128xf32, #tpu.memory_space<vmem>>[vector<16xi32>, vector<16xi32>, vector<16xi32>], vector<16xf32>, vector<16xi1>
        tpu.vector_store_idx %arg17[%add3A_710, %broadcast_in_dim3A_832], %gather3A_833 : memref<32x128xf32, #tpu.memory_space<vmem>>[vector<16xi32>, vector<16xi32>], vector<16xf32>,
        %broadcast_in_dim3A_834 = arith.constant 41 : i32
        %broadcast_in_dim3A_835 = vector.broadcast %broadcast_in_dim3A_834 : i32 to vector<16xi32>
        %gather3A_836 = tpu.vector_load_idx %arg16[%add3A_701, %broadcast_in_dim3A_835, %gather3A_695] masked %lt3A_690 : memref<8x64x128xf32, #tpu.memory_space<vmem>>[vector<16xi32>, vector<16xi32>, vector<16xi32>], vector<16xf32>, vector<16xi1>
        tpu.vector_store_idx %arg17[%add3A_710, %broadcast_in_dim3A_835], %gather3A_836 : memref<32x128xf32, #tpu.memory_space<vmem>>[vector<16xi32>, vector<16xi32>], vector<16xf32>,
        %broadcast_in_dim3A_837 = arith.constant 42 : i32
        %broadcast_in_dim3A_838 = vector.broadcast %broadcast_in_dim3A_837 : i32 to vector<16xi32>
        %gather3A_839 = tpu.vector_load_idx %arg16[%add3A_701, %broadcast_in_dim3A_838, %gather3A_695] masked %lt3A_690 : memref<8x64x128xf32, #tpu.memory_space<vmem>>[vector<16xi32>, vector<16xi32>, vector<16xi32>], vector<16xf32>, vector<16xi1>
        tpu.vector_store_idx %arg17[%add3A_710, %broadcast_in_dim3A_838], %gather3A_839 : memref<32x128xf32, #tpu.memory_space<vmem>>[vector<16xi32>, vector<16xi32>], vector<16xf32>,
        %broadcast_in_dim3A_840 = arith.constant 43 : i32
        %broadcast_in_dim3A_841 = vector.broadcast %broadcast_in_dim3A_840 : i32 to vector<16xi32>
        %gather3A_842 = tpu.vector_load_idx %arg16[%add3A_701, %broadcast_in_dim3A_841, %gather3A_695] masked %lt3A_690 : memref<8x64x128xf32, #tpu.memory_space<vmem>>[vector<16xi32>, vector<16xi32>, vector<16xi32>], vector<16xf32>, vector<16xi1>
        tpu.vector_store_idx %arg17[%add3A_710, %broadcast_in_dim3A_841], %gather3A_842 : memref<32x128xf32, #tpu.memory_space<vmem>>[vector<16xi32>, vector<16xi32>], vector<16xf32>,
        %broadcast_in_dim3A_843 = arith.constant 44 : i32
        %broadcast_in_dim3A_844 = vector.broadcast %broadcast_in_dim3A_843 : i32 to vector<16xi32>
        %gather3A_845 = tpu.vector_load_idx %arg16[%add3A_701, %broadcast_in_dim3A_844, %gather3A_695] masked %lt3A_690 : memref<8x64x128xf32, #tpu.memory_space<vmem>>[vector<16xi32>, vector<16xi32>, vector<16xi32>], vector<16xf32>, vector<16xi1>
        tpu.vector_store_idx %arg17[%add3A_710, %broadcast_in_dim3A_844], %gather3A_845 : memref<32x128xf32, #tpu.memory_space<vmem>>[vector<16xi32>, vector<16xi32>], vector<16xf32>,
        %broadcast_in_dim3A_846 = arith.constant 45 : i32
        %broadcast_in_dim3A_847 = vector.broadcast %broadcast_in_dim3A_846 : i32 to vector<16xi32>
        %gather3A_848 = tpu.vector_load_idx %arg16[%add3A_701, %broadcast_in_dim3A_847, %gather3A_695] masked %lt3A_690 : memref<8x64x128xf32, #tpu.memory_space<vmem>>[vector<16xi32>, vector<16xi32>, vector<16xi32>], vector<16xf32>, vector<16xi1>
        tpu.vector_store_idx %arg17[%add3A_710, %broadcast_in_dim3A_847], %gather3A_848 : memref<32x128xf32, #tpu.memory_space<vmem>>[vector<16xi32>, vector<16xi32>], vector<16xf32>,
        %broadcast_in_dim3A_849 = arith.constant 46 : i32
        %broadcast_in_dim3A_850 = vector.broadcast %broadcast_in_dim3A_849 : i32 to vector<16xi32>
        %gather3A_851 = tpu.vector_load_idx %arg16[%add3A_701, %broadcast_in_dim3A_850, %gather3A_695] masked %lt3A_690 : memref<8x64x128xf32, #tpu.memory_space<vmem>>[vector<16xi32>, vector<16xi32>, vector<16xi32>], vector<16xf32>, vector<16xi1>
        tpu.vector_store_idx %arg17[%add3A_710, %broadcast_in_dim3A_850], %gather3A_851 : memref<32x128xf32, #tpu.memory_space<vmem>>[vector<16xi32>, vector<16xi32>], vector<16xf32>,
        %broadcast_in_dim3A_852 = arith.constant 47 : i32
        %broadcast_in_dim3A_853 = vector.broadcast %broadcast_in_dim3A_852 : i32 to vector<16xi32>
        %gather3A_854 = tpu.vector_load_idx %arg16[%add3A_701, %broadcast_in_dim3A_853, %gather3A_695] masked %lt3A_690 : memref<8x64x128xf32, #tpu.memory_space<vmem>>[vector<16xi32>, vector<16xi32>, vector<16xi32>], vector<16xf32>, vector<16xi1>
        tpu.vector_store_idx %arg17[%add3A_710, %broadcast_in_dim3A_853], %gather3A_854 : memref<32x128xf32, #tpu.memory_space<vmem>>[vector<16xi32>, vector<16xi32>], vector<16xf32>,
        %broadcast_in_dim3A_855 = arith.constant 48 : i32
        %broadcast_in_dim3A_856 = vector.broadcast %broadcast_in_dim3A_855 : i32 to vector<16xi32>
        %gather3A_857 = tpu.vector_load_idx %arg16[%add3A_701, %broadcast_in_dim3A_856, %gather3A_695] masked %lt3A_690 : memref<8x64x128xf32, #tpu.memory_space<vmem>>[vector<16xi32>, vector<16xi32>, vector<16xi32>], vector<16xf32>, vector<16xi1>
        tpu.vector_store_idx %arg17[%add3A_710, %broadcast_in_dim3A_856], %gather3A_857 : memref<32x128xf32, #tpu.memory_space<vmem>>[vector<16xi32>, vector<16xi32>], vector<16xf32>,
        %broadcast_in_dim3A_858 = arith.constant 49 : i32
        %broadcast_in_dim3A_859 = vector.broadcast %broadcast_in_dim3A_858 : i32 to vector<16xi32>
        %gather3A_860 = tpu.vector_load_idx %arg16[%add3A_701, %broadcast_in_dim3A_859, %gather3A_695] masked %lt3A_690 : memref<8x64x128xf32, #tpu.memory_space<vmem>>[vector<16xi32>, vector<16xi32>, vector<16xi32>], vector<16xf32>, vector<16xi1>
        tpu.vector_store_idx %arg17[%add3A_710, %broadcast_in_dim3A_859], %gather3A_860 : memref<32x128xf32, #tpu.memory_space<vmem>>[vector<16xi32>, vector<16xi32>], vector<16xf32>,
        %broadcast_in_dim3A_861 = arith.constant 50 : i32
        %broadcast_in_dim3A_862 = vector.broadcast %broadcast_in_dim3A_861 : i32 to vector<16xi32>
        %gather3A_863 = tpu.vector_load_idx %arg16[%add3A_701, %broadcast_in_dim3A_862, %gather3A_695] masked %lt3A_690 : memref<8x64x128xf32, #tpu.memory_space<vmem>>[vector<16xi32>, vector<16xi32>, vector<16xi32>], vector<16xf32>, vector<16xi1>
        tpu.vector_store_idx %arg17[%add3A_710, %broadcast_in_dim3A_862], %gather3A_863 : memref<32x128xf32, #tpu.memory_space<vmem>>[vector<16xi32>, vector<16xi32>], vector<16xf32>,
        %broadcast_in_dim3A_864 = arith.constant 51 : i32
        %broadcast_in_dim3A_865 = vector.broadcast %broadcast_in_dim3A_864 : i32 to vector<16xi32>
        %gather3A_866 = tpu.vector_load_idx %arg16[%add3A_701, %broadcast_in_dim3A_865, %gather3A_695] masked %lt3A_690 : memref<8x64x128xf32, #tpu.memory_space<vmem>>[vector<16xi32>, vector<16xi32>, vector<16xi32>], vector<16xf32>, vector<16xi1>
        tpu.vector_store_idx %arg17[%add3A_710, %broadcast_in_dim3A_865], %gather3A_866 : memref<32x128xf32, #tpu.memory_space<vmem>>[vector<16xi32>, vector<16xi32>], vector<16xf32>,
        %broadcast_in_dim3A_867 = arith.constant 52 : i32
        %broadcast_in_dim3A_868 = vector.broadcast %broadcast_in_dim3A_867 : i32 to vector<16xi32>
        %gather3A_869 = tpu.vector_load_idx %arg16[%add3A_701, %broadcast_in_dim3A_868, %gather3A_695] masked %lt3A_690 : memref<8x64x128xf32, #tpu.memory_space<vmem>>[vector<16xi32>, vector<16xi32>, vector<16xi32>], vector<16xf32>, vector<16xi1>
        tpu.vector_store_idx %arg17[%add3A_710, %broadcast_in_dim3A_868], %gather3A_869 : memref<32x128xf32, #tpu.memory_space<vmem>>[vector<16xi32>, vector<16xi32>], vector<16xf32>,
        %broadcast_in_dim3A_870 = arith.constant 53 : i32
        %broadcast_in_dim3A_871 = vector.broadcast %broadcast_in_dim3A_870 : i32 to vector<16xi32>
        %gather3A_872 = tpu.vector_load_idx %arg16[%add3A_701, %broadcast_in_dim3A_871, %gather3A_695] masked %lt3A_690 : memref<8x64x128xf32, #tpu.memory_space<vmem>>[vector<16xi32>, vector<16xi32>, vector<16xi32>], vector<16xf32>, vector<16xi1>
        tpu.vector_store_idx %arg17[%add3A_710, %broadcast_in_dim3A_871], %gather3A_872 : memref<32x128xf32, #tpu.memory_space<vmem>>[vector<16xi32>, vector<16xi32>], vector<16xf32>,
        %broadcast_in_dim3A_873 = arith.constant 54 : i32
        %broadcast_in_dim3A_874 = vector.broadcast %broadcast_in_dim3A_873 : i32 to vector<16xi32>
        %gather3A_875 = tpu.vector_load_idx %arg16[%add3A_701, %broadcast_in_dim3A_874, %gather3A_695] masked %lt3A_690 : memref<8x64x128xf32, #tpu.memory_space<vmem>>[vector<16xi32>, vector<16xi32>, vector<16xi32>], vector<16xf32>, vector<16xi1>
        tpu.vector_store_idx %arg17[%add3A_710, %broadcast_in_dim3A_874], %gather3A_875 : memref<32x128xf32, #tpu.memory_space<vmem>>[vector<16xi32>, vector<16xi32>], vector<16xf32>,
        %broadcast_in_dim3A_876 = arith.constant 55 : i32
        %broadcast_in_dim3A_877 = vector.broadcast %broadcast_in_dim3A_876 : i32 to vector<16xi32>
        %gather3A_878 = tpu.vector_load_idx %arg16[%add3A_701, %broadcast_in_dim3A_877, %gather3A_695] masked %lt3A_690 : memref<8x64x128xf32, #tpu.memory_space<vmem>>[vector<16xi32>, vector<16xi32>, vector<16xi32>], vector<16xf32>, vector<16xi1>
        tpu.vector_store_idx %arg17[%add3A_710, %broadcast_in_dim3A_877], %gather3A_878 : memref<32x128xf32, #tpu.memory_space<vmem>>[vector<16xi32>, vector<16xi32>], vector<16xf32>,
        %broadcast_in_dim3A_879 = arith.constant 56 : i32
        %broadcast_in_dim3A_880 = vector.broadcast %broadcast_in_dim3A_879 : i32 to vector<16xi32>
        %gather3A_881 = tpu.vector_load_idx %arg16[%add3A_701, %broadcast_in_dim3A_880, %gather3A_695] masked %lt3A_690 : memref<8x64x128xf32, #tpu.memory_space<vmem>>[vector<16xi32>, vector<16xi32>, vector<16xi32>], vector<16xf32>, vector<16xi1>
        tpu.vector_store_idx %arg17[%add3A_710, %broadcast_in_dim3A_880], %gather3A_881 : memref<32x128xf32, #tpu.memory_space<vmem>>[vector<16xi32>, vector<16xi32>], vector<16xf32>,
        %broadcast_in_dim3A_882 = arith.constant 57 : i32
        %broadcast_in_dim3A_883 = vector.broadcast %broadcast_in_dim3A_882 : i32 to vector<16xi32>
        %gather3A_884 = tpu.vector_load_idx %arg16[%add3A_701, %broadcast_in_dim3A_883, %gather3A_695] masked %lt3A_690 : memref<8x64x128xf32, #tpu.memory_space<vmem>>[vector<16xi32>, vector<16xi32>, vector<16xi32>], vector<16xf32>, vector<16xi1>
        tpu.vector_store_idx %arg17[%add3A_710, %broadcast_in_dim3A_883], %gather3A_884 : memref<32x128xf32, #tpu.memory_space<vmem>>[vector<16xi32>, vector<16xi32>], vector<16xf32>,
        %broadcast_in_dim3A_885 = arith.constant 58 : i32
        %broadcast_in_dim3A_886 = vector.broadcast %broadcast_in_dim3A_885 : i32 to vector<16xi32>
        %gather3A_887 = tpu.vector_load_idx %arg16[%add3A_701, %broadcast_in_dim3A_886, %gather3A_695] masked %lt3A_690 : memref<8x64x128xf32, #tpu.memory_space<vmem>>[vector<16xi32>, vector<16xi32>, vector<16xi32>], vector<16xf32>, vector<16xi1>
        tpu.vector_store_idx %arg17[%add3A_710, %broadcast_in_dim3A_886], %gather3A_887 : memref<32x128xf32, #tpu.memory_space<vmem>>[vector<16xi32>, vector<16xi32>], vector<16xf32>,
        %broadcast_in_dim3A_888 = arith.constant 59 : i32
        %broadcast_in_dim3A_889 = vector.broadcast %broadcast_in_dim3A_888 : i32 to vector<16xi32>
        %gather3A_890 = tpu.vector_load_idx %arg16[%add3A_701, %broadcast_in_dim3A_889, %gather3A_695] masked %lt3A_690 : memref<8x64x128xf32, #tpu.memory_space<vmem>>[vector<16xi32>, vector<16xi32>, vector<16xi32>], vector<16xf32>, vector<16xi1>
        tpu.vector_store_idx %arg17[%add3A_710, %broadcast_in_dim3A_889], %gather3A_890 : memref<32x128xf32, #tpu.memory_space<vmem>>[vector<16xi32>, vector<16xi32>], vector<16xf32>,
        %broadcast_in_dim3A_891 = arith.constant 60 : i32
        %broadcast_in_dim3A_892 = vector.broadcast %broadcast_in_dim3A_891 : i32 to vector<16xi32>
        %gather3A_893 = tpu.vector_load_idx %arg16[%add3A_701, %broadcast_in_dim3A_892, %gather3A_695] masked %lt3A_690 : memref<8x64x128xf32, #tpu.memory_space<vmem>>[vector<16xi32>, vector<16xi32>, vector<16xi32>], vector<16xf32>, vector<16xi1>
        tpu.vector_store_idx %arg17[%add3A_710, %broadcast_in_dim3A_892], %gather3A_893 : memref<32x128xf32, #tpu.memory_space<vmem>>[vector<16xi32>, vector<16xi32>], vector<16xf32>,
        %broadcast_in_dim3A_894 = arith.constant 61 : i32
        %broadcast_in_dim3A_895 = vector.broadcast %broadcast_in_dim3A_894 : i32 to vector<16xi32>
        %gather3A_896 = tpu.vector_load_idx %arg16[%add3A_701, %broadcast_in_dim3A_895, %gather3A_695] masked %lt3A_690 : memref<8x64x128xf32, #tpu.memory_space<vmem>>[vector<16xi32>, vector<16xi32>, vector<16xi32>], vector<16xf32>, vector<16xi1>
        tpu.vector_store_idx %arg17[%add3A_710, %broadcast_in_dim3A_895], %gather3A_896 : memref<32x128xf32, #tpu.memory_space<vmem>>[vector<16xi32>, vector<16xi32>], vector<16xf32>,
        %broadcast_in_dim3A_897 = arith.constant 62 : i32
        %broadcast_in_dim3A_898 = vector.broadcast %broadcast_in_dim3A_897 : i32 to vector<16xi32>
        %gather3A_899 = tpu.vector_load_idx %arg16[%add3A_701, %broadcast_in_dim3A_898, %gather3A_695] masked %lt3A_690 : memref<8x64x128xf32, #tpu.memory_space<vmem>>[vector<16xi32>, vector<16xi32>, vector<16xi32>], vector<16xf32>, vector<16xi1>
        tpu.vector_store_idx %arg17[%add3A_710, %broadcast_in_dim3A_898], %gather3A_899 : memref<32x128xf32, #tpu.memory_space<vmem>>[vector<16xi32>, vector<16xi32>], vector<16xf32>,
        %broadcast_in_dim3A_900 = arith.constant 63 : i32
        %broadcast_in_dim3A_901 = vector.broadcast %broadcast_in_dim3A_900 : i32 to vector<16xi32>
        %gather3A_902 = tpu.vector_load_idx %arg16[%add3A_701, %broadcast_in_dim3A_901, %gather3A_695] masked %lt3A_690 : memref<8x64x128xf32, #tpu.memory_space<vmem>>[vector<16xi32>, vector<16xi32>, vector<16xi32>], vector<16xf32>, vector<16xi1>
        tpu.vector_store_idx %arg17[%add3A_710, %broadcast_in_dim3A_901], %gather3A_902 : memref<32x128xf32, #tpu.memory_space<vmem>>[vector<16xi32>, vector<16xi32>], vector<16xf32>,
        %add3A_903 = arith.constant 32768 : i32
        %add3A_904 = arith.addi %add3A_903, %add3A : i32
        %broadcast_in_dim3A_905 = vector.broadcast %add3A_904 : i32 to vector<16xi32>
        %select_n3A = arith.select %lt3A_690, %gather3A, %broadcast_in_dim3A_905 : vector<16xi1>, vector<16xi32>
        %swap3A_906 = arith.constant 0 : i32
        %swap3A_907 = arith.index_cast %and3A_702 : i32 to index
        %swap3A_908 = arith.index_cast %swap3A_906 : i32 to index
        %swap3A_909 = arith.constant 0 : index
        %swap3A_910 = tpu.vector_load %arg18[%swap3A_907, %swap3A_908, %swap3A_909] {strides = array<i32>} : memref<2x1x16xi32, #tpu.memory_space<vmem>>, vector<16xi32>,
        tpu.vector_store %arg18[%swap3A_907, %swap3A_908, %swap3A_909], %select_n3A {strides = array<i32>} : memref<2x1x16xi32, #tpu.memory_space<vmem>>, vector<16xi32>,
        %mul3A_911 = arith.constant 16 : i32
        %mul3A_912 = arith.muli %and3A_702, %mul3A_911 : i32
        %dma_start3A_913 = arith.constant 0 : i32
        %dma_start3A_914 = arith.constant 0 : i32
        %dma_start3A_915 = tpu.memref_slice %arg17[%mul3A_912, %dma_start3A_914] : memref<32x128xf32, #tpu.memory_space<vmem>> -> memref<16x128xf32, #tpu.memory_space<vmem>>
        %dma_start3A_916 = arith.constant 0 : i32
        %dma_start3A_917 = tpu.memref_slice %arg18[%and3A_702, %dma_start3A_913, %dma_start3A_916] : memref<2x1x16xi32, #tpu.memory_space<vmem>> -> memref<1x1x16xi32, #tpu.memory_space<vmem>>
        %dma_start3A_918 = tpu.memref_squeeze %dma_start3A_917 : memref<1x1x16xi32, #tpu.memory_space<vmem>> -> memref<16xi32, #tpu.memory_space<vmem>>
        %dma_start3A_919 = arith.constant 0 : i32
        %dma_start3A_920 = arith.constant 0 : i32
        %dma_start3A_921 = tpu.memref_slice %arg4[%dma_start3A_919, %dma_start3A_920] : memref<36864x128xf32, #tpu.memory_space<hbm>> -> memref<36864x128xf32, #tpu.memory_space<hbm>>
        tpu.enqueue_indirect_dma source(%dma_start3A_915 : memref<16x128xf32, #tpu.memory_space<vmem>>) target(%dma_start3A_921 : memref<36864x128xf32, #tpu.memory_space<hbm>>) offsets(%dma_start3A_918 : memref<16xi32, #tpu.memory_space<vmem>>) semaphore(%arg21 : memref<!tpu.dma_semaphore, #tpu.memory_space<semaphore_mem>>)
        %add3A_922 = arith.constant 1 : i32
        %add3A_923 = arith.addi %while3A_685, %add3A_922 : i32
        scf.yield %add3A_923 : i32
      }
      %while3A_585 = arith.constant 1 : i32
      %while3A_586 = scf.for %while3A_684 = %while3A_582 to %while3A_578 step %while3A_585 iter_args(%while3A_685 = %while3A_584) -> (i32)  : i32 {
        %mul3A_686 = arith.constant 16 : i32
        %mul3A_687 = arith.muli %while3A_684, %mul3A_686 : i32
        %sub3A_688 = arith.subi %min3A_571, %mul3A_687 : i32
        %lt3A_689 = vector.broadcast %sub3A_688 : i32 to vector<16xi32>
        %lt3A_690 = arith.cmpi slt, %iota3A, %lt3A_689 : vector<16xi32>
        %add3A_691 = vector.broadcast %mul3A_687 : i32 to vector<16xi32>
        %add3A_692 = arith.addi %iota3A, %add3A_691 : vector<16xi32>
        %gather3A = tpu.vector_load_idx %arg13[%add3A_692] : memref<4112xi32, #tpu.memory_space<vmem>>[vector<16xi32>], vector<16xi32>,
        %add3A_693 = vector.broadcast %mul3A_687 : i32 to vector<16xi32>
        %add3A_694 = arith.addi %iota3A, %add3A_693 : vector<16xi32>
        %gather3A_695 = tpu.vector_load_idx %arg14[%add3A_694] : memref<4112xi32, #tpu.memory_space<vmem>>[vector<16xi32>], vector<16xi32>,
        %add3A_696 = vector.broadcast %mul3A_687 : i32 to vector<16xi32>
        %add3A_697 = arith.addi %iota3A, %add3A_696 : vector<16xi32>
        %gather3A_698 = tpu.vector_load_idx %arg15[%add3A_697] : memref<4112xi32, #tpu.memory_space<vmem>>[vector<16xi32>], vector<16xi32>,
        %add3A_699 = arith.constant 0 : i32
        %add3A_700 = vector.broadcast %add3A_699 : i32 to vector<16xi32>
        %add3A_701 = arith.addi %gather3A_698, %add3A_700 : vector<16xi32>
        %and3A = arith.constant 1 : i32
        %and3A_702 = arith.andi %while3A_685, %and3A : i32
        %ge3A = arith.constant 2 : i32
        %ge3A_703 = arith.cmpi sge, %while3A_685, %ge3A : i32
        %convert_element_type3A_704 = arith.extui %ge3A_703 : i1 to i32
        %cond3A_705 = arith.constant 0 : i32
        %cond3A_706 = arith.cmpi ne, %convert_element_type3A_704, %cond3A_705 : i32
        scf.if %cond3A_706 {
          %dma_wait3A = arith.constant 0 : i32
          %dma_wait3A_924 = arith.constant 0 : i32
          %dma_wait3A_925 = arith.constant 0 : i32
          %dma_wait3A_926 = arith.constant 0 : i32
          %dma_wait3A_927 = tpu.memref_slice %arg17[%dma_wait3A_925, %dma_wait3A_926] : memref<32x128xf32, #tpu.memory_space<vmem>> -> memref<16x128xf32, #tpu.memory_space<vmem>>
          %dma_wait3A_928 = arith.constant 0 : i32
          %dma_wait3A_929 = tpu.memref_slice %arg18[%dma_wait3A, %dma_wait3A_924, %dma_wait3A_928] : memref<2x1x16xi32, #tpu.memory_space<vmem>> -> memref<1x1x16xi32, #tpu.memory_space<vmem>>
          %dma_wait3A_930 = tpu.memref_squeeze %dma_wait3A_929 : memref<1x1x16xi32, #tpu.memory_space<vmem>> -> memref<16xi32, #tpu.memory_space<vmem>>
          %dma_wait3A_931 = arith.constant 0 : i32
          %dma_wait3A_932 = arith.constant 0 : i32
          %dma_wait3A_933 = tpu.memref_slice %arg4[%dma_wait3A_931, %dma_wait3A_932] : memref<36864x128xf32, #tpu.memory_space<hbm>> -> memref<36864x128xf32, #tpu.memory_space<hbm>>
          tpu.wait_indirect_dma semaphore(%arg21 : memref<!tpu.dma_semaphore, #tpu.memory_space<semaphore_mem>>) src(%dma_wait3A_927 : memref<16x128xf32, #tpu.memory_space<vmem>>) dst(%dma_wait3A_933 : memref<36864x128xf32, #tpu.memory_space<hbm>>)
        } else {
        }
        %mul3A_707 = arith.constant 16 : i32
        %mul3A_708 = arith.muli %and3A_702, %mul3A_707 : i32
        %add3A_709 = vector.broadcast %mul3A_708 : i32 to vector<16xi32>
        %add3A_710 = arith.addi %add3A_709, %iota3A : vector<16xi32>
        %broadcast_in_dim3A_711 = arith.constant 0 : i32
        %broadcast_in_dim3A_712 = vector.broadcast %broadcast_in_dim3A_711 : i32 to vector<16xi32>
        %gather3A_713 = tpu.vector_load_idx %arg16[%add3A_701, %broadcast_in_dim3A_712, %gather3A_695] masked %lt3A_690 : memref<8x64x128xf32, #tpu.memory_space<vmem>>[vector<16xi32>, vector<16xi32>, vector<16xi32>], vector<16xf32>, vector<16xi1>
        tpu.vector_store_idx %arg17[%add3A_710, %broadcast_in_dim3A_712], %gather3A_713 : memref<32x128xf32, #tpu.memory_space<vmem>>[vector<16xi32>, vector<16xi32>], vector<16xf32>,
        %broadcast_in_dim3A_714 = arith.constant 1 : i32
        %broadcast_in_dim3A_715 = vector.broadcast %broadcast_in_dim3A_714 : i32 to vector<16xi32>
        %gather3A_716 = tpu.vector_load_idx %arg16[%add3A_701, %broadcast_in_dim3A_715, %gather3A_695] masked %lt3A_690 : memref<8x64x128xf32, #tpu.memory_space<vmem>>[vector<16xi32>, vector<16xi32>, vector<16xi32>], vector<16xf32>, vector<16xi1>
        tpu.vector_store_idx %arg17[%add3A_710, %broadcast_in_dim3A_715], %gather3A_716 : memref<32x128xf32, #tpu.memory_space<vmem>>[vector<16xi32>, vector<16xi32>], vector<16xf32>,
        %broadcast_in_dim3A_717 = arith.constant 2 : i32
        %broadcast_in_dim3A_718 = vector.broadcast %broadcast_in_dim3A_717 : i32 to vector<16xi32>
        %gather3A_719 = tpu.vector_load_idx %arg16[%add3A_701, %broadcast_in_dim3A_718, %gather3A_695] masked %lt3A_690 : memref<8x64x128xf32, #tpu.memory_space<vmem>>[vector<16xi32>, vector<16xi32>, vector<16xi32>], vector<16xf32>, vector<16xi1>
        tpu.vector_store_idx %arg17[%add3A_710, %broadcast_in_dim3A_718], %gather3A_719 : memref<32x128xf32, #tpu.memory_space<vmem>>[vector<16xi32>, vector<16xi32>], vector<16xf32>,
        %broadcast_in_dim3A_720 = arith.constant 3 : i32
        %broadcast_in_dim3A_721 = vector.broadcast %broadcast_in_dim3A_720 : i32 to vector<16xi32>
        %gather3A_722 = tpu.vector_load_idx %arg16[%add3A_701, %broadcast_in_dim3A_721, %gather3A_695] masked %lt3A_690 : memref<8x64x128xf32, #tpu.memory_space<vmem>>[vector<16xi32>, vector<16xi32>, vector<16xi32>], vector<16xf32>, vector<16xi1>
        tpu.vector_store_idx %arg17[%add3A_710, %broadcast_in_dim3A_721], %gather3A_722 : memref<32x128xf32, #tpu.memory_space<vmem>>[vector<16xi32>, vector<16xi32>], vector<16xf32>,
        %broadcast_in_dim3A_723 = arith.constant 4 : i32
        %broadcast_in_dim3A_724 = vector.broadcast %broadcast_in_dim3A_723 : i32 to vector<16xi32>
        %gather3A_725 = tpu.vector_load_idx %arg16[%add3A_701, %broadcast_in_dim3A_724, %gather3A_695] masked %lt3A_690 : memref<8x64x128xf32, #tpu.memory_space<vmem>>[vector<16xi32>, vector<16xi32>, vector<16xi32>], vector<16xf32>, vector<16xi1>
        tpu.vector_store_idx %arg17[%add3A_710, %broadcast_in_dim3A_724], %gather3A_725 : memref<32x128xf32, #tpu.memory_space<vmem>>[vector<16xi32>, vector<16xi32>], vector<16xf32>,
        %broadcast_in_dim3A_726 = arith.constant 5 : i32
        %broadcast_in_dim3A_727 = vector.broadcast %broadcast_in_dim3A_726 : i32 to vector<16xi32>
        %gather3A_728 = tpu.vector_load_idx %arg16[%add3A_701, %broadcast_in_dim3A_727, %gather3A_695] masked %lt3A_690 : memref<8x64x128xf32, #tpu.memory_space<vmem>>[vector<16xi32>, vector<16xi32>, vector<16xi32>], vector<16xf32>, vector<16xi1>
        tpu.vector_store_idx %arg17[%add3A_710, %broadcast_in_dim3A_727], %gather3A_728 : memref<32x128xf32, #tpu.memory_space<vmem>>[vector<16xi32>, vector<16xi32>], vector<16xf32>,
        %broadcast_in_dim3A_729 = arith.constant 6 : i32
        %broadcast_in_dim3A_730 = vector.broadcast %broadcast_in_dim3A_729 : i32 to vector<16xi32>
        %gather3A_731 = tpu.vector_load_idx %arg16[%add3A_701, %broadcast_in_dim3A_730, %gather3A_695] masked %lt3A_690 : memref<8x64x128xf32, #tpu.memory_space<vmem>>[vector<16xi32>, vector<16xi32>, vector<16xi32>], vector<16xf32>, vector<16xi1>
        tpu.vector_store_idx %arg17[%add3A_710, %broadcast_in_dim3A_730], %gather3A_731 : memref<32x128xf32, #tpu.memory_space<vmem>>[vector<16xi32>, vector<16xi32>], vector<16xf32>,
        %broadcast_in_dim3A_732 = arith.constant 7 : i32
        %broadcast_in_dim3A_733 = vector.broadcast %broadcast_in_dim3A_732 : i32 to vector<16xi32>
        %gather3A_734 = tpu.vector_load_idx %arg16[%add3A_701, %broadcast_in_dim3A_733, %gather3A_695] masked %lt3A_690 : memref<8x64x128xf32, #tpu.memory_space<vmem>>[vector<16xi32>, vector<16xi32>, vector<16xi32>], vector<16xf32>, vector<16xi1>
        tpu.vector_store_idx %arg17[%add3A_710, %broadcast_in_dim3A_733], %gather3A_734 : memref<32x128xf32, #tpu.memory_space<vmem>>[vector<16xi32>, vector<16xi32>], vector<16xf32>,
        %broadcast_in_dim3A_735 = arith.constant 8 : i32
        %broadcast_in_dim3A_736 = vector.broadcast %broadcast_in_dim3A_735 : i32 to vector<16xi32>
        %gather3A_737 = tpu.vector_load_idx %arg16[%add3A_701, %broadcast_in_dim3A_736, %gather3A_695] masked %lt3A_690 : memref<8x64x128xf32, #tpu.memory_space<vmem>>[vector<16xi32>, vector<16xi32>, vector<16xi32>], vector<16xf32>, vector<16xi1>
        tpu.vector_store_idx %arg17[%add3A_710, %broadcast_in_dim3A_736], %gather3A_737 : memref<32x128xf32, #tpu.memory_space<vmem>>[vector<16xi32>, vector<16xi32>], vector<16xf32>,
        %broadcast_in_dim3A_738 = arith.constant 9 : i32
        %broadcast_in_dim3A_739 = vector.broadcast %broadcast_in_dim3A_738 : i32 to vector<16xi32>
        %gather3A_740 = tpu.vector_load_idx %arg16[%add3A_701, %broadcast_in_dim3A_739, %gather3A_695] masked %lt3A_690 : memref<8x64x128xf32, #tpu.memory_space<vmem>>[vector<16xi32>, vector<16xi32>, vector<16xi32>], vector<16xf32>, vector<16xi1>
        tpu.vector_store_idx %arg17[%add3A_710, %broadcast_in_dim3A_739], %gather3A_740 : memref<32x128xf32, #tpu.memory_space<vmem>>[vector<16xi32>, vector<16xi32>], vector<16xf32>,
        %broadcast_in_dim3A_741 = arith.constant 10 : i32
        %broadcast_in_dim3A_742 = vector.broadcast %broadcast_in_dim3A_741 : i32 to vector<16xi32>
        %gather3A_743 = tpu.vector_load_idx %arg16[%add3A_701, %broadcast_in_dim3A_742, %gather3A_695] masked %lt3A_690 : memref<8x64x128xf32, #tpu.memory_space<vmem>>[vector<16xi32>, vector<16xi32>, vector<16xi32>], vector<16xf32>, vector<16xi1>
        tpu.vector_store_idx %arg17[%add3A_710, %broadcast_in_dim3A_742], %gather3A_743 : memref<32x128xf32, #tpu.memory_space<vmem>>[vector<16xi32>, vector<16xi32>], vector<16xf32>,
        %broadcast_in_dim3A_744 = arith.constant 11 : i32
        %broadcast_in_dim3A_745 = vector.broadcast %broadcast_in_dim3A_744 : i32 to vector<16xi32>
        %gather3A_746 = tpu.vector_load_idx %arg16[%add3A_701, %broadcast_in_dim3A_745, %gather3A_695] masked %lt3A_690 : memref<8x64x128xf32, #tpu.memory_space<vmem>>[vector<16xi32>, vector<16xi32>, vector<16xi32>], vector<16xf32>, vector<16xi1>
        tpu.vector_store_idx %arg17[%add3A_710, %broadcast_in_dim3A_745], %gather3A_746 : memref<32x128xf32, #tpu.memory_space<vmem>>[vector<16xi32>, vector<16xi32>], vector<16xf32>,
        %broadcast_in_dim3A_747 = arith.constant 12 : i32
        %broadcast_in_dim3A_748 = vector.broadcast %broadcast_in_dim3A_747 : i32 to vector<16xi32>
        %gather3A_749 = tpu.vector_load_idx %arg16[%add3A_701, %broadcast_in_dim3A_748, %gather3A_695] masked %lt3A_690 : memref<8x64x128xf32, #tpu.memory_space<vmem>>[vector<16xi32>, vector<16xi32>, vector<16xi32>], vector<16xf32>, vector<16xi1>
        tpu.vector_store_idx %arg17[%add3A_710, %broadcast_in_dim3A_748], %gather3A_749 : memref<32x128xf32, #tpu.memory_space<vmem>>[vector<16xi32>, vector<16xi32>], vector<16xf32>,
        %broadcast_in_dim3A_750 = arith.constant 13 : i32
        %broadcast_in_dim3A_751 = vector.broadcast %broadcast_in_dim3A_750 : i32 to vector<16xi32>
        %gather3A_752 = tpu.vector_load_idx %arg16[%add3A_701, %broadcast_in_dim3A_751, %gather3A_695] masked %lt3A_690 : memref<8x64x128xf32, #tpu.memory_space<vmem>>[vector<16xi32>, vector<16xi32>, vector<16xi32>], vector<16xf32>, vector<16xi1>
        tpu.vector_store_idx %arg17[%add3A_710, %broadcast_in_dim3A_751], %gather3A_752 : memref<32x128xf32, #tpu.memory_space<vmem>>[vector<16xi32>, vector<16xi32>], vector<16xf32>,
        %broadcast_in_dim3A_753 = arith.constant 14 : i32
        %broadcast_in_dim3A_754 = vector.broadcast %broadcast_in_dim3A_753 : i32 to vector<16xi32>
        %gather3A_755 = tpu.vector_load_idx %arg16[%add3A_701, %broadcast_in_dim3A_754, %gather3A_695] masked %lt3A_690 : memref<8x64x128xf32, #tpu.memory_space<vmem>>[vector<16xi32>, vector<16xi32>, vector<16xi32>], vector<16xf32>, vector<16xi1>
        tpu.vector_store_idx %arg17[%add3A_710, %broadcast_in_dim3A_754], %gather3A_755 : memref<32x128xf32, #tpu.memory_space<vmem>>[vector<16xi32>, vector<16xi32>], vector<16xf32>,
        %broadcast_in_dim3A_756 = arith.constant 15 : i32
        %broadcast_in_dim3A_757 = vector.broadcast %broadcast_in_dim3A_756 : i32 to vector<16xi32>
        %gather3A_758 = tpu.vector_load_idx %arg16[%add3A_701, %broadcast_in_dim3A_757, %gather3A_695] masked %lt3A_690 : memref<8x64x128xf32, #tpu.memory_space<vmem>>[vector<16xi32>, vector<16xi32>, vector<16xi32>], vector<16xf32>, vector<16xi1>
        tpu.vector_store_idx %arg17[%add3A_710, %broadcast_in_dim3A_757], %gather3A_758 : memref<32x128xf32, #tpu.memory_space<vmem>>[vector<16xi32>, vector<16xi32>], vector<16xf32>,
        %broadcast_in_dim3A_759 = arith.constant 16 : i32
        %broadcast_in_dim3A_760 = vector.broadcast %broadcast_in_dim3A_759 : i32 to vector<16xi32>
        %gather3A_761 = tpu.vector_load_idx %arg16[%add3A_701, %broadcast_in_dim3A_760, %gather3A_695] masked %lt3A_690 : memref<8x64x128xf32, #tpu.memory_space<vmem>>[vector<16xi32>, vector<16xi32>, vector<16xi32>], vector<16xf32>, vector<16xi1>
        tpu.vector_store_idx %arg17[%add3A_710, %broadcast_in_dim3A_760], %gather3A_761 : memref<32x128xf32, #tpu.memory_space<vmem>>[vector<16xi32>, vector<16xi32>], vector<16xf32>,
        %broadcast_in_dim3A_762 = arith.constant 17 : i32
        %broadcast_in_dim3A_763 = vector.broadcast %broadcast_in_dim3A_762 : i32 to vector<16xi32>
        %gather3A_764 = tpu.vector_load_idx %arg16[%add3A_701, %broadcast_in_dim3A_763, %gather3A_695] masked %lt3A_690 : memref<8x64x128xf32, #tpu.memory_space<vmem>>[vector<16xi32>, vector<16xi32>, vector<16xi32>], vector<16xf32>, vector<16xi1>
        tpu.vector_store_idx %arg17[%add3A_710, %broadcast_in_dim3A_763], %gather3A_764 : memref<32x128xf32, #tpu.memory_space<vmem>>[vector<16xi32>, vector<16xi32>], vector<16xf32>,
        %broadcast_in_dim3A_765 = arith.constant 18 : i32
        %broadcast_in_dim3A_766 = vector.broadcast %broadcast_in_dim3A_765 : i32 to vector<16xi32>
        %gather3A_767 = tpu.vector_load_idx %arg16[%add3A_701, %broadcast_in_dim3A_766, %gather3A_695] masked %lt3A_690 : memref<8x64x128xf32, #tpu.memory_space<vmem>>[vector<16xi32>, vector<16xi32>, vector<16xi32>], vector<16xf32>, vector<16xi1>
        tpu.vector_store_idx %arg17[%add3A_710, %broadcast_in_dim3A_766], %gather3A_767 : memref<32x128xf32, #tpu.memory_space<vmem>>[vector<16xi32>, vector<16xi32>], vector<16xf32>,
        %broadcast_in_dim3A_768 = arith.constant 19 : i32
        %broadcast_in_dim3A_769 = vector.broadcast %broadcast_in_dim3A_768 : i32 to vector<16xi32>
        %gather3A_770 = tpu.vector_load_idx %arg16[%add3A_701, %broadcast_in_dim3A_769, %gather3A_695] masked %lt3A_690 : memref<8x64x128xf32, #tpu.memory_space<vmem>>[vector<16xi32>, vector<16xi32>, vector<16xi32>], vector<16xf32>, vector<16xi1>
        tpu.vector_store_idx %arg17[%add3A_710, %broadcast_in_dim3A_769], %gather3A_770 : memref<32x128xf32, #tpu.memory_space<vmem>>[vector<16xi32>, vector<16xi32>], vector<16xf32>,
        %broadcast_in_dim3A_771 = arith.constant 20 : i32
        %broadcast_in_dim3A_772 = vector.broadcast %broadcast_in_dim3A_771 : i32 to vector<16xi32>
        %gather3A_773 = tpu.vector_load_idx %arg16[%add3A_701, %broadcast_in_dim3A_772, %gather3A_695] masked %lt3A_690 : memref<8x64x128xf32, #tpu.memory_space<vmem>>[vector<16xi32>, vector<16xi32>, vector<16xi32>], vector<16xf32>, vector<16xi1>
        tpu.vector_store_idx %arg17[%add3A_710, %broadcast_in_dim3A_772], %gather3A_773 : memref<32x128xf32, #tpu.memory_space<vmem>>[vector<16xi32>, vector<16xi32>], vector<16xf32>,
        %broadcast_in_dim3A_774 = arith.constant 21 : i32
        %broadcast_in_dim3A_775 = vector.broadcast %broadcast_in_dim3A_774 : i32 to vector<16xi32>
        %gather3A_776 = tpu.vector_load_idx %arg16[%add3A_701, %broadcast_in_dim3A_775, %gather3A_695] masked %lt3A_690 : memref<8x64x128xf32, #tpu.memory_space<vmem>>[vector<16xi32>, vector<16xi32>, vector<16xi32>], vector<16xf32>, vector<16xi1>
        tpu.vector_store_idx %arg17[%add3A_710, %broadcast_in_dim3A_775], %gather3A_776 : memref<32x128xf32, #tpu.memory_space<vmem>>[vector<16xi32>, vector<16xi32>], vector<16xf32>,
        %broadcast_in_dim3A_777 = arith.constant 22 : i32
        %broadcast_in_dim3A_778 = vector.broadcast %broadcast_in_dim3A_777 : i32 to vector<16xi32>
        %gather3A_779 = tpu.vector_load_idx %arg16[%add3A_701, %broadcast_in_dim3A_778, %gather3A_695] masked %lt3A_690 : memref<8x64x128xf32, #tpu.memory_space<vmem>>[vector<16xi32>, vector<16xi32>, vector<16xi32>], vector<16xf32>, vector<16xi1>
        tpu.vector_store_idx %arg17[%add3A_710, %broadcast_in_dim3A_778], %gather3A_779 : memref<32x128xf32, #tpu.memory_space<vmem>>[vector<16xi32>, vector<16xi32>], vector<16xf32>,
        %broadcast_in_dim3A_780 = arith.constant 23 : i32
        %broadcast_in_dim3A_781 = vector.broadcast %broadcast_in_dim3A_780 : i32 to vector<16xi32>
        %gather3A_782 = tpu.vector_load_idx %arg16[%add3A_701, %broadcast_in_dim3A_781, %gather3A_695] masked %lt3A_690 : memref<8x64x128xf32, #tpu.memory_space<vmem>>[vector<16xi32>, vector<16xi32>, vector<16xi32>], vector<16xf32>, vector<16xi1>
        tpu.vector_store_idx %arg17[%add3A_710, %broadcast_in_dim3A_781], %gather3A_782 : memref<32x128xf32, #tpu.memory_space<vmem>>[vector<16xi32>, vector<16xi32>], vector<16xf32>,
        %broadcast_in_dim3A_783 = arith.constant 24 : i32
        %broadcast_in_dim3A_784 = vector.broadcast %broadcast_in_dim3A_783 : i32 to vector<16xi32>
        %gather3A_785 = tpu.vector_load_idx %arg16[%add3A_701, %broadcast_in_dim3A_784, %gather3A_695] masked %lt3A_690 : memref<8x64x128xf32, #tpu.memory_space<vmem>>[vector<16xi32>, vector<16xi32>, vector<16xi32>], vector<16xf32>, vector<16xi1>
        tpu.vector_store_idx %arg17[%add3A_710, %broadcast_in_dim3A_784], %gather3A_785 : memref<32x128xf32, #tpu.memory_space<vmem>>[vector<16xi32>, vector<16xi32>], vector<16xf32>,
        %broadcast_in_dim3A_786 = arith.constant 25 : i32
        %broadcast_in_dim3A_787 = vector.broadcast %broadcast_in_dim3A_786 : i32 to vector<16xi32>
        %gather3A_788 = tpu.vector_load_idx %arg16[%add3A_701, %broadcast_in_dim3A_787, %gather3A_695] masked %lt3A_690 : memref<8x64x128xf32, #tpu.memory_space<vmem>>[vector<16xi32>, vector<16xi32>, vector<16xi32>], vector<16xf32>, vector<16xi1>
        tpu.vector_store_idx %arg17[%add3A_710, %broadcast_in_dim3A_787], %gather3A_788 : memref<32x128xf32, #tpu.memory_space<vmem>>[vector<16xi32>, vector<16xi32>], vector<16xf32>,
        %broadcast_in_dim3A_789 = arith.constant 26 : i32
        %broadcast_in_dim3A_790 = vector.broadcast %broadcast_in_dim3A_789 : i32 to vector<16xi32>
        %gather3A_791 = tpu.vector_load_idx %arg16[%add3A_701, %broadcast_in_dim3A_790, %gather3A_695] masked %lt3A_690 : memref<8x64x128xf32, #tpu.memory_space<vmem>>[vector<16xi32>, vector<16xi32>, vector<16xi32>], vector<16xf32>, vector<16xi1>
        tpu.vector_store_idx %arg17[%add3A_710, %broadcast_in_dim3A_790], %gather3A_791 : memref<32x128xf32, #tpu.memory_space<vmem>>[vector<16xi32>, vector<16xi32>], vector<16xf32>,
        %broadcast_in_dim3A_792 = arith.constant 27 : i32
        %broadcast_in_dim3A_793 = vector.broadcast %broadcast_in_dim3A_792 : i32 to vector<16xi32>
        %gather3A_794 = tpu.vector_load_idx %arg16[%add3A_701, %broadcast_in_dim3A_793, %gather3A_695] masked %lt3A_690 : memref<8x64x128xf32, #tpu.memory_space<vmem>>[vector<16xi32>, vector<16xi32>, vector<16xi32>], vector<16xf32>, vector<16xi1>
        tpu.vector_store_idx %arg17[%add3A_710, %broadcast_in_dim3A_793], %gather3A_794 : memref<32x128xf32, #tpu.memory_space<vmem>>[vector<16xi32>, vector<16xi32>], vector<16xf32>,
        %broadcast_in_dim3A_795 = arith.constant 28 : i32
        %broadcast_in_dim3A_796 = vector.broadcast %broadcast_in_dim3A_795 : i32 to vector<16xi32>
        %gather3A_797 = tpu.vector_load_idx %arg16[%add3A_701, %broadcast_in_dim3A_796, %gather3A_695] masked %lt3A_690 : memref<8x64x128xf32, #tpu.memory_space<vmem>>[vector<16xi32>, vector<16xi32>, vector<16xi32>], vector<16xf32>, vector<16xi1>
        tpu.vector_store_idx %arg17[%add3A_710, %broadcast_in_dim3A_796], %gather3A_797 : memref<32x128xf32, #tpu.memory_space<vmem>>[vector<16xi32>, vector<16xi32>], vector<16xf32>,
        %broadcast_in_dim3A_798 = arith.constant 29 : i32
        %broadcast_in_dim3A_799 = vector.broadcast %broadcast_in_dim3A_798 : i32 to vector<16xi32>
        %gather3A_800 = tpu.vector_load_idx %arg16[%add3A_701, %broadcast_in_dim3A_799, %gather3A_695] masked %lt3A_690 : memref<8x64x128xf32, #tpu.memory_space<vmem>>[vector<16xi32>, vector<16xi32>, vector<16xi32>], vector<16xf32>, vector<16xi1>
        tpu.vector_store_idx %arg17[%add3A_710, %broadcast_in_dim3A_799], %gather3A_800 : memref<32x128xf32, #tpu.memory_space<vmem>>[vector<16xi32>, vector<16xi32>], vector<16xf32>,
        %broadcast_in_dim3A_801 = arith.constant 30 : i32
        %broadcast_in_dim3A_802 = vector.broadcast %broadcast_in_dim3A_801 : i32 to vector<16xi32>
        %gather3A_803 = tpu.vector_load_idx %arg16[%add3A_701, %broadcast_in_dim3A_802, %gather3A_695] masked %lt3A_690 : memref<8x64x128xf32, #tpu.memory_space<vmem>>[vector<16xi32>, vector<16xi32>, vector<16xi32>], vector<16xf32>, vector<16xi1>
        tpu.vector_store_idx %arg17[%add3A_710, %broadcast_in_dim3A_802], %gather3A_803 : memref<32x128xf32, #tpu.memory_space<vmem>>[vector<16xi32>, vector<16xi32>], vector<16xf32>,
        %broadcast_in_dim3A_804 = arith.constant 31 : i32
        %broadcast_in_dim3A_805 = vector.broadcast %broadcast_in_dim3A_804 : i32 to vector<16xi32>
        %gather3A_806 = tpu.vector_load_idx %arg16[%add3A_701, %broadcast_in_dim3A_805, %gather3A_695] masked %lt3A_690 : memref<8x64x128xf32, #tpu.memory_space<vmem>>[vector<16xi32>, vector<16xi32>, vector<16xi32>], vector<16xf32>, vector<16xi1>
        tpu.vector_store_idx %arg17[%add3A_710, %broadcast_in_dim3A_805], %gather3A_806 : memref<32x128xf32, #tpu.memory_space<vmem>>[vector<16xi32>, vector<16xi32>], vector<16xf32>,
        %broadcast_in_dim3A_807 = arith.constant 32 : i32
        %broadcast_in_dim3A_808 = vector.broadcast %broadcast_in_dim3A_807 : i32 to vector<16xi32>
        %gather3A_809 = tpu.vector_load_idx %arg16[%add3A_701, %broadcast_in_dim3A_808, %gather3A_695] masked %lt3A_690 : memref<8x64x128xf32, #tpu.memory_space<vmem>>[vector<16xi32>, vector<16xi32>, vector<16xi32>], vector<16xf32>, vector<16xi1>
        tpu.vector_store_idx %arg17[%add3A_710, %broadcast_in_dim3A_808], %gather3A_809 : memref<32x128xf32, #tpu.memory_space<vmem>>[vector<16xi32>, vector<16xi32>], vector<16xf32>,
        %broadcast_in_dim3A_810 = arith.constant 33 : i32
        %broadcast_in_dim3A_811 = vector.broadcast %broadcast_in_dim3A_810 : i32 to vector<16xi32>
        %gather3A_812 = tpu.vector_load_idx %arg16[%add3A_701, %broadcast_in_dim3A_811, %gather3A_695] masked %lt3A_690 : memref<8x64x128xf32, #tpu.memory_space<vmem>>[vector<16xi32>, vector<16xi32>, vector<16xi32>], vector<16xf32>, vector<16xi1>
        tpu.vector_store_idx %arg17[%add3A_710, %broadcast_in_dim3A_811], %gather3A_812 : memref<32x128xf32, #tpu.memory_space<vmem>>[vector<16xi32>, vector<16xi32>], vector<16xf32>,
        %broadcast_in_dim3A_813 = arith.constant 34 : i32
        %broadcast_in_dim3A_814 = vector.broadcast %broadcast_in_dim3A_813 : i32 to vector<16xi32>
        %gather3A_815 = tpu.vector_load_idx %arg16[%add3A_701, %broadcast_in_dim3A_814, %gather3A_695] masked %lt3A_690 : memref<8x64x128xf32, #tpu.memory_space<vmem>>[vector<16xi32>, vector<16xi32>, vector<16xi32>], vector<16xf32>, vector<16xi1>
        tpu.vector_store_idx %arg17[%add3A_710, %broadcast_in_dim3A_814], %gather3A_815 : memref<32x128xf32, #tpu.memory_space<vmem>>[vector<16xi32>, vector<16xi32>], vector<16xf32>,
        %broadcast_in_dim3A_816 = arith.constant 35 : i32
        %broadcast_in_dim3A_817 = vector.broadcast %broadcast_in_dim3A_816 : i32 to vector<16xi32>
        %gather3A_818 = tpu.vector_load_idx %arg16[%add3A_701, %broadcast_in_dim3A_817, %gather3A_695] masked %lt3A_690 : memref<8x64x128xf32, #tpu.memory_space<vmem>>[vector<16xi32>, vector<16xi32>, vector<16xi32>], vector<16xf32>, vector<16xi1>
        tpu.vector_store_idx %arg17[%add3A_710, %broadcast_in_dim3A_817], %gather3A_818 : memref<32x128xf32, #tpu.memory_space<vmem>>[vector<16xi32>, vector<16xi32>], vector<16xf32>,
        %broadcast_in_dim3A_819 = arith.constant 36 : i32
        %broadcast_in_dim3A_820 = vector.broadcast %broadcast_in_dim3A_819 : i32 to vector<16xi32>
        %gather3A_821 = tpu.vector_load_idx %arg16[%add3A_701, %broadcast_in_dim3A_820, %gather3A_695] masked %lt3A_690 : memref<8x64x128xf32, #tpu.memory_space<vmem>>[vector<16xi32>, vector<16xi32>, vector<16xi32>], vector<16xf32>, vector<16xi1>
        tpu.vector_store_idx %arg17[%add3A_710, %broadcast_in_dim3A_820], %gather3A_821 : memref<32x128xf32, #tpu.memory_space<vmem>>[vector<16xi32>, vector<16xi32>], vector<16xf32>,
        %broadcast_in_dim3A_822 = arith.constant 37 : i32
        %broadcast_in_dim3A_823 = vector.broadcast %broadcast_in_dim3A_822 : i32 to vector<16xi32>
        %gather3A_824 = tpu.vector_load_idx %arg16[%add3A_701, %broadcast_in_dim3A_823, %gather3A_695] masked %lt3A_690 : memref<8x64x128xf32, #tpu.memory_space<vmem>>[vector<16xi32>, vector<16xi32>, vector<16xi32>], vector<16xf32>, vector<16xi1>
        tpu.vector_store_idx %arg17[%add3A_710, %broadcast_in_dim3A_823], %gather3A_824 : memref<32x128xf32, #tpu.memory_space<vmem>>[vector<16xi32>, vector<16xi32>], vector<16xf32>,
        %broadcast_in_dim3A_825 = arith.constant 38 : i32
        %broadcast_in_dim3A_826 = vector.broadcast %broadcast_in_dim3A_825 : i32 to vector<16xi32>
        %gather3A_827 = tpu.vector_load_idx %arg16[%add3A_701, %broadcast_in_dim3A_826, %gather3A_695] masked %lt3A_690 : memref<8x64x128xf32, #tpu.memory_space<vmem>>[vector<16xi32>, vector<16xi32>, vector<16xi32>], vector<16xf32>, vector<16xi1>
        tpu.vector_store_idx %arg17[%add3A_710, %broadcast_in_dim3A_826], %gather3A_827 : memref<32x128xf32, #tpu.memory_space<vmem>>[vector<16xi32>, vector<16xi32>], vector<16xf32>,
        %broadcast_in_dim3A_828 = arith.constant 39 : i32
        %broadcast_in_dim3A_829 = vector.broadcast %broadcast_in_dim3A_828 : i32 to vector<16xi32>
        %gather3A_830 = tpu.vector_load_idx %arg16[%add3A_701, %broadcast_in_dim3A_829, %gather3A_695] masked %lt3A_690 : memref<8x64x128xf32, #tpu.memory_space<vmem>>[vector<16xi32>, vector<16xi32>, vector<16xi32>], vector<16xf32>, vector<16xi1>
        tpu.vector_store_idx %arg17[%add3A_710, %broadcast_in_dim3A_829], %gather3A_830 : memref<32x128xf32, #tpu.memory_space<vmem>>[vector<16xi32>, vector<16xi32>], vector<16xf32>,
        %broadcast_in_dim3A_831 = arith.constant 40 : i32
        %broadcast_in_dim3A_832 = vector.broadcast %broadcast_in_dim3A_831 : i32 to vector<16xi32>
        %gather3A_833 = tpu.vector_load_idx %arg16[%add3A_701, %broadcast_in_dim3A_832, %gather3A_695] masked %lt3A_690 : memref<8x64x128xf32, #tpu.memory_space<vmem>>[vector<16xi32>, vector<16xi32>, vector<16xi32>], vector<16xf32>, vector<16xi1>
        tpu.vector_store_idx %arg17[%add3A_710, %broadcast_in_dim3A_832], %gather3A_833 : memref<32x128xf32, #tpu.memory_space<vmem>>[vector<16xi32>, vector<16xi32>], vector<16xf32>,
        %broadcast_in_dim3A_834 = arith.constant 41 : i32
        %broadcast_in_dim3A_835 = vector.broadcast %broadcast_in_dim3A_834 : i32 to vector<16xi32>
        %gather3A_836 = tpu.vector_load_idx %arg16[%add3A_701, %broadcast_in_dim3A_835, %gather3A_695] masked %lt3A_690 : memref<8x64x128xf32, #tpu.memory_space<vmem>>[vector<16xi32>, vector<16xi32>, vector<16xi32>], vector<16xf32>, vector<16xi1>
        tpu.vector_store_idx %arg17[%add3A_710, %broadcast_in_dim3A_835], %gather3A_836 : memref<32x128xf32, #tpu.memory_space<vmem>>[vector<16xi32>, vector<16xi32>], vector<16xf32>,
        %broadcast_in_dim3A_837 = arith.constant 42 : i32
        %broadcast_in_dim3A_838 = vector.broadcast %broadcast_in_dim3A_837 : i32 to vector<16xi32>
        %gather3A_839 = tpu.vector_load_idx %arg16[%add3A_701, %broadcast_in_dim3A_838, %gather3A_695] masked %lt3A_690 : memref<8x64x128xf32, #tpu.memory_space<vmem>>[vector<16xi32>, vector<16xi32>, vector<16xi32>], vector<16xf32>, vector<16xi1>
        tpu.vector_store_idx %arg17[%add3A_710, %broadcast_in_dim3A_838], %gather3A_839 : memref<32x128xf32, #tpu.memory_space<vmem>>[vector<16xi32>, vector<16xi32>], vector<16xf32>,
        %broadcast_in_dim3A_840 = arith.constant 43 : i32
        %broadcast_in_dim3A_841 = vector.broadcast %broadcast_in_dim3A_840 : i32 to vector<16xi32>
        %gather3A_842 = tpu.vector_load_idx %arg16[%add3A_701, %broadcast_in_dim3A_841, %gather3A_695] masked %lt3A_690 : memref<8x64x128xf32, #tpu.memory_space<vmem>>[vector<16xi32>, vector<16xi32>, vector<16xi32>], vector<16xf32>, vector<16xi1>
        tpu.vector_store_idx %arg17[%add3A_710, %broadcast_in_dim3A_841], %gather3A_842 : memref<32x128xf32, #tpu.memory_space<vmem>>[vector<16xi32>, vector<16xi32>], vector<16xf32>,
        %broadcast_in_dim3A_843 = arith.constant 44 : i32
        %broadcast_in_dim3A_844 = vector.broadcast %broadcast_in_dim3A_843 : i32 to vector<16xi32>
        %gather3A_845 = tpu.vector_load_idx %arg16[%add3A_701, %broadcast_in_dim3A_844, %gather3A_695] masked %lt3A_690 : memref<8x64x128xf32, #tpu.memory_space<vmem>>[vector<16xi32>, vector<16xi32>, vector<16xi32>], vector<16xf32>, vector<16xi1>
        tpu.vector_store_idx %arg17[%add3A_710, %broadcast_in_dim3A_844], %gather3A_845 : memref<32x128xf32, #tpu.memory_space<vmem>>[vector<16xi32>, vector<16xi32>], vector<16xf32>,
        %broadcast_in_dim3A_846 = arith.constant 45 : i32
        %broadcast_in_dim3A_847 = vector.broadcast %broadcast_in_dim3A_846 : i32 to vector<16xi32>
        %gather3A_848 = tpu.vector_load_idx %arg16[%add3A_701, %broadcast_in_dim3A_847, %gather3A_695] masked %lt3A_690 : memref<8x64x128xf32, #tpu.memory_space<vmem>>[vector<16xi32>, vector<16xi32>, vector<16xi32>], vector<16xf32>, vector<16xi1>
        tpu.vector_store_idx %arg17[%add3A_710, %broadcast_in_dim3A_847], %gather3A_848 : memref<32x128xf32, #tpu.memory_space<vmem>>[vector<16xi32>, vector<16xi32>], vector<16xf32>,
        %broadcast_in_dim3A_849 = arith.constant 46 : i32
        %broadcast_in_dim3A_850 = vector.broadcast %broadcast_in_dim3A_849 : i32 to vector<16xi32>
        %gather3A_851 = tpu.vector_load_idx %arg16[%add3A_701, %broadcast_in_dim3A_850, %gather3A_695] masked %lt3A_690 : memref<8x64x128xf32, #tpu.memory_space<vmem>>[vector<16xi32>, vector<16xi32>, vector<16xi32>], vector<16xf32>, vector<16xi1>
        tpu.vector_store_idx %arg17[%add3A_710, %broadcast_in_dim3A_850], %gather3A_851 : memref<32x128xf32, #tpu.memory_space<vmem>>[vector<16xi32>, vector<16xi32>], vector<16xf32>,
        %broadcast_in_dim3A_852 = arith.constant 47 : i32
        %broadcast_in_dim3A_853 = vector.broadcast %broadcast_in_dim3A_852 : i32 to vector<16xi32>
        %gather3A_854 = tpu.vector_load_idx %arg16[%add3A_701, %broadcast_in_dim3A_853, %gather3A_695] masked %lt3A_690 : memref<8x64x128xf32, #tpu.memory_space<vmem>>[vector<16xi32>, vector<16xi32>, vector<16xi32>], vector<16xf32>, vector<16xi1>
        tpu.vector_store_idx %arg17[%add3A_710, %broadcast_in_dim3A_853], %gather3A_854 : memref<32x128xf32, #tpu.memory_space<vmem>>[vector<16xi32>, vector<16xi32>], vector<16xf32>,
        %broadcast_in_dim3A_855 = arith.constant 48 : i32
        %broadcast_in_dim3A_856 = vector.broadcast %broadcast_in_dim3A_855 : i32 to vector<16xi32>
        %gather3A_857 = tpu.vector_load_idx %arg16[%add3A_701, %broadcast_in_dim3A_856, %gather3A_695] masked %lt3A_690 : memref<8x64x128xf32, #tpu.memory_space<vmem>>[vector<16xi32>, vector<16xi32>, vector<16xi32>], vector<16xf32>, vector<16xi1>
        tpu.vector_store_idx %arg17[%add3A_710, %broadcast_in_dim3A_856], %gather3A_857 : memref<32x128xf32, #tpu.memory_space<vmem>>[vector<16xi32>, vector<16xi32>], vector<16xf32>,
        %broadcast_in_dim3A_858 = arith.constant 49 : i32
        %broadcast_in_dim3A_859 = vector.broadcast %broadcast_in_dim3A_858 : i32 to vector<16xi32>
        %gather3A_860 = tpu.vector_load_idx %arg16[%add3A_701, %broadcast_in_dim3A_859, %gather3A_695] masked %lt3A_690 : memref<8x64x128xf32, #tpu.memory_space<vmem>>[vector<16xi32>, vector<16xi32>, vector<16xi32>], vector<16xf32>, vector<16xi1>
        tpu.vector_store_idx %arg17[%add3A_710, %broadcast_in_dim3A_859], %gather3A_860 : memref<32x128xf32, #tpu.memory_space<vmem>>[vector<16xi32>, vector<16xi32>], vector<16xf32>,
        %broadcast_in_dim3A_861 = arith.constant 50 : i32
        %broadcast_in_dim3A_862 = vector.broadcast %broadcast_in_dim3A_861 : i32 to vector<16xi32>
        %gather3A_863 = tpu.vector_load_idx %arg16[%add3A_701, %broadcast_in_dim3A_862, %gather3A_695] masked %lt3A_690 : memref<8x64x128xf32, #tpu.memory_space<vmem>>[vector<16xi32>, vector<16xi32>, vector<16xi32>], vector<16xf32>, vector<16xi1>
        tpu.vector_store_idx %arg17[%add3A_710, %broadcast_in_dim3A_862], %gather3A_863 : memref<32x128xf32, #tpu.memory_space<vmem>>[vector<16xi32>, vector<16xi32>], vector<16xf32>,
        %broadcast_in_dim3A_864 = arith.constant 51 : i32
        %broadcast_in_dim3A_865 = vector.broadcast %broadcast_in_dim3A_864 : i32 to vector<16xi32>
        %gather3A_866 = tpu.vector_load_idx %arg16[%add3A_701, %broadcast_in_dim3A_865, %gather3A_695] masked %lt3A_690 : memref<8x64x128xf32, #tpu.memory_space<vmem>>[vector<16xi32>, vector<16xi32>, vector<16xi32>], vector<16xf32>, vector<16xi1>
        tpu.vector_store_idx %arg17[%add3A_710, %broadcast_in_dim3A_865], %gather3A_866 : memref<32x128xf32, #tpu.memory_space<vmem>>[vector<16xi32>, vector<16xi32>], vector<16xf32>,
        %broadcast_in_dim3A_867 = arith.constant 52 : i32
        %broadcast_in_dim3A_868 = vector.broadcast %broadcast_in_dim3A_867 : i32 to vector<16xi32>
        %gather3A_869 = tpu.vector_load_idx %arg16[%add3A_701, %broadcast_in_dim3A_868, %gather3A_695] masked %lt3A_690 : memref<8x64x128xf32, #tpu.memory_space<vmem>>[vector<16xi32>, vector<16xi32>, vector<16xi32>], vector<16xf32>, vector<16xi1>
        tpu.vector_store_idx %arg17[%add3A_710, %broadcast_in_dim3A_868], %gather3A_869 : memref<32x128xf32, #tpu.memory_space<vmem>>[vector<16xi32>, vector<16xi32>], vector<16xf32>,
        %broadcast_in_dim3A_870 = arith.constant 53 : i32
        %broadcast_in_dim3A_871 = vector.broadcast %broadcast_in_dim3A_870 : i32 to vector<16xi32>
        %gather3A_872 = tpu.vector_load_idx %arg16[%add3A_701, %broadcast_in_dim3A_871, %gather3A_695] masked %lt3A_690 : memref<8x64x128xf32, #tpu.memory_space<vmem>>[vector<16xi32>, vector<16xi32>, vector<16xi32>], vector<16xf32>, vector<16xi1>
        tpu.vector_store_idx %arg17[%add3A_710, %broadcast_in_dim3A_871], %gather3A_872 : memref<32x128xf32, #tpu.memory_space<vmem>>[vector<16xi32>, vector<16xi32>], vector<16xf32>,
        %broadcast_in_dim3A_873 = arith.constant 54 : i32
        %broadcast_in_dim3A_874 = vector.broadcast %broadcast_in_dim3A_873 : i32 to vector<16xi32>
        %gather3A_875 = tpu.vector_load_idx %arg16[%add3A_701, %broadcast_in_dim3A_874, %gather3A_695] masked %lt3A_690 : memref<8x64x128xf32, #tpu.memory_space<vmem>>[vector<16xi32>, vector<16xi32>, vector<16xi32>], vector<16xf32>, vector<16xi1>
        tpu.vector_store_idx %arg17[%add3A_710, %broadcast_in_dim3A_874], %gather3A_875 : memref<32x128xf32, #tpu.memory_space<vmem>>[vector<16xi32>, vector<16xi32>], vector<16xf32>,
        %broadcast_in_dim3A_876 = arith.constant 55 : i32
        %broadcast_in_dim3A_877 = vector.broadcast %broadcast_in_dim3A_876 : i32 to vector<16xi32>
        %gather3A_878 = tpu.vector_load_idx %arg16[%add3A_701, %broadcast_in_dim3A_877, %gather3A_695] masked %lt3A_690 : memref<8x64x128xf32, #tpu.memory_space<vmem>>[vector<16xi32>, vector<16xi32>, vector<16xi32>], vector<16xf32>, vector<16xi1>
        tpu.vector_store_idx %arg17[%add3A_710, %broadcast_in_dim3A_877], %gather3A_878 : memref<32x128xf32, #tpu.memory_space<vmem>>[vector<16xi32>, vector<16xi32>], vector<16xf32>,
        %broadcast_in_dim3A_879 = arith.constant 56 : i32
        %broadcast_in_dim3A_880 = vector.broadcast %broadcast_in_dim3A_879 : i32 to vector<16xi32>
        %gather3A_881 = tpu.vector_load_idx %arg16[%add3A_701, %broadcast_in_dim3A_880, %gather3A_695] masked %lt3A_690 : memref<8x64x128xf32, #tpu.memory_space<vmem>>[vector<16xi32>, vector<16xi32>, vector<16xi32>], vector<16xf32>, vector<16xi1>
        tpu.vector_store_idx %arg17[%add3A_710, %broadcast_in_dim3A_880], %gather3A_881 : memref<32x128xf32, #tpu.memory_space<vmem>>[vector<16xi32>, vector<16xi32>], vector<16xf32>,
        %broadcast_in_dim3A_882 = arith.constant 57 : i32
        %broadcast_in_dim3A_883 = vector.broadcast %broadcast_in_dim3A_882 : i32 to vector<16xi32>
        %gather3A_884 = tpu.vector_load_idx %arg16[%add3A_701, %broadcast_in_dim3A_883, %gather3A_695] masked %lt3A_690 : memref<8x64x128xf32, #tpu.memory_space<vmem>>[vector<16xi32>, vector<16xi32>, vector<16xi32>], vector<16xf32>, vector<16xi1>
        tpu.vector_store_idx %arg17[%add3A_710, %broadcast_in_dim3A_883], %gather3A_884 : memref<32x128xf32, #tpu.memory_space<vmem>>[vector<16xi32>, vector<16xi32>], vector<16xf32>,
        %broadcast_in_dim3A_885 = arith.constant 58 : i32
        %broadcast_in_dim3A_886 = vector.broadcast %broadcast_in_dim3A_885 : i32 to vector<16xi32>
        %gather3A_887 = tpu.vector_load_idx %arg16[%add3A_701, %broadcast_in_dim3A_886, %gather3A_695] masked %lt3A_690 : memref<8x64x128xf32, #tpu.memory_space<vmem>>[vector<16xi32>, vector<16xi32>, vector<16xi32>], vector<16xf32>, vector<16xi1>
        tpu.vector_store_idx %arg17[%add3A_710, %broadcast_in_dim3A_886], %gather3A_887 : memref<32x128xf32, #tpu.memory_space<vmem>>[vector<16xi32>, vector<16xi32>], vector<16xf32>,
        %broadcast_in_dim3A_888 = arith.constant 59 : i32
        %broadcast_in_dim3A_889 = vector.broadcast %broadcast_in_dim3A_888 : i32 to vector<16xi32>
        %gather3A_890 = tpu.vector_load_idx %arg16[%add3A_701, %broadcast_in_dim3A_889, %gather3A_695] masked %lt3A_690 : memref<8x64x128xf32, #tpu.memory_space<vmem>>[vector<16xi32>, vector<16xi32>, vector<16xi32>], vector<16xf32>, vector<16xi1>
        tpu.vector_store_idx %arg17[%add3A_710, %broadcast_in_dim3A_889], %gather3A_890 : memref<32x128xf32, #tpu.memory_space<vmem>>[vector<16xi32>, vector<16xi32>], vector<16xf32>,
        %broadcast_in_dim3A_891 = arith.constant 60 : i32
        %broadcast_in_dim3A_892 = vector.broadcast %broadcast_in_dim3A_891 : i32 to vector<16xi32>
        %gather3A_893 = tpu.vector_load_idx %arg16[%add3A_701, %broadcast_in_dim3A_892, %gather3A_695] masked %lt3A_690 : memref<8x64x128xf32, #tpu.memory_space<vmem>>[vector<16xi32>, vector<16xi32>, vector<16xi32>], vector<16xf32>, vector<16xi1>
        tpu.vector_store_idx %arg17[%add3A_710, %broadcast_in_dim3A_892], %gather3A_893 : memref<32x128xf32, #tpu.memory_space<vmem>>[vector<16xi32>, vector<16xi32>], vector<16xf32>,
        %broadcast_in_dim3A_894 = arith.constant 61 : i32
        %broadcast_in_dim3A_895 = vector.broadcast %broadcast_in_dim3A_894 : i32 to vector<16xi32>
        %gather3A_896 = tpu.vector_load_idx %arg16[%add3A_701, %broadcast_in_dim3A_895, %gather3A_695] masked %lt3A_690 : memref<8x64x128xf32, #tpu.memory_space<vmem>>[vector<16xi32>, vector<16xi32>, vector<16xi32>], vector<16xf32>, vector<16xi1>
        tpu.vector_store_idx %arg17[%add3A_710, %broadcast_in_dim3A_895], %gather3A_896 : memref<32x128xf32, #tpu.memory_space<vmem>>[vector<16xi32>, vector<16xi32>], vector<16xf32>,
        %broadcast_in_dim3A_897 = arith.constant 62 : i32
        %broadcast_in_dim3A_898 = vector.broadcast %broadcast_in_dim3A_897 : i32 to vector<16xi32>
        %gather3A_899 = tpu.vector_load_idx %arg16[%add3A_701, %broadcast_in_dim3A_898, %gather3A_695] masked %lt3A_690 : memref<8x64x128xf32, #tpu.memory_space<vmem>>[vector<16xi32>, vector<16xi32>, vector<16xi32>], vector<16xf32>, vector<16xi1>
        tpu.vector_store_idx %arg17[%add3A_710, %broadcast_in_dim3A_898], %gather3A_899 : memref<32x128xf32, #tpu.memory_space<vmem>>[vector<16xi32>, vector<16xi32>], vector<16xf32>,
        %broadcast_in_dim3A_900 = arith.constant 63 : i32
        %broadcast_in_dim3A_901 = vector.broadcast %broadcast_in_dim3A_900 : i32 to vector<16xi32>
        %gather3A_902 = tpu.vector_load_idx %arg16[%add3A_701, %broadcast_in_dim3A_901, %gather3A_695] masked %lt3A_690 : memref<8x64x128xf32, #tpu.memory_space<vmem>>[vector<16xi32>, vector<16xi32>, vector<16xi32>], vector<16xf32>, vector<16xi1>
        tpu.vector_store_idx %arg17[%add3A_710, %broadcast_in_dim3A_901], %gather3A_902 : memref<32x128xf32, #tpu.memory_space<vmem>>[vector<16xi32>, vector<16xi32>], vector<16xf32>,
        %add3A_903 = arith.constant 32768 : i32
        %add3A_904 = arith.addi %add3A_903, %add3A : i32
        %broadcast_in_dim3A_905 = vector.broadcast %add3A_904 : i32 to vector<16xi32>
        %select_n3A = arith.select %lt3A_690, %gather3A, %broadcast_in_dim3A_905 : vector<16xi1>, vector<16xi32>
        %swap3A_906 = arith.constant 0 : i32
        %swap3A_907 = arith.index_cast %and3A_702 : i32 to index
        %swap3A_908 = arith.index_cast %swap3A_906 : i32 to index
        %swap3A_909 = arith.constant 0 : index
        %swap3A_910 = tpu.vector_load %arg18[%swap3A_907, %swap3A_908, %swap3A_909] {strides = array<i32>} : memref<2x1x16xi32, #tpu.memory_space<vmem>>, vector<16xi32>,
        tpu.vector_store %arg18[%swap3A_907, %swap3A_908, %swap3A_909], %select_n3A {strides = array<i32>} : memref<2x1x16xi32, #tpu.memory_space<vmem>>, vector<16xi32>,
        %mul3A_911 = arith.constant 16 : i32
        %mul3A_912 = arith.muli %and3A_702, %mul3A_911 : i32
        %dma_start3A_913 = arith.constant 0 : i32
        %dma_start3A_914 = arith.constant 0 : i32
        %dma_start3A_915 = tpu.memref_slice %arg17[%mul3A_912, %dma_start3A_914] : memref<32x128xf32, #tpu.memory_space<vmem>> -> memref<16x128xf32, #tpu.memory_space<vmem>>
        %dma_start3A_916 = arith.constant 0 : i32
        %dma_start3A_917 = tpu.memref_slice %arg18[%and3A_702, %dma_start3A_913, %dma_start3A_916] : memref<2x1x16xi32, #tpu.memory_space<vmem>> -> memref<1x1x16xi32, #tpu.memory_space<vmem>>
        %dma_start3A_918 = tpu.memref_squeeze %dma_start3A_917 : memref<1x1x16xi32, #tpu.memory_space<vmem>> -> memref<16xi32, #tpu.memory_space<vmem>>
        %dma_start3A_919 = arith.constant 0 : i32
        %dma_start3A_920 = arith.constant 0 : i32
        %dma_start3A_921 = tpu.memref_slice %arg4[%dma_start3A_919, %dma_start3A_920] : memref<36864x128xf32, #tpu.memory_space<hbm>> -> memref<36864x128xf32, #tpu.memory_space<hbm>>
        tpu.enqueue_indirect_dma source(%dma_start3A_915 : memref<16x128xf32, #tpu.memory_space<vmem>>) target(%dma_start3A_921 : memref<36864x128xf32, #tpu.memory_space<hbm>>) offsets(%dma_start3A_918 : memref<16xi32, #tpu.memory_space<vmem>>) semaphore(%arg21 : memref<!tpu.dma_semaphore, #tpu.memory_space<semaphore_mem>>)
        %add3A_922 = arith.constant 1 : i32
        %add3A_923 = arith.addi %while3A_685, %add3A_922 : i32
        scf.yield %add3A_923 : i32
      }
      %add3A_587 = arith.constant 2 : i32
      %add3A_588 = arith.addi %mul3A_491, %add3A_587 : i32
      %mul3A_589 = arith.constant 4 : i32
      %mul3A_590 = arith.muli %add3A_588, %mul3A_589 : i32
      %add3A_591 = arith.constant 0 : i32
      %add3A_592 = arith.addi %mul3A_590, %add3A_591 : i32
      %lt3A_593 = arith.cmpi slt, %add3A_592, %add3A_430 : i32
      %convert_element_type3A_594 = arith.extui %lt3A_593 : i1 to i32
      %cond3A_595 = arith.constant 0 : i32
      %cond3A_596 = arith.cmpi ne, %convert_element_type3A_594, %cond3A_595 : i32
      scf.if %cond3A_596 {
        %get3A_684 = arith.index_cast %add3A_592 : i32 to index
        %get3A_685 = tpu.vector_load %arg12[%get3A_684] {strides = array<i32>} : memref<272xi32, #tpu.memory_space<vmem>>, vector<16xi32>,
        %slice3A_686 = vector.extract_strided_slice %get3A_685 {offsets = [0], sizes = [1], strides = [1]} : vector<16xi32> to vector<1xi32>
        %squeeze3A_687 = vector.extract %slice3A_686[0] : i32 from vector<1xi32>
        %mul3A_688 = arith.constant 32 : i32
        %mul3A_689 = arith.muli %squeeze3A_687, %mul3A_688 : i32
        %add3A_690 = arith.addi %mul3A_689, %add3A : i32
        %mul3A_691 = arith.constant 128 : i32
        %mul3A_692 = arith.muli %add3A_690, %mul3A_691 : i32
        %multiple_of3A = tpu.assume_multiple %mul3A_692, 128 : i32
        %dma_start3A_693 = arith.constant 0 : i32
        %dma_start3A_694 = arith.constant 0 : i32
        %dma_start3A_695 = arith.constant 0 : i32
        %dma_start3A_696 = tpu.memref_slice %arg16[%dma_start3A_693, %dma_start3A_694, %dma_start3A_695] : memref<8x64x128xf32, #tpu.memory_space<vmem>> -> memref<1x64x128xf32, #tpu.memory_space<vmem>>
        %dma_start3A_697 = tpu.memref_squeeze %dma_start3A_696 : memref<1x64x128xf32, #tpu.memory_space<vmem>> -> memref<64x128xf32, #tpu.memory_space<vmem>>
        %dma_start3A_698 = arith.constant 0 : i32
        %dma_start3A_699 = tpu.memref_slice %arg3[%dma_start3A_698, %multiple_of3A] : memref<64x1000000xf32, #tpu.memory_space<hbm>> -> memref<64x128xf32, #tpu.memory_space<hbm>>
        %dma_start3A_700 = arith.constant 0 : i32
        %dma_start3A_701 = arith.constant 0 : i32
        %dma_start3A_702 = tpu.memref_slice %arg16[%dma_start3A_693, %dma_start3A_700, %dma_start3A_701] : memref<8x64x128xf32, #tpu.memory_space<vmem>> -> memref<1x64x128xf32, #tpu.memory_space<vmem>>
        %dma_start3A_703 = tpu.memref_squeeze %dma_start3A_702 : memref<1x64x128xf32, #tpu.memory_space<vmem>> -> memref<64x128xf32, #tpu.memory_space<vmem>>
        %dma_start3A_704 = arith.constant 0 : i32
        %dma_start3A_705 = tpu.memref_slice %arg3[%dma_start3A_704, %multiple_of3A] : memref<64x1000000xf32, #tpu.memory_space<hbm>> -> memref<64x128xf32, #tpu.memory_space<hbm>>
        tpu.enqueue_dma source(%dma_start3A_705 : memref<64x128xf32, #tpu.memory_space<hbm>>) target(%dma_start3A_703 : memref<64x128xf32, #tpu.memory_space<vmem>>) target_semaphore(%arg20 : memref<!tpu.dma_semaphore, #tpu.memory_space<semaphore_mem>>)
      } else {
      }
      %mul3A_597 = arith.constant 4 : i32
      %mul3A_598 = arith.muli %add3A_588, %mul3A_597 : i32
      %add3A_599 = arith.constant 1 : i32
      %add3A_600 = arith.addi %mul3A_598, %add3A_599 : i32
      %lt3A_601 = arith.cmpi slt, %add3A_600, %add3A_430 : i32
      %convert_element_type3A_602 = arith.extui %lt3A_601 : i1 to i32
      %cond3A_603 = arith.constant 0 : i32
      %cond3A_604 = arith.cmpi ne, %convert_element_type3A_602, %cond3A_603 : i32
      scf.if %cond3A_604 {
        %get3A_684 = arith.index_cast %add3A_600 : i32 to index
        %get3A_685 = tpu.vector_load %arg12[%get3A_684] {strides = array<i32>} : memref<272xi32, #tpu.memory_space<vmem>>, vector<16xi32>,
        %slice3A_686 = vector.extract_strided_slice %get3A_685 {offsets = [0], sizes = [1], strides = [1]} : vector<16xi32> to vector<1xi32>
        %squeeze3A_687 = vector.extract %slice3A_686[0] : i32 from vector<1xi32>
        %mul3A_688 = arith.constant 32 : i32
        %mul3A_689 = arith.muli %squeeze3A_687, %mul3A_688 : i32
        %add3A_690 = arith.addi %mul3A_689, %add3A : i32
        %mul3A_691 = arith.constant 128 : i32
        %mul3A_692 = arith.muli %add3A_690, %mul3A_691 : i32
        %multiple_of3A = tpu.assume_multiple %mul3A_692, 128 : i32
        %dma_start3A_693 = arith.constant 1 : i32
        %dma_start3A_694 = arith.constant 0 : i32
        %dma_start3A_695 = arith.constant 0 : i32
        %dma_start3A_696 = tpu.memref_slice %arg16[%dma_start3A_693, %dma_start3A_694, %dma_start3A_695] : memref<8x64x128xf32, #tpu.memory_space<vmem>> -> memref<1x64x128xf32, #tpu.memory_space<vmem>>
        %dma_start3A_697 = tpu.memref_squeeze %dma_start3A_696 : memref<1x64x128xf32, #tpu.memory_space<vmem>> -> memref<64x128xf32, #tpu.memory_space<vmem>>
        %dma_start3A_698 = arith.constant 0 : i32
        %dma_start3A_699 = tpu.memref_slice %arg3[%dma_start3A_698, %multiple_of3A] : memref<64x1000000xf32, #tpu.memory_space<hbm>> -> memref<64x128xf32, #tpu.memory_space<hbm>>
        %dma_start3A_700 = arith.constant 0 : i32
        %dma_start3A_701 = arith.constant 0 : i32
        %dma_start3A_702 = tpu.memref_slice %arg16[%dma_start3A_693, %dma_start3A_700, %dma_start3A_701] : memref<8x64x128xf32, #tpu.memory_space<vmem>> -> memref<1x64x128xf32, #tpu.memory_space<vmem>>
        %dma_start3A_703 = tpu.memref_squeeze %dma_start3A_702 : memref<1x64x128xf32, #tpu.memory_space<vmem>> -> memref<64x128xf32, #tpu.memory_space<vmem>>
        %dma_start3A_704 = arith.constant 0 : i32
        %dma_start3A_705 = tpu.memref_slice %arg3[%dma_start3A_704, %multiple_of3A] : memref<64x1000000xf32, #tpu.memory_space<hbm>> -> memref<64x128xf32, #tpu.memory_space<hbm>>
        tpu.enqueue_dma source(%dma_start3A_705 : memref<64x128xf32, #tpu.memory_space<hbm>>) target(%dma_start3A_703 : memref<64x128xf32, #tpu.memory_space<vmem>>) target_semaphore(%arg20 : memref<!tpu.dma_semaphore, #tpu.memory_space<semaphore_mem>>)
      } else {
      }
      %mul3A_605 = arith.constant 4 : i32
      %mul3A_606 = arith.muli %add3A_588, %mul3A_605 : i32
      %add3A_607 = arith.constant 2 : i32
      %add3A_608 = arith.addi %mul3A_606, %add3A_607 : i32
      %lt3A_609 = arith.cmpi slt, %add3A_608, %add3A_430 : i32
      %convert_element_type3A_610 = arith.extui %lt3A_609 : i1 to i32
      %cond3A_611 = arith.constant 0 : i32
      %cond3A_612 = arith.cmpi ne, %convert_element_type3A_610, %cond3A_611 : i32
      scf.if %cond3A_612 {
        %get3A_684 = arith.index_cast %add3A_608 : i32 to index
        %get3A_685 = tpu.vector_load %arg12[%get3A_684] {strides = array<i32>} : memref<272xi32, #tpu.memory_space<vmem>>, vector<16xi32>,
        %slice3A_686 = vector.extract_strided_slice %get3A_685 {offsets = [0], sizes = [1], strides = [1]} : vector<16xi32> to vector<1xi32>
        %squeeze3A_687 = vector.extract %slice3A_686[0] : i32 from vector<1xi32>
        %mul3A_688 = arith.constant 32 : i32
        %mul3A_689 = arith.muli %squeeze3A_687, %mul3A_688 : i32
        %add3A_690 = arith.addi %mul3A_689, %add3A : i32
        %mul3A_691 = arith.constant 128 : i32
        %mul3A_692 = arith.muli %add3A_690, %mul3A_691 : i32
        %multiple_of3A = tpu.assume_multiple %mul3A_692, 128 : i32
        %dma_start3A_693 = arith.constant 2 : i32
        %dma_start3A_694 = arith.constant 0 : i32
        %dma_start3A_695 = arith.constant 0 : i32
        %dma_start3A_696 = tpu.memref_slice %arg16[%dma_start3A_693, %dma_start3A_694, %dma_start3A_695] : memref<8x64x128xf32, #tpu.memory_space<vmem>> -> memref<1x64x128xf32, #tpu.memory_space<vmem>>
        %dma_start3A_697 = tpu.memref_squeeze %dma_start3A_696 : memref<1x64x128xf32, #tpu.memory_space<vmem>> -> memref<64x128xf32, #tpu.memory_space<vmem>>
        %dma_start3A_698 = arith.constant 0 : i32
        %dma_start3A_699 = tpu.memref_slice %arg3[%dma_start3A_698, %multiple_of3A] : memref<64x1000000xf32, #tpu.memory_space<hbm>> -> memref<64x128xf32, #tpu.memory_space<hbm>>
        %dma_start3A_700 = arith.constant 0 : i32
        %dma_start3A_701 = arith.constant 0 : i32
        %dma_start3A_702 = tpu.memref_slice %arg16[%dma_start3A_693, %dma_start3A_700, %dma_start3A_701] : memref<8x64x128xf32, #tpu.memory_space<vmem>> -> memref<1x64x128xf32, #tpu.memory_space<vmem>>
        %dma_start3A_703 = tpu.memref_squeeze %dma_start3A_702 : memref<1x64x128xf32, #tpu.memory_space<vmem>> -> memref<64x128xf32, #tpu.memory_space<vmem>>
        %dma_start3A_704 = arith.constant 0 : i32
        %dma_start3A_705 = tpu.memref_slice %arg3[%dma_start3A_704, %multiple_of3A] : memref<64x1000000xf32, #tpu.memory_space<hbm>> -> memref<64x128xf32, #tpu.memory_space<hbm>>
        tpu.enqueue_dma source(%dma_start3A_705 : memref<64x128xf32, #tpu.memory_space<hbm>>) target(%dma_start3A_703 : memref<64x128xf32, #tpu.memory_space<vmem>>) target_semaphore(%arg20 : memref<!tpu.dma_semaphore, #tpu.memory_space<semaphore_mem>>)
      } else {
      }
      %mul3A_613 = arith.constant 4 : i32
      %mul3A_614 = arith.muli %add3A_588, %mul3A_613 : i32
      %add3A_615 = arith.constant 3 : i32
      %add3A_616 = arith.addi %mul3A_614, %add3A_615 : i32
      %lt3A_617 = arith.cmpi slt, %add3A_616, %add3A_430 : i32
      %convert_element_type3A_618 = arith.extui %lt3A_617 : i1 to i32
      %cond3A_619 = arith.constant 0 : i32
      %cond3A_620 = arith.cmpi ne, %convert_element_type3A_618, %cond3A_619 : i32
      scf.if %cond3A_620 {
        %get3A_684 = arith.index_cast %add3A_616 : i32 to index
        %get3A_685 = tpu.vector_load %arg12[%get3A_684] {strides = array<i32>} : memref<272xi32, #tpu.memory_space<vmem>>, vector<16xi32>,
        %slice3A_686 = vector.extract_strided_slice %get3A_685 {offsets = [0], sizes = [1], strides = [1]} : vector<16xi32> to vector<1xi32>
        %squeeze3A_687 = vector.extract %slice3A_686[0] : i32 from vector<1xi32>
        %mul3A_688 = arith.constant 32 : i32
        %mul3A_689 = arith.muli %squeeze3A_687, %mul3A_688 : i32
        %add3A_690 = arith.addi %mul3A_689, %add3A : i32
        %mul3A_691 = arith.constant 128 : i32
        %mul3A_692 = arith.muli %add3A_690, %mul3A_691 : i32
        %multiple_of3A = tpu.assume_multiple %mul3A_692, 128 : i32
        %dma_start3A_693 = arith.constant 3 : i32
        %dma_start3A_694 = arith.constant 0 : i32
        %dma_start3A_695 = arith.constant 0 : i32
        %dma_start3A_696 = tpu.memref_slice %arg16[%dma_start3A_693, %dma_start3A_694, %dma_start3A_695] : memref<8x64x128xf32, #tpu.memory_space<vmem>> -> memref<1x64x128xf32, #tpu.memory_space<vmem>>
        %dma_start3A_697 = tpu.memref_squeeze %dma_start3A_696 : memref<1x64x128xf32, #tpu.memory_space<vmem>> -> memref<64x128xf32, #tpu.memory_space<vmem>>
        %dma_start3A_698 = arith.constant 0 : i32
        %dma_start3A_699 = tpu.memref_slice %arg3[%dma_start3A_698, %multiple_of3A] : memref<64x1000000xf32, #tpu.memory_space<hbm>> -> memref<64x128xf32, #tpu.memory_space<hbm>>
        %dma_start3A_700 = arith.constant 0 : i32
        %dma_start3A_701 = arith.constant 0 : i32
        %dma_start3A_702 = tpu.memref_slice %arg16[%dma_start3A_693, %dma_start3A_700, %dma_start3A_701] : memref<8x64x128xf32, #tpu.memory_space<vmem>> -> memref<1x64x128xf32, #tpu.memory_space<vmem>>
        %dma_start3A_703 = tpu.memref_squeeze %dma_start3A_702 : memref<1x64x128xf32, #tpu.memory_space<vmem>> -> memref<64x128xf32, #tpu.memory_space<vmem>>
        %dma_start3A_704 = arith.constant 0 : i32
        %dma_start3A_705 = tpu.memref_slice %arg3[%dma_start3A_704, %multiple_of3A] : memref<64x1000000xf32, #tpu.memory_space<hbm>> -> memref<64x128xf32, #tpu.memory_space<hbm>>
        tpu.enqueue_dma source(%dma_start3A_705 : memref<64x128xf32, #tpu.memory_space<hbm>>) target(%dma_start3A_703 : memref<64x128xf32, #tpu.memory_space<vmem>>) target_semaphore(%arg20 : memref<!tpu.dma_semaphore, #tpu.memory_space<semaphore_mem>>)
      } else {
      }
      %add3A_621 = arith.constant 1 : i32
      %add3A_622 = arith.addi %mul3A_491, %add3A_621 : i32
      %mul3A_623 = arith.constant 4 : i32
      %mul3A_624 = arith.muli %add3A_622, %mul3A_623 : i32
      %add3A_625 = arith.constant 0 : i32
      %add3A_626 = arith.addi %mul3A_624, %add3A_625 : i32
      %lt3A_627 = arith.cmpi slt, %add3A_626, %add3A_430 : i32
      %convert_element_type3A_628 = arith.extui %lt3A_627 : i1 to i32
      %cond3A_629 = arith.constant 0 : i32
      %cond3A_630 = arith.cmpi ne, %convert_element_type3A_628, %cond3A_629 : i32
      scf.if %cond3A_630 {
        %dma_wait3A = arith.constant 4 : i32
        %dma_wait3A_684 = arith.constant 0 : i32
        %dma_wait3A_685 = arith.constant 0 : i32
        %dma_wait3A_686 = tpu.memref_slice %arg16[%dma_wait3A, %dma_wait3A_684, %dma_wait3A_685] : memref<8x64x128xf32, #tpu.memory_space<vmem>> -> memref<1x64x128xf32, #tpu.memory_space<vmem>>
        %dma_wait3A_687 = tpu.memref_squeeze %dma_wait3A_686 : memref<1x64x128xf32, #tpu.memory_space<vmem>> -> memref<64x128xf32, #tpu.memory_space<vmem>>
        %dma_wait3A_688 = arith.constant 0 : i32
        %dma_wait3A_689 = arith.constant 0 : i32
        %dma_wait3A_690 = tpu.memref_slice %arg3[%dma_wait3A_688, %dma_wait3A_689] : memref<64x1000000xf32, #tpu.memory_space<hbm>> -> memref<64x128xf32, #tpu.memory_space<hbm>>
        %dma_wait3A_691 = arith.constant 0 : i32
        %dma_wait3A_692 = arith.constant 0 : i32
        %dma_wait3A_693 = tpu.memref_slice %arg16[%dma_wait3A, %dma_wait3A_691, %dma_wait3A_692] : memref<8x64x128xf32, #tpu.memory_space<vmem>> -> memref<1x64x128xf32, #tpu.memory_space<vmem>>
        %dma_wait3A_694 = tpu.memref_squeeze %dma_wait3A_693 : memref<1x64x128xf32, #tpu.memory_space<vmem>> -> memref<64x128xf32, #tpu.memory_space<vmem>>
        %dma_wait3A_695 = arith.constant 0 : i32
        %dma_wait3A_696 = arith.constant 0 : i32
        %dma_wait3A_697 = tpu.memref_slice %arg3[%dma_wait3A_695, %dma_wait3A_696] : memref<64x1000000xf32, #tpu.memory_space<hbm>> -> memref<64x128xf32, #tpu.memory_space<hbm>>
        tpu.wait_dma2 semaphore(%arg19 : memref<!tpu.dma_semaphore, #tpu.memory_space<semaphore_mem>>) src(%dma_wait3A_697 : memref<64x128xf32, #tpu.memory_space<hbm>>) dst(%dma_wait3A_694 : memref<64x128xf32, #tpu.memory_space<vmem>>)
      } else {
      }
      %mul3A_631 = arith.constant 4 : i32
      %mul3A_632 = arith.muli %add3A_622, %mul3A_631 : i32
      %add3A_633 = arith.constant 1 : i32
      %add3A_634 = arith.addi %mul3A_632, %add3A_633 : i32
      %lt3A_635 = arith.cmpi slt, %add3A_634, %add3A_430 : i32
      %convert_element_type3A_636 = arith.extui %lt3A_635 : i1 to i32
      %cond3A_637 = arith.constant 0 : i32
      %cond3A_638 = arith.cmpi ne, %convert_element_type3A_636, %cond3A_637 : i32
      scf.if %cond3A_638 {
        %dma_wait3A = arith.constant 5 : i32
        %dma_wait3A_684 = arith.constant 0 : i32
        %dma_wait3A_685 = arith.constant 0 : i32
        %dma_wait3A_686 = tpu.memref_slice %arg16[%dma_wait3A, %dma_wait3A_684, %dma_wait3A_685] : memref<8x64x128xf32, #tpu.memory_space<vmem>> -> memref<1x64x128xf32, #tpu.memory_space<vmem>>
        %dma_wait3A_687 = tpu.memref_squeeze %dma_wait3A_686 : memref<1x64x128xf32, #tpu.memory_space<vmem>> -> memref<64x128xf32, #tpu.memory_space<vmem>>
        %dma_wait3A_688 = arith.constant 0 : i32
        %dma_wait3A_689 = arith.constant 0 : i32
        %dma_wait3A_690 = tpu.memref_slice %arg3[%dma_wait3A_688, %dma_wait3A_689] : memref<64x1000000xf32, #tpu.memory_space<hbm>> -> memref<64x128xf32, #tpu.memory_space<hbm>>
        %dma_wait3A_691 = arith.constant 0 : i32
        %dma_wait3A_692 = arith.constant 0 : i32
        %dma_wait3A_693 = tpu.memref_slice %arg16[%dma_wait3A, %dma_wait3A_691, %dma_wait3A_692] : memref<8x64x128xf32, #tpu.memory_space<vmem>> -> memref<1x64x128xf32, #tpu.memory_space<vmem>>
        %dma_wait3A_694 = tpu.memref_squeeze %dma_wait3A_693 : memref<1x64x128xf32, #tpu.memory_space<vmem>> -> memref<64x128xf32, #tpu.memory_space<vmem>>
        %dma_wait3A_695 = arith.constant 0 : i32
        %dma_wait3A_696 = arith.constant 0 : i32
        %dma_wait3A_697 = tpu.memref_slice %arg3[%dma_wait3A_695, %dma_wait3A_696] : memref<64x1000000xf32, #tpu.memory_space<hbm>> -> memref<64x128xf32, #tpu.memory_space<hbm>>
        tpu.wait_dma2 semaphore(%arg19 : memref<!tpu.dma_semaphore, #tpu.memory_space<semaphore_mem>>) src(%dma_wait3A_697 : memref<64x128xf32, #tpu.memory_space<hbm>>) dst(%dma_wait3A_694 : memref<64x128xf32, #tpu.memory_space<vmem>>)
      } else {
      }
      %mul3A_639 = arith.constant 4 : i32
      %mul3A_640 = arith.muli %add3A_622, %mul3A_639 : i32
      %add3A_641 = arith.constant 2 : i32
      %add3A_642 = arith.addi %mul3A_640, %add3A_641 : i32
      %lt3A_643 = arith.cmpi slt, %add3A_642, %add3A_430 : i32
      %convert_element_type3A_644 = arith.extui %lt3A_643 : i1 to i32
      %cond3A_645 = arith.constant 0 : i32
      %cond3A_646 = arith.cmpi ne, %convert_element_type3A_644, %cond3A_645 : i32
      scf.if %cond3A_646 {
        %dma_wait3A = arith.constant 6 : i32
        %dma_wait3A_684 = arith.constant 0 : i32
        %dma_wait3A_685 = arith.constant 0 : i32
        %dma_wait3A_686 = tpu.memref_slice %arg16[%dma_wait3A, %dma_wait3A_684, %dma_wait3A_685] : memref<8x64x128xf32, #tpu.memory_space<vmem>> -> memref<1x64x128xf32, #tpu.memory_space<vmem>>
        %dma_wait3A_687 = tpu.memref_squeeze %dma_wait3A_686 : memref<1x64x128xf32, #tpu.memory_space<vmem>> -> memref<64x128xf32, #tpu.memory_space<vmem>>
        %dma_wait3A_688 = arith.constant 0 : i32
        %dma_wait3A_689 = arith.constant 0 : i32
        %dma_wait3A_690 = tpu.memref_slice %arg3[%dma_wait3A_688, %dma_wait3A_689] : memref<64x1000000xf32, #tpu.memory_space<hbm>> -> memref<64x128xf32, #tpu.memory_space<hbm>>
        %dma_wait3A_691 = arith.constant 0 : i32
        %dma_wait3A_692 = arith.constant 0 : i32
        %dma_wait3A_693 = tpu.memref_slice %arg16[%dma_wait3A, %dma_wait3A_691, %dma_wait3A_692] : memref<8x64x128xf32, #tpu.memory_space<vmem>> -> memref<1x64x128xf32, #tpu.memory_space<vmem>>
        %dma_wait3A_694 = tpu.memref_squeeze %dma_wait3A_693 : memref<1x64x128xf32, #tpu.memory_space<vmem>> -> memref<64x128xf32, #tpu.memory_space<vmem>>
        %dma_wait3A_695 = arith.constant 0 : i32
        %dma_wait3A_696 = arith.constant 0 : i32
        %dma_wait3A_697 = tpu.memref_slice %arg3[%dma_wait3A_695, %dma_wait3A_696] : memref<64x1000000xf32, #tpu.memory_space<hbm>> -> memref<64x128xf32, #tpu.memory_space<hbm>>
        tpu.wait_dma2 semaphore(%arg19 : memref<!tpu.dma_semaphore, #tpu.memory_space<semaphore_mem>>) src(%dma_wait3A_697 : memref<64x128xf32, #tpu.memory_space<hbm>>) dst(%dma_wait3A_694 : memref<64x128xf32, #tpu.memory_space<vmem>>)
      } else {
      }
      %mul3A_647 = arith.constant 4 : i32
      %mul3A_648 = arith.muli %add3A_622, %mul3A_647 : i32
      %add3A_649 = arith.constant 3 : i32
      %add3A_650 = arith.addi %mul3A_648, %add3A_649 : i32
      %lt3A_651 = arith.cmpi slt, %add3A_650, %add3A_430 : i32
      %convert_element_type3A_652 = arith.extui %lt3A_651 : i1 to i32
      %cond3A_653 = arith.constant 0 : i32
      %cond3A_654 = arith.cmpi ne, %convert_element_type3A_652, %cond3A_653 : i32
      scf.if %cond3A_654 {
        %dma_wait3A = arith.constant 7 : i32
        %dma_wait3A_684 = arith.constant 0 : i32
        %dma_wait3A_685 = arith.constant 0 : i32
        %dma_wait3A_686 = tpu.memref_slice %arg16[%dma_wait3A, %dma_wait3A_684, %dma_wait3A_685] : memref<8x64x128xf32, #tpu.memory_space<vmem>> -> memref<1x64x128xf32, #tpu.memory_space<vmem>>
        %dma_wait3A_687 = tpu.memref_squeeze %dma_wait3A_686 : memref<1x64x128xf32, #tpu.memory_space<vmem>> -> memref<64x128xf32, #tpu.memory_space<vmem>>
        %dma_wait3A_688 = arith.constant 0 : i32
        %dma_wait3A_689 = arith.constant 0 : i32
        %dma_wait3A_690 = tpu.memref_slice %arg3[%dma_wait3A_688, %dma_wait3A_689] : memref<64x1000000xf32, #tpu.memory_space<hbm>> -> memref<64x128xf32, #tpu.memory_space<hbm>>
        %dma_wait3A_691 = arith.constant 0 : i32
        %dma_wait3A_692 = arith.constant 0 : i32
        %dma_wait3A_693 = tpu.memref_slice %arg16[%dma_wait3A, %dma_wait3A_691, %dma_wait3A_692] : memref<8x64x128xf32, #tpu.memory_space<vmem>> -> memref<1x64x128xf32, #tpu.memory_space<vmem>>
        %dma_wait3A_694 = tpu.memref_squeeze %dma_wait3A_693 : memref<1x64x128xf32, #tpu.memory_space<vmem>> -> memref<64x128xf32, #tpu.memory_space<vmem>>
        %dma_wait3A_695 = arith.constant 0 : i32
        %dma_wait3A_696 = arith.constant 0 : i32
        %dma_wait3A_697 = tpu.memref_slice %arg3[%dma_wait3A_695, %dma_wait3A_696] : memref<64x1000000xf32, #tpu.memory_space<hbm>> -> memref<64x128xf32, #tpu.memory_space<hbm>>
        tpu.wait_dma2 semaphore(%arg19 : memref<!tpu.dma_semaphore, #tpu.memory_space<semaphore_mem>>) src(%dma_wait3A_697 : memref<64x128xf32, #tpu.memory_space<hbm>>) dst(%dma_wait3A_694 : memref<64x128xf32, #tpu.memory_space<vmem>>)
      } else {
      }
      %while3A_655 = arith.constant 0 : i32
      %while3A_656 = arith.constant 0 : i32
      %while3A_657 = arith.subi %shift_right_arithmetic3A_27, %while3A_655 : i32
      %while3A_658 = arith.addi %while3A_655, %while3A_657 : i32
      %while3A_659 = arith.constant 1 : i32
      %while3A_660 = arith.divsi %while3A_657, %while3A_659 : i32
      %while3A_661 = arith.muli %while3A_660, %while3A_659 : i32
      %while3A_662 = arith.addi %while3A_655, %while3A_661 : i32
      %while3A_663 = arith.constant 1 : i32
      %while3A_664 = scf.for %while3A_684 = %while3A_655 to %while3A_662 step %while3A_663 iter_args(%while3A_685 = %while3A_656) -> (i32)  : i32 {
        %mul3A_686 = arith.constant 16 : i32
        %mul3A_687 = arith.muli %while3A_684, %mul3A_686 : i32
        %add3A_688 = vector.broadcast %mul3A_687 : i32 to vector<16xi32>
        %add3A_689 = arith.addi %iota3A, %add3A_688 : vector<16xi32>
        %gather3A = tpu.vector_load_idx %arg9[%add3A_689] : memref<4112xi32, #tpu.memory_space<vmem>>[vector<16xi32>], vector<16xi32>,
        %sub3A_690 = arith.subi %min3A_24, %mul3A_687 : i32
        %lt3A_691 = vector.broadcast %sub3A_690 : i32 to vector<16xi32>
        %lt3A_692 = arith.cmpi slt, %iota3A, %lt3A_691 : vector<16xi32>
        %shift_right_arithmetic3A_693 = arith.constant 2 : i32
        %shift_right_arithmetic3A_694 = vector.broadcast %shift_right_arithmetic3A_693 : i32 to vector<16xi32>
        %shift_right_arithmetic3A_695 = arith.shrsi %gather3A, %shift_right_arithmetic3A_694 : vector<16xi32>
        %eq3A = vector.broadcast %add3A_622 : i32 to vector<16xi32>
        %eq3A_696 = arith.cmpi eq, %shift_right_arithmetic3A_695, %eq3A : vector<16xi32>
        %and3A = arith.andi %lt3A_692, %eq3A_696 : vector<16xi1>
        %all_reduce_population_count3A_697 = tpu.all_reduce %and3A {dim = 0 : i64, kind = #tpu.reduction_kind<sum>} : vector<16xi1> -> vector<16xi32>
        %slice3A_698 = vector.extract_strided_slice %all_reduce_population_count3A_697 {offsets = [0], sizes = [1], strides = [1]} : vector<16xi32> to vector<1xi32>
        %squeeze3A_699 = vector.extract %slice3A_698[0] : i32 from vector<1xi32>
        %gt3A = arith.constant 0 : i32
        %gt3A_700 = arith.cmpi sgt, %squeeze3A_699, %gt3A : i32
        %convert_element_type3A_701 = arith.extui %gt3A_700 : i1 to i32
        %cond3A_702 = arith.constant 0 : i32
        %cond3A_703 = arith.cmpi ne, %convert_element_type3A_701, %cond3A_702 : i32
        scf.if %cond3A_703 {
          %min3A_705 = arith.constant 4096 : i32
          %min3A_706 = arith.minsi %while3A_685, %min3A_705 : i32
          %add3A_707 = vector.broadcast %mul3A_687 : i32 to vector<16xi32>
          %add3A_708 = arith.addi %iota3A, %add3A_707 : vector<16xi32>
          %gather3A_709 = tpu.vector_load_idx %arg8[%add3A_708] : memref<4112xi32, #tpu.memory_space<vmem>>[vector<16xi32>], vector<16xi32>,
          %swap3A_710 = arith.index_cast %min3A_706 : i32 to index
          %swap3A_711 = tpu.vector_load %arg13[%swap3A_710] masked %and3A {strides = array<i32>} : memref<4112xi32, #tpu.memory_space<vmem>>, vector<16xi32>, vector<16xi1>
          tpu.vector_store %arg13[%swap3A_710], %gather3A_709 masked %and3A {strides = array<i32>} : memref<4112xi32, #tpu.memory_space<vmem>>, vector<16xi32>, vector<16xi1>
          %add3A_712 = vector.broadcast %mul3A_687 : i32 to vector<16xi32>
          %add3A_713 = arith.addi %iota3A, %add3A_712 : vector<16xi32>
          %gather3A_714 = tpu.vector_load_idx %arg6[%add3A_713] : memref<4112xi32, #tpu.memory_space<vmem>>[vector<16xi32>], vector<16xi32>,
          %swap3A_715 = arith.index_cast %min3A_706 : i32 to index
          %swap3A_716 = tpu.vector_load %arg14[%swap3A_715] masked %and3A {strides = array<i32>} : memref<4112xi32, #tpu.memory_space<vmem>>, vector<16xi32>, vector<16xi1>
          tpu.vector_store %arg14[%swap3A_715], %gather3A_714 masked %and3A {strides = array<i32>} : memref<4112xi32, #tpu.memory_space<vmem>>, vector<16xi32>, vector<16xi1>
          %and3A_717 = arith.constant 3 : i32
          %and3A_718 = vector.broadcast %and3A_717 : i32 to vector<16xi32>
          %and3A_719 = arith.andi %gather3A, %and3A_718 : vector<16xi32>
          %swap3A_720 = arith.index_cast %min3A_706 : i32 to index
          %swap3A_721 = tpu.vector_load %arg15[%swap3A_720] masked %and3A {strides = array<i32>} : memref<4112xi32, #tpu.memory_space<vmem>>, vector<16xi32>, vector<16xi1>
          tpu.vector_store %arg15[%swap3A_720], %and3A_719 masked %and3A {strides = array<i32>} : memref<4112xi32, #tpu.memory_space<vmem>>, vector<16xi32>, vector<16xi1>
        } else {
        }
        %add3A_704 = arith.addi %while3A_685, %squeeze3A_699 : i32
        scf.yield %add3A_704 : i32
      }
      %while3A_665 = arith.constant 1 : i32
      %while3A_666 = scf.for %while3A_684 = %while3A_662 to %while3A_658 step %while3A_665 iter_args(%while3A_685 = %while3A_664) -> (i32)  : i32 {
        %mul3A_686 = arith.constant 16 : i32
        %mul3A_687 = arith.muli %while3A_684, %mul3A_686 : i32
        %add3A_688 = vector.broadcast %mul3A_687 : i32 to vector<16xi32>
        %add3A_689 = arith.addi %iota3A, %add3A_688 : vector<16xi32>
        %gather3A = tpu.vector_load_idx %arg9[%add3A_689] : memref<4112xi32, #tpu.memory_space<vmem>>[vector<16xi32>], vector<16xi32>,
        %sub3A_690 = arith.subi %min3A_24, %mul3A_687 : i32
        %lt3A_691 = vector.broadcast %sub3A_690 : i32 to vector<16xi32>
        %lt3A_692 = arith.cmpi slt, %iota3A, %lt3A_691 : vector<16xi32>
        %shift_right_arithmetic3A_693 = arith.constant 2 : i32
        %shift_right_arithmetic3A_694 = vector.broadcast %shift_right_arithmetic3A_693 : i32 to vector<16xi32>
        %shift_right_arithmetic3A_695 = arith.shrsi %gather3A, %shift_right_arithmetic3A_694 : vector<16xi32>
        %eq3A = vector.broadcast %add3A_622 : i32 to vector<16xi32>
        %eq3A_696 = arith.cmpi eq, %shift_right_arithmetic3A_695, %eq3A : vector<16xi32>
        %and3A = arith.andi %lt3A_692, %eq3A_696 : vector<16xi1>
        %all_reduce_population_count3A_697 = tpu.all_reduce %and3A {dim = 0 : i64, kind = #tpu.reduction_kind<sum>} : vector<16xi1> -> vector<16xi32>
        %slice3A_698 = vector.extract_strided_slice %all_reduce_population_count3A_697 {offsets = [0], sizes = [1], strides = [1]} : vector<16xi32> to vector<1xi32>
        %squeeze3A_699 = vector.extract %slice3A_698[0] : i32 from vector<1xi32>
        %gt3A = arith.constant 0 : i32
        %gt3A_700 = arith.cmpi sgt, %squeeze3A_699, %gt3A : i32
        %convert_element_type3A_701 = arith.extui %gt3A_700 : i1 to i32
        %cond3A_702 = arith.constant 0 : i32
        %cond3A_703 = arith.cmpi ne, %convert_element_type3A_701, %cond3A_702 : i32
        scf.if %cond3A_703 {
          %min3A_705 = arith.constant 4096 : i32
          %min3A_706 = arith.minsi %while3A_685, %min3A_705 : i32
          %add3A_707 = vector.broadcast %mul3A_687 : i32 to vector<16xi32>
          %add3A_708 = arith.addi %iota3A, %add3A_707 : vector<16xi32>
          %gather3A_709 = tpu.vector_load_idx %arg8[%add3A_708] : memref<4112xi32, #tpu.memory_space<vmem>>[vector<16xi32>], vector<16xi32>,
          %swap3A_710 = arith.index_cast %min3A_706 : i32 to index
          %swap3A_711 = tpu.vector_load %arg13[%swap3A_710] masked %and3A {strides = array<i32>} : memref<4112xi32, #tpu.memory_space<vmem>>, vector<16xi32>, vector<16xi1>
          tpu.vector_store %arg13[%swap3A_710], %gather3A_709 masked %and3A {strides = array<i32>} : memref<4112xi32, #tpu.memory_space<vmem>>, vector<16xi32>, vector<16xi1>
          %add3A_712 = vector.broadcast %mul3A_687 : i32 to vector<16xi32>
          %add3A_713 = arith.addi %iota3A, %add3A_712 : vector<16xi32>
          %gather3A_714 = tpu.vector_load_idx %arg6[%add3A_713] : memref<4112xi32, #tpu.memory_space<vmem>>[vector<16xi32>], vector<16xi32>,
          %swap3A_715 = arith.index_cast %min3A_706 : i32 to index
          %swap3A_716 = tpu.vector_load %arg14[%swap3A_715] masked %and3A {strides = array<i32>} : memref<4112xi32, #tpu.memory_space<vmem>>, vector<16xi32>, vector<16xi1>
          tpu.vector_store %arg14[%swap3A_715], %gather3A_714 masked %and3A {strides = array<i32>} : memref<4112xi32, #tpu.memory_space<vmem>>, vector<16xi32>, vector<16xi1>
          %and3A_717 = arith.constant 3 : i32
          %and3A_718 = vector.broadcast %and3A_717 : i32 to vector<16xi32>
          %and3A_719 = arith.andi %gather3A, %and3A_718 : vector<16xi32>
          %swap3A_720 = arith.index_cast %min3A_706 : i32 to index
          %swap3A_721 = tpu.vector_load %arg15[%swap3A_720] masked %and3A {strides = array<i32>} : memref<4112xi32, #tpu.memory_space<vmem>>, vector<16xi32>, vector<16xi1>
          tpu.vector_store %arg15[%swap3A_720], %and3A_719 masked %and3A {strides = array<i32>} : memref<4112xi32, #tpu.memory_space<vmem>>, vector<16xi32>, vector<16xi1>
        } else {
        }
        %add3A_704 = arith.addi %while3A_685, %squeeze3A_699 : i32
        scf.yield %add3A_704 : i32
      }
      %min3A_667 = arith.constant 4096 : i32
      %min3A_668 = arith.minsi %while3A_666, %min3A_667 : i32
      %add3A_669 = arith.constant 15 : i32
      %add3A_670 = arith.addi %min3A_668, %add3A_669 : i32
      %shift_right_arithmetic3A_671 = arith.constant 4 : i32
      %shift_right_arithmetic3A_672 = arith.shrsi %add3A_670, %shift_right_arithmetic3A_671 : i32
      %while3A_673 = arith.constant 0 : i32
      %while3A_674 = arith.subi %shift_right_arithmetic3A_672, %while3A_673 : i32
      %while3A_675 = arith.addi %while3A_673, %while3A_674 : i32
      %while3A_676 = arith.constant 1 : i32
      %while3A_677 = arith.divsi %while3A_674, %while3A_676 : i32
      %while3A_678 = arith.muli %while3A_677, %while3A_676 : i32
      %while3A_679 = arith.addi %while3A_673, %while3A_678 : i32
      %while3A_680 = arith.constant 1 : i32
      %while3A_681 = scf.for %while3A_684 = %while3A_673 to %while3A_679 step %while3A_680 iter_args(%while3A_685 = %while3A_586) -> (i32)  : i32 {
        %mul3A_686 = arith.constant 16 : i32
        %mul3A_687 = arith.muli %while3A_684, %mul3A_686 : i32
        %sub3A_688 = arith.subi %min3A_668, %mul3A_687 : i32
        %lt3A_689 = vector.broadcast %sub3A_688 : i32 to vector<16xi32>
        %lt3A_690 = arith.cmpi slt, %iota3A, %lt3A_689 : vector<16xi32>
        %add3A_691 = vector.broadcast %mul3A_687 : i32 to vector<16xi32>
        %add3A_692 = arith.addi %iota3A, %add3A_691 : vector<16xi32>
        %gather3A = tpu.vector_load_idx %arg13[%add3A_692] : memref<4112xi32, #tpu.memory_space<vmem>>[vector<16xi32>], vector<16xi32>,
        %add3A_693 = vector.broadcast %mul3A_687 : i32 to vector<16xi32>
        %add3A_694 = arith.addi %iota3A, %add3A_693 : vector<16xi32>
        %gather3A_695 = tpu.vector_load_idx %arg14[%add3A_694] : memref<4112xi32, #tpu.memory_space<vmem>>[vector<16xi32>], vector<16xi32>,
        %add3A_696 = vector.broadcast %mul3A_687 : i32 to vector<16xi32>
        %add3A_697 = arith.addi %iota3A, %add3A_696 : vector<16xi32>
        %gather3A_698 = tpu.vector_load_idx %arg15[%add3A_697] : memref<4112xi32, #tpu.memory_space<vmem>>[vector<16xi32>], vector<16xi32>,
        %add3A_699 = arith.constant 4 : i32
        %add3A_700 = vector.broadcast %add3A_699 : i32 to vector<16xi32>
        %add3A_701 = arith.addi %gather3A_698, %add3A_700 : vector<16xi32>
        %and3A = arith.constant 1 : i32
        %and3A_702 = arith.andi %while3A_685, %and3A : i32
        %ge3A = arith.constant 2 : i32
        %ge3A_703 = arith.cmpi sge, %while3A_685, %ge3A : i32
        %convert_element_type3A_704 = arith.extui %ge3A_703 : i1 to i32
        %cond3A_705 = arith.constant 0 : i32
        %cond3A_706 = arith.cmpi ne, %convert_element_type3A_704, %cond3A_705 : i32
        scf.if %cond3A_706 {
          %dma_wait3A = arith.constant 0 : i32
          %dma_wait3A_924 = arith.constant 0 : i32
          %dma_wait3A_925 = arith.constant 0 : i32
          %dma_wait3A_926 = arith.constant 0 : i32
          %dma_wait3A_927 = tpu.memref_slice %arg17[%dma_wait3A_925, %dma_wait3A_926] : memref<32x128xf32, #tpu.memory_space<vmem>> -> memref<16x128xf32, #tpu.memory_space<vmem>>
          %dma_wait3A_928 = arith.constant 0 : i32
          %dma_wait3A_929 = tpu.memref_slice %arg18[%dma_wait3A, %dma_wait3A_924, %dma_wait3A_928] : memref<2x1x16xi32, #tpu.memory_space<vmem>> -> memref<1x1x16xi32, #tpu.memory_space<vmem>>
          %dma_wait3A_930 = tpu.memref_squeeze %dma_wait3A_929 : memref<1x1x16xi32, #tpu.memory_space<vmem>> -> memref<16xi32, #tpu.memory_space<vmem>>
          %dma_wait3A_931 = arith.constant 0 : i32
          %dma_wait3A_932 = arith.constant 0 : i32
          %dma_wait3A_933 = tpu.memref_slice %arg4[%dma_wait3A_931, %dma_wait3A_932] : memref<36864x128xf32, #tpu.memory_space<hbm>> -> memref<36864x128xf32, #tpu.memory_space<hbm>>
          tpu.wait_indirect_dma semaphore(%arg21 : memref<!tpu.dma_semaphore, #tpu.memory_space<semaphore_mem>>) src(%dma_wait3A_927 : memref<16x128xf32, #tpu.memory_space<vmem>>) dst(%dma_wait3A_933 : memref<36864x128xf32, #tpu.memory_space<hbm>>)
        } else {
        }
        %mul3A_707 = arith.constant 16 : i32
        %mul3A_708 = arith.muli %and3A_702, %mul3A_707 : i32
        %add3A_709 = vector.broadcast %mul3A_708 : i32 to vector<16xi32>
        %add3A_710 = arith.addi %add3A_709, %iota3A : vector<16xi32>
        %broadcast_in_dim3A_711 = arith.constant 0 : i32
        %broadcast_in_dim3A_712 = vector.broadcast %broadcast_in_dim3A_711 : i32 to vector<16xi32>
        %gather3A_713 = tpu.vector_load_idx %arg16[%add3A_701, %broadcast_in_dim3A_712, %gather3A_695] masked %lt3A_690 : memref<8x64x128xf32, #tpu.memory_space<vmem>>[vector<16xi32>, vector<16xi32>, vector<16xi32>], vector<16xf32>, vector<16xi1>
        tpu.vector_store_idx %arg17[%add3A_710, %broadcast_in_dim3A_712], %gather3A_713 : memref<32x128xf32, #tpu.memory_space<vmem>>[vector<16xi32>, vector<16xi32>], vector<16xf32>,
        %broadcast_in_dim3A_714 = arith.constant 1 : i32
        %broadcast_in_dim3A_715 = vector.broadcast %broadcast_in_dim3A_714 : i32 to vector<16xi32>
        %gather3A_716 = tpu.vector_load_idx %arg16[%add3A_701, %broadcast_in_dim3A_715, %gather3A_695] masked %lt3A_690 : memref<8x64x128xf32, #tpu.memory_space<vmem>>[vector<16xi32>, vector<16xi32>, vector<16xi32>], vector<16xf32>, vector<16xi1>
        tpu.vector_store_idx %arg17[%add3A_710, %broadcast_in_dim3A_715], %gather3A_716 : memref<32x128xf32, #tpu.memory_space<vmem>>[vector<16xi32>, vector<16xi32>], vector<16xf32>,
        %broadcast_in_dim3A_717 = arith.constant 2 : i32
        %broadcast_in_dim3A_718 = vector.broadcast %broadcast_in_dim3A_717 : i32 to vector<16xi32>
        %gather3A_719 = tpu.vector_load_idx %arg16[%add3A_701, %broadcast_in_dim3A_718, %gather3A_695] masked %lt3A_690 : memref<8x64x128xf32, #tpu.memory_space<vmem>>[vector<16xi32>, vector<16xi32>, vector<16xi32>], vector<16xf32>, vector<16xi1>
        tpu.vector_store_idx %arg17[%add3A_710, %broadcast_in_dim3A_718], %gather3A_719 : memref<32x128xf32, #tpu.memory_space<vmem>>[vector<16xi32>, vector<16xi32>], vector<16xf32>,
        %broadcast_in_dim3A_720 = arith.constant 3 : i32
        %broadcast_in_dim3A_721 = vector.broadcast %broadcast_in_dim3A_720 : i32 to vector<16xi32>
        %gather3A_722 = tpu.vector_load_idx %arg16[%add3A_701, %broadcast_in_dim3A_721, %gather3A_695] masked %lt3A_690 : memref<8x64x128xf32, #tpu.memory_space<vmem>>[vector<16xi32>, vector<16xi32>, vector<16xi32>], vector<16xf32>, vector<16xi1>
        tpu.vector_store_idx %arg17[%add3A_710, %broadcast_in_dim3A_721], %gather3A_722 : memref<32x128xf32, #tpu.memory_space<vmem>>[vector<16xi32>, vector<16xi32>], vector<16xf32>,
        %broadcast_in_dim3A_723 = arith.constant 4 : i32
        %broadcast_in_dim3A_724 = vector.broadcast %broadcast_in_dim3A_723 : i32 to vector<16xi32>
        %gather3A_725 = tpu.vector_load_idx %arg16[%add3A_701, %broadcast_in_dim3A_724, %gather3A_695] masked %lt3A_690 : memref<8x64x128xf32, #tpu.memory_space<vmem>>[vector<16xi32>, vector<16xi32>, vector<16xi32>], vector<16xf32>, vector<16xi1>
        tpu.vector_store_idx %arg17[%add3A_710, %broadcast_in_dim3A_724], %gather3A_725 : memref<32x128xf32, #tpu.memory_space<vmem>>[vector<16xi32>, vector<16xi32>], vector<16xf32>,
        %broadcast_in_dim3A_726 = arith.constant 5 : i32
        %broadcast_in_dim3A_727 = vector.broadcast %broadcast_in_dim3A_726 : i32 to vector<16xi32>
        %gather3A_728 = tpu.vector_load_idx %arg16[%add3A_701, %broadcast_in_dim3A_727, %gather3A_695] masked %lt3A_690 : memref<8x64x128xf32, #tpu.memory_space<vmem>>[vector<16xi32>, vector<16xi32>, vector<16xi32>], vector<16xf32>, vector<16xi1>
        tpu.vector_store_idx %arg17[%add3A_710, %broadcast_in_dim3A_727], %gather3A_728 : memref<32x128xf32, #tpu.memory_space<vmem>>[vector<16xi32>, vector<16xi32>], vector<16xf32>,
        %broadcast_in_dim3A_729 = arith.constant 6 : i32
        %broadcast_in_dim3A_730 = vector.broadcast %broadcast_in_dim3A_729 : i32 to vector<16xi32>
        %gather3A_731 = tpu.vector_load_idx %arg16[%add3A_701, %broadcast_in_dim3A_730, %gather3A_695] masked %lt3A_690 : memref<8x64x128xf32, #tpu.memory_space<vmem>>[vector<16xi32>, vector<16xi32>, vector<16xi32>], vector<16xf32>, vector<16xi1>
        tpu.vector_store_idx %arg17[%add3A_710, %broadcast_in_dim3A_730], %gather3A_731 : memref<32x128xf32, #tpu.memory_space<vmem>>[vector<16xi32>, vector<16xi32>], vector<16xf32>,
        %broadcast_in_dim3A_732 = arith.constant 7 : i32
        %broadcast_in_dim3A_733 = vector.broadcast %broadcast_in_dim3A_732 : i32 to vector<16xi32>
        %gather3A_734 = tpu.vector_load_idx %arg16[%add3A_701, %broadcast_in_dim3A_733, %gather3A_695] masked %lt3A_690 : memref<8x64x128xf32, #tpu.memory_space<vmem>>[vector<16xi32>, vector<16xi32>, vector<16xi32>], vector<16xf32>, vector<16xi1>
        tpu.vector_store_idx %arg17[%add3A_710, %broadcast_in_dim3A_733], %gather3A_734 : memref<32x128xf32, #tpu.memory_space<vmem>>[vector<16xi32>, vector<16xi32>], vector<16xf32>,
        %broadcast_in_dim3A_735 = arith.constant 8 : i32
        %broadcast_in_dim3A_736 = vector.broadcast %broadcast_in_dim3A_735 : i32 to vector<16xi32>
        %gather3A_737 = tpu.vector_load_idx %arg16[%add3A_701, %broadcast_in_dim3A_736, %gather3A_695] masked %lt3A_690 : memref<8x64x128xf32, #tpu.memory_space<vmem>>[vector<16xi32>, vector<16xi32>, vector<16xi32>], vector<16xf32>, vector<16xi1>
        tpu.vector_store_idx %arg17[%add3A_710, %broadcast_in_dim3A_736], %gather3A_737 : memref<32x128xf32, #tpu.memory_space<vmem>>[vector<16xi32>, vector<16xi32>], vector<16xf32>,
        %broadcast_in_dim3A_738 = arith.constant 9 : i32
        %broadcast_in_dim3A_739 = vector.broadcast %broadcast_in_dim3A_738 : i32 to vector<16xi32>
        %gather3A_740 = tpu.vector_load_idx %arg16[%add3A_701, %broadcast_in_dim3A_739, %gather3A_695] masked %lt3A_690 : memref<8x64x128xf32, #tpu.memory_space<vmem>>[vector<16xi32>, vector<16xi32>, vector<16xi32>], vector<16xf32>, vector<16xi1>
        tpu.vector_store_idx %arg17[%add3A_710, %broadcast_in_dim3A_739], %gather3A_740 : memref<32x128xf32, #tpu.memory_space<vmem>>[vector<16xi32>, vector<16xi32>], vector<16xf32>,
        %broadcast_in_dim3A_741 = arith.constant 10 : i32
        %broadcast_in_dim3A_742 = vector.broadcast %broadcast_in_dim3A_741 : i32 to vector<16xi32>
        %gather3A_743 = tpu.vector_load_idx %arg16[%add3A_701, %broadcast_in_dim3A_742, %gather3A_695] masked %lt3A_690 : memref<8x64x128xf32, #tpu.memory_space<vmem>>[vector<16xi32>, vector<16xi32>, vector<16xi32>], vector<16xf32>, vector<16xi1>
        tpu.vector_store_idx %arg17[%add3A_710, %broadcast_in_dim3A_742], %gather3A_743 : memref<32x128xf32, #tpu.memory_space<vmem>>[vector<16xi32>, vector<16xi32>], vector<16xf32>,
        %broadcast_in_dim3A_744 = arith.constant 11 : i32
        %broadcast_in_dim3A_745 = vector.broadcast %broadcast_in_dim3A_744 : i32 to vector<16xi32>
        %gather3A_746 = tpu.vector_load_idx %arg16[%add3A_701, %broadcast_in_dim3A_745, %gather3A_695] masked %lt3A_690 : memref<8x64x128xf32, #tpu.memory_space<vmem>>[vector<16xi32>, vector<16xi32>, vector<16xi32>], vector<16xf32>, vector<16xi1>
        tpu.vector_store_idx %arg17[%add3A_710, %broadcast_in_dim3A_745], %gather3A_746 : memref<32x128xf32, #tpu.memory_space<vmem>>[vector<16xi32>, vector<16xi32>], vector<16xf32>,
        %broadcast_in_dim3A_747 = arith.constant 12 : i32
        %broadcast_in_dim3A_748 = vector.broadcast %broadcast_in_dim3A_747 : i32 to vector<16xi32>
        %gather3A_749 = tpu.vector_load_idx %arg16[%add3A_701, %broadcast_in_dim3A_748, %gather3A_695] masked %lt3A_690 : memref<8x64x128xf32, #tpu.memory_space<vmem>>[vector<16xi32>, vector<16xi32>, vector<16xi32>], vector<16xf32>, vector<16xi1>
        tpu.vector_store_idx %arg17[%add3A_710, %broadcast_in_dim3A_748], %gather3A_749 : memref<32x128xf32, #tpu.memory_space<vmem>>[vector<16xi32>, vector<16xi32>], vector<16xf32>,
        %broadcast_in_dim3A_750 = arith.constant 13 : i32
        %broadcast_in_dim3A_751 = vector.broadcast %broadcast_in_dim3A_750 : i32 to vector<16xi32>
        %gather3A_752 = tpu.vector_load_idx %arg16[%add3A_701, %broadcast_in_dim3A_751, %gather3A_695] masked %lt3A_690 : memref<8x64x128xf32, #tpu.memory_space<vmem>>[vector<16xi32>, vector<16xi32>, vector<16xi32>], vector<16xf32>, vector<16xi1>
        tpu.vector_store_idx %arg17[%add3A_710, %broadcast_in_dim3A_751], %gather3A_752 : memref<32x128xf32, #tpu.memory_space<vmem>>[vector<16xi32>, vector<16xi32>], vector<16xf32>,
        %broadcast_in_dim3A_753 = arith.constant 14 : i32
        %broadcast_in_dim3A_754 = vector.broadcast %broadcast_in_dim3A_753 : i32 to vector<16xi32>
        %gather3A_755 = tpu.vector_load_idx %arg16[%add3A_701, %broadcast_in_dim3A_754, %gather3A_695] masked %lt3A_690 : memref<8x64x128xf32, #tpu.memory_space<vmem>>[vector<16xi32>, vector<16xi32>, vector<16xi32>], vector<16xf32>, vector<16xi1>
        tpu.vector_store_idx %arg17[%add3A_710, %broadcast_in_dim3A_754], %gather3A_755 : memref<32x128xf32, #tpu.memory_space<vmem>>[vector<16xi32>, vector<16xi32>], vector<16xf32>,
        %broadcast_in_dim3A_756 = arith.constant 15 : i32
        %broadcast_in_dim3A_757 = vector.broadcast %broadcast_in_dim3A_756 : i32 to vector<16xi32>
        %gather3A_758 = tpu.vector_load_idx %arg16[%add3A_701, %broadcast_in_dim3A_757, %gather3A_695] masked %lt3A_690 : memref<8x64x128xf32, #tpu.memory_space<vmem>>[vector<16xi32>, vector<16xi32>, vector<16xi32>], vector<16xf32>, vector<16xi1>
        tpu.vector_store_idx %arg17[%add3A_710, %broadcast_in_dim3A_757], %gather3A_758 : memref<32x128xf32, #tpu.memory_space<vmem>>[vector<16xi32>, vector<16xi32>], vector<16xf32>,
        %broadcast_in_dim3A_759 = arith.constant 16 : i32
        %broadcast_in_dim3A_760 = vector.broadcast %broadcast_in_dim3A_759 : i32 to vector<16xi32>
        %gather3A_761 = tpu.vector_load_idx %arg16[%add3A_701, %broadcast_in_dim3A_760, %gather3A_695] masked %lt3A_690 : memref<8x64x128xf32, #tpu.memory_space<vmem>>[vector<16xi32>, vector<16xi32>, vector<16xi32>], vector<16xf32>, vector<16xi1>
        tpu.vector_store_idx %arg17[%add3A_710, %broadcast_in_dim3A_760], %gather3A_761 : memref<32x128xf32, #tpu.memory_space<vmem>>[vector<16xi32>, vector<16xi32>], vector<16xf32>,
        %broadcast_in_dim3A_762 = arith.constant 17 : i32
        %broadcast_in_dim3A_763 = vector.broadcast %broadcast_in_dim3A_762 : i32 to vector<16xi32>
        %gather3A_764 = tpu.vector_load_idx %arg16[%add3A_701, %broadcast_in_dim3A_763, %gather3A_695] masked %lt3A_690 : memref<8x64x128xf32, #tpu.memory_space<vmem>>[vector<16xi32>, vector<16xi32>, vector<16xi32>], vector<16xf32>, vector<16xi1>
        tpu.vector_store_idx %arg17[%add3A_710, %broadcast_in_dim3A_763], %gather3A_764 : memref<32x128xf32, #tpu.memory_space<vmem>>[vector<16xi32>, vector<16xi32>], vector<16xf32>,
        %broadcast_in_dim3A_765 = arith.constant 18 : i32
        %broadcast_in_dim3A_766 = vector.broadcast %broadcast_in_dim3A_765 : i32 to vector<16xi32>
        %gather3A_767 = tpu.vector_load_idx %arg16[%add3A_701, %broadcast_in_dim3A_766, %gather3A_695] masked %lt3A_690 : memref<8x64x128xf32, #tpu.memory_space<vmem>>[vector<16xi32>, vector<16xi32>, vector<16xi32>], vector<16xf32>, vector<16xi1>
        tpu.vector_store_idx %arg17[%add3A_710, %broadcast_in_dim3A_766], %gather3A_767 : memref<32x128xf32, #tpu.memory_space<vmem>>[vector<16xi32>, vector<16xi32>], vector<16xf32>,
        %broadcast_in_dim3A_768 = arith.constant 19 : i32
        %broadcast_in_dim3A_769 = vector.broadcast %broadcast_in_dim3A_768 : i32 to vector<16xi32>
        %gather3A_770 = tpu.vector_load_idx %arg16[%add3A_701, %broadcast_in_dim3A_769, %gather3A_695] masked %lt3A_690 : memref<8x64x128xf32, #tpu.memory_space<vmem>>[vector<16xi32>, vector<16xi32>, vector<16xi32>], vector<16xf32>, vector<16xi1>
        tpu.vector_store_idx %arg17[%add3A_710, %broadcast_in_dim3A_769], %gather3A_770 : memref<32x128xf32, #tpu.memory_space<vmem>>[vector<16xi32>, vector<16xi32>], vector<16xf32>,
        %broadcast_in_dim3A_771 = arith.constant 20 : i32
        %broadcast_in_dim3A_772 = vector.broadcast %broadcast_in_dim3A_771 : i32 to vector<16xi32>
        %gather3A_773 = tpu.vector_load_idx %arg16[%add3A_701, %broadcast_in_dim3A_772, %gather3A_695] masked %lt3A_690 : memref<8x64x128xf32, #tpu.memory_space<vmem>>[vector<16xi32>, vector<16xi32>, vector<16xi32>], vector<16xf32>, vector<16xi1>
        tpu.vector_store_idx %arg17[%add3A_710, %broadcast_in_dim3A_772], %gather3A_773 : memref<32x128xf32, #tpu.memory_space<vmem>>[vector<16xi32>, vector<16xi32>], vector<16xf32>,
        %broadcast_in_dim3A_774 = arith.constant 21 : i32
        %broadcast_in_dim3A_775 = vector.broadcast %broadcast_in_dim3A_774 : i32 to vector<16xi32>
        %gather3A_776 = tpu.vector_load_idx %arg16[%add3A_701, %broadcast_in_dim3A_775, %gather3A_695] masked %lt3A_690 : memref<8x64x128xf32, #tpu.memory_space<vmem>>[vector<16xi32>, vector<16xi32>, vector<16xi32>], vector<16xf32>, vector<16xi1>
        tpu.vector_store_idx %arg17[%add3A_710, %broadcast_in_dim3A_775], %gather3A_776 : memref<32x128xf32, #tpu.memory_space<vmem>>[vector<16xi32>, vector<16xi32>], vector<16xf32>,
        %broadcast_in_dim3A_777 = arith.constant 22 : i32
        %broadcast_in_dim3A_778 = vector.broadcast %broadcast_in_dim3A_777 : i32 to vector<16xi32>
        %gather3A_779 = tpu.vector_load_idx %arg16[%add3A_701, %broadcast_in_dim3A_778, %gather3A_695] masked %lt3A_690 : memref<8x64x128xf32, #tpu.memory_space<vmem>>[vector<16xi32>, vector<16xi32>, vector<16xi32>], vector<16xf32>, vector<16xi1>
        tpu.vector_store_idx %arg17[%add3A_710, %broadcast_in_dim3A_778], %gather3A_779 : memref<32x128xf32, #tpu.memory_space<vmem>>[vector<16xi32>, vector<16xi32>], vector<16xf32>,
        %broadcast_in_dim3A_780 = arith.constant 23 : i32
        %broadcast_in_dim3A_781 = vector.broadcast %broadcast_in_dim3A_780 : i32 to vector<16xi32>
        %gather3A_782 = tpu.vector_load_idx %arg16[%add3A_701, %broadcast_in_dim3A_781, %gather3A_695] masked %lt3A_690 : memref<8x64x128xf32, #tpu.memory_space<vmem>>[vector<16xi32>, vector<16xi32>, vector<16xi32>], vector<16xf32>, vector<16xi1>
        tpu.vector_store_idx %arg17[%add3A_710, %broadcast_in_dim3A_781], %gather3A_782 : memref<32x128xf32, #tpu.memory_space<vmem>>[vector<16xi32>, vector<16xi32>], vector<16xf32>,
        %broadcast_in_dim3A_783 = arith.constant 24 : i32
        %broadcast_in_dim3A_784 = vector.broadcast %broadcast_in_dim3A_783 : i32 to vector<16xi32>
        %gather3A_785 = tpu.vector_load_idx %arg16[%add3A_701, %broadcast_in_dim3A_784, %gather3A_695] masked %lt3A_690 : memref<8x64x128xf32, #tpu.memory_space<vmem>>[vector<16xi32>, vector<16xi32>, vector<16xi32>], vector<16xf32>, vector<16xi1>
        tpu.vector_store_idx %arg17[%add3A_710, %broadcast_in_dim3A_784], %gather3A_785 : memref<32x128xf32, #tpu.memory_space<vmem>>[vector<16xi32>, vector<16xi32>], vector<16xf32>,
        %broadcast_in_dim3A_786 = arith.constant 25 : i32
        %broadcast_in_dim3A_787 = vector.broadcast %broadcast_in_dim3A_786 : i32 to vector<16xi32>
        %gather3A_788 = tpu.vector_load_idx %arg16[%add3A_701, %broadcast_in_dim3A_787, %gather3A_695] masked %lt3A_690 : memref<8x64x128xf32, #tpu.memory_space<vmem>>[vector<16xi32>, vector<16xi32>, vector<16xi32>], vector<16xf32>, vector<16xi1>
        tpu.vector_store_idx %arg17[%add3A_710, %broadcast_in_dim3A_787], %gather3A_788 : memref<32x128xf32, #tpu.memory_space<vmem>>[vector<16xi32>, vector<16xi32>], vector<16xf32>,
        %broadcast_in_dim3A_789 = arith.constant 26 : i32
        %broadcast_in_dim3A_790 = vector.broadcast %broadcast_in_dim3A_789 : i32 to vector<16xi32>
        %gather3A_791 = tpu.vector_load_idx %arg16[%add3A_701, %broadcast_in_dim3A_790, %gather3A_695] masked %lt3A_690 : memref<8x64x128xf32, #tpu.memory_space<vmem>>[vector<16xi32>, vector<16xi32>, vector<16xi32>], vector<16xf32>, vector<16xi1>
        tpu.vector_store_idx %arg17[%add3A_710, %broadcast_in_dim3A_790], %gather3A_791 : memref<32x128xf32, #tpu.memory_space<vmem>>[vector<16xi32>, vector<16xi32>], vector<16xf32>,
        %broadcast_in_dim3A_792 = arith.constant 27 : i32
        %broadcast_in_dim3A_793 = vector.broadcast %broadcast_in_dim3A_792 : i32 to vector<16xi32>
        %gather3A_794 = tpu.vector_load_idx %arg16[%add3A_701, %broadcast_in_dim3A_793, %gather3A_695] masked %lt3A_690 : memref<8x64x128xf32, #tpu.memory_space<vmem>>[vector<16xi32>, vector<16xi32>, vector<16xi32>], vector<16xf32>, vector<16xi1>
        tpu.vector_store_idx %arg17[%add3A_710, %broadcast_in_dim3A_793], %gather3A_794 : memref<32x128xf32, #tpu.memory_space<vmem>>[vector<16xi32>, vector<16xi32>], vector<16xf32>,
        %broadcast_in_dim3A_795 = arith.constant 28 : i32
        %broadcast_in_dim3A_796 = vector.broadcast %broadcast_in_dim3A_795 : i32 to vector<16xi32>
        %gather3A_797 = tpu.vector_load_idx %arg16[%add3A_701, %broadcast_in_dim3A_796, %gather3A_695] masked %lt3A_690 : memref<8x64x128xf32, #tpu.memory_space<vmem>>[vector<16xi32>, vector<16xi32>, vector<16xi32>], vector<16xf32>, vector<16xi1>
        tpu.vector_store_idx %arg17[%add3A_710, %broadcast_in_dim3A_796], %gather3A_797 : memref<32x128xf32, #tpu.memory_space<vmem>>[vector<16xi32>, vector<16xi32>], vector<16xf32>,
        %broadcast_in_dim3A_798 = arith.constant 29 : i32
        %broadcast_in_dim3A_799 = vector.broadcast %broadcast_in_dim3A_798 : i32 to vector<16xi32>
        %gather3A_800 = tpu.vector_load_idx %arg16[%add3A_701, %broadcast_in_dim3A_799, %gather3A_695] masked %lt3A_690 : memref<8x64x128xf32, #tpu.memory_space<vmem>>[vector<16xi32>, vector<16xi32>, vector<16xi32>], vector<16xf32>, vector<16xi1>
        tpu.vector_store_idx %arg17[%add3A_710, %broadcast_in_dim3A_799], %gather3A_800 : memref<32x128xf32, #tpu.memory_space<vmem>>[vector<16xi32>, vector<16xi32>], vector<16xf32>,
        %broadcast_in_dim3A_801 = arith.constant 30 : i32
        %broadcast_in_dim3A_802 = vector.broadcast %broadcast_in_dim3A_801 : i32 to vector<16xi32>
        %gather3A_803 = tpu.vector_load_idx %arg16[%add3A_701, %broadcast_in_dim3A_802, %gather3A_695] masked %lt3A_690 : memref<8x64x128xf32, #tpu.memory_space<vmem>>[vector<16xi32>, vector<16xi32>, vector<16xi32>], vector<16xf32>, vector<16xi1>
        tpu.vector_store_idx %arg17[%add3A_710, %broadcast_in_dim3A_802], %gather3A_803 : memref<32x128xf32, #tpu.memory_space<vmem>>[vector<16xi32>, vector<16xi32>], vector<16xf32>,
        %broadcast_in_dim3A_804 = arith.constant 31 : i32
        %broadcast_in_dim3A_805 = vector.broadcast %broadcast_in_dim3A_804 : i32 to vector<16xi32>
        %gather3A_806 = tpu.vector_load_idx %arg16[%add3A_701, %broadcast_in_dim3A_805, %gather3A_695] masked %lt3A_690 : memref<8x64x128xf32, #tpu.memory_space<vmem>>[vector<16xi32>, vector<16xi32>, vector<16xi32>], vector<16xf32>, vector<16xi1>
        tpu.vector_store_idx %arg17[%add3A_710, %broadcast_in_dim3A_805], %gather3A_806 : memref<32x128xf32, #tpu.memory_space<vmem>>[vector<16xi32>, vector<16xi32>], vector<16xf32>,
        %broadcast_in_dim3A_807 = arith.constant 32 : i32
        %broadcast_in_dim3A_808 = vector.broadcast %broadcast_in_dim3A_807 : i32 to vector<16xi32>
        %gather3A_809 = tpu.vector_load_idx %arg16[%add3A_701, %broadcast_in_dim3A_808, %gather3A_695] masked %lt3A_690 : memref<8x64x128xf32, #tpu.memory_space<vmem>>[vector<16xi32>, vector<16xi32>, vector<16xi32>], vector<16xf32>, vector<16xi1>
        tpu.vector_store_idx %arg17[%add3A_710, %broadcast_in_dim3A_808], %gather3A_809 : memref<32x128xf32, #tpu.memory_space<vmem>>[vector<16xi32>, vector<16xi32>], vector<16xf32>,
        %broadcast_in_dim3A_810 = arith.constant 33 : i32
        %broadcast_in_dim3A_811 = vector.broadcast %broadcast_in_dim3A_810 : i32 to vector<16xi32>
        %gather3A_812 = tpu.vector_load_idx %arg16[%add3A_701, %broadcast_in_dim3A_811, %gather3A_695] masked %lt3A_690 : memref<8x64x128xf32, #tpu.memory_space<vmem>>[vector<16xi32>, vector<16xi32>, vector<16xi32>], vector<16xf32>, vector<16xi1>
        tpu.vector_store_idx %arg17[%add3A_710, %broadcast_in_dim3A_811], %gather3A_812 : memref<32x128xf32, #tpu.memory_space<vmem>>[vector<16xi32>, vector<16xi32>], vector<16xf32>,
        %broadcast_in_dim3A_813 = arith.constant 34 : i32
        %broadcast_in_dim3A_814 = vector.broadcast %broadcast_in_dim3A_813 : i32 to vector<16xi32>
        %gather3A_815 = tpu.vector_load_idx %arg16[%add3A_701, %broadcast_in_dim3A_814, %gather3A_695] masked %lt3A_690 : memref<8x64x128xf32, #tpu.memory_space<vmem>>[vector<16xi32>, vector<16xi32>, vector<16xi32>], vector<16xf32>, vector<16xi1>
        tpu.vector_store_idx %arg17[%add3A_710, %broadcast_in_dim3A_814], %gather3A_815 : memref<32x128xf32, #tpu.memory_space<vmem>>[vector<16xi32>, vector<16xi32>], vector<16xf32>,
        %broadcast_in_dim3A_816 = arith.constant 35 : i32
        %broadcast_in_dim3A_817 = vector.broadcast %broadcast_in_dim3A_816 : i32 to vector<16xi32>
        %gather3A_818 = tpu.vector_load_idx %arg16[%add3A_701, %broadcast_in_dim3A_817, %gather3A_695] masked %lt3A_690 : memref<8x64x128xf32, #tpu.memory_space<vmem>>[vector<16xi32>, vector<16xi32>, vector<16xi32>], vector<16xf32>, vector<16xi1>
        tpu.vector_store_idx %arg17[%add3A_710, %broadcast_in_dim3A_817], %gather3A_818 : memref<32x128xf32, #tpu.memory_space<vmem>>[vector<16xi32>, vector<16xi32>], vector<16xf32>,
        %broadcast_in_dim3A_819 = arith.constant 36 : i32
        %broadcast_in_dim3A_820 = vector.broadcast %broadcast_in_dim3A_819 : i32 to vector<16xi32>
        %gather3A_821 = tpu.vector_load_idx %arg16[%add3A_701, %broadcast_in_dim3A_820, %gather3A_695] masked %lt3A_690 : memref<8x64x128xf32, #tpu.memory_space<vmem>>[vector<16xi32>, vector<16xi32>, vector<16xi32>], vector<16xf32>, vector<16xi1>
        tpu.vector_store_idx %arg17[%add3A_710, %broadcast_in_dim3A_820], %gather3A_821 : memref<32x128xf32, #tpu.memory_space<vmem>>[vector<16xi32>, vector<16xi32>], vector<16xf32>,
        %broadcast_in_dim3A_822 = arith.constant 37 : i32
        %broadcast_in_dim3A_823 = vector.broadcast %broadcast_in_dim3A_822 : i32 to vector<16xi32>
        %gather3A_824 = tpu.vector_load_idx %arg16[%add3A_701, %broadcast_in_dim3A_823, %gather3A_695] masked %lt3A_690 : memref<8x64x128xf32, #tpu.memory_space<vmem>>[vector<16xi32>, vector<16xi32>, vector<16xi32>], vector<16xf32>, vector<16xi1>
        tpu.vector_store_idx %arg17[%add3A_710, %broadcast_in_dim3A_823], %gather3A_824 : memref<32x128xf32, #tpu.memory_space<vmem>>[vector<16xi32>, vector<16xi32>], vector<16xf32>,
        %broadcast_in_dim3A_825 = arith.constant 38 : i32
        %broadcast_in_dim3A_826 = vector.broadcast %broadcast_in_dim3A_825 : i32 to vector<16xi32>
        %gather3A_827 = tpu.vector_load_idx %arg16[%add3A_701, %broadcast_in_dim3A_826, %gather3A_695] masked %lt3A_690 : memref<8x64x128xf32, #tpu.memory_space<vmem>>[vector<16xi32>, vector<16xi32>, vector<16xi32>], vector<16xf32>, vector<16xi1>
        tpu.vector_store_idx %arg17[%add3A_710, %broadcast_in_dim3A_826], %gather3A_827 : memref<32x128xf32, #tpu.memory_space<vmem>>[vector<16xi32>, vector<16xi32>], vector<16xf32>,
        %broadcast_in_dim3A_828 = arith.constant 39 : i32
        %broadcast_in_dim3A_829 = vector.broadcast %broadcast_in_dim3A_828 : i32 to vector<16xi32>
        %gather3A_830 = tpu.vector_load_idx %arg16[%add3A_701, %broadcast_in_dim3A_829, %gather3A_695] masked %lt3A_690 : memref<8x64x128xf32, #tpu.memory_space<vmem>>[vector<16xi32>, vector<16xi32>, vector<16xi32>], vector<16xf32>, vector<16xi1>
        tpu.vector_store_idx %arg17[%add3A_710, %broadcast_in_dim3A_829], %gather3A_830 : memref<32x128xf32, #tpu.memory_space<vmem>>[vector<16xi32>, vector<16xi32>], vector<16xf32>,
        %broadcast_in_dim3A_831 = arith.constant 40 : i32
        %broadcast_in_dim3A_832 = vector.broadcast %broadcast_in_dim3A_831 : i32 to vector<16xi32>
        %gather3A_833 = tpu.vector_load_idx %arg16[%add3A_701, %broadcast_in_dim3A_832, %gather3A_695] masked %lt3A_690 : memref<8x64x128xf32, #tpu.memory_space<vmem>>[vector<16xi32>, vector<16xi32>, vector<16xi32>], vector<16xf32>, vector<16xi1>
        tpu.vector_store_idx %arg17[%add3A_710, %broadcast_in_dim3A_832], %gather3A_833 : memref<32x128xf32, #tpu.memory_space<vmem>>[vector<16xi32>, vector<16xi32>], vector<16xf32>,
        %broadcast_in_dim3A_834 = arith.constant 41 : i32
        %broadcast_in_dim3A_835 = vector.broadcast %broadcast_in_dim3A_834 : i32 to vector<16xi32>
        %gather3A_836 = tpu.vector_load_idx %arg16[%add3A_701, %broadcast_in_dim3A_835, %gather3A_695] masked %lt3A_690 : memref<8x64x128xf32, #tpu.memory_space<vmem>>[vector<16xi32>, vector<16xi32>, vector<16xi32>], vector<16xf32>, vector<16xi1>
        tpu.vector_store_idx %arg17[%add3A_710, %broadcast_in_dim3A_835], %gather3A_836 : memref<32x128xf32, #tpu.memory_space<vmem>>[vector<16xi32>, vector<16xi32>], vector<16xf32>,
        %broadcast_in_dim3A_837 = arith.constant 42 : i32
        %broadcast_in_dim3A_838 = vector.broadcast %broadcast_in_dim3A_837 : i32 to vector<16xi32>
        %gather3A_839 = tpu.vector_load_idx %arg16[%add3A_701, %broadcast_in_dim3A_838, %gather3A_695] masked %lt3A_690 : memref<8x64x128xf32, #tpu.memory_space<vmem>>[vector<16xi32>, vector<16xi32>, vector<16xi32>], vector<16xf32>, vector<16xi1>
        tpu.vector_store_idx %arg17[%add3A_710, %broadcast_in_dim3A_838], %gather3A_839 : memref<32x128xf32, #tpu.memory_space<vmem>>[vector<16xi32>, vector<16xi32>], vector<16xf32>,
        %broadcast_in_dim3A_840 = arith.constant 43 : i32
        %broadcast_in_dim3A_841 = vector.broadcast %broadcast_in_dim3A_840 : i32 to vector<16xi32>
        %gather3A_842 = tpu.vector_load_idx %arg16[%add3A_701, %broadcast_in_dim3A_841, %gather3A_695] masked %lt3A_690 : memref<8x64x128xf32, #tpu.memory_space<vmem>>[vector<16xi32>, vector<16xi32>, vector<16xi32>], vector<16xf32>, vector<16xi1>
        tpu.vector_store_idx %arg17[%add3A_710, %broadcast_in_dim3A_841], %gather3A_842 : memref<32x128xf32, #tpu.memory_space<vmem>>[vector<16xi32>, vector<16xi32>], vector<16xf32>,
        %broadcast_in_dim3A_843 = arith.constant 44 : i32
        %broadcast_in_dim3A_844 = vector.broadcast %broadcast_in_dim3A_843 : i32 to vector<16xi32>
        %gather3A_845 = tpu.vector_load_idx %arg16[%add3A_701, %broadcast_in_dim3A_844, %gather3A_695] masked %lt3A_690 : memref<8x64x128xf32, #tpu.memory_space<vmem>>[vector<16xi32>, vector<16xi32>, vector<16xi32>], vector<16xf32>, vector<16xi1>
        tpu.vector_store_idx %arg17[%add3A_710, %broadcast_in_dim3A_844], %gather3A_845 : memref<32x128xf32, #tpu.memory_space<vmem>>[vector<16xi32>, vector<16xi32>], vector<16xf32>,
        %broadcast_in_dim3A_846 = arith.constant 45 : i32
        %broadcast_in_dim3A_847 = vector.broadcast %broadcast_in_dim3A_846 : i32 to vector<16xi32>
        %gather3A_848 = tpu.vector_load_idx %arg16[%add3A_701, %broadcast_in_dim3A_847, %gather3A_695] masked %lt3A_690 : memref<8x64x128xf32, #tpu.memory_space<vmem>>[vector<16xi32>, vector<16xi32>, vector<16xi32>], vector<16xf32>, vector<16xi1>
        tpu.vector_store_idx %arg17[%add3A_710, %broadcast_in_dim3A_847], %gather3A_848 : memref<32x128xf32, #tpu.memory_space<vmem>>[vector<16xi32>, vector<16xi32>], vector<16xf32>,
        %broadcast_in_dim3A_849 = arith.constant 46 : i32
        %broadcast_in_dim3A_850 = vector.broadcast %broadcast_in_dim3A_849 : i32 to vector<16xi32>
        %gather3A_851 = tpu.vector_load_idx %arg16[%add3A_701, %broadcast_in_dim3A_850, %gather3A_695] masked %lt3A_690 : memref<8x64x128xf32, #tpu.memory_space<vmem>>[vector<16xi32>, vector<16xi32>, vector<16xi32>], vector<16xf32>, vector<16xi1>
        tpu.vector_store_idx %arg17[%add3A_710, %broadcast_in_dim3A_850], %gather3A_851 : memref<32x128xf32, #tpu.memory_space<vmem>>[vector<16xi32>, vector<16xi32>], vector<16xf32>,
        %broadcast_in_dim3A_852 = arith.constant 47 : i32
        %broadcast_in_dim3A_853 = vector.broadcast %broadcast_in_dim3A_852 : i32 to vector<16xi32>
        %gather3A_854 = tpu.vector_load_idx %arg16[%add3A_701, %broadcast_in_dim3A_853, %gather3A_695] masked %lt3A_690 : memref<8x64x128xf32, #tpu.memory_space<vmem>>[vector<16xi32>, vector<16xi32>, vector<16xi32>], vector<16xf32>, vector<16xi1>
        tpu.vector_store_idx %arg17[%add3A_710, %broadcast_in_dim3A_853], %gather3A_854 : memref<32x128xf32, #tpu.memory_space<vmem>>[vector<16xi32>, vector<16xi32>], vector<16xf32>,
        %broadcast_in_dim3A_855 = arith.constant 48 : i32
        %broadcast_in_dim3A_856 = vector.broadcast %broadcast_in_dim3A_855 : i32 to vector<16xi32>
        %gather3A_857 = tpu.vector_load_idx %arg16[%add3A_701, %broadcast_in_dim3A_856, %gather3A_695] masked %lt3A_690 : memref<8x64x128xf32, #tpu.memory_space<vmem>>[vector<16xi32>, vector<16xi32>, vector<16xi32>], vector<16xf32>, vector<16xi1>
        tpu.vector_store_idx %arg17[%add3A_710, %broadcast_in_dim3A_856], %gather3A_857 : memref<32x128xf32, #tpu.memory_space<vmem>>[vector<16xi32>, vector<16xi32>], vector<16xf32>,
        %broadcast_in_dim3A_858 = arith.constant 49 : i32
        %broadcast_in_dim3A_859 = vector.broadcast %broadcast_in_dim3A_858 : i32 to vector<16xi32>
        %gather3A_860 = tpu.vector_load_idx %arg16[%add3A_701, %broadcast_in_dim3A_859, %gather3A_695] masked %lt3A_690 : memref<8x64x128xf32, #tpu.memory_space<vmem>>[vector<16xi32>, vector<16xi32>, vector<16xi32>], vector<16xf32>, vector<16xi1>
        tpu.vector_store_idx %arg17[%add3A_710, %broadcast_in_dim3A_859], %gather3A_860 : memref<32x128xf32, #tpu.memory_space<vmem>>[vector<16xi32>, vector<16xi32>], vector<16xf32>,
        %broadcast_in_dim3A_861 = arith.constant 50 : i32
        %broadcast_in_dim3A_862 = vector.broadcast %broadcast_in_dim3A_861 : i32 to vector<16xi32>
        %gather3A_863 = tpu.vector_load_idx %arg16[%add3A_701, %broadcast_in_dim3A_862, %gather3A_695] masked %lt3A_690 : memref<8x64x128xf32, #tpu.memory_space<vmem>>[vector<16xi32>, vector<16xi32>, vector<16xi32>], vector<16xf32>, vector<16xi1>
        tpu.vector_store_idx %arg17[%add3A_710, %broadcast_in_dim3A_862], %gather3A_863 : memref<32x128xf32, #tpu.memory_space<vmem>>[vector<16xi32>, vector<16xi32>], vector<16xf32>,
        %broadcast_in_dim3A_864 = arith.constant 51 : i32
        %broadcast_in_dim3A_865 = vector.broadcast %broadcast_in_dim3A_864 : i32 to vector<16xi32>
        %gather3A_866 = tpu.vector_load_idx %arg16[%add3A_701, %broadcast_in_dim3A_865, %gather3A_695] masked %lt3A_690 : memref<8x64x128xf32, #tpu.memory_space<vmem>>[vector<16xi32>, vector<16xi32>, vector<16xi32>], vector<16xf32>, vector<16xi1>
        tpu.vector_store_idx %arg17[%add3A_710, %broadcast_in_dim3A_865], %gather3A_866 : memref<32x128xf32, #tpu.memory_space<vmem>>[vector<16xi32>, vector<16xi32>], vector<16xf32>,
        %broadcast_in_dim3A_867 = arith.constant 52 : i32
        %broadcast_in_dim3A_868 = vector.broadcast %broadcast_in_dim3A_867 : i32 to vector<16xi32>
        %gather3A_869 = tpu.vector_load_idx %arg16[%add3A_701, %broadcast_in_dim3A_868, %gather3A_695] masked %lt3A_690 : memref<8x64x128xf32, #tpu.memory_space<vmem>>[vector<16xi32>, vector<16xi32>, vector<16xi32>], vector<16xf32>, vector<16xi1>
        tpu.vector_store_idx %arg17[%add3A_710, %broadcast_in_dim3A_868], %gather3A_869 : memref<32x128xf32, #tpu.memory_space<vmem>>[vector<16xi32>, vector<16xi32>], vector<16xf32>,
        %broadcast_in_dim3A_870 = arith.constant 53 : i32
        %broadcast_in_dim3A_871 = vector.broadcast %broadcast_in_dim3A_870 : i32 to vector<16xi32>
        %gather3A_872 = tpu.vector_load_idx %arg16[%add3A_701, %broadcast_in_dim3A_871, %gather3A_695] masked %lt3A_690 : memref<8x64x128xf32, #tpu.memory_space<vmem>>[vector<16xi32>, vector<16xi32>, vector<16xi32>], vector<16xf32>, vector<16xi1>
        tpu.vector_store_idx %arg17[%add3A_710, %broadcast_in_dim3A_871], %gather3A_872 : memref<32x128xf32, #tpu.memory_space<vmem>>[vector<16xi32>, vector<16xi32>], vector<16xf32>,
        %broadcast_in_dim3A_873 = arith.constant 54 : i32
        %broadcast_in_dim3A_874 = vector.broadcast %broadcast_in_dim3A_873 : i32 to vector<16xi32>
        %gather3A_875 = tpu.vector_load_idx %arg16[%add3A_701, %broadcast_in_dim3A_874, %gather3A_695] masked %lt3A_690 : memref<8x64x128xf32, #tpu.memory_space<vmem>>[vector<16xi32>, vector<16xi32>, vector<16xi32>], vector<16xf32>, vector<16xi1>
        tpu.vector_store_idx %arg17[%add3A_710, %broadcast_in_dim3A_874], %gather3A_875 : memref<32x128xf32, #tpu.memory_space<vmem>>[vector<16xi32>, vector<16xi32>], vector<16xf32>,
        %broadcast_in_dim3A_876 = arith.constant 55 : i32
        %broadcast_in_dim3A_877 = vector.broadcast %broadcast_in_dim3A_876 : i32 to vector<16xi32>
        %gather3A_878 = tpu.vector_load_idx %arg16[%add3A_701, %broadcast_in_dim3A_877, %gather3A_695] masked %lt3A_690 : memref<8x64x128xf32, #tpu.memory_space<vmem>>[vector<16xi32>, vector<16xi32>, vector<16xi32>], vector<16xf32>, vector<16xi1>
        tpu.vector_store_idx %arg17[%add3A_710, %broadcast_in_dim3A_877], %gather3A_878 : memref<32x128xf32, #tpu.memory_space<vmem>>[vector<16xi32>, vector<16xi32>], vector<16xf32>,
        %broadcast_in_dim3A_879 = arith.constant 56 : i32
        %broadcast_in_dim3A_880 = vector.broadcast %broadcast_in_dim3A_879 : i32 to vector<16xi32>
        %gather3A_881 = tpu.vector_load_idx %arg16[%add3A_701, %broadcast_in_dim3A_880, %gather3A_695] masked %lt3A_690 : memref<8x64x128xf32, #tpu.memory_space<vmem>>[vector<16xi32>, vector<16xi32>, vector<16xi32>], vector<16xf32>, vector<16xi1>
        tpu.vector_store_idx %arg17[%add3A_710, %broadcast_in_dim3A_880], %gather3A_881 : memref<32x128xf32, #tpu.memory_space<vmem>>[vector<16xi32>, vector<16xi32>], vector<16xf32>,
        %broadcast_in_dim3A_882 = arith.constant 57 : i32
        %broadcast_in_dim3A_883 = vector.broadcast %broadcast_in_dim3A_882 : i32 to vector<16xi32>
        %gather3A_884 = tpu.vector_load_idx %arg16[%add3A_701, %broadcast_in_dim3A_883, %gather3A_695] masked %lt3A_690 : memref<8x64x128xf32, #tpu.memory_space<vmem>>[vector<16xi32>, vector<16xi32>, vector<16xi32>], vector<16xf32>, vector<16xi1>
        tpu.vector_store_idx %arg17[%add3A_710, %broadcast_in_dim3A_883], %gather3A_884 : memref<32x128xf32, #tpu.memory_space<vmem>>[vector<16xi32>, vector<16xi32>], vector<16xf32>,
        %broadcast_in_dim3A_885 = arith.constant 58 : i32
        %broadcast_in_dim3A_886 = vector.broadcast %broadcast_in_dim3A_885 : i32 to vector<16xi32>
        %gather3A_887 = tpu.vector_load_idx %arg16[%add3A_701, %broadcast_in_dim3A_886, %gather3A_695] masked %lt3A_690 : memref<8x64x128xf32, #tpu.memory_space<vmem>>[vector<16xi32>, vector<16xi32>, vector<16xi32>], vector<16xf32>, vector<16xi1>
        tpu.vector_store_idx %arg17[%add3A_710, %broadcast_in_dim3A_886], %gather3A_887 : memref<32x128xf32, #tpu.memory_space<vmem>>[vector<16xi32>, vector<16xi32>], vector<16xf32>,
        %broadcast_in_dim3A_888 = arith.constant 59 : i32
        %broadcast_in_dim3A_889 = vector.broadcast %broadcast_in_dim3A_888 : i32 to vector<16xi32>
        %gather3A_890 = tpu.vector_load_idx %arg16[%add3A_701, %broadcast_in_dim3A_889, %gather3A_695] masked %lt3A_690 : memref<8x64x128xf32, #tpu.memory_space<vmem>>[vector<16xi32>, vector<16xi32>, vector<16xi32>], vector<16xf32>, vector<16xi1>
        tpu.vector_store_idx %arg17[%add3A_710, %broadcast_in_dim3A_889], %gather3A_890 : memref<32x128xf32, #tpu.memory_space<vmem>>[vector<16xi32>, vector<16xi32>], vector<16xf32>,
        %broadcast_in_dim3A_891 = arith.constant 60 : i32
        %broadcast_in_dim3A_892 = vector.broadcast %broadcast_in_dim3A_891 : i32 to vector<16xi32>
        %gather3A_893 = tpu.vector_load_idx %arg16[%add3A_701, %broadcast_in_dim3A_892, %gather3A_695] masked %lt3A_690 : memref<8x64x128xf32, #tpu.memory_space<vmem>>[vector<16xi32>, vector<16xi32>, vector<16xi32>], vector<16xf32>, vector<16xi1>
        tpu.vector_store_idx %arg17[%add3A_710, %broadcast_in_dim3A_892], %gather3A_893 : memref<32x128xf32, #tpu.memory_space<vmem>>[vector<16xi32>, vector<16xi32>], vector<16xf32>,
        %broadcast_in_dim3A_894 = arith.constant 61 : i32
        %broadcast_in_dim3A_895 = vector.broadcast %broadcast_in_dim3A_894 : i32 to vector<16xi32>
        %gather3A_896 = tpu.vector_load_idx %arg16[%add3A_701, %broadcast_in_dim3A_895, %gather3A_695] masked %lt3A_690 : memref<8x64x128xf32, #tpu.memory_space<vmem>>[vector<16xi32>, vector<16xi32>, vector<16xi32>], vector<16xf32>, vector<16xi1>
        tpu.vector_store_idx %arg17[%add3A_710, %broadcast_in_dim3A_895], %gather3A_896 : memref<32x128xf32, #tpu.memory_space<vmem>>[vector<16xi32>, vector<16xi32>], vector<16xf32>,
        %broadcast_in_dim3A_897 = arith.constant 62 : i32
        %broadcast_in_dim3A_898 = vector.broadcast %broadcast_in_dim3A_897 : i32 to vector<16xi32>
        %gather3A_899 = tpu.vector_load_idx %arg16[%add3A_701, %broadcast_in_dim3A_898, %gather3A_695] masked %lt3A_690 : memref<8x64x128xf32, #tpu.memory_space<vmem>>[vector<16xi32>, vector<16xi32>, vector<16xi32>], vector<16xf32>, vector<16xi1>
        tpu.vector_store_idx %arg17[%add3A_710, %broadcast_in_dim3A_898], %gather3A_899 : memref<32x128xf32, #tpu.memory_space<vmem>>[vector<16xi32>, vector<16xi32>], vector<16xf32>,
        %broadcast_in_dim3A_900 = arith.constant 63 : i32
        %broadcast_in_dim3A_901 = vector.broadcast %broadcast_in_dim3A_900 : i32 to vector<16xi32>
        %gather3A_902 = tpu.vector_load_idx %arg16[%add3A_701, %broadcast_in_dim3A_901, %gather3A_695] masked %lt3A_690 : memref<8x64x128xf32, #tpu.memory_space<vmem>>[vector<16xi32>, vector<16xi32>, vector<16xi32>], vector<16xf32>, vector<16xi1>
        tpu.vector_store_idx %arg17[%add3A_710, %broadcast_in_dim3A_901], %gather3A_902 : memref<32x128xf32, #tpu.memory_space<vmem>>[vector<16xi32>, vector<16xi32>], vector<16xf32>,
        %add3A_903 = arith.constant 32768 : i32
        %add3A_904 = arith.addi %add3A_903, %add3A : i32
        %broadcast_in_dim3A_905 = vector.broadcast %add3A_904 : i32 to vector<16xi32>
        %select_n3A = arith.select %lt3A_690, %gather3A, %broadcast_in_dim3A_905 : vector<16xi1>, vector<16xi32>
        %swap3A_906 = arith.constant 0 : i32
        %swap3A_907 = arith.index_cast %and3A_702 : i32 to index
        %swap3A_908 = arith.index_cast %swap3A_906 : i32 to index
        %swap3A_909 = arith.constant 0 : index
        %swap3A_910 = tpu.vector_load %arg18[%swap3A_907, %swap3A_908, %swap3A_909] {strides = array<i32>} : memref<2x1x16xi32, #tpu.memory_space<vmem>>, vector<16xi32>,
        tpu.vector_store %arg18[%swap3A_907, %swap3A_908, %swap3A_909], %select_n3A {strides = array<i32>} : memref<2x1x16xi32, #tpu.memory_space<vmem>>, vector<16xi32>,
        %mul3A_911 = arith.constant 16 : i32
        %mul3A_912 = arith.muli %and3A_702, %mul3A_911 : i32
        %dma_start3A_913 = arith.constant 0 : i32
        %dma_start3A_914 = arith.constant 0 : i32
        %dma_start3A_915 = tpu.memref_slice %arg17[%mul3A_912, %dma_start3A_914] : memref<32x128xf32, #tpu.memory_space<vmem>> -> memref<16x128xf32, #tpu.memory_space<vmem>>
        %dma_start3A_916 = arith.constant 0 : i32
        %dma_start3A_917 = tpu.memref_slice %arg18[%and3A_702, %dma_start3A_913, %dma_start3A_916] : memref<2x1x16xi32, #tpu.memory_space<vmem>> -> memref<1x1x16xi32, #tpu.memory_space<vmem>>
        %dma_start3A_918 = tpu.memref_squeeze %dma_start3A_917 : memref<1x1x16xi32, #tpu.memory_space<vmem>> -> memref<16xi32, #tpu.memory_space<vmem>>
        %dma_start3A_919 = arith.constant 0 : i32
        %dma_start3A_920 = arith.constant 0 : i32
        %dma_start3A_921 = tpu.memref_slice %arg4[%dma_start3A_919, %dma_start3A_920] : memref<36864x128xf32, #tpu.memory_space<hbm>> -> memref<36864x128xf32, #tpu.memory_space<hbm>>
        tpu.enqueue_indirect_dma source(%dma_start3A_915 : memref<16x128xf32, #tpu.memory_space<vmem>>) target(%dma_start3A_921 : memref<36864x128xf32, #tpu.memory_space<hbm>>) offsets(%dma_start3A_918 : memref<16xi32, #tpu.memory_space<vmem>>) semaphore(%arg21 : memref<!tpu.dma_semaphore, #tpu.memory_space<semaphore_mem>>)
        %add3A_922 = arith.constant 1 : i32
        %add3A_923 = arith.addi %while3A_685, %add3A_922 : i32
        scf.yield %add3A_923 : i32
      }
      %while3A_682 = arith.constant 1 : i32
      %while3A_683 = scf.for %while3A_684 = %while3A_679 to %while3A_675 step %while3A_682 iter_args(%while3A_685 = %while3A_681) -> (i32)  : i32 {
        %mul3A_686 = arith.constant 16 : i32
        %mul3A_687 = arith.muli %while3A_684, %mul3A_686 : i32
        %sub3A_688 = arith.subi %min3A_668, %mul3A_687 : i32
        %lt3A_689 = vector.broadcast %sub3A_688 : i32 to vector<16xi32>
        %lt3A_690 = arith.cmpi slt, %iota3A, %lt3A_689 : vector<16xi32>
        %add3A_691 = vector.broadcast %mul3A_687 : i32 to vector<16xi32>
        %add3A_692 = arith.addi %iota3A, %add3A_691 : vector<16xi32>
        %gather3A = tpu.vector_load_idx %arg13[%add3A_692] : memref<4112xi32, #tpu.memory_space<vmem>>[vector<16xi32>], vector<16xi32>,
        %add3A_693 = vector.broadcast %mul3A_687 : i32 to vector<16xi32>
        %add3A_694 = arith.addi %iota3A, %add3A_693 : vector<16xi32>
        %gather3A_695 = tpu.vector_load_idx %arg14[%add3A_694] : memref<4112xi32, #tpu.memory_space<vmem>>[vector<16xi32>], vector<16xi32>,
        %add3A_696 = vector.broadcast %mul3A_687 : i32 to vector<16xi32>
        %add3A_697 = arith.addi %iota3A, %add3A_696 : vector<16xi32>
        %gather3A_698 = tpu.vector_load_idx %arg15[%add3A_697] : memref<4112xi32, #tpu.memory_space<vmem>>[vector<16xi32>], vector<16xi32>,
        %add3A_699 = arith.constant 4 : i32
        %add3A_700 = vector.broadcast %add3A_699 : i32 to vector<16xi32>
        %add3A_701 = arith.addi %gather3A_698, %add3A_700 : vector<16xi32>
        %and3A = arith.constant 1 : i32
        %and3A_702 = arith.andi %while3A_685, %and3A : i32
        %ge3A = arith.constant 2 : i32
        %ge3A_703 = arith.cmpi sge, %while3A_685, %ge3A : i32
        %convert_element_type3A_704 = arith.extui %ge3A_703 : i1 to i32
        %cond3A_705 = arith.constant 0 : i32
        %cond3A_706 = arith.cmpi ne, %convert_element_type3A_704, %cond3A_705 : i32
        scf.if %cond3A_706 {
          %dma_wait3A = arith.constant 0 : i32
          %dma_wait3A_924 = arith.constant 0 : i32
          %dma_wait3A_925 = arith.constant 0 : i32
          %dma_wait3A_926 = arith.constant 0 : i32
          %dma_wait3A_927 = tpu.memref_slice %arg17[%dma_wait3A_925, %dma_wait3A_926] : memref<32x128xf32, #tpu.memory_space<vmem>> -> memref<16x128xf32, #tpu.memory_space<vmem>>
          %dma_wait3A_928 = arith.constant 0 : i32
          %dma_wait3A_929 = tpu.memref_slice %arg18[%dma_wait3A, %dma_wait3A_924, %dma_wait3A_928] : memref<2x1x16xi32, #tpu.memory_space<vmem>> -> memref<1x1x16xi32, #tpu.memory_space<vmem>>
          %dma_wait3A_930 = tpu.memref_squeeze %dma_wait3A_929 : memref<1x1x16xi32, #tpu.memory_space<vmem>> -> memref<16xi32, #tpu.memory_space<vmem>>
          %dma_wait3A_931 = arith.constant 0 : i32
          %dma_wait3A_932 = arith.constant 0 : i32
          %dma_wait3A_933 = tpu.memref_slice %arg4[%dma_wait3A_931, %dma_wait3A_932] : memref<36864x128xf32, #tpu.memory_space<hbm>> -> memref<36864x128xf32, #tpu.memory_space<hbm>>
          tpu.wait_indirect_dma semaphore(%arg21 : memref<!tpu.dma_semaphore, #tpu.memory_space<semaphore_mem>>) src(%dma_wait3A_927 : memref<16x128xf32, #tpu.memory_space<vmem>>) dst(%dma_wait3A_933 : memref<36864x128xf32, #tpu.memory_space<hbm>>)
        } else {
        }
        %mul3A_707 = arith.constant 16 : i32
        %mul3A_708 = arith.muli %and3A_702, %mul3A_707 : i32
        %add3A_709 = vector.broadcast %mul3A_708 : i32 to vector<16xi32>
        %add3A_710 = arith.addi %add3A_709, %iota3A : vector<16xi32>
        %broadcast_in_dim3A_711 = arith.constant 0 : i32
        %broadcast_in_dim3A_712 = vector.broadcast %broadcast_in_dim3A_711 : i32 to vector<16xi32>
        %gather3A_713 = tpu.vector_load_idx %arg16[%add3A_701, %broadcast_in_dim3A_712, %gather3A_695] masked %lt3A_690 : memref<8x64x128xf32, #tpu.memory_space<vmem>>[vector<16xi32>, vector<16xi32>, vector<16xi32>], vector<16xf32>, vector<16xi1>
        tpu.vector_store_idx %arg17[%add3A_710, %broadcast_in_dim3A_712], %gather3A_713 : memref<32x128xf32, #tpu.memory_space<vmem>>[vector<16xi32>, vector<16xi32>], vector<16xf32>,
        %broadcast_in_dim3A_714 = arith.constant 1 : i32
        %broadcast_in_dim3A_715 = vector.broadcast %broadcast_in_dim3A_714 : i32 to vector<16xi32>
        %gather3A_716 = tpu.vector_load_idx %arg16[%add3A_701, %broadcast_in_dim3A_715, %gather3A_695] masked %lt3A_690 : memref<8x64x128xf32, #tpu.memory_space<vmem>>[vector<16xi32>, vector<16xi32>, vector<16xi32>], vector<16xf32>, vector<16xi1>
        tpu.vector_store_idx %arg17[%add3A_710, %broadcast_in_dim3A_715], %gather3A_716 : memref<32x128xf32, #tpu.memory_space<vmem>>[vector<16xi32>, vector<16xi32>], vector<16xf32>,
        %broadcast_in_dim3A_717 = arith.constant 2 : i32
        %broadcast_in_dim3A_718 = vector.broadcast %broadcast_in_dim3A_717 : i32 to vector<16xi32>
        %gather3A_719 = tpu.vector_load_idx %arg16[%add3A_701, %broadcast_in_dim3A_718, %gather3A_695] masked %lt3A_690 : memref<8x64x128xf32, #tpu.memory_space<vmem>>[vector<16xi32>, vector<16xi32>, vector<16xi32>], vector<16xf32>, vector<16xi1>
        tpu.vector_store_idx %arg17[%add3A_710, %broadcast_in_dim3A_718], %gather3A_719 : memref<32x128xf32, #tpu.memory_space<vmem>>[vector<16xi32>, vector<16xi32>], vector<16xf32>,
        %broadcast_in_dim3A_720 = arith.constant 3 : i32
        %broadcast_in_dim3A_721 = vector.broadcast %broadcast_in_dim3A_720 : i32 to vector<16xi32>
        %gather3A_722 = tpu.vector_load_idx %arg16[%add3A_701, %broadcast_in_dim3A_721, %gather3A_695] masked %lt3A_690 : memref<8x64x128xf32, #tpu.memory_space<vmem>>[vector<16xi32>, vector<16xi32>, vector<16xi32>], vector<16xf32>, vector<16xi1>
        tpu.vector_store_idx %arg17[%add3A_710, %broadcast_in_dim3A_721], %gather3A_722 : memref<32x128xf32, #tpu.memory_space<vmem>>[vector<16xi32>, vector<16xi32>], vector<16xf32>,
        %broadcast_in_dim3A_723 = arith.constant 4 : i32
        %broadcast_in_dim3A_724 = vector.broadcast %broadcast_in_dim3A_723 : i32 to vector<16xi32>
        %gather3A_725 = tpu.vector_load_idx %arg16[%add3A_701, %broadcast_in_dim3A_724, %gather3A_695] masked %lt3A_690 : memref<8x64x128xf32, #tpu.memory_space<vmem>>[vector<16xi32>, vector<16xi32>, vector<16xi32>], vector<16xf32>, vector<16xi1>
        tpu.vector_store_idx %arg17[%add3A_710, %broadcast_in_dim3A_724], %gather3A_725 : memref<32x128xf32, #tpu.memory_space<vmem>>[vector<16xi32>, vector<16xi32>], vector<16xf32>,
        %broadcast_in_dim3A_726 = arith.constant 5 : i32
        %broadcast_in_dim3A_727 = vector.broadcast %broadcast_in_dim3A_726 : i32 to vector<16xi32>
        %gather3A_728 = tpu.vector_load_idx %arg16[%add3A_701, %broadcast_in_dim3A_727, %gather3A_695] masked %lt3A_690 : memref<8x64x128xf32, #tpu.memory_space<vmem>>[vector<16xi32>, vector<16xi32>, vector<16xi32>], vector<16xf32>, vector<16xi1>
        tpu.vector_store_idx %arg17[%add3A_710, %broadcast_in_dim3A_727], %gather3A_728 : memref<32x128xf32, #tpu.memory_space<vmem>>[vector<16xi32>, vector<16xi32>], vector<16xf32>,
        %broadcast_in_dim3A_729 = arith.constant 6 : i32
        %broadcast_in_dim3A_730 = vector.broadcast %broadcast_in_dim3A_729 : i32 to vector<16xi32>
        %gather3A_731 = tpu.vector_load_idx %arg16[%add3A_701, %broadcast_in_dim3A_730, %gather3A_695] masked %lt3A_690 : memref<8x64x128xf32, #tpu.memory_space<vmem>>[vector<16xi32>, vector<16xi32>, vector<16xi32>], vector<16xf32>, vector<16xi1>
        tpu.vector_store_idx %arg17[%add3A_710, %broadcast_in_dim3A_730], %gather3A_731 : memref<32x128xf32, #tpu.memory_space<vmem>>[vector<16xi32>, vector<16xi32>], vector<16xf32>,
        %broadcast_in_dim3A_732 = arith.constant 7 : i32
        %broadcast_in_dim3A_733 = vector.broadcast %broadcast_in_dim3A_732 : i32 to vector<16xi32>
        %gather3A_734 = tpu.vector_load_idx %arg16[%add3A_701, %broadcast_in_dim3A_733, %gather3A_695] masked %lt3A_690 : memref<8x64x128xf32, #tpu.memory_space<vmem>>[vector<16xi32>, vector<16xi32>, vector<16xi32>], vector<16xf32>, vector<16xi1>
        tpu.vector_store_idx %arg17[%add3A_710, %broadcast_in_dim3A_733], %gather3A_734 : memref<32x128xf32, #tpu.memory_space<vmem>>[vector<16xi32>, vector<16xi32>], vector<16xf32>,
        %broadcast_in_dim3A_735 = arith.constant 8 : i32
        %broadcast_in_dim3A_736 = vector.broadcast %broadcast_in_dim3A_735 : i32 to vector<16xi32>
        %gather3A_737 = tpu.vector_load_idx %arg16[%add3A_701, %broadcast_in_dim3A_736, %gather3A_695] masked %lt3A_690 : memref<8x64x128xf32, #tpu.memory_space<vmem>>[vector<16xi32>, vector<16xi32>, vector<16xi32>], vector<16xf32>, vector<16xi1>
        tpu.vector_store_idx %arg17[%add3A_710, %broadcast_in_dim3A_736], %gather3A_737 : memref<32x128xf32, #tpu.memory_space<vmem>>[vector<16xi32>, vector<16xi32>], vector<16xf32>,
        %broadcast_in_dim3A_738 = arith.constant 9 : i32
        %broadcast_in_dim3A_739 = vector.broadcast %broadcast_in_dim3A_738 : i32 to vector<16xi32>
        %gather3A_740 = tpu.vector_load_idx %arg16[%add3A_701, %broadcast_in_dim3A_739, %gather3A_695] masked %lt3A_690 : memref<8x64x128xf32, #tpu.memory_space<vmem>>[vector<16xi32>, vector<16xi32>, vector<16xi32>], vector<16xf32>, vector<16xi1>
        tpu.vector_store_idx %arg17[%add3A_710, %broadcast_in_dim3A_739], %gather3A_740 : memref<32x128xf32, #tpu.memory_space<vmem>>[vector<16xi32>, vector<16xi32>], vector<16xf32>,
        %broadcast_in_dim3A_741 = arith.constant 10 : i32
        %broadcast_in_dim3A_742 = vector.broadcast %broadcast_in_dim3A_741 : i32 to vector<16xi32>
        %gather3A_743 = tpu.vector_load_idx %arg16[%add3A_701, %broadcast_in_dim3A_742, %gather3A_695] masked %lt3A_690 : memref<8x64x128xf32, #tpu.memory_space<vmem>>[vector<16xi32>, vector<16xi32>, vector<16xi32>], vector<16xf32>, vector<16xi1>
        tpu.vector_store_idx %arg17[%add3A_710, %broadcast_in_dim3A_742], %gather3A_743 : memref<32x128xf32, #tpu.memory_space<vmem>>[vector<16xi32>, vector<16xi32>], vector<16xf32>,
        %broadcast_in_dim3A_744 = arith.constant 11 : i32
        %broadcast_in_dim3A_745 = vector.broadcast %broadcast_in_dim3A_744 : i32 to vector<16xi32>
        %gather3A_746 = tpu.vector_load_idx %arg16[%add3A_701, %broadcast_in_dim3A_745, %gather3A_695] masked %lt3A_690 : memref<8x64x128xf32, #tpu.memory_space<vmem>>[vector<16xi32>, vector<16xi32>, vector<16xi32>], vector<16xf32>, vector<16xi1>
        tpu.vector_store_idx %arg17[%add3A_710, %broadcast_in_dim3A_745], %gather3A_746 : memref<32x128xf32, #tpu.memory_space<vmem>>[vector<16xi32>, vector<16xi32>], vector<16xf32>,
        %broadcast_in_dim3A_747 = arith.constant 12 : i32
        %broadcast_in_dim3A_748 = vector.broadcast %broadcast_in_dim3A_747 : i32 to vector<16xi32>
        %gather3A_749 = tpu.vector_load_idx %arg16[%add3A_701, %broadcast_in_dim3A_748, %gather3A_695] masked %lt3A_690 : memref<8x64x128xf32, #tpu.memory_space<vmem>>[vector<16xi32>, vector<16xi32>, vector<16xi32>], vector<16xf32>, vector<16xi1>
        tpu.vector_store_idx %arg17[%add3A_710, %broadcast_in_dim3A_748], %gather3A_749 : memref<32x128xf32, #tpu.memory_space<vmem>>[vector<16xi32>, vector<16xi32>], vector<16xf32>,
        %broadcast_in_dim3A_750 = arith.constant 13 : i32
        %broadcast_in_dim3A_751 = vector.broadcast %broadcast_in_dim3A_750 : i32 to vector<16xi32>
        %gather3A_752 = tpu.vector_load_idx %arg16[%add3A_701, %broadcast_in_dim3A_751, %gather3A_695] masked %lt3A_690 : memref<8x64x128xf32, #tpu.memory_space<vmem>>[vector<16xi32>, vector<16xi32>, vector<16xi32>], vector<16xf32>, vector<16xi1>
        tpu.vector_store_idx %arg17[%add3A_710, %broadcast_in_dim3A_751], %gather3A_752 : memref<32x128xf32, #tpu.memory_space<vmem>>[vector<16xi32>, vector<16xi32>], vector<16xf32>,
        %broadcast_in_dim3A_753 = arith.constant 14 : i32
        %broadcast_in_dim3A_754 = vector.broadcast %broadcast_in_dim3A_753 : i32 to vector<16xi32>
        %gather3A_755 = tpu.vector_load_idx %arg16[%add3A_701, %broadcast_in_dim3A_754, %gather3A_695] masked %lt3A_690 : memref<8x64x128xf32, #tpu.memory_space<vmem>>[vector<16xi32>, vector<16xi32>, vector<16xi32>], vector<16xf32>, vector<16xi1>
        tpu.vector_store_idx %arg17[%add3A_710, %broadcast_in_dim3A_754], %gather3A_755 : memref<32x128xf32, #tpu.memory_space<vmem>>[vector<16xi32>, vector<16xi32>], vector<16xf32>,
        %broadcast_in_dim3A_756 = arith.constant 15 : i32
        %broadcast_in_dim3A_757 = vector.broadcast %broadcast_in_dim3A_756 : i32 to vector<16xi32>
        %gather3A_758 = tpu.vector_load_idx %arg16[%add3A_701, %broadcast_in_dim3A_757, %gather3A_695] masked %lt3A_690 : memref<8x64x128xf32, #tpu.memory_space<vmem>>[vector<16xi32>, vector<16xi32>, vector<16xi32>], vector<16xf32>, vector<16xi1>
        tpu.vector_store_idx %arg17[%add3A_710, %broadcast_in_dim3A_757], %gather3A_758 : memref<32x128xf32, #tpu.memory_space<vmem>>[vector<16xi32>, vector<16xi32>], vector<16xf32>,
        %broadcast_in_dim3A_759 = arith.constant 16 : i32
        %broadcast_in_dim3A_760 = vector.broadcast %broadcast_in_dim3A_759 : i32 to vector<16xi32>
        %gather3A_761 = tpu.vector_load_idx %arg16[%add3A_701, %broadcast_in_dim3A_760, %gather3A_695] masked %lt3A_690 : memref<8x64x128xf32, #tpu.memory_space<vmem>>[vector<16xi32>, vector<16xi32>, vector<16xi32>], vector<16xf32>, vector<16xi1>
        tpu.vector_store_idx %arg17[%add3A_710, %broadcast_in_dim3A_760], %gather3A_761 : memref<32x128xf32, #tpu.memory_space<vmem>>[vector<16xi32>, vector<16xi32>], vector<16xf32>,
        %broadcast_in_dim3A_762 = arith.constant 17 : i32
        %broadcast_in_dim3A_763 = vector.broadcast %broadcast_in_dim3A_762 : i32 to vector<16xi32>
        %gather3A_764 = tpu.vector_load_idx %arg16[%add3A_701, %broadcast_in_dim3A_763, %gather3A_695] masked %lt3A_690 : memref<8x64x128xf32, #tpu.memory_space<vmem>>[vector<16xi32>, vector<16xi32>, vector<16xi32>], vector<16xf32>, vector<16xi1>
        tpu.vector_store_idx %arg17[%add3A_710, %broadcast_in_dim3A_763], %gather3A_764 : memref<32x128xf32, #tpu.memory_space<vmem>>[vector<16xi32>, vector<16xi32>], vector<16xf32>,
        %broadcast_in_dim3A_765 = arith.constant 18 : i32
        %broadcast_in_dim3A_766 = vector.broadcast %broadcast_in_dim3A_765 : i32 to vector<16xi32>
        %gather3A_767 = tpu.vector_load_idx %arg16[%add3A_701, %broadcast_in_dim3A_766, %gather3A_695] masked %lt3A_690 : memref<8x64x128xf32, #tpu.memory_space<vmem>>[vector<16xi32>, vector<16xi32>, vector<16xi32>], vector<16xf32>, vector<16xi1>
        tpu.vector_store_idx %arg17[%add3A_710, %broadcast_in_dim3A_766], %gather3A_767 : memref<32x128xf32, #tpu.memory_space<vmem>>[vector<16xi32>, vector<16xi32>], vector<16xf32>,
        %broadcast_in_dim3A_768 = arith.constant 19 : i32
        %broadcast_in_dim3A_769 = vector.broadcast %broadcast_in_dim3A_768 : i32 to vector<16xi32>
        %gather3A_770 = tpu.vector_load_idx %arg16[%add3A_701, %broadcast_in_dim3A_769, %gather3A_695] masked %lt3A_690 : memref<8x64x128xf32, #tpu.memory_space<vmem>>[vector<16xi32>, vector<16xi32>, vector<16xi32>], vector<16xf32>, vector<16xi1>
        tpu.vector_store_idx %arg17[%add3A_710, %broadcast_in_dim3A_769], %gather3A_770 : memref<32x128xf32, #tpu.memory_space<vmem>>[vector<16xi32>, vector<16xi32>], vector<16xf32>,
        %broadcast_in_dim3A_771 = arith.constant 20 : i32
        %broadcast_in_dim3A_772 = vector.broadcast %broadcast_in_dim3A_771 : i32 to vector<16xi32>
        %gather3A_773 = tpu.vector_load_idx %arg16[%add3A_701, %broadcast_in_dim3A_772, %gather3A_695] masked %lt3A_690 : memref<8x64x128xf32, #tpu.memory_space<vmem>>[vector<16xi32>, vector<16xi32>, vector<16xi32>], vector<16xf32>, vector<16xi1>
        tpu.vector_store_idx %arg17[%add3A_710, %broadcast_in_dim3A_772], %gather3A_773 : memref<32x128xf32, #tpu.memory_space<vmem>>[vector<16xi32>, vector<16xi32>], vector<16xf32>,
        %broadcast_in_dim3A_774 = arith.constant 21 : i32
        %broadcast_in_dim3A_775 = vector.broadcast %broadcast_in_dim3A_774 : i32 to vector<16xi32>
        %gather3A_776 = tpu.vector_load_idx %arg16[%add3A_701, %broadcast_in_dim3A_775, %gather3A_695] masked %lt3A_690 : memref<8x64x128xf32, #tpu.memory_space<vmem>>[vector<16xi32>, vector<16xi32>, vector<16xi32>], vector<16xf32>, vector<16xi1>
        tpu.vector_store_idx %arg17[%add3A_710, %broadcast_in_dim3A_775], %gather3A_776 : memref<32x128xf32, #tpu.memory_space<vmem>>[vector<16xi32>, vector<16xi32>], vector<16xf32>,
        %broadcast_in_dim3A_777 = arith.constant 22 : i32
        %broadcast_in_dim3A_778 = vector.broadcast %broadcast_in_dim3A_777 : i32 to vector<16xi32>
        %gather3A_779 = tpu.vector_load_idx %arg16[%add3A_701, %broadcast_in_dim3A_778, %gather3A_695] masked %lt3A_690 : memref<8x64x128xf32, #tpu.memory_space<vmem>>[vector<16xi32>, vector<16xi32>, vector<16xi32>], vector<16xf32>, vector<16xi1>
        tpu.vector_store_idx %arg17[%add3A_710, %broadcast_in_dim3A_778], %gather3A_779 : memref<32x128xf32, #tpu.memory_space<vmem>>[vector<16xi32>, vector<16xi32>], vector<16xf32>,
        %broadcast_in_dim3A_780 = arith.constant 23 : i32
        %broadcast_in_dim3A_781 = vector.broadcast %broadcast_in_dim3A_780 : i32 to vector<16xi32>
        %gather3A_782 = tpu.vector_load_idx %arg16[%add3A_701, %broadcast_in_dim3A_781, %gather3A_695] masked %lt3A_690 : memref<8x64x128xf32, #tpu.memory_space<vmem>>[vector<16xi32>, vector<16xi32>, vector<16xi32>], vector<16xf32>, vector<16xi1>
        tpu.vector_store_idx %arg17[%add3A_710, %broadcast_in_dim3A_781], %gather3A_782 : memref<32x128xf32, #tpu.memory_space<vmem>>[vector<16xi32>, vector<16xi32>], vector<16xf32>,
        %broadcast_in_dim3A_783 = arith.constant 24 : i32
        %broadcast_in_dim3A_784 = vector.broadcast %broadcast_in_dim3A_783 : i32 to vector<16xi32>
        %gather3A_785 = tpu.vector_load_idx %arg16[%add3A_701, %broadcast_in_dim3A_784, %gather3A_695] masked %lt3A_690 : memref<8x64x128xf32, #tpu.memory_space<vmem>>[vector<16xi32>, vector<16xi32>, vector<16xi32>], vector<16xf32>, vector<16xi1>
        tpu.vector_store_idx %arg17[%add3A_710, %broadcast_in_dim3A_784], %gather3A_785 : memref<32x128xf32, #tpu.memory_space<vmem>>[vector<16xi32>, vector<16xi32>], vector<16xf32>,
        %broadcast_in_dim3A_786 = arith.constant 25 : i32
        %broadcast_in_dim3A_787 = vector.broadcast %broadcast_in_dim3A_786 : i32 to vector<16xi32>
        %gather3A_788 = tpu.vector_load_idx %arg16[%add3A_701, %broadcast_in_dim3A_787, %gather3A_695] masked %lt3A_690 : memref<8x64x128xf32, #tpu.memory_space<vmem>>[vector<16xi32>, vector<16xi32>, vector<16xi32>], vector<16xf32>, vector<16xi1>
        tpu.vector_store_idx %arg17[%add3A_710, %broadcast_in_dim3A_787], %gather3A_788 : memref<32x128xf32, #tpu.memory_space<vmem>>[vector<16xi32>, vector<16xi32>], vector<16xf32>,
        %broadcast_in_dim3A_789 = arith.constant 26 : i32
        %broadcast_in_dim3A_790 = vector.broadcast %broadcast_in_dim3A_789 : i32 to vector<16xi32>
        %gather3A_791 = tpu.vector_load_idx %arg16[%add3A_701, %broadcast_in_dim3A_790, %gather3A_695] masked %lt3A_690 : memref<8x64x128xf32, #tpu.memory_space<vmem>>[vector<16xi32>, vector<16xi32>, vector<16xi32>], vector<16xf32>, vector<16xi1>
        tpu.vector_store_idx %arg17[%add3A_710, %broadcast_in_dim3A_790], %gather3A_791 : memref<32x128xf32, #tpu.memory_space<vmem>>[vector<16xi32>, vector<16xi32>], vector<16xf32>,
        %broadcast_in_dim3A_792 = arith.constant 27 : i32
        %broadcast_in_dim3A_793 = vector.broadcast %broadcast_in_dim3A_792 : i32 to vector<16xi32>
        %gather3A_794 = tpu.vector_load_idx %arg16[%add3A_701, %broadcast_in_dim3A_793, %gather3A_695] masked %lt3A_690 : memref<8x64x128xf32, #tpu.memory_space<vmem>>[vector<16xi32>, vector<16xi32>, vector<16xi32>], vector<16xf32>, vector<16xi1>
        tpu.vector_store_idx %arg17[%add3A_710, %broadcast_in_dim3A_793], %gather3A_794 : memref<32x128xf32, #tpu.memory_space<vmem>>[vector<16xi32>, vector<16xi32>], vector<16xf32>,
        %broadcast_in_dim3A_795 = arith.constant 28 : i32
        %broadcast_in_dim3A_796 = vector.broadcast %broadcast_in_dim3A_795 : i32 to vector<16xi32>
        %gather3A_797 = tpu.vector_load_idx %arg16[%add3A_701, %broadcast_in_dim3A_796, %gather3A_695] masked %lt3A_690 : memref<8x64x128xf32, #tpu.memory_space<vmem>>[vector<16xi32>, vector<16xi32>, vector<16xi32>], vector<16xf32>, vector<16xi1>
        tpu.vector_store_idx %arg17[%add3A_710, %broadcast_in_dim3A_796], %gather3A_797 : memref<32x128xf32, #tpu.memory_space<vmem>>[vector<16xi32>, vector<16xi32>], vector<16xf32>,
        %broadcast_in_dim3A_798 = arith.constant 29 : i32
        %broadcast_in_dim3A_799 = vector.broadcast %broadcast_in_dim3A_798 : i32 to vector<16xi32>
        %gather3A_800 = tpu.vector_load_idx %arg16[%add3A_701, %broadcast_in_dim3A_799, %gather3A_695] masked %lt3A_690 : memref<8x64x128xf32, #tpu.memory_space<vmem>>[vector<16xi32>, vector<16xi32>, vector<16xi32>], vector<16xf32>, vector<16xi1>
        tpu.vector_store_idx %arg17[%add3A_710, %broadcast_in_dim3A_799], %gather3A_800 : memref<32x128xf32, #tpu.memory_space<vmem>>[vector<16xi32>, vector<16xi32>], vector<16xf32>,
        %broadcast_in_dim3A_801 = arith.constant 30 : i32
        %broadcast_in_dim3A_802 = vector.broadcast %broadcast_in_dim3A_801 : i32 to vector<16xi32>
        %gather3A_803 = tpu.vector_load_idx %arg16[%add3A_701, %broadcast_in_dim3A_802, %gather3A_695] masked %lt3A_690 : memref<8x64x128xf32, #tpu.memory_space<vmem>>[vector<16xi32>, vector<16xi32>, vector<16xi32>], vector<16xf32>, vector<16xi1>
        tpu.vector_store_idx %arg17[%add3A_710, %broadcast_in_dim3A_802], %gather3A_803 : memref<32x128xf32, #tpu.memory_space<vmem>>[vector<16xi32>, vector<16xi32>], vector<16xf32>,
        %broadcast_in_dim3A_804 = arith.constant 31 : i32
        %broadcast_in_dim3A_805 = vector.broadcast %broadcast_in_dim3A_804 : i32 to vector<16xi32>
        %gather3A_806 = tpu.vector_load_idx %arg16[%add3A_701, %broadcast_in_dim3A_805, %gather3A_695] masked %lt3A_690 : memref<8x64x128xf32, #tpu.memory_space<vmem>>[vector<16xi32>, vector<16xi32>, vector<16xi32>], vector<16xf32>, vector<16xi1>
        tpu.vector_store_idx %arg17[%add3A_710, %broadcast_in_dim3A_805], %gather3A_806 : memref<32x128xf32, #tpu.memory_space<vmem>>[vector<16xi32>, vector<16xi32>], vector<16xf32>,
        %broadcast_in_dim3A_807 = arith.constant 32 : i32
        %broadcast_in_dim3A_808 = vector.broadcast %broadcast_in_dim3A_807 : i32 to vector<16xi32>
        %gather3A_809 = tpu.vector_load_idx %arg16[%add3A_701, %broadcast_in_dim3A_808, %gather3A_695] masked %lt3A_690 : memref<8x64x128xf32, #tpu.memory_space<vmem>>[vector<16xi32>, vector<16xi32>, vector<16xi32>], vector<16xf32>, vector<16xi1>
        tpu.vector_store_idx %arg17[%add3A_710, %broadcast_in_dim3A_808], %gather3A_809 : memref<32x128xf32, #tpu.memory_space<vmem>>[vector<16xi32>, vector<16xi32>], vector<16xf32>,
        %broadcast_in_dim3A_810 = arith.constant 33 : i32
        %broadcast_in_dim3A_811 = vector.broadcast %broadcast_in_dim3A_810 : i32 to vector<16xi32>
        %gather3A_812 = tpu.vector_load_idx %arg16[%add3A_701, %broadcast_in_dim3A_811, %gather3A_695] masked %lt3A_690 : memref<8x64x128xf32, #tpu.memory_space<vmem>>[vector<16xi32>, vector<16xi32>, vector<16xi32>], vector<16xf32>, vector<16xi1>
        tpu.vector_store_idx %arg17[%add3A_710, %broadcast_in_dim3A_811], %gather3A_812 : memref<32x128xf32, #tpu.memory_space<vmem>>[vector<16xi32>, vector<16xi32>], vector<16xf32>,
        %broadcast_in_dim3A_813 = arith.constant 34 : i32
        %broadcast_in_dim3A_814 = vector.broadcast %broadcast_in_dim3A_813 : i32 to vector<16xi32>
        %gather3A_815 = tpu.vector_load_idx %arg16[%add3A_701, %broadcast_in_dim3A_814, %gather3A_695] masked %lt3A_690 : memref<8x64x128xf32, #tpu.memory_space<vmem>>[vector<16xi32>, vector<16xi32>, vector<16xi32>], vector<16xf32>, vector<16xi1>
        tpu.vector_store_idx %arg17[%add3A_710, %broadcast_in_dim3A_814], %gather3A_815 : memref<32x128xf32, #tpu.memory_space<vmem>>[vector<16xi32>, vector<16xi32>], vector<16xf32>,
        %broadcast_in_dim3A_816 = arith.constant 35 : i32
        %broadcast_in_dim3A_817 = vector.broadcast %broadcast_in_dim3A_816 : i32 to vector<16xi32>
        %gather3A_818 = tpu.vector_load_idx %arg16[%add3A_701, %broadcast_in_dim3A_817, %gather3A_695] masked %lt3A_690 : memref<8x64x128xf32, #tpu.memory_space<vmem>>[vector<16xi32>, vector<16xi32>, vector<16xi32>], vector<16xf32>, vector<16xi1>
        tpu.vector_store_idx %arg17[%add3A_710, %broadcast_in_dim3A_817], %gather3A_818 : memref<32x128xf32, #tpu.memory_space<vmem>>[vector<16xi32>, vector<16xi32>], vector<16xf32>,
        %broadcast_in_dim3A_819 = arith.constant 36 : i32
        %broadcast_in_dim3A_820 = vector.broadcast %broadcast_in_dim3A_819 : i32 to vector<16xi32>
        %gather3A_821 = tpu.vector_load_idx %arg16[%add3A_701, %broadcast_in_dim3A_820, %gather3A_695] masked %lt3A_690 : memref<8x64x128xf32, #tpu.memory_space<vmem>>[vector<16xi32>, vector<16xi32>, vector<16xi32>], vector<16xf32>, vector<16xi1>
        tpu.vector_store_idx %arg17[%add3A_710, %broadcast_in_dim3A_820], %gather3A_821 : memref<32x128xf32, #tpu.memory_space<vmem>>[vector<16xi32>, vector<16xi32>], vector<16xf32>,
        %broadcast_in_dim3A_822 = arith.constant 37 : i32
        %broadcast_in_dim3A_823 = vector.broadcast %broadcast_in_dim3A_822 : i32 to vector<16xi32>
        %gather3A_824 = tpu.vector_load_idx %arg16[%add3A_701, %broadcast_in_dim3A_823, %gather3A_695] masked %lt3A_690 : memref<8x64x128xf32, #tpu.memory_space<vmem>>[vector<16xi32>, vector<16xi32>, vector<16xi32>], vector<16xf32>, vector<16xi1>
        tpu.vector_store_idx %arg17[%add3A_710, %broadcast_in_dim3A_823], %gather3A_824 : memref<32x128xf32, #tpu.memory_space<vmem>>[vector<16xi32>, vector<16xi32>], vector<16xf32>,
        %broadcast_in_dim3A_825 = arith.constant 38 : i32
        %broadcast_in_dim3A_826 = vector.broadcast %broadcast_in_dim3A_825 : i32 to vector<16xi32>
        %gather3A_827 = tpu.vector_load_idx %arg16[%add3A_701, %broadcast_in_dim3A_826, %gather3A_695] masked %lt3A_690 : memref<8x64x128xf32, #tpu.memory_space<vmem>>[vector<16xi32>, vector<16xi32>, vector<16xi32>], vector<16xf32>, vector<16xi1>
        tpu.vector_store_idx %arg17[%add3A_710, %broadcast_in_dim3A_826], %gather3A_827 : memref<32x128xf32, #tpu.memory_space<vmem>>[vector<16xi32>, vector<16xi32>], vector<16xf32>,
        %broadcast_in_dim3A_828 = arith.constant 39 : i32
        %broadcast_in_dim3A_829 = vector.broadcast %broadcast_in_dim3A_828 : i32 to vector<16xi32>
        %gather3A_830 = tpu.vector_load_idx %arg16[%add3A_701, %broadcast_in_dim3A_829, %gather3A_695] masked %lt3A_690 : memref<8x64x128xf32, #tpu.memory_space<vmem>>[vector<16xi32>, vector<16xi32>, vector<16xi32>], vector<16xf32>, vector<16xi1>
        tpu.vector_store_idx %arg17[%add3A_710, %broadcast_in_dim3A_829], %gather3A_830 : memref<32x128xf32, #tpu.memory_space<vmem>>[vector<16xi32>, vector<16xi32>], vector<16xf32>,
        %broadcast_in_dim3A_831 = arith.constant 40 : i32
        %broadcast_in_dim3A_832 = vector.broadcast %broadcast_in_dim3A_831 : i32 to vector<16xi32>
        %gather3A_833 = tpu.vector_load_idx %arg16[%add3A_701, %broadcast_in_dim3A_832, %gather3A_695] masked %lt3A_690 : memref<8x64x128xf32, #tpu.memory_space<vmem>>[vector<16xi32>, vector<16xi32>, vector<16xi32>], vector<16xf32>, vector<16xi1>
        tpu.vector_store_idx %arg17[%add3A_710, %broadcast_in_dim3A_832], %gather3A_833 : memref<32x128xf32, #tpu.memory_space<vmem>>[vector<16xi32>, vector<16xi32>], vector<16xf32>,
        %broadcast_in_dim3A_834 = arith.constant 41 : i32
        %broadcast_in_dim3A_835 = vector.broadcast %broadcast_in_dim3A_834 : i32 to vector<16xi32>
        %gather3A_836 = tpu.vector_load_idx %arg16[%add3A_701, %broadcast_in_dim3A_835, %gather3A_695] masked %lt3A_690 : memref<8x64x128xf32, #tpu.memory_space<vmem>>[vector<16xi32>, vector<16xi32>, vector<16xi32>], vector<16xf32>, vector<16xi1>
        tpu.vector_store_idx %arg17[%add3A_710, %broadcast_in_dim3A_835], %gather3A_836 : memref<32x128xf32, #tpu.memory_space<vmem>>[vector<16xi32>, vector<16xi32>], vector<16xf32>,
        %broadcast_in_dim3A_837 = arith.constant 42 : i32
        %broadcast_in_dim3A_838 = vector.broadcast %broadcast_in_dim3A_837 : i32 to vector<16xi32>
        %gather3A_839 = tpu.vector_load_idx %arg16[%add3A_701, %broadcast_in_dim3A_838, %gather3A_695] masked %lt3A_690 : memref<8x64x128xf32, #tpu.memory_space<vmem>>[vector<16xi32>, vector<16xi32>, vector<16xi32>], vector<16xf32>, vector<16xi1>
        tpu.vector_store_idx %arg17[%add3A_710, %broadcast_in_dim3A_838], %gather3A_839 : memref<32x128xf32, #tpu.memory_space<vmem>>[vector<16xi32>, vector<16xi32>], vector<16xf32>,
        %broadcast_in_dim3A_840 = arith.constant 43 : i32
        %broadcast_in_dim3A_841 = vector.broadcast %broadcast_in_dim3A_840 : i32 to vector<16xi32>
        %gather3A_842 = tpu.vector_load_idx %arg16[%add3A_701, %broadcast_in_dim3A_841, %gather3A_695] masked %lt3A_690 : memref<8x64x128xf32, #tpu.memory_space<vmem>>[vector<16xi32>, vector<16xi32>, vector<16xi32>], vector<16xf32>, vector<16xi1>
        tpu.vector_store_idx %arg17[%add3A_710, %broadcast_in_dim3A_841], %gather3A_842 : memref<32x128xf32, #tpu.memory_space<vmem>>[vector<16xi32>, vector<16xi32>], vector<16xf32>,
        %broadcast_in_dim3A_843 = arith.constant 44 : i32
        %broadcast_in_dim3A_844 = vector.broadcast %broadcast_in_dim3A_843 : i32 to vector<16xi32>
        %gather3A_845 = tpu.vector_load_idx %arg16[%add3A_701, %broadcast_in_dim3A_844, %gather3A_695] masked %lt3A_690 : memref<8x64x128xf32, #tpu.memory_space<vmem>>[vector<16xi32>, vector<16xi32>, vector<16xi32>], vector<16xf32>, vector<16xi1>
        tpu.vector_store_idx %arg17[%add3A_710, %broadcast_in_dim3A_844], %gather3A_845 : memref<32x128xf32, #tpu.memory_space<vmem>>[vector<16xi32>, vector<16xi32>], vector<16xf32>,
        %broadcast_in_dim3A_846 = arith.constant 45 : i32
        %broadcast_in_dim3A_847 = vector.broadcast %broadcast_in_dim3A_846 : i32 to vector<16xi32>
        %gather3A_848 = tpu.vector_load_idx %arg16[%add3A_701, %broadcast_in_dim3A_847, %gather3A_695] masked %lt3A_690 : memref<8x64x128xf32, #tpu.memory_space<vmem>>[vector<16xi32>, vector<16xi32>, vector<16xi32>], vector<16xf32>, vector<16xi1>
        tpu.vector_store_idx %arg17[%add3A_710, %broadcast_in_dim3A_847], %gather3A_848 : memref<32x128xf32, #tpu.memory_space<vmem>>[vector<16xi32>, vector<16xi32>], vector<16xf32>,
        %broadcast_in_dim3A_849 = arith.constant 46 : i32
        %broadcast_in_dim3A_850 = vector.broadcast %broadcast_in_dim3A_849 : i32 to vector<16xi32>
        %gather3A_851 = tpu.vector_load_idx %arg16[%add3A_701, %broadcast_in_dim3A_850, %gather3A_695] masked %lt3A_690 : memref<8x64x128xf32, #tpu.memory_space<vmem>>[vector<16xi32>, vector<16xi32>, vector<16xi32>], vector<16xf32>, vector<16xi1>
        tpu.vector_store_idx %arg17[%add3A_710, %broadcast_in_dim3A_850], %gather3A_851 : memref<32x128xf32, #tpu.memory_space<vmem>>[vector<16xi32>, vector<16xi32>], vector<16xf32>,
        %broadcast_in_dim3A_852 = arith.constant 47 : i32
        %broadcast_in_dim3A_853 = vector.broadcast %broadcast_in_dim3A_852 : i32 to vector<16xi32>
        %gather3A_854 = tpu.vector_load_idx %arg16[%add3A_701, %broadcast_in_dim3A_853, %gather3A_695] masked %lt3A_690 : memref<8x64x128xf32, #tpu.memory_space<vmem>>[vector<16xi32>, vector<16xi32>, vector<16xi32>], vector<16xf32>, vector<16xi1>
        tpu.vector_store_idx %arg17[%add3A_710, %broadcast_in_dim3A_853], %gather3A_854 : memref<32x128xf32, #tpu.memory_space<vmem>>[vector<16xi32>, vector<16xi32>], vector<16xf32>,
        %broadcast_in_dim3A_855 = arith.constant 48 : i32
        %broadcast_in_dim3A_856 = vector.broadcast %broadcast_in_dim3A_855 : i32 to vector<16xi32>
        %gather3A_857 = tpu.vector_load_idx %arg16[%add3A_701, %broadcast_in_dim3A_856, %gather3A_695] masked %lt3A_690 : memref<8x64x128xf32, #tpu.memory_space<vmem>>[vector<16xi32>, vector<16xi32>, vector<16xi32>], vector<16xf32>, vector<16xi1>
        tpu.vector_store_idx %arg17[%add3A_710, %broadcast_in_dim3A_856], %gather3A_857 : memref<32x128xf32, #tpu.memory_space<vmem>>[vector<16xi32>, vector<16xi32>], vector<16xf32>,
        %broadcast_in_dim3A_858 = arith.constant 49 : i32
        %broadcast_in_dim3A_859 = vector.broadcast %broadcast_in_dim3A_858 : i32 to vector<16xi32>
        %gather3A_860 = tpu.vector_load_idx %arg16[%add3A_701, %broadcast_in_dim3A_859, %gather3A_695] masked %lt3A_690 : memref<8x64x128xf32, #tpu.memory_space<vmem>>[vector<16xi32>, vector<16xi32>, vector<16xi32>], vector<16xf32>, vector<16xi1>
        tpu.vector_store_idx %arg17[%add3A_710, %broadcast_in_dim3A_859], %gather3A_860 : memref<32x128xf32, #tpu.memory_space<vmem>>[vector<16xi32>, vector<16xi32>], vector<16xf32>,
        %broadcast_in_dim3A_861 = arith.constant 50 : i32
        %broadcast_in_dim3A_862 = vector.broadcast %broadcast_in_dim3A_861 : i32 to vector<16xi32>
        %gather3A_863 = tpu.vector_load_idx %arg16[%add3A_701, %broadcast_in_dim3A_862, %gather3A_695] masked %lt3A_690 : memref<8x64x128xf32, #tpu.memory_space<vmem>>[vector<16xi32>, vector<16xi32>, vector<16xi32>], vector<16xf32>, vector<16xi1>
        tpu.vector_store_idx %arg17[%add3A_710, %broadcast_in_dim3A_862], %gather3A_863 : memref<32x128xf32, #tpu.memory_space<vmem>>[vector<16xi32>, vector<16xi32>], vector<16xf32>,
        %broadcast_in_dim3A_864 = arith.constant 51 : i32
        %broadcast_in_dim3A_865 = vector.broadcast %broadcast_in_dim3A_864 : i32 to vector<16xi32>
        %gather3A_866 = tpu.vector_load_idx %arg16[%add3A_701, %broadcast_in_dim3A_865, %gather3A_695] masked %lt3A_690 : memref<8x64x128xf32, #tpu.memory_space<vmem>>[vector<16xi32>, vector<16xi32>, vector<16xi32>], vector<16xf32>, vector<16xi1>
        tpu.vector_store_idx %arg17[%add3A_710, %broadcast_in_dim3A_865], %gather3A_866 : memref<32x128xf32, #tpu.memory_space<vmem>>[vector<16xi32>, vector<16xi32>], vector<16xf32>,
        %broadcast_in_dim3A_867 = arith.constant 52 : i32
        %broadcast_in_dim3A_868 = vector.broadcast %broadcast_in_dim3A_867 : i32 to vector<16xi32>
        %gather3A_869 = tpu.vector_load_idx %arg16[%add3A_701, %broadcast_in_dim3A_868, %gather3A_695] masked %lt3A_690 : memref<8x64x128xf32, #tpu.memory_space<vmem>>[vector<16xi32>, vector<16xi32>, vector<16xi32>], vector<16xf32>, vector<16xi1>
        tpu.vector_store_idx %arg17[%add3A_710, %broadcast_in_dim3A_868], %gather3A_869 : memref<32x128xf32, #tpu.memory_space<vmem>>[vector<16xi32>, vector<16xi32>], vector<16xf32>,
        %broadcast_in_dim3A_870 = arith.constant 53 : i32
        %broadcast_in_dim3A_871 = vector.broadcast %broadcast_in_dim3A_870 : i32 to vector<16xi32>
        %gather3A_872 = tpu.vector_load_idx %arg16[%add3A_701, %broadcast_in_dim3A_871, %gather3A_695] masked %lt3A_690 : memref<8x64x128xf32, #tpu.memory_space<vmem>>[vector<16xi32>, vector<16xi32>, vector<16xi32>], vector<16xf32>, vector<16xi1>
        tpu.vector_store_idx %arg17[%add3A_710, %broadcast_in_dim3A_871], %gather3A_872 : memref<32x128xf32, #tpu.memory_space<vmem>>[vector<16xi32>, vector<16xi32>], vector<16xf32>,
        %broadcast_in_dim3A_873 = arith.constant 54 : i32
        %broadcast_in_dim3A_874 = vector.broadcast %broadcast_in_dim3A_873 : i32 to vector<16xi32>
        %gather3A_875 = tpu.vector_load_idx %arg16[%add3A_701, %broadcast_in_dim3A_874, %gather3A_695] masked %lt3A_690 : memref<8x64x128xf32, #tpu.memory_space<vmem>>[vector<16xi32>, vector<16xi32>, vector<16xi32>], vector<16xf32>, vector<16xi1>
        tpu.vector_store_idx %arg17[%add3A_710, %broadcast_in_dim3A_874], %gather3A_875 : memref<32x128xf32, #tpu.memory_space<vmem>>[vector<16xi32>, vector<16xi32>], vector<16xf32>,
        %broadcast_in_dim3A_876 = arith.constant 55 : i32
        %broadcast_in_dim3A_877 = vector.broadcast %broadcast_in_dim3A_876 : i32 to vector<16xi32>
        %gather3A_878 = tpu.vector_load_idx %arg16[%add3A_701, %broadcast_in_dim3A_877, %gather3A_695] masked %lt3A_690 : memref<8x64x128xf32, #tpu.memory_space<vmem>>[vector<16xi32>, vector<16xi32>, vector<16xi32>], vector<16xf32>, vector<16xi1>
        tpu.vector_store_idx %arg17[%add3A_710, %broadcast_in_dim3A_877], %gather3A_878 : memref<32x128xf32, #tpu.memory_space<vmem>>[vector<16xi32>, vector<16xi32>], vector<16xf32>,
        %broadcast_in_dim3A_879 = arith.constant 56 : i32
        %broadcast_in_dim3A_880 = vector.broadcast %broadcast_in_dim3A_879 : i32 to vector<16xi32>
        %gather3A_881 = tpu.vector_load_idx %arg16[%add3A_701, %broadcast_in_dim3A_880, %gather3A_695] masked %lt3A_690 : memref<8x64x128xf32, #tpu.memory_space<vmem>>[vector<16xi32>, vector<16xi32>, vector<16xi32>], vector<16xf32>, vector<16xi1>
        tpu.vector_store_idx %arg17[%add3A_710, %broadcast_in_dim3A_880], %gather3A_881 : memref<32x128xf32, #tpu.memory_space<vmem>>[vector<16xi32>, vector<16xi32>], vector<16xf32>,
        %broadcast_in_dim3A_882 = arith.constant 57 : i32
        %broadcast_in_dim3A_883 = vector.broadcast %broadcast_in_dim3A_882 : i32 to vector<16xi32>
        %gather3A_884 = tpu.vector_load_idx %arg16[%add3A_701, %broadcast_in_dim3A_883, %gather3A_695] masked %lt3A_690 : memref<8x64x128xf32, #tpu.memory_space<vmem>>[vector<16xi32>, vector<16xi32>, vector<16xi32>], vector<16xf32>, vector<16xi1>
        tpu.vector_store_idx %arg17[%add3A_710, %broadcast_in_dim3A_883], %gather3A_884 : memref<32x128xf32, #tpu.memory_space<vmem>>[vector<16xi32>, vector<16xi32>], vector<16xf32>,
        %broadcast_in_dim3A_885 = arith.constant 58 : i32
        %broadcast_in_dim3A_886 = vector.broadcast %broadcast_in_dim3A_885 : i32 to vector<16xi32>
        %gather3A_887 = tpu.vector_load_idx %arg16[%add3A_701, %broadcast_in_dim3A_886, %gather3A_695] masked %lt3A_690 : memref<8x64x128xf32, #tpu.memory_space<vmem>>[vector<16xi32>, vector<16xi32>, vector<16xi32>], vector<16xf32>, vector<16xi1>
        tpu.vector_store_idx %arg17[%add3A_710, %broadcast_in_dim3A_886], %gather3A_887 : memref<32x128xf32, #tpu.memory_space<vmem>>[vector<16xi32>, vector<16xi32>], vector<16xf32>,
        %broadcast_in_dim3A_888 = arith.constant 59 : i32
        %broadcast_in_dim3A_889 = vector.broadcast %broadcast_in_dim3A_888 : i32 to vector<16xi32>
        %gather3A_890 = tpu.vector_load_idx %arg16[%add3A_701, %broadcast_in_dim3A_889, %gather3A_695] masked %lt3A_690 : memref<8x64x128xf32, #tpu.memory_space<vmem>>[vector<16xi32>, vector<16xi32>, vector<16xi32>], vector<16xf32>, vector<16xi1>
        tpu.vector_store_idx %arg17[%add3A_710, %broadcast_in_dim3A_889], %gather3A_890 : memref<32x128xf32, #tpu.memory_space<vmem>>[vector<16xi32>, vector<16xi32>], vector<16xf32>,
        %broadcast_in_dim3A_891 = arith.constant 60 : i32
        %broadcast_in_dim3A_892 = vector.broadcast %broadcast_in_dim3A_891 : i32 to vector<16xi32>
        %gather3A_893 = tpu.vector_load_idx %arg16[%add3A_701, %broadcast_in_dim3A_892, %gather3A_695] masked %lt3A_690 : memref<8x64x128xf32, #tpu.memory_space<vmem>>[vector<16xi32>, vector<16xi32>, vector<16xi32>], vector<16xf32>, vector<16xi1>
        tpu.vector_store_idx %arg17[%add3A_710, %broadcast_in_dim3A_892], %gather3A_893 : memref<32x128xf32, #tpu.memory_space<vmem>>[vector<16xi32>, vector<16xi32>], vector<16xf32>,
        %broadcast_in_dim3A_894 = arith.constant 61 : i32
        %broadcast_in_dim3A_895 = vector.broadcast %broadcast_in_dim3A_894 : i32 to vector<16xi32>
        %gather3A_896 = tpu.vector_load_idx %arg16[%add3A_701, %broadcast_in_dim3A_895, %gather3A_695] masked %lt3A_690 : memref<8x64x128xf32, #tpu.memory_space<vmem>>[vector<16xi32>, vector<16xi32>, vector<16xi32>], vector<16xf32>, vector<16xi1>
        tpu.vector_store_idx %arg17[%add3A_710, %broadcast_in_dim3A_895], %gather3A_896 : memref<32x128xf32, #tpu.memory_space<vmem>>[vector<16xi32>, vector<16xi32>], vector<16xf32>,
        %broadcast_in_dim3A_897 = arith.constant 62 : i32
        %broadcast_in_dim3A_898 = vector.broadcast %broadcast_in_dim3A_897 : i32 to vector<16xi32>
        %gather3A_899 = tpu.vector_load_idx %arg16[%add3A_701, %broadcast_in_dim3A_898, %gather3A_695] masked %lt3A_690 : memref<8x64x128xf32, #tpu.memory_space<vmem>>[vector<16xi32>, vector<16xi32>, vector<16xi32>], vector<16xf32>, vector<16xi1>
        tpu.vector_store_idx %arg17[%add3A_710, %broadcast_in_dim3A_898], %gather3A_899 : memref<32x128xf32, #tpu.memory_space<vmem>>[vector<16xi32>, vector<16xi32>], vector<16xf32>,
        %broadcast_in_dim3A_900 = arith.constant 63 : i32
        %broadcast_in_dim3A_901 = vector.broadcast %broadcast_in_dim3A_900 : i32 to vector<16xi32>
        %gather3A_902 = tpu.vector_load_idx %arg16[%add3A_701, %broadcast_in_dim3A_901, %gather3A_695] masked %lt3A_690 : memref<8x64x128xf32, #tpu.memory_space<vmem>>[vector<16xi32>, vector<16xi32>, vector<16xi32>], vector<16xf32>, vector<16xi1>
        tpu.vector_store_idx %arg17[%add3A_710, %broadcast_in_dim3A_901], %gather3A_902 : memref<32x128xf32, #tpu.memory_space<vmem>>[vector<16xi32>, vector<16xi32>], vector<16xf32>,
        %add3A_903 = arith.constant 32768 : i32
        %add3A_904 = arith.addi %add3A_903, %add3A : i32
        %broadcast_in_dim3A_905 = vector.broadcast %add3A_904 : i32 to vector<16xi32>
        %select_n3A = arith.select %lt3A_690, %gather3A, %broadcast_in_dim3A_905 : vector<16xi1>, vector<16xi32>
        %swap3A_906 = arith.constant 0 : i32
        %swap3A_907 = arith.index_cast %and3A_702 : i32 to index
        %swap3A_908 = arith.index_cast %swap3A_906 : i32 to index
        %swap3A_909 = arith.constant 0 : index
        %swap3A_910 = tpu.vector_load %arg18[%swap3A_907, %swap3A_908, %swap3A_909] {strides = array<i32>} : memref<2x1x16xi32, #tpu.memory_space<vmem>>, vector<16xi32>,
        tpu.vector_store %arg18[%swap3A_907, %swap3A_908, %swap3A_909], %select_n3A {strides = array<i32>} : memref<2x1x16xi32, #tpu.memory_space<vmem>>, vector<16xi32>,
        %mul3A_911 = arith.constant 16 : i32
        %mul3A_912 = arith.muli %and3A_702, %mul3A_911 : i32
        %dma_start3A_913 = arith.constant 0 : i32
        %dma_start3A_914 = arith.constant 0 : i32
        %dma_start3A_915 = tpu.memref_slice %arg17[%mul3A_912, %dma_start3A_914] : memref<32x128xf32, #tpu.memory_space<vmem>> -> memref<16x128xf32, #tpu.memory_space<vmem>>
        %dma_start3A_916 = arith.constant 0 : i32
        %dma_start3A_917 = tpu.memref_slice %arg18[%and3A_702, %dma_start3A_913, %dma_start3A_916] : memref<2x1x16xi32, #tpu.memory_space<vmem>> -> memref<1x1x16xi32, #tpu.memory_space<vmem>>
        %dma_start3A_918 = tpu.memref_squeeze %dma_start3A_917 : memref<1x1x16xi32, #tpu.memory_space<vmem>> -> memref<16xi32, #tpu.memory_space<vmem>>
        %dma_start3A_919 = arith.constant 0 : i32
        %dma_start3A_920 = arith.constant 0 : i32
        %dma_start3A_921 = tpu.memref_slice %arg4[%dma_start3A_919, %dma_start3A_920] : memref<36864x128xf32, #tpu.memory_space<hbm>> -> memref<36864x128xf32, #tpu.memory_space<hbm>>
        tpu.enqueue_indirect_dma source(%dma_start3A_915 : memref<16x128xf32, #tpu.memory_space<vmem>>) target(%dma_start3A_921 : memref<36864x128xf32, #tpu.memory_space<hbm>>) offsets(%dma_start3A_918 : memref<16xi32, #tpu.memory_space<vmem>>) semaphore(%arg21 : memref<!tpu.dma_semaphore, #tpu.memory_space<semaphore_mem>>)
        %add3A_922 = arith.constant 1 : i32
        %add3A_923 = arith.addi %while3A_685, %add3A_922 : i32
        scf.yield %add3A_923 : i32
      }
      scf.yield %while3A_683 : i32
    }
    %scan3A_481 = arith.constant 31 : i32
    %scan3A_482 = arith.constant 0 : i32
    %scan3A_483 = arith.constant 0 : i32
    %scan3A_484 = arith.constant 2 : i32
    %scan3A_485 = arith.addi %scan3A_483, %scan3A_484 : i32
    %scan3A_486 = arith.constant 1 : i32
    scf.for %scan3A_488 = %scan3A_483 to %scan3A_485 step %scan3A_486  : i32 {
      %min3A_489 = arith.constant 2 : i32
      %min3A_490 = arith.minsi %scan3A_480, %min3A_489 : i32
      %lt3A_491 = arith.cmpi slt, %scan3A_488, %min3A_490 : i32
      %convert_element_type3A_492 = arith.extui %lt3A_491 : i1 to i32
      %cond3A_493 = arith.constant 0 : i32
      %cond3A_494 = arith.cmpi ne, %convert_element_type3A_492, %cond3A_493 : i32
      scf.if %cond3A_494 {
        %dma_wait3A = arith.constant 0 : i32
        %dma_wait3A_495 = arith.constant 0 : i32
        %dma_wait3A_496 = arith.constant 0 : i32
        %dma_wait3A_497 = arith.constant 0 : i32
        %dma_wait3A_498 = tpu.memref_slice %arg17[%dma_wait3A_496, %dma_wait3A_497] : memref<32x128xf32, #tpu.memory_space<vmem>> -> memref<16x128xf32, #tpu.memory_space<vmem>>
        %dma_wait3A_499 = arith.constant 0 : i32
        %dma_wait3A_500 = tpu.memref_slice %arg18[%dma_wait3A, %dma_wait3A_495, %dma_wait3A_499] : memref<2x1x16xi32, #tpu.memory_space<vmem>> -> memref<1x1x16xi32, #tpu.memory_space<vmem>>
        %dma_wait3A_501 = tpu.memref_squeeze %dma_wait3A_500 : memref<1x1x16xi32, #tpu.memory_space<vmem>> -> memref<16xi32, #tpu.memory_space<vmem>>
        %dma_wait3A_502 = arith.constant 0 : i32
        %dma_wait3A_503 = arith.constant 0 : i32
        %dma_wait3A_504 = tpu.memref_slice %arg4[%dma_wait3A_502, %dma_wait3A_503] : memref<36864x128xf32, #tpu.memory_space<hbm>> -> memref<36864x128xf32, #tpu.memory_space<hbm>>
        tpu.wait_indirect_dma semaphore(%arg21 : memref<!tpu.dma_semaphore, #tpu.memory_space<semaphore_mem>>) src(%dma_wait3A_498 : memref<16x128xf32, #tpu.memory_space<vmem>>) dst(%dma_wait3A_504 : memref<36864x128xf32, #tpu.memory_space<hbm>>)
      } else {
      }
    }
    %scan3A_487 = arith.constant 2 : i32
    return
  }
}

module attributes {stable_mosaic.version = 14 : i64} {
  func.func @_tc_body(%arg0: i32, %arg1: memref<8xf32, #tpu.memory_space<smem>>, %arg2: memref<4096x128xf32, #tpu.memory_space<vmem>>, %arg3: memref<2048xf32, #tpu.memory_space<vmem>>) attributes {dimension_semantics = [#tpu.dimension_semantics<arbitrary>], iteration_bounds = array<i64: 8>, scalar_prefetch = 0 : i64, scratch_operands = 0 : i64, tpu.core_type = #tpu.core_type<tc>, window_params = [{transform_indices = @transform_0, window_bounds = array<i64: 8>}, {transform_indices = @transform_1, window_bounds = array<i64: 4096, 128>}, {transform_indices = @transform_2, window_bounds = array<i64: 2048>}]} {
    %get3A = arith.constant 0 : index
    %get3A_0 = arith.constant 0 : index
    %get3A_1 = vector.load %arg2[%get3A, %get3A_0] : memref<4096x128xf32, #tpu.memory_space<vmem>>, vector<4096x128xf32>
    %reshape3A = vector.shape_cast %get3A_1 : vector<4096x128xf32> to vector<2048x2x128xf32>
    %slice3A = vector.extract_strided_slice %reshape3A {offsets = [0, 0, 0], sizes = [2048, 1, 128], strides = [1, 1, 1]} : vector<2048x2x128xf32> to vector<2048x1x128xf32>
    %squeeze3A = vector.shape_cast %slice3A : vector<2048x1x128xf32> to vector<2048x128xf32>
    %slice3A_2 = vector.extract_strided_slice %reshape3A {offsets = [0, 1, 0], sizes = [2048, 1, 128], strides = [1, 1, 1]} : vector<2048x2x128xf32> to vector<2048x1x128xf32>
    %squeeze3A_3 = vector.shape_cast %slice3A_2 : vector<2048x1x128xf32> to vector<2048x128xf32>
    %sub3A = arith.subf %squeeze3A, %squeeze3A_3 : vector<2048x128xf32>
    %iota3A = tpu.iota {dimensions = array<i32: 1>} : vector<2048x128xi32>
    %lt3A = arith.constant 64 : i32
    %lt3A_4 = vector.broadcast %lt3A : i32 to vector<2048x128xi32>
    %lt3A_5 = arith.cmpi slt, %iota3A, %lt3A_4 : vector<2048x128xi32>
    %mul3A = arith.mulf %sub3A, %sub3A : vector<2048x128xf32>
    %jit3A = arith.constant 0.000000e+00 : f32
    %broadcast_in_dim3A = vector.broadcast %jit3A : f32 to vector<2048x128xf32>
    %select_n3A = arith.select %lt3A_5, %mul3A, %broadcast_in_dim3A : vector<2048x128xi1>, vector<2048x128xf32>
    %reduce_sum3A = arith.constant dense<0.000000e+00> : vector<2048xf32>
    %reduce_sum3A_6 = vector.multi_reduction <add>, %select_n3A, %reduce_sum3A [1] : vector<2048x128xf32> to vector<2048xf32>
    %add3A = arith.constant 9.99999996E-13 : f32
    %add3A_7 = vector.broadcast %add3A : f32 to vector<2048xf32>
    %add3A_8 = arith.addf %reduce_sum3A_6, %add3A_7 : vector<2048xf32>
    %sqrt3A = math.sqrt %add3A_8 : vector<2048xf32>
    %get3A_9 = arith.constant 4 : index
    %get3A_10 = memref.load %arg1[%get3A_9] : memref<8xf32, #tpu.memory_space<smem>>
    %neg3A = arith.constant 0.000000e+00 : f32
    %neg3A_11 = arith.subf %neg3A, %get3A_10 : f32
    %mul3A_12 = vector.broadcast %neg3A_11 : f32 to vector<2048xf32>
    %mul3A_13 = arith.mulf %mul3A_12, %sqrt3A : vector<2048xf32>
    %exp3A = math.exp %mul3A_13 : vector<2048xf32>
    %get3A_14 = arith.constant 3 : index
    %get3A_15 = memref.load %arg1[%get3A_14] : memref<8xf32, #tpu.memory_space<smem>>
    %neg3A_16 = arith.constant 0.000000e+00 : f32
    %neg3A_17 = arith.subf %neg3A_16, %get3A_15 : f32
    %get3A_18 = arith.constant 2 : index
    %get3A_19 = memref.load %arg1[%get3A_18] : memref<8xf32, #tpu.memory_space<smem>>
    %sub3A_20 = vector.broadcast %get3A_19 : f32 to vector<2048xf32>
    %sub3A_21 = arith.subf %exp3A, %sub3A_20 : vector<2048xf32>
    %mul3A_22 = vector.broadcast %neg3A_17 : f32 to vector<2048xf32>
    %mul3A_23 = arith.mulf %mul3A_22, %sub3A_21 : vector<2048xf32>
    %exp3A_24 = math.exp %mul3A_23 : vector<2048xf32>
    %get3A_25 = arith.constant 0 : index
    %get3A_26 = memref.load %arg1[%get3A_25] : memref<8xf32, #tpu.memory_space<smem>>
    %get3A_27 = arith.constant 1 : index
    %get3A_28 = memref.load %arg1[%get3A_27] : memref<8xf32, #tpu.memory_space<smem>>
    %get3A_29 = arith.constant 0 : index
    %get3A_30 = memref.load %arg1[%get3A_29] : memref<8xf32, #tpu.memory_space<smem>>
    %sub3A_31 = arith.subf %get3A_28, %get3A_30 : f32
    %add3A_32 = arith.constant 1.000000e+00 : f32
    %add3A_33 = vector.broadcast %add3A_32 : f32 to vector<2048xf32>
    %add3A_34 = arith.addf %add3A_33, %exp3A_24 : vector<2048xf32>
    %div3A = vector.broadcast %sub3A_31 : f32 to vector<2048xf32>
    %div3A_35 = arith.divf %div3A, %add3A_34 : vector<2048xf32>
    %add3A_36 = vector.broadcast %get3A_26 : f32 to vector<2048xf32>
    %add3A_37 = arith.addf %add3A_36, %div3A_35 : vector<2048xf32>
    %swap3A = arith.constant 0 : index
    %swap3A_38 = vector.load %arg3[%swap3A] : memref<2048xf32, #tpu.memory_space<vmem>>, vector<2048xf32>
    tpu.vector_store %arg3[%swap3A], %add3A_37 {strides = array<i32>} : memref<2048xf32, #tpu.memory_space<vmem>>, vector<2048xf32>,
    return
  }
  func.func @transform_0(%arg0: i32) -> i32 {
    %c0_i32 = arith.constant 0 : i32
    %c0_i32_0 = arith.constant 0 : i32
    return %c0_i32 : i32
  }
  func.func @transform_1(%arg0: i32) -> (i32, i32) {
    %c0_i32 = arith.constant 0 : i32
    %c0_i32_0 = arith.constant 0 : i32
    return %arg0, %c0_i32 : i32, i32
  }
  func.func @transform_2(%arg0: i32) -> i32 {
    %c0_i32 = arith.constant 0 : i32
    return %arg0 : i32
  }
}

</mosaic_0001>

<sc_bundles>
// kernel: kernel.4.cloned.1.call-start
scs
__scs_entry_jumppad:
0x0: {  	(pc) =	sbr.rel $0x88, $3  }
0x1: {  	(tag) =	ssettag $0x0;
	lr =	simm.s32 $0x1  }
0x2: {  	[smem:$0x3F9A] =	sst lr;
	_ =	strace $0xD0000000  }
0x3: {  	_ = 	snop  }
0x4: {  	_ = 	snop  }
0x5: {  	_ = 	snop  }
0x6: {  	_ = 	snop  }
0x7: {  	_ = 	snop  }
__scs_overlays_trampoline_lowered:
0x8: {  	[smem:$0x3FA9] =	sst s0  }
0x9: {  	[smem:$0x3FAA] =	sst s1  }
0xa: {  	[smem:$0x3FAB] =	sst s2  }
0xb: {  	[smem:$0x3FAC] =	sst s3  }
0xc: {  	[smem:$0x3FAD] =	sst s4  }
0xd: {  	[smem:$0x3FAE] =	sst s5  }
0xe: {  	[smem:$0x3FAF] =	sst s6  }
0xf: {  	[smem:$0x3FB0] =	sst s7  }
0x10: {  	[smem:$0x3FB1] =	sst s8  }
0x11: {  	[smem:$0x3FB2] =	sst s9;
	s0 =	simm.s32 @!p0 $0x0  }
0x12: {  	s1 =	sld [smem:$0x3F98];
	s0 =	simm.s32 @p0 $0x1  }
0x13: {  	[smem:$0x3FB3] =	sst s0;
	s0 =	simm.s32 @!p1 $0x0  }
0x14: {  	s2 =	sld [smem:$0x3F97];
	s0 =	simm.s32 @p1 $0x1  }
0x15: {  	[smem:$0x3FB4] =	sst s0;
	s0 =	simm.s32 @!p2 $0x0  }
0x16: {  	s3 =	sld [smem:$0x3FDB];
	s0 =	simm.s32 @p2 $0x1  }
0x17: {  	s4 =	simm.s32 $0x1BF5;
	[smem:$0x3FB6] =	sst s0  }
0x18: {  	s0 =	sld [smem:$0x3F99];
	_ =	swait.ge [sflag:s4], $0x0  }
0x19: {  	s7 =	sld [smem:$0x3F9A]  }
0x1a: {  	s8 =	sadd.s32 $0xFFFFE003, lr  }
0x1b: {  	s9 =	sadd.s32 $0xFFFFFEF7, lr;
	s5 =	simm.s32 $0xFFFFFFFF;
	p2 =	slt.u32 s8, $0xFFFFF086  }
0x1c: {  	p1 =	slt.u32 s9, $0xF7A;
	s5 =	simm.s32 @!p2 $0x0  }
0x1d: {  	s5 =	simm.s32 @p1 $0x1;
	p0 =	seq.s32 s7, s2  }
0x1e: {  	s7 =	smul.u32 @!p0 $0xF7A, s2;
	p2 =	seq.s32 @!p0 s5, $0x0  }
0x1f: {  	s9 =	smul.u32 $0xF7A, s1;
	s8 =	simm.s32 @!p0 $0x1BF5;
	p2 =	por !p2, p0  }
0x20: {  	[sflag:s8] =	ssyncset.s32 @!p0 $0xFFFFF086;
	s6 =	sadd.s32 @!p0 s3, s7;
	s7 =	simm.s32 @!p0 $0x108  }
0x21: {  	s3 =	sadd.s32 s3, s9;
	s6 =	sadd.s32 @!p0 $0x88, s6;
	s7 =	simm.s32 @p2 $0x1082  }
0x22: {  	[simem:s7], [sflag:s8] =	dma.local @!p0 [hbm:s6], $0xF7A  }
0x23: {  	s9 =	sor.u32 $0xD0000000, s2;
	s6 =	simm.s32 $0x108;
	_ =	swait.ge @!p0 [sflag:s8], $0x0  }
0x24: {  	s3 =	sadd.s32 $0x88, s3;
	s6 =	simm.s32 @!p1 $0x1082;
	[sflag:s4] =	ssyncset.s32 $0xFFFFF086  }
0x25: {  	[simem:s6], [sflag:s4] =	dma.local [hbm:s3], $0xF7A  }
0x26: {  	[smem:$0x3F9A] =	sst s1;
	(tag) =	ssettag s2;
	_ =	strace s9  }
0x27: {  	s1 =	sld [smem:$0x3FAA]  }
0x28: {  	s2 =	sld [smem:$0x3FAB]  }
0x29: {  	s4 =	sld [smem:$0x3FAD]  }
0x2a: {  	p0 =	seq.s32 s5, $0x0;
	s5 =	sld [smem:$0x3FAE]  }
0x2b: {  	s6 =	sld [smem:$0x3FAF]  }
0x2c: {  	s7 =	sld [smem:$0x3FB0]  }
0x2d: {  	s3 =	simm.s32 $0x108;
	s8 =	sld [smem:$0x3FB1]  }
0x2e: {  	s3 =	simm.s32 @!p0 $0x1082;
	s9 =	sld [smem:$0x3FB2]  }
0x2f: {  	lr =	sadd.s32 s0, s3;
	s0 =	sld [smem:$0x3FA9]  }
0x30: {  	s3 =	sld [smem:$0x3FAC]  }
0x31: {  	[smem:$0x3FB5] =	sst s10  }
0x32: {  	s10 =	sld [smem:$0x3FB3];
	_ =	sdelay $0x3  }
0x33: {  	p0 =	seq.s32 s10, $0x1;
	s10 =	sld [smem:$0x3FB5];
	_ =	sdelay $0x3  }
0x34: {  	[smem:$0x3FB5] =	sst s10  }
0x35: {  	s10 =	sld [smem:$0x3FB4];
	_ =	sdelay $0x3  }
0x36: {  	p1 =	seq.s32 s10, $0x1;
	s10 =	sld [smem:$0x3FB5];
	_ =	sdelay $0x3  }
0x37: {  	[smem:$0x3FB5] =	sst s10  }
0x38: {  	s10 =	sld [smem:$0x3FB6]  }
0x39: {  	_ = 	snop;
	(pc) =	sbr.ind lr, $3  }
0x3a: {  	_ = 	snop  }
0x3b: {  	_ = 	snop  }
0x3c: {  	p2 =	seq.s32 s10, $0x1;
	s10 =	sld [smem:$0x3FB5]  }
0x3d: {  	_ =	shalt  }
0x3e: {  	_ =	shalt  }
0x3f: {  	_ =	shalt  }
0x40: {  	_ =	shalt  }
0x41: {  	_ =	shalt  }
0x42: {  	_ =	shalt  }
0x43: {  	_ =	shalt  }
0x44: {  	_ =	shalt  }
0x45: {  	_ =	shalt  }
0x46: {  	_ =	shalt  }
0x47: {  	_ =	shalt  }
0x48: {  	_ =	shalt  }
0x49: {  	_ =	shalt  }
0x4a: {  	_ =	shalt  }
0x4b: {  	_ =	shalt  }
0x4c: {  	_ =	shalt  }
0x4d: {  	_ =	shalt  }
0x4e: {  	_ =	shalt  }
0x4f: {  	_ =	shalt  }
0x50: {  	_ =	shalt  }
0x51: {  	_ =	shalt  }
0x52: {  	_ =	shalt  }
0x53: {  	_ =	shalt  }
0x54: {  	_ =	shalt  }
0x55: {  	_ =	shalt  }
0x56: {  	_ =	shalt  }
0x57: {  	_ =	shalt  }
0x58: {  	_ =	shalt  }
0x59: {  	_ =	shalt  }
0x5a: {  	_ =	shalt  }
0x5b: {  	_ =	shalt  }
0x5c: {  	_ =	shalt  }
0x5d: {  	_ =	shalt  }
0x5e: {  	_ =	shalt  }
0x5f: {  	_ =	shalt  }
0x60: {  	_ =	shalt  }
0x61: {  	_ =	shalt  }
0x62: {  	_ =	shalt  }
0x63: {  	_ =	shalt  }
0x64: {  	_ =	shalt  }
0x65: {  	_ =	shalt  }
0x66: {  	_ =	shalt  }
0x67: {  	_ =	shalt  }
0x68: {  	_ =	shalt  }
0x69: {  	_ =	shalt  }
0x6a: {  	_ =	shalt  }
0x6b: {  	_ =	shalt  }
0x6c: {  	_ =	shalt  }
0x6d: {  	_ =	shalt  }
0x6e: {  	_ =	shalt  }
0x6f: {  	_ =	shalt  }
0x70: {  	_ =	shalt  }
0x71: {  	_ =	shalt  }
0x72: {  	_ =	shalt  }
0x73: {  	_ =	shalt  }
0x74: {  	_ =	shalt  }
0x75: {  	_ =	shalt  }
0x76: {  	_ =	shalt  }
0x77: {  	_ =	shalt  }
0x78: {  	_ =	shalt  }
0x79: {  	_ =	shalt  }
0x7a: {  	_ =	shalt  }
0x7b: {  	_ =	shalt  }
0x7c: {  	_ =	shalt  }
0x7d: {  	_ =	shalt  }
0x7e: {  	_ =	shalt  }
0x7f: {  	_ =	shalt  }
0x80: {  	_ =	shalt  }
0x81: {  	_ =	shalt  }
0x82: {  	_ =	shalt  }
0x83: {  	_ =	shalt  }
0x84: {  	_ =	shalt  }
0x85: {  	_ =	shalt  }
0x86: {  	_ =	shalt  }
0x87: {  	_ =	shalt  }
.Lfunc_end0:
.L_simem_size_0:
called_computation_lowered:
.L_overlay_start_0:
0x88: {  	s2 =	sld [smem:$0x3FD9]  }
0x89: {  	s3 =	sld [smem:$0x3FFE];
	_ =	sdelay $0x1  }
0x8a: {  	s1 =	srdreg.scid  }
0x8b: {  	s0 =	sand.u32 $0x1, s1  }
0x8c: {  	s17 =	sshll.u32 s0, $0xA;
	s2 =	sadd.s32 s3, s2  }
0x8d: {  	s2 =	sadd.s32 s2, s17  }
0x8e: {  	[smem:$0x3FC1] =	sst s2  }
0x8f: {  	_ = 	snop  }
0x90: {  	s2 =	sld [smem:$0x3FC8];
	(tm) =	ssettm $0x1  }
0x91: {  	s18 =	sld [smem:$0x3FFB];
	_ =	sdelay $0x3  }
0x92: {  	_ =	strace s18  }
0x93: {  	s3 =	sld [smem:$0x3FFC];
	_ =	sdelay $0x3  }
0x94: {  	_ =	strace s3  }
0x95: {  	s3 =	sld [smem:$0x3FFD];
	_ =	sdelay $0x3  }
0x96: {  	_ =	strace s3  }
0x97: {  	_ =	strace $0x8FFFFFFF  }
0x98: {  	s19 =	sld [smem:$0x3FDB];
	_ =	sdelay $0x1  }
0x99: {  	s4 =	simm.s32 $_scs_section_size  }
0x9a: {  	s5 =	simm.s32 $_size__tile_overlayer_lowered;
	s6 =	simm.s32 $_tile_overlayer_lowered  }
0x9b: {  	s22 =	simm.s32 $0x1BFF;
	s21 =	sshll.u32 s6, $0x1;
	s3 =	sadd.s32 s4, s19  }
0x9c: {  	s7 =	simm.s32 $0x0;
	s20 =	sshll.u32 s5, $0x1;
	s5 =	sadd.s32 s21, s3  }
0x9d: {  	[timem:s7], [sflag:s22] =	dma.local [hbm:s5], s20  }
0x9e: {  	_ =	swait.ge [sflag:s22], s20  }
0x9f: {  	s4 =	ssub.s32 $0x0, s20;
	[sflag:s22] =	ssyncset.done $0x0  }
0xa0: {  	[sflag:s22] =	ssyncadd.s32 s4;
	_ =	sdelay $0x1  }
0xa1: {  	s23 =	simm.s32 $0x1B8B  }
0xa2: {  	_ =	swait.ge [sflag:s23], $0x1  }
0xa3: {  	[sflag:s23] =	ssyncset.done $0x0  }
0xa4: {  	s25 =	simm.s32 $0x1B8E;
	s24 =	sld [smem:$0x3FFE];
	[sflag:s23] =	ssyncadd.s32 $0xFFFFFFFF  }
0xa5: {  	s26 =	simm.s32 $execute0_lowered;
	[smem:$0x3FD2] =	sst s25  }
0xa6: {  	s5 =	sshll.u32 s26, $0x1;
	_ =	strace $0x80000046;
	[dreg:$0x1] =	wrdreg $0xFFFFFFFF  }
0xa7: {  	s28 =	simm.s32 $_size_execute0_lowered;
	s3 =	sadd.s32 s3, s5;
	[dreg:$0x0] =	wrdreg $0x0  }
0xa8: {  	s5 =	sshll.u32 s28, $0x1;
	[dreg:$0x2] =	wrdreg s3  }
0xa9: {  	[dreg:$0x3] =	wrdreg s5  }
0xaa: {  	[dreg:$0x4] =	wrdreg $0xC0  }
0xab: {  	_ =	task [dreg:s7], $0x5FFFF  }
0xac: {  	[dreg:$0x1] =	wrdreg $0xFFFFFFFF  }
0xad: {  	[dreg:$0x0] =	wrdreg $0x60  }
0xae: {  	[dreg:$0x2] =	wrdreg s24  }
0xaf: {  	[dreg:$0x3] =	wrdreg s2  }
0xb0: {  	[dreg:$0x4] =	wrdreg $0x9  }
0xb1: {  	_ =	task.clear_ibuf [dreg:s7], $0x5FFFF;
	_ =	strace $0x90000046  }
0xb2: {  	s29 =	simm.s32 $0x9;
	_ =	strace $0x80000048  }
0xb3: {  	_ =	swait.ge [sflag:s29], $0x1  }
0xb4: {  	[sflag:s29] =	ssyncadd.s32 $0xFFFFFFFF  }
0xb5: {  	_ =	strace $0x90000048  }
0xb6: {  	_ =	sfence  }
0xb7: {  	s30 =	sld [smem:$0x0];
	_ =	sdelay $0x2  }
0xb8: {  	s31 =	sshll.u32 s1, $0xD;
	s1 =	sshrl.u32 s1, $0x2  }
0xb9: {  	s3 =	sand.u32 $0x4000, s31;
	s1 =	sadd.s32 s1, s30  }
0xba: {  	s0 =	sor.u32 s3, s0;
	s1 =	sshll.u32 s1, $0x11  }
0xbb: {  	s0 =	sor.u32 s1, s0  }
0xbc: {  	s0 =	sadd.s32 $0x8F2B, s0  }
0xbd: {  	[sflag:s0] =	ssyncadd.remote.s32 $0x1  }
0xbe: {  	_ =	sfence.sel $0xFFFF  }
0xbf: {  	[dreg:$0x0] =	wrdreg $0xFFFFFFFF;
	(pc) =	sbr.abs _section_cstart, $3  }
0xc0: {  	[dreg:$0x1] =	wrdreg $0xFFFFFFFF  }
0xc1: {  	_ =	task.clear_ibuf [dreg:s7], $0x2FFFF;
	_ =	strace $0x9FFFFFFF  }
0xc2: {  	(tm) =	ssettm $0x7FFFFFFF  }
0xc3: {  	_ =	shalt  }
tec
execute0_lowered:
.L_overlay_start_1:
0x0: {  	(tag) =	ssettag $0x1  }
0x1: {  	s0 =	rddreg [dreg:$0x0]  }
0x2: {  	s2 =	rddreg [dreg:$0x1]  }
0x3: {  	s1 =	srdreg.scid;
	s3 =	stileid.u32;
	s4 =	simm.s32 $0x0  }
0x4: {  	s8 =	simm.s32 $0x4;
	s9 =	simm.s32 $0x2080;
	s10 =	simm.s32 $0x5200  }
0x5: {  	s12 =	simm.s32 $0x5300;
	s15 =	simm.s32 $0x8700;
	s16 =	simm.s32 $0x4180  }
0x6: {  	v2 =	vlaneseq.u32;
	v3 =	vimm.s32 $0x0;
	v12 =	vimm.s32 $0x1;
	s17 =	simm.s32 $0x5580;
	s18 =	simm.s32 $0x6600;
	s19 =	simm.s32 $0x7680  }
0x7: {  	s20 =	simm.s32 $0x18700;
	s21 =	simm.s32 $0x10;
	s1 =	sand.u32 $0x1, s1;
	v4 =	vor.u32 $0x10, v2;
	v5 =	vor.u32 $0x20, v2;
	v6 =	vor.u32 $0x30, v2  }
.Ltmp0:
0x8: {  	s3 =	sshll.u32 s3, $0x1;
	v7 =	vor.u32 $0x40, v2;
	v8 =	vor.u32 $0x50, v2;
	v9 =	vor.u32 $0x60, v2;
	s5 =	ssub.s32 $0x2, s1;
	(pc) =	sbr.rel .LBB2_1-.Ltmp0, $4  }
0x9: {  	[smem:$0x7FF] =	sst s4;
	s4 =	sadd.s32 $0x600, s0;
	v10 =	vor.u32 $0x70, v2;
	v11 =	vor.u32 $0x80, v2;
	v13 =	vor.u32 $0x90, v2;
	s30 =	sshrl.u32 s5, $0x1  }
0xa: {  	v14 =	vor.u32 $0xA0, v2;
	v15 =	vor.u32 $0xB0, v2;
	v16 =	vor.u32 $0xC0, v2;
	s1 =	sor.u32 s1, s3;
	_ =	strace $0x80000047;
	s3 =	ssub.s32 s5, s30  }
0xb: {  	v17 =	vor.u32 $0xD0, v2;
	v18 =	vor.u32 $0xE0, v2;
	v19 =	vor.u32 $0xF0, v2;
	s6 =	sor.u32 $0x8000, s1;
	s5 =	sadd.s32 $0x1600, s0;
	s31 =	smax.u32 s3, $0x1  }
0xc: {  	v20 =	vmul.u32 $0x80, v2;
	v0 =	vmov s1;
	v1 =	vmov s6;
	s6 =	sshll.u32 s1, $0xA;
	s1 =	simm.s32 $0x0;
	[dreg:$0x3] =	wrdreg s31  }
.LBB2_43:
0xd: {  	p0 =	sgt.s32 s26, $0x0  }
0xe: {  	s0 =	simm.s32 @p0 $0x3  }
0xf: {  	p1 =	seq.s32 @p0 s26, $0x1;
	_ =	swait.ge @p0 [sflag:s0], $0x800  }
0x10: {  	p1 =	por p1, !p0;
	[sflag:s0] =	ssyncset.done @p0 $0x0  }
0x11: {  	[sflag:s0] =	ssyncadd.s32 @p0 $0xFFFFF800;
	s0 =	simm.s32 @!p1 $0x3  }
0x12: {  	_ =	swait.ge @!p1 [sflag:s0], $0x800  }
0x13: {  	s1 =	rddreg [dreg:$0x4]  }
0x14: {  	s31 =	rddreg [dreg:$0x3];
	s1 =	sadd.s32 $0x1, s1  }
0x15: {  	p0 =	sne.s32 s1, s31  }
.Ltmp1:
0x16: {  	_ = 	snop;
	(pc) =	sbr.rel @!p0 .LBB2_44-.Ltmp1, $3  }
0x17: {  	_ =	sdelay $0x1  }
0x18: {  	[sflag:s0] =	ssyncset.done @!p1 $0x0  }
0x19: {  	[sflag:s0] =	ssyncadd.s32 @!p1 $0xFFFFF800  }
.LBB2_1:
0x1a: {  	[dreg:$0x4] =	wrdreg s1;
	s0 =	simm.s32 $0x0;
	p0 =	por $0x0, $0x0  }
0x1b: {  	s24 =	simm.s32 $0x0;
	s23 =	simm.s32 $0x0;
	s25 =	simm.s32 $0x0  }
0x1c: {  	[tilespmem:s0], [sflag:$0x4] =	stream.linear.gather [hbm4b:s4+s0], $0x800, $0x38;
	[tilespmem:$0x19800] =	vst v63  }
.LBB2_3:
0x1d: {  	s0 =	smov.u32 s25  }
0x1e: {  	s25 =	sadd.s32 $0x1, s25;
	p1 =	seq.s32 s0, $0xF  }
0x1f: {  	s0 =	simm.s32 $0x1;
	s1 =	sshll.u32 @!p1 s25, $0xB;
	s3 =	sshll.u32 @!p1 s25, $0x8  }
0x20: {  	s7 =	simm.s32 @!p1 $0x0;
	s1 =	sand.u32 @!p1 $0x800, s1;
	s3 =	sadd.s32 @!p1 s4, s3  }
0x21: {  	[tilespmem:s1], [sflag:$0x4] =	stream.linear.gather @!p1 [hbm4b:s3+s7], $0x800, $0x38;
	[tilespmem:$0x19800] =	vst v63  }
0x22: {  	s0 =	simm.s32 @!p0 $0x0;
	_ =	swait.ge [sflag:s8], $0x800  }
0x23: {  	s0 =	sshll.u32 s0, $0xB;
	[sflag:s8] =	ssyncset.done $0x0  }
0x24: {  	s0 =	sor.u32 $0x40, s0;
	[sflag:s8] =	ssyncadd.s32 $0xFFFFF800  }
0x25: {  	v21 =	vld [tilespmem:s0+$0xFFFFFFC0];
	_ =	sdelay $0x4  }
0x26: {  	v22 =	vshrl.u32 v21, $0x7  }
0x27: {  	p1 =	slt.s32 s23, $0x1000;
	s3 =	smov.u32 s23;
	v22 =	vand.u32 $0x1F, v22  }
0x28: {  	s3 =	simm.s32 @!p1 $0x1000;
	vm0 =	veq.s32 v22, v0;
	v22 =	vand.u32 $0x7F, v21  }
0x29: {  	s1 =	sadd.s32 $0x0, s24;
	v21 =	vshra.s32 v21, $0xC;
	v23 =	vmpcnt.ones.xlane vm0;
	[tilespmem:s3+$0x1000] =	vst.msk vm0, v22  }
0x2a: {  	v22 =	vor.u32 s1, v2;
	[tilespmem:s3+$0x2080] =	vst.msk vm0, v21  }
0x2b: {  	[tilespmem:s3+$0x3100] =	vst.msk vm0, v22;
	(v2sf) =	vpush v23, $0x0  }
0x2c: {  	v21 =	vld [tilespmem:s0+$0xFFFFFFD0];
	_ =	sdelay $0x4  }
0x2d: {  	v22 =	vshrl.u32 v21, $0x7  }
0x2e: {  	v22 =	vand.u32 $0x1F, v22  }
0x2f: {  	vm9 =	veq.s32 v22, v0  }
0x30: {  	v22 =	vmpcnt.ones.xlane vm9;
	_ =	sdelay $0x1  }
0x31: {  	(v2sf) =	vpush v22, $0x0;
	_ =	sdelay $0x3  }
0x32: {  	s29 =	spop (v2sf)  }
0x33: {  	s3 =	sadd.s32 s23, s29  }
0x34: {  	p1 =	slt.s32 s3, $0x1000;
	s7 =	smov.u32 s3  }
0x35: {  	v22 =	vand.u32 $0x7F, v21;
	s7 =	simm.s32 @!p1 $0x1000  }
0x36: {  	s11 =	sadd.s32 $0x10, s1;
	v21 =	vshra.s32 v21, $0xC;
	[tilespmem:s7+$0x1000] =	vst.msk vm9, v22  }
0x37: {  	v22 =	vor.u32 s11, v2;
	[tilespmem:s7+$0x2080] =	vst.msk vm9, v21  }
0x38: {  	[tilespmem:s7+$0x3100] =	vst.msk vm9, v22  }
0x39: {  	v21 =	vld [tilespmem:s0+$0xFFFFFFE0];
	_ =	sdelay $0x3  }
0x3a: {  	s30 =	spop (v2sf)  }
0x3b: {  	s3 =	sadd.s32 s3, s30;
	v22 =	vshrl.u32 v21, $0x7  }
0x3c: {  	v22 =	vand.u32 $0x1F, v22;
	p1 =	slt.s32 s3, $0x1000;
	s7 =	smov.u32 s3  }
0x3d: {  	vm10 =	veq.s32 v22, v0;
	s7 =	simm.s32 @!p1 $0x1000;
	v22 =	vand.u32 $0x7F, v21  }
0x3e: {  	s31 =	sadd.s32 $0x20, s1;
	v21 =	vshra.s32 v21, $0xC;
	v23 =	vmpcnt.ones.xlane vm10;
	[tilespmem:s7+$0x1000] =	vst.msk vm10, v22  }
0x3f: {  	v22 =	vor.u32 s31, v2;
	[tilespmem:s7+$0x2080] =	vst.msk vm10, v21  }
0x40: {  	[tilespmem:s7+$0x3100] =	vst.msk vm10, v22;
	(v2sf) =	vpush v23, $0x0  }
0x41: {  	v21 =	vld [tilespmem:s0+$0xFFFFFFF0];
	_ =	sdelay $0x4  }
0x42: {  	v22 =	vshrl.u32 v21, $0x7  }
0x43: {  	v22 =	vand.u32 $0x1F, v22  }
0x44: {  	vm11 =	veq.s32 v22, v0  }
0x45: {  	v22 =	vmpcnt.ones.xlane vm11;
	_ =	sdelay $0x1  }
0x46: {  	(v2sf) =	vpush v22, $0x0;
	_ =	sdelay $0x3  }
0x47: {  	s13 =	spop (v2sf)  }
0x48: {  	s3 =	sadd.s32 s3, s13  }
0x49: {  	p1 =	slt.s32 s3, $0x1000;
	s7 =	smov.u32 s3  }
0x4a: {  	v22 =	vand.u32 $0x7F, v21;
	s7 =	simm.s32 @!p1 $0x1000  }
0x4b: {  	s14 =	sadd.s32 $0x30, s1;
	v21 =	vshra.s32 v21, $0xC;
	[tilespmem:s7+$0x1000] =	vst.msk vm11, v22  }
0x4c: {  	v22 =	vor.u32 s14, v2;
	[tilespmem:s7+$0x2080] =	vst.msk vm11, v21  }
0x4d: {  	[tilespmem:s7+$0x3100] =	vst.msk vm11, v22  }
0x4e: {  	v21 =	vld [tilespmem:s0+$0x0];
	_ =	sdelay $0x3  }
0x4f: {  	s22 =	spop (v2sf)  }
0x50: {  	s3 =	sadd.s32 s3, s22;
	v22 =	vshrl.u32 v21, $0x7  }
0x51: {  	v22 =	vand.u32 $0x1F, v22;
	p1 =	slt.s32 s3, $0x1000;
	s7 =	smov.u32 s3  }
0x52: {  	vm12 =	veq.s32 v22, v0;
	s7 =	simm.s32 @!p1 $0x1000;
	v22 =	vand.u32 $0x7F, v21  }
0x53: {  	s23 =	sadd.s32 $0x40, s1;
	v21 =	vshra.s32 v21, $0xC;
	v23 =	vmpcnt.ones.xlane vm12;
	[tilespmem:s7+$0x1000] =	vst.msk vm12, v22  }
0x54: {  	v22 =	vor.u32 s23, v2;
	[tilespmem:s7+$0x2080] =	vst.msk vm12, v21  }
0x55: {  	[tilespmem:s7+$0x3100] =	vst.msk vm12, v22;
	(v2sf) =	vpush v23, $0x0  }
0x56: {  	v21 =	vld [tilespmem:s0+$0x10];
	_ =	sdelay $0x4  }
0x57: {  	v22 =	vshrl.u32 v21, $0x7  }
0x58: {  	v22 =	vand.u32 $0x1F, v22  }
0x59: {  	vm13 =	veq.s32 v22, v0  }
0x5a: {  	v22 =	vmpcnt.ones.xlane vm13;
	_ =	sdelay $0x1  }
0x5b: {  	(v2sf) =	vpush v22, $0x0;
	_ =	sdelay $0x3  }
0x5c: {  	s26 =	spop (v2sf)  }
0x5d: {  	s3 =	sadd.s32 s3, s26  }
0x5e: {  	p1 =	slt.s32 s3, $0x1000;
	s7 =	smov.u32 s3  }
0x5f: {  	v22 =	vand.u32 $0x7F, v21;
	s7 =	simm.s32 @!p1 $0x1000  }
0x60: {  	s28 =	sadd.s32 $0x50, s1;
	v21 =	vshra.s32 v21, $0xC;
	[tilespmem:s7+$0x1000] =	vst.msk vm13, v22  }
0x61: {  	v22 =	vor.u32 s28, v2;
	[tilespmem:s7+$0x2080] =	vst.msk vm13, v21  }
0x62: {  	[tilespmem:s7+$0x3100] =	vst.msk vm13, v22  }
0x63: {  	v21 =	vld [tilespmem:s0+$0x20];
	_ =	sdelay $0x3  }
0x64: {  	s29 =	spop (v2sf)  }
0x65: {  	s3 =	sadd.s32 s3, s29;
	v22 =	vshrl.u32 v21, $0x7  }
0x66: {  	v22 =	vand.u32 $0x1F, v22;
	p1 =	slt.s32 s3, $0x1000;
	s7 =	smov.u32 s3  }
0x67: {  	vm14 =	veq.s32 v22, v0;
	s7 =	simm.s32 @!p1 $0x1000;
	v22 =	vand.u32 $0x7F, v21  }
0x68: {  	s30 =	sadd.s32 $0x60, s1;
	v21 =	vshra.s32 v21, $0xC;
	[tilespmem:s7+$0x1000] =	vst.msk vm14, v22  }
0x69: {  	v22 =	vor.u32 s30, v2;
	[tilespmem:s7+$0x2080] =	vst.msk vm14, v21  }
0x6a: {  	[tilespmem:s7+$0x3100] =	vst.msk vm14, v22;
	v22 =	vmpcnt.ones.xlane vm14;
	_ =	sdelay $0x1  }
0x6b: {  	v21 =	vld [tilespmem:s0+$0x30];
	(v2sf) =	vpush v22, $0x0;
	_ =	sdelay $0x4  }
0x6c: {  	v22 =	vshrl.u32 v21, $0x7  }
0x6d: {  	v22 =	vand.u32 $0x1F, v22  }
0x6e: {  	vm15 =	veq.s32 v22, v0  }
0x6f: {  	v22 =	vmpcnt.ones.xlane vm15;
	_ =	sdelay $0x1  }
0x70: {  	(v2sf) =	vpush v22, $0x0;
	_ =	sdelay $0x4  }
0x71: {  	s31 =	spop (v2sf)  }
0x72: {  	s3 =	sadd.s32 s3, s31  }
0x73: {  	p1 =	slt.s32 s3, $0x1000;
	s7 =	smov.u32 s3  }
0x74: {  	v22 =	vand.u32 $0x7F, v21;
	s7 =	simm.s32 @!p1 $0x1000  }
0x75: {  	s1 =	sadd.s32 $0x70, s1;
	v21 =	vshra.s32 v21, $0xC;
	[tilespmem:s7+$0x1000] =	vst.msk vm15, v22  }
0x76: {  	v22 =	vor.u32 s1, v2;
	[tilespmem:s7+$0x2080] =	vst.msk vm15, v21  }
0x77: {  	s0 =	sadd.s32 $0x80, s0;
	[tilespmem:s7+$0x3100] =	vst.msk vm15, v22  }
0x78: {  	v21 =	vld [tilespmem:s0+$0xFFFFFFC0];
	_ =	sdelay $0x2  }
0x79: {  	s13 =	simm.s32 $0x100;
	s1 =	simm.s32 $0x80;
	s7 =	spop (v2sf)  }
.LBB2_4:
0x7a: {  	p1 =	seq.s32 s13, $0x780  }
0x7b: {  	v22 =	vshrl.u32 v21, $0x7;
	s7 =	sadd.s32 s3, s7;
	s3 =	smov.u32 s13;
	s13 =	sadd.s32 $0x80, s13  }
0x7c: {  	v22 =	vand.u32 $0x1F, v22;
	p2 =	slt.s32 s7, $0x1000;
	s11 =	smov.u32 s7  }
0x7d: {  	vm0 =	veq.s32 v22, v0;
	s11 =	simm.s32 @!p2 $0x1000;
	v22 =	vand.u32 $0x7F, v21  }
0x7e: {  	s14 =	sadd.s32 s1, s24;
	s1 =	smov.u32 s3;
	v21 =	vshra.s32 v21, $0xC;
	v23 =	vmpcnt.ones.xlane vm0;
	[tilespmem:s11+$0x1000] =	vst.msk vm0, v22  }
0x7f: {  	s30 =	sadd.s32 $0x10, s14;
	s3 =	sadd.s32 $0x20, s14;
	s29 =	sadd.s32 $0x30, s14;
	v22 =	vor.u32 s14, v2;
	[tilespmem:s11+$0x2080] =	vst.msk vm0, v21  }
0x80: {  	s28 =	sadd.s32 $0x40, s14;
	s26 =	sadd.s32 $0x50, s14;
	s23 =	sadd.s32 $0x60, s14;
	[tilespmem:s11+$0x3100] =	vst.msk vm0, v22;
	(v2sf) =	vpush v23, $0x0  }
0x81: {  	s14 =	sadd.s32 $0x70, s14;
	v21 =	vld [tilespmem:s0+$0xFFFFFFD0];
	_ =	sdelay $0x4  }
0x82: {  	v22 =	vshrl.u32 v21, $0x7  }
0x83: {  	v22 =	vand.u32 $0x1F, v22  }
0x84: {  	vm0 =	veq.s32 v22, v0  }
0x85: {  	v22 =	vmpcnt.ones.xlane vm0;
	_ =	sdelay $0x1  }
0x86: {  	(v2sf) =	vpush v22, $0x0;
	_ =	sdelay $0x3  }
0x87: {  	s11 =	spop (v2sf)  }
0x88: {  	s7 =	sadd.s32 s7, s11  }
0x89: {  	p2 =	slt.s32 s7, $0x1000;
	s11 =	smov.u32 s7  }
0x8a: {  	v22 =	vand.u32 $0x7F, v21;
	s11 =	simm.s32 @!p2 $0x1000  }
0x8b: {  	v21 =	vshra.s32 v21, $0xC;
	[tilespmem:s11+$0x1000] =	vst.msk vm0, v22  }
0x8c: {  	v22 =	vor.u32 s30, v2;
	[tilespmem:s11+$0x2080] =	vst.msk vm0, v21  }
0x8d: {  	[tilespmem:s11+$0x3100] =	vst.msk vm0, v22  }
0x8e: {  	v21 =	vld [tilespmem:s0+$0xFFFFFFE0];
	_ =	sdelay $0x3  }
0x8f: {  	s11 =	spop (v2sf)  }
0x90: {  	s7 =	sadd.s32 s7, s11;
	v22 =	vshrl.u32 v21, $0x7  }
0x91: {  	v22 =	vand.u32 $0x1F, v22;
	p2 =	slt.s32 s7, $0x1000;
	s11 =	smov.u32 s7  }
0x92: {  	vm0 =	veq.s32 v22, v0;
	s11 =	simm.s32 @!p2 $0x1000;
	v22 =	vand.u32 $0x7F, v21  }
0x93: {  	v21 =	vshra.s32 v21, $0xC;
	v23 =	vmpcnt.ones.xlane vm0;
	[tilespmem:s11+$0x1000] =	vst.msk vm0, v22  }
0x94: {  	v22 =	vor.u32 s3, v2;
	[tilespmem:s11+$0x2080] =	vst.msk vm0, v21  }
0x95: {  	[tilespmem:s11+$0x3100] =	vst.msk vm0, v22;
	(v2sf) =	vpush v23, $0x0  }
0x96: {  	v21 =	vld [tilespmem:s0+$0xFFFFFFF0];
	_ =	sdelay $0x4  }
0x97: {  	v22 =	vshrl.u32 v21, $0x7  }
0x98: {  	v22 =	vand.u32 $0x1F, v22  }
0x99: {  	vm0 =	veq.s32 v22, v0  }
0x9a: {  	v22 =	vmpcnt.ones.xlane vm0;
	_ =	sdelay $0x1  }
0x9b: {  	(v2sf) =	vpush v22, $0x0;
	_ =	sdelay $0x3  }
0x9c: {  	s3 =	spop (v2sf)  }
0x9d: {  	s3 =	sadd.s32 s7, s3  }
0x9e: {  	p2 =	slt.s32 s3, $0x1000;
	s7 =	smov.u32 s3  }
0x9f: {  	v22 =	vand.u32 $0x7F, v21;
	s7 =	simm.s32 @!p2 $0x1000  }
0xa0: {  	v21 =	vshra.s32 v21, $0xC;
	[tilespmem:s7+$0x1000] =	vst.msk vm0, v22  }
0xa1: {  	v22 =	vor.u32 s29, v2;
	[tilespmem:s7+$0x2080] =	vst.msk vm0, v21  }
0xa2: {  	[tilespmem:s7+$0x3100] =	vst.msk vm0, v22  }
0xa3: {  	v21 =	vld [tilespmem:s0+$0x0];
	_ =	sdelay $0x3  }
0xa4: {  	s7 =	spop (v2sf)  }
0xa5: {  	s3 =	sadd.s32 s3, s7;
	v22 =	vshrl.u32 v21, $0x7  }
0xa6: {  	v22 =	vand.u32 $0x1F, v22;
	p2 =	slt.s32 s3, $0x1000;
	s7 =	smov.u32 s3  }
0xa7: {  	vm0 =	veq.s32 v22, v0;
	s7 =	simm.s32 @!p2 $0x1000;
	v22 =	vand.u32 $0x7F, v21  }
0xa8: {  	v21 =	vshra.s32 v21, $0xC;
	v23 =	vmpcnt.ones.xlane vm0;
	[tilespmem:s7+$0x1000] =	vst.msk vm0, v22  }
0xa9: {  	v22 =	vor.u32 s28, v2;
	[tilespmem:s7+$0x2080] =	vst.msk vm0, v21  }
0xaa: {  	[tilespmem:s7+$0x3100] =	vst.msk vm0, v22;
	(v2sf) =	vpush v23, $0x0  }
0xab: {  	v21 =	vld [tilespmem:s0+$0x10];
	_ =	sdelay $0x4  }
0xac: {  	v22 =	vshrl.u32 v21, $0x7  }
0xad: {  	v22 =	vand.u32 $0x1F, v22  }
0xae: {  	vm0 =	veq.s32 v22, v0  }
0xaf: {  	v22 =	vmpcnt.ones.xlane vm0;
	_ =	sdelay $0x1  }
0xb0: {  	(v2sf) =	vpush v22, $0x0;
	_ =	sdelay $0x3  }
0xb1: {  	s7 =	spop (v2sf)  }
0xb2: {  	s3 =	sadd.s32 s3, s7  }
0xb3: {  	p2 =	slt.s32 s3, $0x1000;
	s7 =	smov.u32 s3  }
0xb4: {  	v22 =	vand.u32 $0x7F, v21;
	s7 =	simm.s32 @!p2 $0x1000  }
0xb5: {  	v21 =	vshra.s32 v21, $0xC;
	[tilespmem:s7+$0x1000] =	vst.msk vm0, v22  }
0xb6: {  	v22 =	vor.u32 s26, v2;
	[tilespmem:s7+$0x2080] =	vst.msk vm0, v21  }
0xb7: {  	[tilespmem:s7+$0x3100] =	vst.msk vm0, v22  }
0xb8: {  	v21 =	vld [tilespmem:s0+$0x20];
	_ =	sdelay $0x3  }
0xb9: {  	s7 =	spop (v2sf)  }
0xba: {  	s3 =	sadd.s32 s3, s7;
	v22 =	vshrl.u32 v21, $0x7  }
0xbb: {  	v22 =	vand.u32 $0x1F, v22;
	p2 =	slt.s32 s3, $0x1000;
	s7 =	smov.u32 s3  }
0xbc: {  	vm0 =	veq.s32 v22, v0;
	s7 =	simm.s32 @!p2 $0x1000;
	v22 =	vand.u32 $0x7F, v21  }
0xbd: {  	v21 =	vshra.s32 v21, $0xC;
	v23 =	vmpcnt.ones.xlane vm0;
	[tilespmem:s7+$0x1000] =	vst.msk vm0, v22  }
0xbe: {  	v22 =	vor.u32 s23, v2;
	[tilespmem:s7+$0x2080] =	vst.msk vm0, v21  }
0xbf: {  	[tilespmem:s7+$0x3100] =	vst.msk vm0, v22;
	(v2sf) =	vpush v23, $0x0  }
0xc0: {  	v21 =	vld [tilespmem:s0+$0x30];
	_ =	sdelay $0x4  }
0xc1: {  	v22 =	vshrl.u32 v21, $0x7  }
0xc2: {  	v22 =	vand.u32 $0x1F, v22  }
0xc3: {  	vm0 =	veq.s32 v22, v0  }
0xc4: {  	v22 =	vmpcnt.ones.xlane vm0;
	_ =	sdelay $0x1  }
0xc5: {  	(v2sf) =	vpush v22, $0x0;
	_ =	sdelay $0x3  }
0xc6: {  	s7 =	spop (v2sf)  }
0xc7: {  	s3 =	sadd.s32 s3, s7  }
0xc8: {  	p2 =	slt.s32 s3, $0x1000;
	s7 =	smov.u32 s3  }
0xc9: {  	v22 =	vand.u32 $0x7F, v21;
	s7 =	simm.s32 @!p2 $0x1000  }
0xca: {  	v21 =	vshra.s32 v21, $0xC;
	[tilespmem:s7+$0x1000] =	vst.msk vm0, v22  }
0xcb: {  	v22 =	vor.u32 s14, v2;
	[tilespmem:s7+$0x2080] =	vst.msk vm0, v21  }
0xcc: {  	s0 =	sadd.s32 $0x80, s0;
	[tilespmem:s7+$0x3100] =	vst.msk vm0, v22  }
.Ltmp2:
0xcd: {  	v21 =	vld [tilespmem:s0+$0xFFFFFFC0];
	(pc) =	sbr.rel @!p1 .LBB2_4-.Ltmp2, $2  }
0xce: {  	_ =	sdelay $0x2  }
0xcf: {  	s7 =	spop (v2sf)  }
0xd0: {  	v22 =	vshrl.u32 v21, $0x7;
	s3 =	sadd.s32 s3, s7  }
0xd1: {  	v22 =	vand.u32 $0x1F, v22;
	p1 =	slt.s32 s3, $0x1000;
	s7 =	smov.u32 s3  }
0xd2: {  	vm0 =	veq.s32 v22, v0;
	s7 =	simm.s32 @!p1 $0x1000;
	v22 =	vand.u32 $0x7F, v21  }
0xd3: {  	s1 =	sadd.s32 s1, s24;
	v21 =	vshra.s32 v21, $0xC;
	v23 =	vmpcnt.ones.xlane vm0;
	[tilespmem:s7+$0x1000] =	vst.msk vm0, v22  }
0xd4: {  	v22 =	vor.u32 s1, v2;
	[tilespmem:s7+$0x2080] =	vst.msk vm0, v21  }
0xd5: {  	[tilespmem:s7+$0x3100] =	vst.msk vm0, v22;
	(v2sf) =	vpush v23, $0x0  }
0xd6: {  	v21 =	vld [tilespmem:s0+$0xFFFFFFD0];
	_ =	sdelay $0x4  }
0xd7: {  	v22 =	vshrl.u32 v21, $0x7  }
0xd8: {  	v22 =	vand.u32 $0x1F, v22  }
0xd9: {  	vm9 =	veq.s32 v22, v0  }
0xda: {  	v22 =	vmpcnt.ones.xlane vm9;
	_ =	sdelay $0x1  }
0xdb: {  	(v2sf) =	vpush v22, $0x0;
	_ =	sdelay $0x3  }
0xdc: {  	s29 =	spop (v2sf)  }
0xdd: {  	s3 =	sadd.s32 s3, s29  }
0xde: {  	p1 =	slt.s32 s3, $0x1000;
	s7 =	smov.u32 s3  }
0xdf: {  	v22 =	vand.u32 $0x7F, v21;
	s7 =	simm.s32 @!p1 $0x1000  }
0xe0: {  	s11 =	sadd.s32 $0x10, s1;
	v21 =	vshra.s32 v21, $0xC;
	[tilespmem:s7+$0x1000] =	vst.msk vm9, v22  }
0xe1: {  	v22 =	vor.u32 s11, v2;
	[tilespmem:s7+$0x2080] =	vst.msk vm9, v21  }
0xe2: {  	[tilespmem:s7+$0x3100] =	vst.msk vm9, v22  }
0xe3: {  	v21 =	vld [tilespmem:s0+$0xFFFFFFE0];
	_ =	sdelay $0x3  }
0xe4: {  	s30 =	spop (v2sf)  }
0xe5: {  	s3 =	sadd.s32 s3, s30;
	v22 =	vshrl.u32 v21, $0x7  }
0xe6: {  	v22 =	vand.u32 $0x1F, v22;
	p1 =	slt.s32 s3, $0x1000;
	s7 =	smov.u32 s3  }
0xe7: {  	vm10 =	veq.s32 v22, v0;
	s7 =	simm.s32 @!p1 $0x1000;
	v22 =	vand.u32 $0x7F, v21  }
0xe8: {  	s31 =	sadd.s32 $0x20, s1;
	v21 =	vshra.s32 v21, $0xC;
	v23 =	vmpcnt.ones.xlane vm10;
	[tilespmem:s7+$0x1000] =	vst.msk vm10, v22  }
0xe9: {  	v22 =	vor.u32 s31, v2;
	[tilespmem:s7+$0x2080] =	vst.msk vm10, v21  }
0xea: {  	[tilespmem:s7+$0x3100] =	vst.msk vm10, v22;
	(v2sf) =	vpush v23, $0x0  }
0xeb: {  	v21 =	vld [tilespmem:s0+$0xFFFFFFF0];
	_ =	sdelay $0x4  }
0xec: {  	v22 =	vshrl.u32 v21, $0x7  }
0xed: {  	v22 =	vand.u32 $0x1F, v22  }
0xee: {  	vm11 =	veq.s32 v22, v0  }
0xef: {  	v22 =	vmpcnt.ones.xlane vm11;
	_ =	sdelay $0x1  }
0xf0: {  	(v2sf) =	vpush v22, $0x0;
	_ =	sdelay $0x3  }
0xf1: {  	s11 =	spop (v2sf)  }
0xf2: {  	s3 =	sadd.s32 s3, s11  }
0xf3: {  	p1 =	slt.s32 s3, $0x1000;
	s7 =	smov.u32 s3  }
0xf4: {  	v22 =	vand.u32 $0x7F, v21;
	s7 =	simm.s32 @!p1 $0x1000  }
0xf5: {  	s13 =	sadd.s32 $0x30, s1;
	v21 =	vshra.s32 v21, $0xC;
	[tilespmem:s7+$0x1000] =	vst.msk vm11, v22  }
0xf6: {  	v22 =	vor.u32 s13, v2;
	[tilespmem:s7+$0x2080] =	vst.msk vm11, v21  }
0xf7: {  	[tilespmem:s7+$0x3100] =	vst.msk vm11, v22  }
0xf8: {  	v21 =	vld [tilespmem:s0+$0x0];
	_ =	sdelay $0x3  }
0xf9: {  	s14 =	spop (v2sf)  }
0xfa: {  	s3 =	sadd.s32 s3, s14;
	v22 =	vshrl.u32 v21, $0x7  }
0xfb: {  	v22 =	vand.u32 $0x1F, v22;
	p1 =	slt.s32 s3, $0x1000;
	s7 =	smov.u32 s3  }
0xfc: {  	vm12 =	veq.s32 v22, v0;
	s7 =	simm.s32 @!p1 $0x1000;
	v22 =	vand.u32 $0x7F, v21  }
0xfd: {  	s22 =	sadd.s32 $0x40, s1;
	v21 =	vshra.s32 v21, $0xC;
	v23 =	vmpcnt.ones.xlane vm12;
	[tilespmem:s7+$0x1000] =	vst.msk vm12, v22  }
0xfe: {  	v22 =	vor.u32 s22, v2;
	[tilespmem:s7+$0x2080] =	vst.msk vm12, v21  }
0xff: {  	[tilespmem:s7+$0x3100] =	vst.msk vm12, v22;
	(v2sf) =	vpush v23, $0x0  }
0x100: {  	v21 =	vld [tilespmem:s0+$0x10];
	_ =	sdelay $0x4  }
0x101: {  	v22 =	vshrl.u32 v21, $0x7  }
0x102: {  	v22 =	vand.u32 $0x1F, v22  }
0x103: {  	vm13 =	veq.s32 v22, v0  }
0x104: {  	v22 =	vmpcnt.ones.xlane vm13;
	_ =	sdelay $0x1  }
0x105: {  	(v2sf) =	vpush v22, $0x0;
	_ =	sdelay $0x3  }
0x106: {  	s23 =	spop (v2sf)  }
0x107: {  	s3 =	sadd.s32 s3, s23  }
0x108: {  	p1 =	slt.s32 s3, $0x1000;
	s7 =	smov.u32 s3  }
0x109: {  	v22 =	vand.u32 $0x7F, v21;
	s7 =	simm.s32 @!p1 $0x1000  }
0x10a: {  	s26 =	sadd.s32 $0x50, s1;
	v21 =	vshra.s32 v21, $0xC;
	[tilespmem:s7+$0x1000] =	vst.msk vm13, v22  }
0x10b: {  	v22 =	vor.u32 s26, v2;
	[tilespmem:s7+$0x2080] =	vst.msk vm13, v21  }
0x10c: {  	[tilespmem:s7+$0x3100] =	vst.msk vm13, v22  }
0x10d: {  	v21 =	vld [tilespmem:s0+$0x20];
	_ =	sdelay $0x3  }
0x10e: {  	s28 =	spop (v2sf)  }
0x10f: {  	s3 =	sadd.s32 s3, s28;
	v22 =	vshrl.u32 v21, $0x7  }
0x110: {  	v22 =	vand.u32 $0x1F, v22;
	p1 =	slt.s32 s3, $0x1000;
	s7 =	smov.u32 s3  }
0x111: {  	vm14 =	veq.s32 v22, v0;
	s7 =	simm.s32 @!p1 $0x1000;
	v22 =	vand.u32 $0x7F, v21  }
0x112: {  	s29 =	sadd.s32 $0x60, s1;
	v21 =	vshra.s32 v21, $0xC;
	[tilespmem:s7+$0x1000] =	vst.msk vm14, v22  }
0x113: {  	v22 =	vor.u32 s29, v2;
	[tilespmem:s7+$0x2080] =	vst.msk vm14, v21  }
0x114: {  	[tilespmem:s7+$0x3100] =	vst.msk vm14, v22  }
0x115: {  	v21 =	vld [tilespmem:s0+$0x30];
	_ =	sdelay $0x2  }
0x116: {  	v22 =	vmpcnt.ones.xlane vm14;
	_ =	sdelay $0x1  }
0x117: {  	(v2sf) =	vpush v22, $0x0;
	v22 =	vshrl.u32 v21, $0x7  }
0x118: {  	v22 =	vand.u32 $0x1F, v22  }
0x119: {  	vm15 =	veq.s32 v22, v0  }
0x11a: {  	v22 =	vmpcnt.ones.xlane vm15;
	_ =	sdelay $0x1  }
0x11b: {  	(v2sf) =	vpush v22, $0x0;
	_ =	sdelay $0x9  }
0x11c: {  	s30 =	spop (v2sf)  }
0x11d: {  	s0 =	sadd.s32 s3, s30  }
0x11e: {  	p1 =	slt.s32 s0, $0x1000;
	s3 =	smov.u32 s0  }
0x11f: {  	v22 =	vand.u32 $0x7F, v21;
	s3 =	simm.s32 @!p1 $0x1000  }
0x120: {  	s1 =	sadd.s32 $0x70, s1;
	v21 =	vshra.s32 v21, $0xC;
	[tilespmem:s3+$0x1000] =	vst.msk vm15, v22  }
0x121: {  	v22 =	vor.u32 s1, v2;
	[tilespmem:s3+$0x2080] =	vst.msk vm15, v21;
	s31 =	spop (v2sf)  }
0x122: {  	[tilespmem:s3+$0x3100] =	vst.msk vm15, v22;
	s23 =	sadd.s32 s0, s31  }
0x123: {  	p1 =	seq.s32 s25, $0x10  }
.Ltmp3:
0x124: {  	_ = 	snop;
	(pc) =	sbr.rel @!p1 .LBB2_3-.Ltmp3, $2  }
0x125: {  	_ =	sdelay $0x2  }
0x126: {  	s24 =	sadd.s32 $0x800, s24;
	p0 =	por !p0, !p0  }
0x127: {  	[tilespmem:$0x5200] =	vst v3  }
0x128: {  	[tilespmem:$0x5210] =	vst v3  }
0x129: {  	[tilespmem:$0x5220] =	vst v3  }
0x12a: {  	[tilespmem:$0x5230] =	vst v3  }
0x12b: {  	[tilespmem:$0x5240] =	vst v3  }
0x12c: {  	[tilespmem:$0x5250] =	vst v3  }
0x12d: {  	[tilespmem:$0x5260] =	vst v3;
	p0 =	slt.s32 s23, $0x1000  }
0x12e: {  	[tilespmem:$0x5270] =	vst v3;
	s23 =	simm.s32 @!p0 $0x1000  }
0x12f: {  	[tilespmem:$0x5280] =	vst v3;
	s0 =	sadd.s32 $0xF, s23  }
0x130: {  	[tilespmem:$0x5290] =	vst v3;
	s24 =	sshra.s32 s0, $0x4  }
0x131: {  	[tilespmem:$0x52A0] =	vst v3;
	p6 =	slt.s32 s24, $0x1  }
.Ltmp4:
0x132: {  	[tilespmem:$0x52B0] =	vst v3;
	(pc) =	sbr.rel @p6 .LBB2_13-.Ltmp4, $4  }
0x133: {  	[tilespmem:$0x52C0] =	vst v3  }
0x134: {  	[tilespmem:$0x52D0] =	vst v3  }
0x135: {  	[tilespmem:$0x52E0] =	vst v3  }
0x136: {  	[tilespmem:$0x52F0] =	vst v3;
	s0 =	simm.s32 $0x0  }
0x137: {  	p1 =	sne.s32 s24, $0x1  }
.Ltmp5:
0x138: {  	_ = 	snop;
	(pc) =	sbr.rel @!p1 .LBB2_8-.Ltmp5, $2  }
0x139: {  	_ =	sdelay $0x2  }
0x13a: {  	v21 =	vor.u32 s0, v2;
	s3 =	sadd.s32 $0xFFFFFFFF, s24;
	p0 =	por $0x0, $0x0  }
0x13b: {  	_ =	sdelay $0x3  }
0x13c: {  	v21 =	vld.idx.msk [tilespmem:v21+s9+$0x0], $0xffff  }
0x13d: {  	p1 =	sne.s32 s3, $0x1  }
.Ltmp6:
0x13e: {  	_ = 	snop;
	(pc) =	sbr.rel @!p1 .LBB2_10-.Ltmp6, $4  }
0x13f: {  	v22 =	vmov s23  }
0x140: {  	vm0 =	vgt.s32 v22, v2  }
0x141: {  	s1 =	sadd.s32 $0x10, s0;
	v22 =	vand.u32 $0xFF, v21  }
0x142: {  	s3 =	sadd.s32 $0xFFFFFFFF, s3;
	p0 =	por $0x1, $0x1;
	s0 =	smov.u32 s23;
	v21 =	vor.u32 s1, v2  }
.LBB2_11:
0x143: {  	p1 =	sne.s32 s3, $0x1;
	_ =	sdelay $0x2  }
0x144: {  	[tilespmem:v22+s10+$0x0] =	vst.idx.msk vm0, v12  }
0x145: {  	v21 =	vld.idx.msk [tilespmem:v21+s9+$0x0], $0xffff;
	_ =	sdelay $0x2  }
.Ltmp7:
0x146: {  	s0 =	sadd.s32 $0xFFFFFFF0, s0;
	(pc) =	sbr.rel @p1 .LBB2_11-.Ltmp7, $4  }
0x147: {  	v22 =	vmov s0  }
0x148: {  	vm0 =	vgt.s32 v22, v2  }
0x149: {  	s1 =	sadd.s32 $0x10, s1;
	v22 =	vand.u32 $0xFF, v21  }
0x14a: {  	s3 =	sadd.s32 $0xFFFFFFFF, s3;
	v21 =	vor.u32 s1, v2  }
.LBB2_12:
0x14b: {  	_ =	sdelay $0x4  }
0x14c: {  	[tilespmem:v22+s10+$0x0] =	vst.idx.msk @p0 vm0, v12  }
0x14d: {  	v21 =	vld.idx.msk [tilespmem:v21+s9+$0x0], $0xffff  }
0x14e: {  	s0 =	sadd.s32 @p0 $0xFFFFFFF0, s0;
	s1 =	smov.u32 s23  }
0x14f: {  	s1 =	smov.u32 @p0 s0  }
0x150: {  	v22 =	vmov s1  }
0x151: {  	vm15 =	vgt.s32 v22, v2  }
0x152: {  	v21 =	vand.u32 $0xFF, v21;
	_ =	sdelay $0x4  }
0x153: {  	[tilespmem:v21+s10+$0x0] =	vst.idx.msk vm15, v12  }
.LBB2_13:
0x154: {  	v21 =	vld [tilespmem:$0x5200];
	_ =	sdelay $0x4  }
0x155: {  	vm0 =	vne.s32 v21, $0x0  }
0x156: {  	v21 =	vsel vm0, $0x1, v3  }
0x157: {  	(xrf0) =	vadd.scan.msk.s32 $0xffff, v21;
	_ =	sdelay $0x4  }
0x158: {  	v21 =	vmpcnt.ones.xlane vm0  }
0x159: {  	s0 =	simm.s32 $0x5400;
	v22, _, _ =	vpop (xrf0)  }
0x15a: {  	[tilespmem:s0+$0x0] =	vst.msk vm0, v2;
	(v2sf) =	vpush v21, $0x0;
	v22 =	vadd.s32 $0xFFFFFFFF, v22  }
0x15b: {  	[tilespmem:v2+s12+$0x0] =	vst.idx.msk vm0, v22  }
0x15c: {  	v22 =	vld [tilespmem:$0x5210];
	_ =	sdelay $0x4  }
0x15d: {  	vm13 =	vne.s32 v22, $0x0  }
0x15e: {  	v22 =	vsel vm13, $0x1, v3  }
0x15f: {  	(xrf0) =	vadd.scan.msk.s32 $0xffff, v22;
	v22 =	vmpcnt.ones.xlane vm13;
	_ =	sdelay $0x1  }
0x160: {  	(v2sf) =	vpush v22, $0x0;
	_ =	sdelay $0x1  }
0x161: {  	v21 =	vadd.s32 $0xFFFFFFFF, v21  }
0x162: {  	v21 =	vbroadcast v21, $0x0  }
0x163: {  	s30 =	spop (v2sf);
	v22, _, _ =	vpop (xrf0)  }
0x164: {  	[tilespmem:s30+$0x5400] =	vst.msk vm13, v4;
	v21 =	vadd.s32 v22, v21  }
0x165: {  	[tilespmem:v4+s12+$0x0] =	vst.idx.msk vm13, v21  }
0x166: {  	v21 =	vld [tilespmem:$0x5220];
	_ =	sdelay $0x4  }
0x167: {  	vm14 =	vne.s32 v21, $0x0  }
0x168: {  	v21 =	vsel vm14, $0x1, v3  }
0x169: {  	v22 =	vmpcnt.ones.xlane vm14;
	(xrf0) =	vadd.scan.msk.s32 $0xffff, v21  }
0x16a: {  	s1 =	spop (v2sf)  }
0x16b: {  	(v2sf) =	vpush v22, $0x0;
	s0 =	sadd.s32 s30, s1  }
0x16c: {  	v21 =	vmov s0  }
0x16d: {  	v21 =	vadd.s32 $0xFFFFFFFF, v21  }
0x16e: {  	v21 =	vbroadcast v21, $0x0  }
0x16f: {  	v22, _, _ =	vpop (xrf0)  }
0x170: {  	[tilespmem:s0+$0x5400] =	vst.msk vm14, v5;
	v21 =	vadd.s32 v22, v21  }
0x171: {  	[tilespmem:v5+s12+$0x0] =	vst.idx.msk vm14, v21  }
0x172: {  	v21 =	vld [tilespmem:$0x5230];
	_ =	sdelay $0x4  }
0x173: {  	vm15 =	vne.s32 v21, $0x0  }
0x174: {  	v21 =	vsel vm15, $0x1, v3  }
0x175: {  	v22 =	vmpcnt.ones.xlane vm15;
	(xrf0) =	vadd.scan.msk.s32 $0xffff, v21  }
0x176: {  	s31 =	spop (v2sf)  }
0x177: {  	s0 =	sadd.s32 s0, s31;
	(v2sf) =	vpush v22, $0x0  }
0x178: {  	v21 =	vmov s0  }
0x179: {  	v21 =	vadd.s32 $0xFFFFFFFF, v21  }
0x17a: {  	v21 =	vbroadcast v21, $0x0  }
0x17b: {  	v22, _, _ =	vpop (xrf0)  }
0x17c: {  	[tilespmem:s0+$0x5400] =	vst.msk vm15, v6;
	v21 =	vadd.s32 v22, v21  }
0x17d: {  	[tilespmem:v6+s12+$0x0] =	vst.idx.msk vm15, v21  }
0x17e: {  	v21 =	vld [tilespmem:$0x5240];
	_ =	sdelay $0x4  }
0x17f: {  	vm4 =	vne.s32 v21, $0x0  }
0x180: {  	v21 =	vsel vm4, $0x1, v3  }
0x181: {  	v22 =	vmpcnt.ones.xlane vm4;
	(xrf0) =	vadd.scan.msk.s32 $0xffff, v21  }
0x182: {  	s3 =	spop (v2sf)  }
0x183: {  	s0 =	sadd.s32 s0, s3;
	(v2sf) =	vpush v22, $0x0  }
0x184: {  	v21 =	vmov s0  }
0x185: {  	v21 =	vadd.s32 $0xFFFFFFFF, v21  }
0x186: {  	v21 =	vbroadcast v21, $0x0  }
0x187: {  	v22, _, _ =	vpop (xrf0)  }
0x188: {  	[tilespmem:s0+$0x5400] =	vst.msk vm4, v7;
	v21 =	vadd.s32 v22, v21  }
0x189: {  	[tilespmem:v7+s12+$0x0] =	vst.idx.msk vm4, v21  }
0x18a: {  	v21 =	vld [tilespmem:$0x5250];
	_ =	sdelay $0x4  }
0x18b: {  	vm5 =	vne.s32 v21, $0x0  }
0x18c: {  	v21 =	vsel vm5, $0x1, v3  }
0x18d: {  	v22 =	vmpcnt.ones.xlane vm5;
	(xrf0) =	vadd.scan.msk.s32 $0xffff, v21  }
0x18e: {  	s7 =	spop (v2sf)  }
0x18f: {  	s0 =	sadd.s32 s0, s7;
	(v2sf) =	vpush v22, $0x0  }
0x190: {  	v21 =	vmov s0  }
0x191: {  	v21 =	vadd.s32 $0xFFFFFFFF, v21  }
0x192: {  	v21 =	vbroadcast v21, $0x0  }
0x193: {  	v22, _, _ =	vpop (xrf0)  }
0x194: {  	[tilespmem:s0+$0x5400] =	vst.msk vm5, v8;
	v21 =	vadd.s32 v22, v21  }
0x195: {  	[tilespmem:v8+s12+$0x0] =	vst.idx.msk vm5, v21  }
0x196: {  	v21 =	vld [tilespmem:$0x5260];
	_ =	sdelay $0x4  }
0x197: {  	vm6 =	vne.s32 v21, $0x0  }
0x198: {  	v21 =	vsel vm6, $0x1, v3  }
0x199: {  	v22 =	vmpcnt.ones.xlane vm6;
	(xrf0) =	vadd.scan.msk.s32 $0xffff, v21  }
0x19a: {  	s11 =	spop (v2sf)  }
0x19b: {  	s0 =	sadd.s32 s0, s11;
	(v2sf) =	vpush v22, $0x0  }
0x19c: {  	v21 =	vmov s0  }
0x19d: {  	v21 =	vadd.s32 $0xFFFFFFFF, v21  }
0x19e: {  	v21 =	vbroadcast v21, $0x0  }
0x19f: {  	v22, _, _ =	vpop (xrf0)  }
0x1a0: {  	[tilespmem:s0+$0x5400] =	vst.msk vm6, v9;
	v21 =	vadd.s32 v22, v21  }
0x1a1: {  	[tilespmem:v9+s12+$0x0] =	vst.idx.msk vm6, v21  }
0x1a2: {  	v21 =	vld [tilespmem:$0x5270];
	_ =	sdelay $0x4  }
0x1a3: {  	vm7 =	vne.s32 v21, $0x0  }
0x1a4: {  	v21 =	vsel vm7, $0x1, v3  }
0x1a5: {  	v22 =	vmpcnt.ones.xlane vm7;
	(xrf0) =	vadd.scan.msk.s32 $0xffff, v21  }
0x1a6: {  	s13 =	spop (v2sf)  }
0x1a7: {  	s0 =	sadd.s32 s0, s13;
	(v2sf) =	vpush v22, $0x0  }
0x1a8: {  	v21 =	vmov s0  }
0x1a9: {  	v21 =	vadd.s32 $0xFFFFFFFF, v21  }
0x1aa: {  	v21 =	vbroadcast v21, $0x0  }
0x1ab: {  	v22, _, _ =	vpop (xrf0)  }
0x1ac: {  	[tilespmem:s0+$0x5400] =	vst.msk vm7, v10;
	v21 =	vadd.s32 v22, v21  }
0x1ad: {  	[tilespmem:v10+s12+$0x0] =	vst.idx.msk vm7, v21  }
0x1ae: {  	v21 =	vld [tilespmem:$0x5280];
	_ =	sdelay $0x4  }
0x1af: {  	vm8 =	vne.s32 v21, $0x0  }
0x1b0: {  	v21 =	vsel vm8, $0x1, v3  }
0x1b1: {  	v22 =	vmpcnt.ones.xlane vm8;
	(xrf0) =	vadd.scan.msk.s32 $0xffff, v21  }
0x1b2: {  	s14 =	spop (v2sf)  }
0x1b3: {  	s0 =	sadd.s32 s0, s14;
	(v2sf) =	vpush v22, $0x0  }
0x1b4: {  	v21 =	vmov s0  }
0x1b5: {  	v21 =	vadd.s32 $0xFFFFFFFF, v21  }
0x1b6: {  	v21 =	vbroadcast v21, $0x0  }
0x1b7: {  	v22, _, _ =	vpop (xrf0)  }
0x1b8: {  	[tilespmem:s0+$0x5400] =	vst.msk vm8, v11;
	v21 =	vadd.s32 v22, v21  }
0x1b9: {  	[tilespmem:v11+s12+$0x0] =	vst.idx.msk vm8, v21  }
0x1ba: {  	v21 =	vld [tilespmem:$0x5290];
	_ =	sdelay $0x4  }
0x1bb: {  	vm9 =	vne.s32 v21, $0x0  }
0x1bc: {  	v21 =	vsel vm9, $0x1, v3  }
0x1bd: {  	v22 =	vmpcnt.ones.xlane vm9;
	(xrf0) =	vadd.scan.msk.s32 $0xffff, v21  }
0x1be: {  	s22 =	spop (v2sf)  }
0x1bf: {  	s0 =	sadd.s32 s0, s22;
	(v2sf) =	vpush v22, $0x0  }
0x1c0: {  	v21 =	vmov s0  }
0x1c1: {  	v21 =	vadd.s32 $0xFFFFFFFF, v21  }
0x1c2: {  	v21 =	vbroadcast v21, $0x0  }
0x1c3: {  	v22, _, _ =	vpop (xrf0)  }
0x1c4: {  	[tilespmem:s0+$0x5400] =	vst.msk vm9, v13;
	v21 =	vadd.s32 v22, v21  }
0x1c5: {  	[tilespmem:v13+s12+$0x0] =	vst.idx.msk vm9, v21  }
0x1c6: {  	v21 =	vld [tilespmem:$0x52A0];
	_ =	sdelay $0x4  }
0x1c7: {  	vm10 =	vne.s32 v21, $0x0  }
0x1c8: {  	v21 =	vsel vm10, $0x1, v3  }
0x1c9: {  	v22 =	vmpcnt.ones.xlane vm10;
	(xrf0) =	vadd.scan.msk.s32 $0xffff, v21  }
0x1ca: {  	s25 =	spop (v2sf)  }
0x1cb: {  	s0 =	sadd.s32 s0, s25;
	(v2sf) =	vpush v22, $0x0  }
0x1cc: {  	v21 =	vmov s0  }
0x1cd: {  	v21 =	vadd.s32 $0xFFFFFFFF, v21  }
0x1ce: {  	v21 =	vbroadcast v21, $0x0  }
0x1cf: {  	v22, _, _ =	vpop (xrf0)  }
0x1d0: {  	[tilespmem:s0+$0x5400] =	vst.msk vm10, v14;
	v21 =	vadd.s32 v22, v21  }
0x1d1: {  	[tilespmem:v14+s12+$0x0] =	vst.idx.msk vm10, v21  }
0x1d2: {  	v21 =	vld [tilespmem:$0x52B0];
	_ =	sdelay $0x4  }
0x1d3: {  	vm11 =	vne.s32 v21, $0x0  }
0x1d4: {  	v21 =	vsel vm11, $0x1, v3  }
0x1d5: {  	v22 =	vmpcnt.ones.xlane vm11;
	(xrf0) =	vadd.scan.msk.s32 $0xffff, v21  }
0x1d6: {  	s26 =	spop (v2sf)  }
0x1d7: {  	s0 =	sadd.s32 s0, s26;
	(v2sf) =	vpush v22, $0x0  }
0x1d8: {  	v21 =	vmov s0  }
0x1d9: {  	v21 =	vadd.s32 $0xFFFFFFFF, v21  }
0x1da: {  	v21 =	vbroadcast v21, $0x0  }
0x1db: {  	v22, _, _ =	vpop (xrf0)  }
0x1dc: {  	[tilespmem:s0+$0x5400] =	vst.msk vm11, v15;
	v21 =	vadd.s32 v22, v21  }
0x1dd: {  	[tilespmem:v15+s12+$0x0] =	vst.idx.msk vm11, v21  }
0x1de: {  	v21 =	vld [tilespmem:$0x52C0];
	_ =	sdelay $0x4  }
0x1df: {  	vm12 =	vne.s32 v21, $0x0  }
0x1e0: {  	v21 =	vsel vm12, $0x1, v3  }
0x1e1: {  	v22 =	vmpcnt.ones.xlane vm12;
	(xrf0) =	vadd.scan.msk.s32 $0xffff, v21  }
0x1e2: {  	s28 =	spop (v2sf)  }
0x1e3: {  	s0 =	sadd.s32 s0, s28;
	(v2sf) =	vpush v22, $0x0  }
0x1e4: {  	v21 =	vmov s0  }
0x1e5: {  	v21 =	vadd.s32 $0xFFFFFFFF, v21  }
0x1e6: {  	v21 =	vbroadcast v21, $0x0  }
0x1e7: {  	v22, _, _ =	vpop (xrf0)  }
0x1e8: {  	[tilespmem:s0+$0x5400] =	vst.msk vm12, v16;
	v21 =	vadd.s32 v22, v21  }
0x1e9: {  	[tilespmem:v16+s12+$0x0] =	vst.idx.msk vm12, v21  }
0x1ea: {  	v21 =	vld [tilespmem:$0x52D0];
	_ =	sdelay $0x4  }
0x1eb: {  	vm13 =	vne.s32 v21, $0x0  }
0x1ec: {  	v21 =	vsel vm13, $0x1, v3  }
0x1ed: {  	v22 =	vmpcnt.ones.xlane vm13;
	(xrf0) =	vadd.scan.msk.s32 $0xffff, v21  }
0x1ee: {  	s29 =	spop (v2sf)  }
0x1ef: {  	s0 =	sadd.s32 s0, s29;
	(v2sf) =	vpush v22, $0x0  }
0x1f0: {  	v21 =	vmov s0  }
0x1f1: {  	v21 =	vadd.s32 $0xFFFFFFFF, v21  }
0x1f2: {  	v21 =	vbroadcast v21, $0x0  }
0x1f3: {  	v22, _, _ =	vpop (xrf0)  }
0x1f4: {  	[tilespmem:s0+$0x5400] =	vst.msk vm13, v17;
	v21 =	vadd.s32 v22, v21  }
0x1f5: {  	[tilespmem:v17+s12+$0x0] =	vst.idx.msk vm13, v21  }
0x1f6: {  	v21 =	vld [tilespmem:$0x52E0];
	_ =	sdelay $0x4  }
0x1f7: {  	vm14 =	vne.s32 v21, $0x0  }
0x1f8: {  	v21 =	vsel vm14, $0x1, v3  }
0x1f9: {  	(xrf0) =	vadd.scan.msk.s32 $0xffff, v21  }
0x1fa: {  	s30 =	spop (v2sf)  }
0x1fb: {  	s0 =	sadd.s32 s0, s30  }
0x1fc: {  	v21 =	vmov s0  }
0x1fd: {  	v21 =	vadd.s32 $0xFFFFFFFF, v21  }
0x1fe: {  	v21 =	vbroadcast v21, $0x0  }
0x1ff: {  	v22, _, _ =	vpop (xrf0)  }
0x200: {  	[tilespmem:s0+$0x5400] =	vst.msk vm14, v18;
	v21 =	vadd.s32 v22, v21  }
0x201: {  	v22 =	vmpcnt.ones.xlane vm14;
	[tilespmem:v18+s12+$0x0] =	vst.idx.msk vm14, v21  }
0x202: {  	v21 =	vld [tilespmem:$0x52F0]  }
0x203: {  	(v2sf) =	vpush v22, $0x0;
	_ =	sdelay $0x3  }
0x204: {  	vm15 =	vne.s32 v21, $0x0  }
0x205: {  	v21 =	vmpcnt.ones.xlane vm15;
	_ =	sdelay $0x1  }
0x206: {  	(v2sf) =	vpush v21, $0x0;
	_ =	sdelay $0x5  }
0x207: {  	v21 =	vsel vm15, $0x1, v3  }
0x208: {  	(xrf0) =	vadd.scan.msk.s32 $0xffff, v21  }
0x209: {  	s31 =	spop (v2sf)  }
0x20a: {  	s0 =	sadd.s32 s0, s31  }
0x20b: {  	v21 =	vmov s0  }
.Ltmp8:
0x20c: {  	v21 =	vadd.s32 $0xFFFFFFFF, v21;
	(pc) =	sbr.rel @p6 .LBB2_22-.Ltmp8, $4  }
0x20d: {  	v21 =	vbroadcast v21, $0x0  }
0x20e: {  	v22, _, _ =	vpop (xrf0)  }
0x20f: {  	[tilespmem:s0+$0x5400] =	vst.msk vm15, v19;
	v21 =	vadd.s32 v22, v21  }
0x210: {  	[tilespmem:v19+s12+$0x0] =	vst.idx.msk vm15, v21;
	s1 =	spop (v2sf)  }
0x211: {  	p2 =	sne.s32 s24, $0x1  }
.Ltmp9:
0x212: {  	_ = 	snop;
	(pc) =	sbr.rel @!p2 .LBB2_15-.Ltmp9, $3  }
0x213: {  	_ =	sdelay $0x1  }
0x214: {  	s3 =	simm.s32 $0x4180;
	s7 =	simm.s32 $0x0  }
0x215: {  	p0 =	por $0x0, $0x0;
	p1 =	por $0x0, $0x0;
	v21 =	vor.u32 s7, v2;
	s7 =	sadd.s32 $0xFFFFFFFF, s24  }
0x216: {  	_ =	sdelay $0x3  }
0x217: {  	v21 =	vld.idx.msk [tilespmem:v21+s9+$0x0], $0xffff;
	_ =	sdelay $0x4  }
0x218: {  	p2 =	sne.s32 s7, $0x1;
	v21 =	vand.u32 $0xFF, v21  }
.Ltmp10:
0x219: {  	_ = 	snop;
	(pc) =	sbr.rel @!p2 .LBB2_17-.Ltmp10, $3  }
0x21a: {  	_ =	sdelay $0x1  }
0x21b: {  	s11 =	simm.s32 $0x10  }
0x21c: {  	s7 =	sadd.s32 $0xFFFFFFFF, s7;
	p0 =	por $0x1, $0x1;
	v22 =	vld.idx.msk [tilespmem:v21+s12+$0x0], $0xffff;
	v21 =	vor.u32 s11, v2  }
0x21d: {  	_ =	sdelay $0x3  }
0x21e: {  	[tilespmem:s3+$0x0] =	vst v22  }
0x21f: {  	v21 =	vld.idx.msk [tilespmem:v21+s9+$0x0], $0xffff;
	_ =	sdelay $0x4  }
0x220: {  	v21 =	vand.u32 $0xFF, v21  }
0x221: {  	p2 =	sne.s32 s7, $0x1  }
.Ltmp11:
0x222: {  	_ = 	snop;
	(pc) =	sbr.rel @!p2 .LBB2_19-.Ltmp11, $3  }
0x223: {  	_ =	sdelay $0x1  }
0x224: {  	s11 =	simm.s32 $0x20;
	v22 =	vld.idx.msk [tilespmem:v21+s12+$0x0], $0xffff  }
0x225: {  	s13 =	sadd.s32 $0xFFFFFFFF, s7;
	p1 =	por $0x1, $0x1;
	s7 =	simm.s32 $0x4180;
	v21 =	vor.u32 s11, v2  }
.LBB2_20:
0x226: {  	p2 =	sne.s32 s13, $0x1;
	_ =	sdelay $0x1  }
0x227: {  	s7 =	sadd.s32 $0x10, s7  }
0x228: {  	[tilespmem:s7+$0x0] =	vst v22  }
0x229: {  	v21 =	vld.idx.msk [tilespmem:v21+s9+$0x0], $0xffff;
	_ =	sdelay $0x5  }
0x22a: {  	v21 =	vand.u32 $0xFF, v21;
	_ =	sdelay $0x2  }
.Ltmp12:
0x22b: {  	(pc) =	sbr.rel @p2 .LBB2_20-.Ltmp12, $4  }
0x22c: {  	_ = 	snop  }
0x22d: {  	v22 =	vld.idx.msk [tilespmem:v21+s12+$0x0], $0xffff  }
0x22e: {  	s11 =	sadd.s32 $0x10, s11  }
0x22f: {  	s13 =	sadd.s32 $0xFFFFFFFF, s13;
	v21 =	vor.u32 s11, v2  }
.LBB2_21:
0x230: {  	_ = 	snop  }
0x231: {  	s7 =	sadd.s32 @p1 $0x10, s7;
	s11 =	simm.s32 $0x4180  }
0x232: {  	s11 =	smov.u32 @p1 s7  }
0x233: {  	[tilespmem:s11+$0x0] =	vst @p0 v22  }
0x234: {  	v21 =	vld.idx.msk [tilespmem:v21+s9+$0x0], $0xffff;
	_ =	sdelay $0x4  }
0x235: {  	v21 =	vand.u32 $0xFF, v21;
	_ =	sdelay $0x4  }
0x236: {  	v21 =	vld.idx.msk [tilespmem:v21+s12+$0x0], $0xffff;
	_ =	sdelay $0x2  }
0x237: {  	s7 =	sadd.s32 @p0 $0x10, s11  }
0x238: {  	s3 =	smov.u32 @p0 s7  }
0x239: {  	[tilespmem:s3+$0x0] =	vst v21  }
.LBB2_22:
0x23a: {  	s25 =	sadd.s32 s0, s1  }
0x23b: {  	p0 =	slt.s32 s25, $0x1  }
.Ltmp13:
0x23c: {  	_ = 	snop;
	(pc) =	sbr.rel @p0 .LBB2_24-.Ltmp13, $1  }
0x23d: {  	_ =	sdelay $0x3  }
0x23e: {  	v21 =	vld [tilespmem:$0x5400];
	_ =	sdelay $0x4  }
0x23f: {  	(v2sf) =	vpush v21, $0x0;
	_ =	sdelay $0xe  }
0x240: {  	s0 =	spop (v2sf)  }
0x241: {  	s0 =	sshll.u32 s0, $0xF  }
0x242: {  	s0 =	sor.u32 s6, s0  }
0x243: {  	s1 =	simm.s32 $0x400;
	s0 =	sshrl.u32 s0, $0x3  }
0x244: {  	s3 =	simm.s32 $0x7A1400;
	p0 =	seq.s32 s25, $0x1;
	s0 =	sadd.s32 s2, s0  }
0x245: {  	[tilespmem:s15], [sflag:$0x2] =	stream.strided.gather [hbm4b:s0+s1], $0x2000, s3, s1, $0x38;
	[tilespmem:$0x19800] =	vst v63  }
0x246: {  	v21 =	vld @!p0 [tilespmem:$0x5401];
	_ =	sdelay $0x4  }
0x247: {  	(v2sf) =	vpush @!p0 v21, $0x0;
	_ =	sdelay $0xe  }
0x248: {  	s0 =	spop @!p0 (v2sf)  }
0x249: {  	s0 =	sshll.u32 @!p0 s0, $0xF  }
0x24a: {  	p1 =	slt.u32 @!p0 s25, $0x3;
	s0 =	sor.u32 @!p0 s6, s0  }
0x24b: {  	s7 =	simm.s32 @!p0 $0xA700;
	p2 =	por p1, p0;
	s0 =	sshrl.u32 @!p0 s0, $0x3  }
0x24c: {  	s1 =	simm.s32 @!p0 $0x400;
	s3 =	simm.s32 @!p0 $0x7A1400;
	s0 =	sadd.s32 @!p0 s2, s0  }
0x24d: {  	[tilespmem:s7], [sflag:$0x2] =	stream.strided.gather @!p0 [hbm4b:s0+s1], $0x2000, s3, s1, $0x38;
	[tilespmem:$0x19800] =	vst v63  }
0x24e: {  	v21 =	vld @!p2 [tilespmem:$0x5402];
	_ =	sdelay $0x4  }
0x24f: {  	(v2sf) =	vpush @!p2 v21, $0x0;
	_ =	sdelay $0xe  }
0x250: {  	s0 =	spop @!p2 (v2sf)  }
0x251: {  	s0 =	sshll.u32 @!p2 s0, $0xF  }
0x252: {  	s0 =	sor.u32 @!p2 s6, s0  }
0x253: {  	s1 =	simm.s32 @!p2 $0x400;
	s0 =	sshrl.u32 @!p2 s0, $0x3  }
0x254: {  	s3 =	simm.s32 @!p2 $0x7A1400;
	s7 =	simm.s32 @!p2 $0xC700;
	s0 =	sadd.s32 @!p2 s2, s0  }
0x255: {  	[tilespmem:s7], [sflag:$0x2] =	stream.strided.gather @!p2 [hbm4b:s0+s1], $0x2000, s3, s1, $0x38;
	[tilespmem:$0x19800] =	vst v63  }
0x256: {  	p2 =	sne.s32 @!p2 s25, $0x3  }
0x257: {  	p1 =	por @!p0 !p2, p1  }
0x258: {  	p0 =	por p1, p0  }
0x259: {  	v21 =	vld @!p0 [tilespmem:$0x5403];
	_ =	sdelay $0x4  }
0x25a: {  	(v2sf) =	vpush @!p0 v21, $0x0;
	_ =	sdelay $0xe  }
0x25b: {  	s0 =	spop @!p0 (v2sf)  }
0x25c: {  	s0 =	sshll.u32 @!p0 s0, $0xF  }
0x25d: {  	s0 =	sor.u32 @!p0 s6, s0  }
0x25e: {  	s1 =	simm.s32 @!p0 $0x400;
	s0 =	sshrl.u32 @!p0 s0, $0x3  }
0x25f: {  	s3 =	simm.s32 @!p0 $0x7A1400;
	s7 =	simm.s32 @!p0 $0xE700;
	s0 =	sadd.s32 @!p0 s2, s0  }
0x260: {  	[tilespmem:s7], [sflag:$0x2] =	stream.strided.gather @!p0 [hbm4b:s0+s1], $0x2000, s3, s1, $0x38;
	[tilespmem:$0x19800] =	vst v63  }
.LBB2_24:
.Ltmp14:
0x261: {  	(pc) =	sbr.rel .LBB2_25-.Ltmp14, $4  }
0x262: {  	_ = 	snop  }
0x263: {  	s0 =	simm.s32 @!p6 $0x0  }
0x264: {  	s0 =	simm.s32 @p6 $0x1  }
0x265: {  	s26 =	simm.s32 $0x0;
	s28 =	simm.s32 $0x0;
	[smem:$0x7FD] =	sst s0  }
.LBB2_42:
0x266: {  	s28 =	sadd.s32 $0x1, s28  }
0x267: {  	p0 =	seq.s32 s28, $0x1F  }
.Ltmp15:
0x268: {  	_ = 	snop;
	(pc) =	sbr.rel @p0 .LBB2_43-.Ltmp15, $1  }
0x269: {  	_ =	sdelay $0x3  }
.LBB2_25:
0x26a: {  	s29 =	sshllo.u32 s28, $0x1  }
0x26b: {  	s0 =	sshll.u32 s29, $0x2  }
0x26c: {  	p1 =	sge.s32 s0, s25  }
0x26d: {  	v21 =	vld @!p1 [tilespmem:s0+$0x5400];
	_ =	sdelay $0x4  }
0x26e: {  	(v2sf) =	vpush @!p1 v21, $0x0;
	_ =	sdelay $0xe  }
0x26f: {  	s1 =	spop @!p1 (v2sf)  }
0x270: {  	s1 =	sshll.u32 @!p1 s1, $0xF  }
0x271: {  	s1 =	sor.u32 @!p1 s6, s1  }
0x272: {  	s3 =	simm.s32 @!p1 $0x400;
	s1 =	sshrl.u32 @!p1 s1, $0x3  }
0x273: {  	s7 =	simm.s32 @!p1 $0x7A1400;
	s11 =	simm.s32 @!p1 $0x10700;
	s1 =	sadd.s32 @!p1 s2, s1  }
0x274: {  	[tilespmem:s11], [sflag:$0x1] =	stream.strided.gather @!p1 [hbm4b:s1+s3], $0x2000, s7, s3, $0x38;
	[tilespmem:$0x19800] =	vst v63  }
0x275: {  	s1 =	sor.u32 $0x1, s0  }
0x276: {  	p2 =	sge.s32 s1, s25  }
0x277: {  	v21 =	vld @!p2 [tilespmem:s1+$0x5400];
	_ =	sdelay $0x4  }
0x278: {  	(v2sf) =	vpush @!p2 v21, $0x0;
	_ =	sdelay $0xe  }
0x279: {  	s1 =	spop @!p2 (v2sf)  }
0x27a: {  	s1 =	sshll.u32 @!p2 s1, $0xF  }
0x27b: {  	s1 =	sor.u32 @!p2 s6, s1  }
0x27c: {  	s3 =	simm.s32 @!p2 $0x400;
	s1 =	sshrl.u32 @!p2 s1, $0x3  }
0x27d: {  	s7 =	simm.s32 @!p2 $0x7A1400;
	s11 =	simm.s32 @!p2 $0x12700;
	s1 =	sadd.s32 @!p2 s2, s1  }
0x27e: {  	[tilespmem:s11], [sflag:$0x1] =	stream.strided.gather @!p2 [hbm4b:s1+s3], $0x2000, s7, s3, $0x38;
	[tilespmem:$0x19800] =	vst v63  }
0x27f: {  	s1 =	sor.u32 $0x2, s0  }
0x280: {  	p3 =	sge.s32 s1, s25  }
0x281: {  	v21 =	vld @!p3 [tilespmem:s1+$0x5400];
	_ =	sdelay $0x4  }
0x282: {  	(v2sf) =	vpush @!p3 v21, $0x0;
	_ =	sdelay $0xe  }
0x283: {  	s1 =	spop @!p3 (v2sf)  }
0x284: {  	s1 =	sshll.u32 @!p3 s1, $0xF  }
0x285: {  	s1 =	sor.u32 @!p3 s6, s1  }
0x286: {  	s3 =	simm.s32 @!p3 $0x400;
	s1 =	sshrl.u32 @!p3 s1, $0x3  }
0x287: {  	s7 =	simm.s32 @!p3 $0x7A1400;
	s11 =	simm.s32 @!p3 $0x14700;
	s1 =	sadd.s32 @!p3 s2, s1  }
0x288: {  	[tilespmem:s11], [sflag:$0x1] =	stream.strided.gather @!p3 [hbm4b:s1+s3], $0x2000, s7, s3, $0x38;
	[tilespmem:$0x19800] =	vst v63  }
0x289: {  	s11 =	sor.u32 $0x3, s0  }
0x28a: {  	p4 =	sge.s32 s11, s25  }
0x28b: {  	v21 =	vld @!p4 [tilespmem:s0+$0x5403];
	_ =	sdelay $0x4  }
0x28c: {  	(v2sf) =	vpush @!p4 v21, $0x0;
	_ =	sdelay $0xe  }
0x28d: {  	s0 =	spop @!p4 (v2sf)  }
0x28e: {  	s0 =	sshll.u32 @!p4 s0, $0xF  }
0x28f: {  	s31 =	sshll.u32 s28, $0x3;
	s0 =	sor.u32 @!p4 s6, s0  }
0x290: {  	p0 =	sge.s32 s31, s25;
	s1 =	simm.s32 @!p4 $0x400;
	s0 =	sshrl.u32 @!p4 s0, $0x3  }
0x291: {  	s3 =	simm.s32 @!p4 $0x7A1400;
	s7 =	simm.s32 @!p4 $0x16700;
	s0 =	sadd.s32 @!p4 s2, s0  }
0x292: {  	[tilespmem:s7], [sflag:$0x1] =	stream.strided.gather @!p4 [hbm4b:s0+s1], $0x2000, s3, s1, $0x38;
	[tilespmem:$0x19800] =	vst v63  }
0x293: {  	s0 =	simm.s32 @!p0 $0x2  }
0x294: {  	s13 =	sor.u32 $0x1, s31;
	_ =	swait.ge @!p0 [sflag:s0], $0x2000  }
0x295: {  	p5 =	sge.s32 s13, s25;
	[sflag:s0] =	ssyncset.done @!p0 $0x0  }
0x296: {  	[sflag:s0] =	ssyncadd.s32 @!p0 $0xFFFFE000;
	s0 =	simm.s32 @!p5 $0x2  }
0x297: {  	s14 =	sor.u32 $0x2, s31;
	_ =	swait.ge @!p5 [sflag:s0], $0x2000  }
0x298: {  	p0 =	sge.s32 s14, s25;
	[sflag:s0] =	ssyncset.done @!p5 $0x0  }
0x299: {  	[sflag:s0] =	ssyncadd.s32 @!p5 $0xFFFFE000;
	s0 =	simm.s32 @!p0 $0x2  }
0x29a: {  	s22 =	sor.u32 $0x3, s31;
	_ =	swait.ge @!p0 [sflag:s0], $0x2000  }
.Ltmp16:
0x29b: {  	p5 =	sge.s32 s22, s25;
	[sflag:s0] =	ssyncset.done @!p0 $0x0;
	(pc) =	sbr.rel @p6 .LBB2_34-.Ltmp16, $4  }
0x29c: {  	[sflag:s0] =	ssyncadd.s32 @!p0 $0xFFFFE000;
	s0 =	simm.s32 @!p5 $0x2  }
0x29d: {  	_ =	swait.ge @!p5 [sflag:s0], $0x2000  }
0x29e: {  	[sflag:s0] =	ssyncset.done @!p5 $0x0  }
0x29f: {  	s30 =	sadd.s32 $0xFFFFFFFF, s24;
	[sflag:s0] =	ssyncadd.s32 @!p5 $0xFFFFE000  }
0x2a0: {  	p0 =	sne.s32 s30, $0x0  }
.Ltmp17:
0x2a1: {  	_ = 	snop;
	(pc) =	sbr.rel @!p0 .LBB2_27-.Ltmp17, $3  }
0x2a2: {  	_ =	sdelay $0x1  }
0x2a3: {  	s1 =	sshll.u32 s28, $0x1;
	s0 =	simm.s32 $0x0  }
0x2a4: {  	p5 =	por $0x0, $0x0;
	v22 =	vmov s1;
	v21 =	vor.u32 s0, v2  }
0x2a5: {  	_ =	sdelay $0x3  }
0x2a6: {  	v23 =	vld.idx.msk [tilespmem:v21+s16+$0x0], $0xffff;
	_ =	sdelay $0x4  }
0x2a7: {  	v24 =	vmov s23;
	v25 =	vshra.s32 v23, $0x2  }
0x2a8: {  	vm0 =	vgt.s32 v24, v2;
	vm1 =	veq.s32 v25, v22  }
0x2a9: {  	vm0 =	vmand vm0, vm1  }
0x2aa: {  	v63 =	vmpcnt.ones.xlane vm0;
	_ =	sdelay $0x1  }
0x2ab: {  	(v2sf) =	vpush v63, $0x0;
	_ =	sdelay $0xe  }
0x2ac: {  	s1 =	spop (v2sf)  }
0x2ad: {  	p0 =	slt.s32 s1, $0x1  }
0x2ae: {  	s3 =	simm.s32 @!p0 $0x3100  }
0x2af: {  	v24 =	vld.idx.msk @!p0 [tilespmem:v21+s3+$0x0], $0xffff;
	_ =	sdelay $0x1  }
0x2b0: {  	p5 =	por @!p0 $0x1, $0x1  }
0x2b1: {  	s14 =	simm.s32 $0x0;
	p5 =	por !p5, p0  }
0x2b2: {  	s14 =	simm.s32 @p5 $0x1000  }
0x2b3: {  	s11 =	sadd.s32 $0xFFFFFFFF, s30;
	s3 =	simm.s32 @!p0 $0x1000;
	[tilespmem:s14+$0x5580] =	vst.msk @!p0 vm0, v24  }
0x2b4: {  	p6 =	sne.s32 s11, $0x0;
	v24 =	vld.idx.msk @!p0 [tilespmem:v21+s3+$0x0], $0xffff  }
.Ltmp18:
0x2b5: {  	s3 =	simm.s32 $0x10;
	(pc) =	sbr.rel @!p6 .LBB2_29-.Ltmp18, $3  }
0x2b6: {  	v21 =	vor.u32 s3, v2;
	_ =	sdelay $0x1  }
0x2b7: {  	s1 =	sadd.s32 $0x0, s1  }
0x2b8: {  	s13 =	smov.u32 s23;
	v23 =	vand.u32 @!p0 $0x3, v23;
	s7 =	smov.u32 s1;
	[tilespmem:s14+$0x6600] =	vst.msk @!p0 vm0, v24  }
.LBB2_30:
0x2b9: {  	s11 =	sadd.s32 $0xFFFFFFFF, s11;
	[tilespmem:s14+$0x7680] =	vst.msk @!p0 vm0, v23;
	s13 =	sadd.s32 $0xFFFFFFF0, s13  }
0x2ba: {  	p6 =	sne.s32 s11, $0x0;
	v23 =	vld.idx.msk [tilespmem:v21+s16+$0x0], $0xffff;
	_ =	sdelay $0x5  }
0x2bb: {  	v24 =	vmov s13;
	v25 =	vshra.s32 v23, $0x2  }
0x2bc: {  	vm0 =	vgt.s32 v24, v2;
	vm1 =	veq.s32 v25, v22  }
0x2bd: {  	vm0 =	vmand vm0, vm1  }
0x2be: {  	v24 =	vmpcnt.ones.xlane vm0;
	_ =	sdelay $0x1  }
0x2bf: {  	(v2sf) =	vpush v24, $0x0;
	_ =	sdelay $0xe  }
0x2c0: {  	s14 =	spop (v2sf)  }
0x2c1: {  	p0 =	slt.s32 s14, $0x1;
	s1 =	sadd.s32 s1, s14  }
0x2c2: {  	p5 =	slt.s32 @!p0 s7, $0x1000;
	s14 =	simm.s32 @!p0 $0x3100;
	v23 =	vand.u32 @!p0 $0x3, v23  }
0x2c3: {  	p5 =	por !p5, p0;
	v24 =	vld.idx.msk @!p0 [tilespmem:v21+s14+$0x0], $0xffff;
	_ =	sdelay $0x3  }
0x2c4: {  	s14 =	smov.u32 s7  }
0x2c5: {  	s7 =	smov.u32 s1;
	s14 =	simm.s32 @p5 $0x1000  }
0x2c6: {  	s22 =	simm.s32 @!p0 $0x1000;
	[tilespmem:s14+$0x5580] =	vst.msk @!p0 vm0, v24  }
0x2c7: {  	v24 =	vld.idx.msk @!p0 [tilespmem:v21+s22+$0x0], $0xffff;
	_ =	sdelay $0x1  }
.Ltmp19:
0x2c8: {  	s3 =	sadd.s32 $0x10, s3;
	(pc) =	sbr.rel @p6 .LBB2_30-.Ltmp19, $2  }
0x2c9: {  	v21 =	vor.u32 s3, v2;
	_ =	sdelay $0x2  }
0x2ca: {  	[tilespmem:s14+$0x6600] =	vst.msk @!p0 vm0, v24  }
0x2cb: {  	s3 =	sld [smem:$0x7FD];
	_ =	sdelay $0x2  }
0x2cc: {  	p5 =	por $0x1, $0x1;
	p6 =	seq.s32 s3, $0x1  }
.LBB2_32:
0x2cd: {  	_ =	sdelay $0x1  }
0x2ce: {  	p0 =	por p0, !p5  }
0x2cf: {  	[tilespmem:s14+$0x7680] =	vst.msk @!p0 vm0, v23  }
0x2d0: {  	v23 =	vld.idx.msk [tilespmem:v21+s16+$0x0], $0xffff;
	_ =	sdelay $0x2  }
0x2d1: {  	s3 =	sadd.s32 @p5 $0xFFFFFFF0, s13;
	s11 =	smov.u32 s23  }
0x2d2: {  	s11 =	smov.u32 @p5 s3  }
0x2d3: {  	v24 =	vmov s11;
	v25 =	vshra.s32 v23, $0x2  }
0x2d4: {  	vm15 =	vgt.s32 v24, v2;
	vm1 =	veq.s32 v25, v22  }
0x2d5: {  	vm0 =	vmand vm15, vm1  }
0x2d6: {  	v22 =	vmpcnt.ones.xlane vm0;
	_ =	sdelay $0x1  }
0x2d7: {  	(v2sf) =	vpush v22, $0x0;
	_ =	sdelay $0xe  }
0x2d8: {  	s14 =	spop (v2sf)  }
0x2d9: {  	p0 =	slt.s32 s14, $0x1  }
0x2da: {  	s11 =	simm.s32 @!p0 $0x3100  }
0x2db: {  	v22 =	vld.idx.msk @!p0 [tilespmem:v21+s11+$0x0], $0xffff  }
0x2dc: {  	p5 =	slt.s32 @!p0 s7, $0x1000  }
0x2dd: {  	s1 =	sadd.s32 s1, s14;
	p5 =	por !p5, p0  }
0x2de: {  	s7 =	simm.s32 @p5 $0x1000;
	p5 =	slt.s32 s1, $0x1000  }
0x2df: {  	s1 =	simm.s32 @!p5 $0x1000  }
0x2e0: {  	s11 =	simm.s32 @!p0 $0x1000;
	s22 =	sadd.s32 $0xF, s1;
	[tilespmem:s7+$0x5580] =	vst.msk @!p0 vm0, v22  }
0x2e1: {  	s13 =	sshra.s32 s22, $0x4;
	v21 =	vld.idx.msk @!p0 [tilespmem:v21+s11+$0x0], $0xffff  }
0x2e2: {  	p5 =	slt.s32 s13, $0x1  }
.Ltmp20:
0x2e3: {  	_ = 	snop;
	(pc) =	sbr.rel @p5 .LBB2_34-.Ltmp20, $3  }
0x2e4: {  	_ =	sdelay $0x1  }
0x2e5: {  	v22 =	vand.u32 @!p0 $0x3, v23;
	[tilespmem:s7+$0x6600] =	vst.msk @!p0 vm0, v21  }
0x2e6: {  	[tilespmem:s7+$0x7680] =	vst.msk @!p0 vm0, v22  }
.LBB2_33:
0x2e7: {  	v21 =	vor.u32 s0, v2;
	_ =	sdelay $0x4  }
0x2e8: {  	v22 =	vld.idx.msk [tilespmem:v21+s18+$0x0], $0xffff  }
0x2e9: {  	v23 =	vld.idx.msk [tilespmem:v21+s19+$0x0], $0xffff;
	_ =	sdelay $0x4  }
0x2ea: {  	v24 =	vmov s1;
	v25 =	vand.u32 $0xFFFFFF80, v22;
	v23 =	vshll.u32 v23, $0xD  }
0x2eb: {  	vm0 =	vgt.s32 v24, v2;
	v22 =	vand.u32 $0x7F, v22;
	v48 =	vadd.s32 v25, v23  }
0x2ec: {  	p0 =	slt.s32 s26, $0x2;
	v24 =	vor.u32 v22, v48  }
0x2ed: {  	s14 =	sand.u32 $0x1, s26;
	s3 =	simm.s32 @!p0 $0x3  }
0x2ee: {  	s7 =	sshll.u32 s14, $0x4;
	v21 =	vld.idx.msk [tilespmem:v21+s17+$0x0], $0xffff;
	_ =	swait.ge @!p0 [sflag:s3], $0x800  }
0x2ef: {  	v26 =	vmov s7;
	[sflag:s3] =	ssyncset.done @!p0 $0x0  }
0x2f0: {  	v26 =	vshll.u32 v26, $0x7;
	[sflag:s3] =	ssyncadd.s32 @!p0 $0xFFFFF800;
	v25 =	vor.u32 v22, v25  }
0x2f1: {  	v22 =	vor.u32 v20, v26;
	v23 =	vadd.s32 v23, v25;
	v24 =	vld.idx.msk [tilespmem:v24+s15+$0x0], vm0  }
0x2f2: {  	v25 =	vadd.s32 $0x80, v23;
	_ =	sdelay $0x3  }
0x2f3: {  	[tilespmem:v22+s20+$0x0] =	vst.idx.msk $0xffff, v24  }
0x2f4: {  	v49 =	vor.u32 $0x1, v22;
	v24 =	vld.idx.msk [tilespmem:v25+s15+$0x0], vm0  }
0x2f5: {  	v50 =	vadd.s32 $0x100, v23;
	_ =	sdelay $0x3  }
0x2f6: {  	[tilespmem:v49+s20+$0x0] =	vst.idx.msk $0xffff, v24  }
0x2f7: {  	v51 =	vor.u32 $0x2, v22;
	v24 =	vld.idx.msk [tilespmem:v50+s15+$0x0], vm0  }
0x2f8: {  	v52 =	vadd.s32 $0x180, v23;
	_ =	sdelay $0x3  }
0x2f9: {  	[tilespmem:v51+s20+$0x0] =	vst.idx.msk $0xffff, v24  }
0x2fa: {  	v53 =	vor.u32 $0x3, v22;
	v24 =	vld.idx.msk [tilespmem:v52+s15+$0x0], vm0  }
0x2fb: {  	v54 =	vadd.s32 $0x200, v23;
	_ =	sdelay $0x3  }
0x2fc: {  	[tilespmem:v53+s20+$0x0] =	vst.idx.msk $0xffff, v24  }
0x2fd: {  	v55 =	vor.u32 $0x4, v22;
	v24 =	vld.idx.msk [tilespmem:v54+s15+$0x0], vm0  }
0x2fe: {  	v56 =	vadd.s32 $0x280, v23;
	_ =	sdelay $0x3  }
0x2ff: {  	[tilespmem:v55+s20+$0x0] =	vst.idx.msk $0xffff, v24  }
0x300: {  	v57 =	vor.u32 $0x5, v22;
	v24 =	vld.idx.msk [tilespmem:v56+s15+$0x0], vm0  }
0x301: {  	v58 =	vadd.s32 $0x300, v23;
	_ =	sdelay $0x3  }
0x302: {  	[tilespmem:v57+s20+$0x0] =	vst.idx.msk $0xffff, v24  }
0x303: {  	v59 =	vor.u32 $0x6, v22;
	v24 =	vld.idx.msk [tilespmem:v58+s15+$0x0], vm0  }
0x304: {  	v60 =	vadd.s32 $0x380, v23;
	_ =	sdelay $0x3  }
0x305: {  	[tilespmem:v59+s20+$0x0] =	vst.idx.msk $0xffff, v24  }
0x306: {  	v61 =	vor.u32 $0x7, v22;
	v24 =	vld.idx.msk [tilespmem:v60+s15+$0x0], vm0  }
0x307: {  	v62 =	vadd.s32 $0x400, v23;
	_ =	sdelay $0x3  }
0x308: {  	[tilespmem:v61+s20+$0x0] =	vst.idx.msk $0xffff, v24  }
0x309: {  	v63 =	vor.u32 $0x8, v22;
	v24 =	vld.idx.msk [tilespmem:v62+s15+$0x0], vm0  }
0x30a: {  	v28 =	vadd.s32 $0x480, v23;
	_ =	sdelay $0x3  }
0x30b: {  	[tilespmem:v63+s20+$0x0] =	vst.idx.msk $0xffff, v24  }
0x30c: {  	v29 =	vor.u32 $0x9, v22;
	v24 =	vld.idx.msk [tilespmem:v28+s15+$0x0], vm0  }
0x30d: {  	v30 =	vadd.s32 $0x500, v23;
	_ =	sdelay $0x3  }
0x30e: {  	[tilespmem:v29+s20+$0x0] =	vst.idx.msk $0xffff, v24  }
0x30f: {  	v31 =	vor.u32 $0xA, v22;
	v24 =	vld.idx.msk [tilespmem:v30+s15+$0x0], vm0  }
0x310: {  	v32 =	vadd.s32 $0x580, v23;
	_ =	sdelay $0x3  }
0x311: {  	[tilespmem:v31+s20+$0x0] =	vst.idx.msk $0xffff, v24  }
0x312: {  	v33 =	vor.u32 $0xB, v22;
	v24 =	vld.idx.msk [tilespmem:v32+s15+$0x0], vm0  }
0x313: {  	v34 =	vadd.s32 $0x600, v23;
	_ =	sdelay $0x3  }
0x314: {  	[tilespmem:v33+s20+$0x0] =	vst.idx.msk $0xffff, v24  }
0x315: {  	v35 =	vor.u32 $0xC, v22;
	v24 =	vld.idx.msk [tilespmem:v34+s15+$0x0], vm0  }
0x316: {  	v36 =	vadd.s32 $0x680, v23;
	_ =	sdelay $0x3  }
0x317: {  	[tilespmem:v35+s20+$0x0] =	vst.idx.msk $0xffff, v24  }
0x318: {  	v37 =	vor.u32 $0xD, v22;
	v24 =	vld.idx.msk [tilespmem:v36+s15+$0x0], vm0  }
0x319: {  	v38 =	vadd.s32 $0x700, v23;
	_ =	sdelay $0x3  }
0x31a: {  	[tilespmem:v37+s20+$0x0] =	vst.idx.msk $0xffff, v24  }
0x31b: {  	v39 =	vor.u32 $0xE, v22;
	v24 =	vld.idx.msk [tilespmem:v38+s15+$0x0], vm0  }
0x31c: {  	v40 =	vadd.s32 $0x780, v23;
	_ =	sdelay $0x3  }
0x31d: {  	[tilespmem:v39+s20+$0x0] =	vst.idx.msk $0xffff, v24  }
0x31e: {  	v41 =	vor.u32 $0xF, v22;
	v24 =	vld.idx.msk [tilespmem:v40+s15+$0x0], vm0  }
0x31f: {  	v42 =	vadd.s32 $0x800, v23;
	_ =	sdelay $0x3  }
0x320: {  	[tilespmem:v41+s20+$0x0] =	vst.idx.msk $0xffff, v24  }
0x321: {  	v43 =	vor.u32 $0x10, v22;
	v24 =	vld.idx.msk [tilespmem:v42+s15+$0x0], vm0  }
0x322: {  	v44 =	vadd.s32 $0x880, v23;
	_ =	sdelay $0x3  }
0x323: {  	[tilespmem:v43+s20+$0x0] =	vst.idx.msk $0xffff, v24  }
0x324: {  	v45 =	vor.u32 $0x11, v22;
	v24 =	vld.idx.msk [tilespmem:v44+s15+$0x0], vm0  }
0x325: {  	v46 =	vadd.s32 $0x900, v23;
	_ =	sdelay $0x3  }
0x326: {  	[tilespmem:v45+s20+$0x0] =	vst.idx.msk $0xffff, v24  }
0x327: {  	v47 =	vor.u32 $0x12, v22;
	v24 =	vld.idx.msk [tilespmem:v46+s15+$0x0], vm0  }
0x328: {  	v48 =	vadd.s32 $0x980, v23;
	_ =	sdelay $0x3  }
0x329: {  	[tilespmem:v47+s20+$0x0] =	vst.idx.msk $0xffff, v24  }
0x32a: {  	v49 =	vor.u32 $0x13, v22;
	v24 =	vld.idx.msk [tilespmem:v48+s15+$0x0], vm0  }
0x32b: {  	v50 =	vadd.s32 $0xA00, v23;
	_ =	sdelay $0x3  }
0x32c: {  	[tilespmem:v49+s20+$0x0] =	vst.idx.msk $0xffff, v24  }
0x32d: {  	v51 =	vor.u32 $0x14, v22;
	v24 =	vld.idx.msk [tilespmem:v50+s15+$0x0], vm0  }
0x32e: {  	v52 =	vadd.s32 $0xA80, v23;
	_ =	sdelay $0x3  }
0x32f: {  	[tilespmem:v51+s20+$0x0] =	vst.idx.msk $0xffff, v24  }
0x330: {  	v53 =	vor.u32 $0x15, v22;
	v24 =	vld.idx.msk [tilespmem:v52+s15+$0x0], vm0  }
0x331: {  	v54 =	vadd.s32 $0xB00, v23;
	_ =	sdelay $0x3  }
0x332: {  	[tilespmem:v53+s20+$0x0] =	vst.idx.msk $0xffff, v24  }
0x333: {  	v55 =	vor.u32 $0x16, v22;
	v24 =	vld.idx.msk [tilespmem:v54+s15+$0x0], vm0  }
0x334: {  	v56 =	vadd.s32 $0xB80, v23;
	_ =	sdelay $0x3  }
0x335: {  	[tilespmem:v55+s20+$0x0] =	vst.idx.msk $0xffff, v24  }
0x336: {  	v57 =	vor.u32 $0x17, v22;
	v24 =	vld.idx.msk [tilespmem:v56+s15+$0x0], vm0  }
0x337: {  	v58 =	vadd.s32 $0xC00, v23;
	_ =	sdelay $0x3  }
0x338: {  	[tilespmem:v57+s20+$0x0] =	vst.idx.msk $0xffff, v24  }
0x339: {  	v59 =	vor.u32 $0x18, v22;
	v24 =	vld.idx.msk [tilespmem:v58+s15+$0x0], vm0  }
0x33a: {  	v60 =	vadd.s32 $0xC80, v23;
	_ =	sdelay $0x3  }
0x33b: {  	[tilespmem:v59+s20+$0x0] =	vst.idx.msk $0xffff, v24  }
0x33c: {  	v61 =	vor.u32 $0x19, v22;
	v24 =	vld.idx.msk [tilespmem:v60+s15+$0x0], vm0  }
0x33d: {  	v62 =	vadd.s32 $0xD00, v23;
	_ =	sdelay $0x3  }
0x33e: {  	[tilespmem:v61+s20+$0x0] =	vst.idx.msk $0xffff, v24  }
0x33f: {  	v63 =	vor.u32 $0x1A, v22;
	v24 =	vld.idx.msk [tilespmem:v62+s15+$0x0], vm0  }
0x340: {  	v28 =	vadd.s32 $0xD80, v23;
	_ =	sdelay $0x3  }
0x341: {  	[tilespmem:v63+s20+$0x0] =	vst.idx.msk $0xffff, v24  }
0x342: {  	v29 =	vor.u32 $0x1B, v22;
	v24 =	vld.idx.msk [tilespmem:v28+s15+$0x0], vm0  }
0x343: {  	v30 =	vadd.s32 $0xE00, v23;
	_ =	sdelay $0x3  }
0x344: {  	[tilespmem:v29+s20+$0x0] =	vst.idx.msk $0xffff, v24  }
0x345: {  	v31 =	vor.u32 $0x1C, v22;
	v24 =	vld.idx.msk [tilespmem:v30+s15+$0x0], vm0  }
0x346: {  	v32 =	vadd.s32 $0xE80, v23;
	_ =	sdelay $0x3  }
0x347: {  	[tilespmem:v31+s20+$0x0] =	vst.idx.msk $0xffff, v24  }
0x348: {  	v33 =	vor.u32 $0x1D, v22;
	v24 =	vld.idx.msk [tilespmem:v32+s15+$0x0], vm0  }
0x349: {  	v34 =	vadd.s32 $0xF00, v23;
	_ =	sdelay $0x3  }
0x34a: {  	[tilespmem:v33+s20+$0x0] =	vst.idx.msk $0xffff, v24  }
0x34b: {  	v35 =	vor.u32 $0x1E, v22;
	v24 =	vld.idx.msk [tilespmem:v34+s15+$0x0], vm0  }
0x34c: {  	v36 =	vadd.s32 $0xF80, v23;
	_ =	sdelay $0x3  }
0x34d: {  	[tilespmem:v35+s20+$0x0] =	vst.idx.msk $0xffff, v24  }
0x34e: {  	v37 =	vor.u32 $0x1F, v22;
	v24 =	vld.idx.msk [tilespmem:v36+s15+$0x0], vm0  }
0x34f: {  	v38 =	vadd.s32 $0x1000, v23;
	_ =	sdelay $0x3  }
0x350: {  	[tilespmem:v37+s20+$0x0] =	vst.idx.msk $0xffff, v24  }
0x351: {  	v39 =	vor.u32 $0x20, v22;
	v24 =	vld.idx.msk [tilespmem:v38+s15+$0x0], vm0  }
0x352: {  	v40 =	vadd.s32 $0x1080, v23;
	_ =	sdelay $0x3  }
0x353: {  	[tilespmem:v39+s20+$0x0] =	vst.idx.msk $0xffff, v24  }
0x354: {  	v41 =	vor.u32 $0x21, v22;
	v24 =	vld.idx.msk [tilespmem:v40+s15+$0x0], vm0  }
0x355: {  	v42 =	vadd.s32 $0x1100, v23;
	_ =	sdelay $0x3  }
0x356: {  	[tilespmem:v41+s20+$0x0] =	vst.idx.msk $0xffff, v24  }
0x357: {  	v43 =	vor.u32 $0x22, v22;
	v24 =	vld.idx.msk [tilespmem:v42+s15+$0x0], vm0  }
0x358: {  	v44 =	vadd.s32 $0x1180, v23;
	_ =	sdelay $0x3  }
0x359: {  	[tilespmem:v43+s20+$0x0] =	vst.idx.msk $0xffff, v24  }
0x35a: {  	v45 =	vor.u32 $0x23, v22;
	v24 =	vld.idx.msk [tilespmem:v44+s15+$0x0], vm0  }
0x35b: {  	v46 =	vadd.s32 $0x1200, v23;
	_ =	sdelay $0x3  }
0x35c: {  	[tilespmem:v45+s20+$0x0] =	vst.idx.msk $0xffff, v24  }
0x35d: {  	v47 =	vor.u32 $0x24, v22;
	v24 =	vld.idx.msk [tilespmem:v46+s15+$0x0], vm0  }
0x35e: {  	v48 =	vadd.s32 $0x1280, v23;
	_ =	sdelay $0x3  }
0x35f: {  	[tilespmem:v47+s20+$0x0] =	vst.idx.msk $0xffff, v24  }
0x360: {  	v49 =	vor.u32 $0x25, v22;
	v24 =	vld.idx.msk [tilespmem:v48+s15+$0x0], vm0  }
0x361: {  	v50 =	vadd.s32 $0x1300, v23;
	_ =	sdelay $0x3  }
0x362: {  	[tilespmem:v49+s20+$0x0] =	vst.idx.msk $0xffff, v24  }
0x363: {  	v51 =	vor.u32 $0x26, v22;
	v24 =	vld.idx.msk [tilespmem:v50+s15+$0x0], vm0  }
0x364: {  	v52 =	vadd.s32 $0x1380, v23;
	_ =	sdelay $0x3  }
0x365: {  	[tilespmem:v51+s20+$0x0] =	vst.idx.msk $0xffff, v24  }
0x366: {  	v53 =	vor.u32 $0x27, v22;
	v24 =	vld.idx.msk [tilespmem:v52+s15+$0x0], vm0  }
0x367: {  	v54 =	vadd.s32 $0x1400, v23;
	_ =	sdelay $0x3  }
0x368: {  	[tilespmem:v53+s20+$0x0] =	vst.idx.msk $0xffff, v24  }
0x369: {  	v55 =	vor.u32 $0x28, v22;
	v24 =	vld.idx.msk [tilespmem:v54+s15+$0x0], vm0  }
0x36a: {  	v56 =	vadd.s32 $0x1480, v23;
	_ =	sdelay $0x3  }
0x36b: {  	[tilespmem:v55+s20+$0x0] =	vst.idx.msk $0xffff, v24  }
0x36c: {  	v57 =	vor.u32 $0x29, v22;
	v24 =	vld.idx.msk [tilespmem:v56+s15+$0x0], vm0  }
0x36d: {  	v58 =	vadd.s32 $0x1500, v23;
	_ =	sdelay $0x3  }
0x36e: {  	[tilespmem:v57+s20+$0x0] =	vst.idx.msk $0xffff, v24  }
0x36f: {  	v59 =	vor.u32 $0x2A, v22;
	v24 =	vld.idx.msk [tilespmem:v58+s15+$0x0], vm0  }
0x370: {  	v60 =	vadd.s32 $0x1580, v23;
	_ =	sdelay $0x3  }
0x371: {  	[tilespmem:v59+s20+$0x0] =	vst.idx.msk $0xffff, v24  }
0x372: {  	v61 =	vor.u32 $0x2B, v22;
	v24 =	vld.idx.msk [tilespmem:v60+s15+$0x0], vm0  }
0x373: {  	v62 =	vadd.s32 $0x1600, v23;
	_ =	sdelay $0x3  }
0x374: {  	[tilespmem:v61+s20+$0x0] =	vst.idx.msk $0xffff, v24  }
0x375: {  	v63 =	vor.u32 $0x2C, v22;
	v24 =	vld.idx.msk [tilespmem:v62+s15+$0x0], vm0  }
0x376: {  	v28 =	vadd.s32 $0x1680, v23;
	_ =	sdelay $0x3  }
0x377: {  	[tilespmem:v63+s20+$0x0] =	vst.idx.msk $0xffff, v24  }
0x378: {  	v29 =	vor.u32 $0x2D, v22;
	v24 =	vld.idx.msk [tilespmem:v28+s15+$0x0], vm0  }
0x379: {  	v30 =	vadd.s32 $0x1700, v23;
	_ =	sdelay $0x3  }
0x37a: {  	[tilespmem:v29+s20+$0x0] =	vst.idx.msk $0xffff, v24  }
0x37b: {  	v31 =	vor.u32 $0x2E, v22;
	v24 =	vld.idx.msk [tilespmem:v30+s15+$0x0], vm0  }
0x37c: {  	v32 =	vadd.s32 $0x1780, v23;
	_ =	sdelay $0x3  }
0x37d: {  	[tilespmem:v31+s20+$0x0] =	vst.idx.msk $0xffff, v24  }
0x37e: {  	v33 =	vor.u32 $0x2F, v22;
	v24 =	vld.idx.msk [tilespmem:v32+s15+$0x0], vm0  }
0x37f: {  	v34 =	vadd.s32 $0x1800, v23;
	_ =	sdelay $0x3  }
0x380: {  	[tilespmem:v33+s20+$0x0] =	vst.idx.msk $0xffff, v24  }
0x381: {  	v35 =	vor.u32 $0x30, v22;
	v24 =	vld.idx.msk [tilespmem:v34+s15+$0x0], vm0  }
0x382: {  	v36 =	vadd.s32 $0x1880, v23;
	_ =	sdelay $0x3  }
0x383: {  	[tilespmem:v35+s20+$0x0] =	vst.idx.msk $0xffff, v24  }
0x384: {  	v37 =	vor.u32 $0x31, v22;
	v24 =	vld.idx.msk [tilespmem:v36+s15+$0x0], vm0  }
0x385: {  	v38 =	vadd.s32 $0x1900, v23;
	_ =	sdelay $0x3  }
0x386: {  	[tilespmem:v37+s20+$0x0] =	vst.idx.msk $0xffff, v24  }
0x387: {  	v39 =	vor.u32 $0x32, v22;
	v24 =	vld.idx.msk [tilespmem:v38+s15+$0x0], vm0  }
0x388: {  	v40 =	vadd.s32 $0x1980, v23;
	_ =	sdelay $0x3  }
0x389: {  	[tilespmem:v39+s20+$0x0] =	vst.idx.msk $0xffff, v24  }
0x38a: {  	v41 =	vor.u32 $0x33, v22;
	v24 =	vld.idx.msk [tilespmem:v40+s15+$0x0], vm0  }
0x38b: {  	v42 =	vadd.s32 $0x1A00, v23;
	_ =	sdelay $0x3  }
0x38c: {  	[tilespmem:v41+s20+$0x0] =	vst.idx.msk $0xffff, v24  }
0x38d: {  	v43 =	vor.u32 $0x34, v22;
	v24 =	vld.idx.msk [tilespmem:v42+s15+$0x0], vm0  }
0x38e: {  	v44 =	vadd.s32 $0x1A80, v23;
	_ =	sdelay $0x3  }
0x38f: {  	[tilespmem:v43+s20+$0x0] =	vst.idx.msk $0xffff, v24  }
0x390: {  	v45 =	vor.u32 $0x35, v22;
	v24 =	vld.idx.msk [tilespmem:v44+s15+$0x0], vm0  }
0x391: {  	v46 =	vadd.s32 $0x1B00, v23;
	_ =	sdelay $0x3  }
0x392: {  	[tilespmem:v45+s20+$0x0] =	vst.idx.msk $0xffff, v24  }
0x393: {  	v47 =	vor.u32 $0x36, v22;
	v24 =	vld.idx.msk [tilespmem:v46+s15+$0x0], vm0  }
0x394: {  	v48 =	vadd.s32 $0x1B80, v23;
	_ =	sdelay $0x3  }
0x395: {  	[tilespmem:v47+s20+$0x0] =	vst.idx.msk $0xffff, v24  }
0x396: {  	v49 =	vor.u32 $0x37, v22;
	v24 =	vld.idx.msk [tilespmem:v48+s15+$0x0], vm0  }
0x397: {  	v50 =	vadd.s32 $0x1C00, v23;
	_ =	sdelay $0x3  }
0x398: {  	[tilespmem:v49+s20+$0x0] =	vst.idx.msk $0xffff, v24  }
0x399: {  	v51 =	vor.u32 $0x38, v22;
	v24 =	vld.idx.msk [tilespmem:v50+s15+$0x0], vm0  }
0x39a: {  	v52 =	vadd.s32 $0x1C80, v23;
	_ =	sdelay $0x3  }
0x39b: {  	[tilespmem:v51+s20+$0x0] =	vst.idx.msk $0xffff, v24  }
0x39c: {  	v53 =	vor.u32 $0x39, v22;
	v24 =	vld.idx.msk [tilespmem:v52+s15+$0x0], vm0  }
0x39d: {  	v54 =	vadd.s32 $0x1D00, v23;
	_ =	sdelay $0x3  }
0x39e: {  	[tilespmem:v53+s20+$0x0] =	vst.idx.msk $0xffff, v24  }
0x39f: {  	v55 =	vor.u32 $0x3A, v22;
	v24 =	vld.idx.msk [tilespmem:v54+s15+$0x0], vm0  }
0x3a0: {  	v56 =	vadd.s32 $0x1D80, v23;
	_ =	sdelay $0x3  }
0x3a1: {  	[tilespmem:v55+s20+$0x0] =	vst.idx.msk $0xffff, v24  }
0x3a2: {  	v57 =	vor.u32 $0x3B, v22;
	v24 =	vld.idx.msk [tilespmem:v56+s15+$0x0], vm0  }
0x3a3: {  	v58 =	vadd.s32 $0x1E00, v23;
	_ =	sdelay $0x3  }
0x3a4: {  	[tilespmem:v57+s20+$0x0] =	vst.idx.msk $0xffff, v24  }
0x3a5: {  	v59 =	vor.u32 $0x3C, v22;
	v24 =	vld.idx.msk [tilespmem:v58+s15+$0x0], vm0  }
0x3a6: {  	v60 =	vadd.s32 $0x1E80, v23;
	_ =	sdelay $0x3  }
0x3a7: {  	[tilespmem:v59+s20+$0x0] =	vst.idx.msk $0xffff, v24  }
0x3a8: {  	v61 =	vor.u32 $0x3D, v22;
	v24 =	vld.idx.msk [tilespmem:v60+s15+$0x0], vm0  }
0x3a9: {  	v62 =	vadd.s32 $0x1F00, v23;
	_ =	sdelay $0x3  }
0x3aa: {  	[tilespmem:v61+s20+$0x0] =	vst.idx.msk $0xffff, v24  }
0x3ab: {  	v63 =	vor.u32 $0x3E, v22;
	v24 =	vld.idx.msk [tilespmem:v62+s15+$0x0], vm0  }
0x3ac: {  	v23 =	vadd.s32 $0x1F80, v23;
	_ =	sdelay $0x3  }
0x3ad: {  	[tilespmem:v63+s20+$0x0] =	vst.idx.msk $0xffff, v24  }
0x3ae: {  	v22 =	vor.u32 $0x3F, v22;
	v23 =	vld.idx.msk [tilespmem:v23+s15+$0x0], vm0  }
0x3af: {  	s13 =	sadd.s32 $0xFFFFFFFF, s13  }
0x3b0: {  	p0 =	sne.s32 s13, $0x0  }
.Ltmp21:
0x3b1: {  	_ = 	snop;
	(pc) =	sbr.rel @p0 .LBB2_33-.Ltmp21, $4  }
0x3b2: {  	s26 =	sadd.s32 $0x1, s26  }
0x3b3: {  	s1 =	sadd.s32 $0xFFFFFFF0, s1;
	s7 =	sshll.u32 s14, $0x7;
	s14 =	sshll.u32 s14, $0xB;
	v21 =	vsel vm0, v21, v1;
	[tilespmem:v22+s20+$0x0] =	vst.idx.msk $0xffff, v23  }
0x3b4: {  	s0 =	sadd.s32 $0x10, s0;
	s11 =	sor.u32 $0x19700, s7;
	s22 =	sor.u32 $0x18700, s14;
	[tilespmem:s7+$0x19700] =	vst v21  }
0x3b5: {  	[hbm4b:s5+s21] =	stream.indirect.scatter [tilespmem:s22], [sflag:$0x3], $0x80, s11, s21, $0xb8;
	[tilespmem:$0x19800] =	vst v63  }
.LBB2_34:
0x3b6: {  	s0 =	sadd.s32 $0x8, s31  }
0x3b7: {  	p0 =	sge.s32 s0, s25  }
0x3b8: {  	v21 =	vld @!p0 [tilespmem:s0+$0x5400];
	_ =	sdelay $0x4  }
0x3b9: {  	(v2sf) =	vpush @!p0 v21, $0x0;
	_ =	sdelay $0xe  }
0x3ba: {  	s0 =	spop @!p0 (v2sf)  }
0x3bb: {  	s0 =	sshll.u32 @!p0 s0, $0xF  }
0x3bc: {  	s0 =	sor.u32 @!p0 s6, s0  }
0x3bd: {  	s1 =	simm.s32 @!p0 $0x400;
	s0 =	sshrl.u32 @!p0 s0, $0x3  }
0x3be: {  	s3 =	simm.s32 @!p0 $0x7A1400;
	s7 =	simm.s32 @!p0 $0x8700;
	s0 =	sadd.s32 @!p0 s2, s0  }
0x3bf: {  	[tilespmem:s7], [sflag:$0x2] =	stream.strided.gather @!p0 [hbm4b:s0+s1], $0x2000, s3, s1, $0x38;
	[tilespmem:$0x19800] =	vst v63  }
0x3c0: {  	s0 =	sadd.s32 $0x9, s31  }
0x3c1: {  	p0 =	sge.s32 s0, s25  }
0x3c2: {  	v21 =	vld @!p0 [tilespmem:s0+$0x5400];
	_ =	sdelay $0x4  }
0x3c3: {  	(v2sf) =	vpush @!p0 v21, $0x0;
	_ =	sdelay $0xe  }
0x3c4: {  	s0 =	spop @!p0 (v2sf)  }
0x3c5: {  	s0 =	sshll.u32 @!p0 s0, $0xF  }
0x3c6: {  	s0 =	sor.u32 @!p0 s6, s0  }
0x3c7: {  	s1 =	simm.s32 @!p0 $0x400;
	s0 =	sshrl.u32 @!p0 s0, $0x3  }
0x3c8: {  	s3 =	simm.s32 @!p0 $0x7A1400;
	s7 =	simm.s32 @!p0 $0xA700;
	s0 =	sadd.s32 @!p0 s2, s0  }
0x3c9: {  	[tilespmem:s7], [sflag:$0x2] =	stream.strided.gather @!p0 [hbm4b:s0+s1], $0x2000, s3, s1, $0x38;
	[tilespmem:$0x19800] =	vst v63  }
0x3ca: {  	s0 =	sadd.s32 $0xA, s31  }
0x3cb: {  	p0 =	sge.s32 s0, s25  }
0x3cc: {  	v21 =	vld @!p0 [tilespmem:s0+$0x5400];
	_ =	sdelay $0x4  }
0x3cd: {  	(v2sf) =	vpush @!p0 v21, $0x0;
	_ =	sdelay $0xe  }
0x3ce: {  	s0 =	spop @!p0 (v2sf)  }
0x3cf: {  	s0 =	sshll.u32 @!p0 s0, $0xF  }
0x3d0: {  	s0 =	sor.u32 @!p0 s6, s0  }
0x3d1: {  	s1 =	simm.s32 @!p0 $0x400;
	s0 =	sshrl.u32 @!p0 s0, $0x3  }
0x3d2: {  	s3 =	simm.s32 @!p0 $0x7A1400;
	s7 =	simm.s32 @!p0 $0xC700;
	s0 =	sadd.s32 @!p0 s2, s0  }
0x3d3: {  	[tilespmem:s7], [sflag:$0x2] =	stream.strided.gather @!p0 [hbm4b:s0+s1], $0x2000, s3, s1, $0x38;
	[tilespmem:$0x19800] =	vst v63  }
0x3d4: {  	s0 =	sadd.s32 $0xB, s31  }
0x3d5: {  	p0 =	sge.s32 s0, s25  }
0x3d6: {  	v21 =	vld @!p0 [tilespmem:s0+$0x5400];
	_ =	sdelay $0x4  }
0x3d7: {  	(v2sf) =	vpush @!p0 v21, $0x0;
	_ =	sdelay $0xe  }
0x3d8: {  	s0 =	spop @!p0 (v2sf)  }
0x3d9: {  	s0 =	sshll.u32 @!p0 s0, $0xF  }
0x3da: {  	s0 =	sor.u32 @!p0 s6, s0  }
0x3db: {  	s1 =	simm.s32 @!p0 $0x400;
	s0 =	sshrl.u32 @!p0 s0, $0x3  }
0x3dc: {  	s3 =	simm.s32 @!p0 $0x7A1400;
	s7 =	simm.s32 @!p0 $0xE700;
	s0 =	sadd.s32 @!p0 s2, s0  }
0x3dd: {  	[tilespmem:s7], [sflag:$0x2] =	stream.strided.gather @!p0 [hbm4b:s0+s1], $0x2000, s3, s1, $0x38;
	[tilespmem:$0x19800] =	vst v63  }
0x3de: {  	s0 =	simm.s32 @!p1 $0x1  }
0x3df: {  	_ =	swait.ge @!p1 [sflag:s0], $0x2000  }
0x3e0: {  	[sflag:s0] =	ssyncset.done @!p1 $0x0  }
0x3e1: {  	[sflag:s0] =	ssyncadd.s32 @!p1 $0xFFFFE000;
	s0 =	simm.s32 @!p2 $0x1  }
0x3e2: {  	_ =	swait.ge @!p2 [sflag:s0], $0x2000  }
0x3e3: {  	[sflag:s0] =	ssyncset.done @!p2 $0x0  }
0x3e4: {  	[sflag:s0] =	ssyncadd.s32 @!p2 $0xFFFFE000;
	s0 =	simm.s32 @!p3 $0x1  }
0x3e5: {  	_ =	swait.ge @!p3 [sflag:s0], $0x2000  }
.Ltmp22:
0x3e6: {  	[sflag:s0] =	ssyncset.done @!p3 $0x0;
	(pc) =	sbr.rel @p6 .LBB2_42-.Ltmp22, $4  }
0x3e7: {  	[sflag:s0] =	ssyncadd.s32 @!p3 $0xFFFFE000;
	s0 =	simm.s32 @!p4 $0x1  }
0x3e8: {  	_ =	swait.ge @!p4 [sflag:s0], $0x2000  }
0x3e9: {  	[sflag:s0] =	ssyncset.done @!p4 $0x0  }
0x3ea: {  	[sflag:s0] =	ssyncadd.s32 @!p4 $0xFFFFE000  }
0x3eb: {  	p0 =	sne.s32 s30, $0x0  }
.Ltmp23:
0x3ec: {  	_ = 	snop;
	(pc) =	sbr.rel @!p0 .LBB2_36-.Ltmp23, $3  }
0x3ed: {  	_ =	sdelay $0x1  }
0x3ee: {  	s0 =	simm.s32 $0x0  }
0x3ef: {  	v22 =	vmov s29;
	p1 =	por $0x0, $0x0;
	v21 =	vor.u32 s0, v2  }
0x3f0: {  	_ =	sdelay $0x3  }
0x3f1: {  	v23 =	vld.idx.msk [tilespmem:v21+s16+$0x0], $0xffff;
	_ =	sdelay $0x4  }
0x3f2: {  	v24 =	vmov s23;
	v25 =	vshra.s32 v23, $0x2  }
0x3f3: {  	vm0 =	vgt.s32 v24, v2;
	vm1 =	veq.s32 v25, v22  }
0x3f4: {  	vm0 =	vmand vm0, vm1  }
0x3f5: {  	v63 =	vmpcnt.ones.xlane vm0;
	_ =	sdelay $0x1  }
0x3f6: {  	(v2sf) =	vpush v63, $0x0;
	_ =	sdelay $0xe  }
0x3f7: {  	s1 =	spop (v2sf)  }
0x3f8: {  	p0 =	slt.s32 s1, $0x1  }
0x3f9: {  	s3 =	simm.s32 @!p0 $0x3100  }
0x3fa: {  	v24 =	vld.idx.msk @!p0 [tilespmem:v21+s3+$0x0], $0xffff;
	_ =	sdelay $0x1  }
0x3fb: {  	p1 =	por @!p0 $0x1, $0x1  }
0x3fc: {  	s7 =	simm.s32 $0x0;
	p1 =	por !p1, p0  }
0x3fd: {  	s7 =	simm.s32 @p1 $0x1000  }
0x3fe: {  	s11 =	sadd.s32 $0xFFFFFFFF, s30;
	s3 =	simm.s32 @!p0 $0x1000;
	[tilespmem:s7+$0x5580] =	vst.msk @!p0 vm0, v24  }
0x3ff: {  	p2 =	sne.s32 s11, $0x0;
	v24 =	vld.idx.msk @!p0 [tilespmem:v21+s3+$0x0], $0xffff  }
.Ltmp24:
0x400: {  	s3 =	simm.s32 $0x10;
	(pc) =	sbr.rel @!p2 .LBB2_38-.Ltmp24, $3  }
0x401: {  	v21 =	vor.u32 s3, v2;
	_ =	sdelay $0x1  }
0x402: {  	s1 =	sadd.s32 $0x0, s1  }
0x403: {  	s13 =	smov.u32 s23;
	v23 =	vand.u32 @!p0 $0x3, v23;
	s14 =	smov.u32 s1;
	p1 =	por $0x1, $0x1;
	[tilespmem:s7+$0x6600] =	vst.msk @!p0 vm0, v24  }
.LBB2_39:
0x404: {  	s11 =	sadd.s32 $0xFFFFFFFF, s11;
	[tilespmem:s7+$0x7680] =	vst.msk @!p0 vm0, v23;
	s13 =	sadd.s32 $0xFFFFFFF0, s13  }
0x405: {  	p2 =	sne.s32 s11, $0x0;
	v23 =	vld.idx.msk [tilespmem:v21+s16+$0x0], $0xffff;
	_ =	sdelay $0x5  }
0x406: {  	v24 =	vmov s13;
	v25 =	vshra.s32 v23, $0x2  }
0x407: {  	vm0 =	vgt.s32 v24, v2;
	vm1 =	veq.s32 v25, v22  }
0x408: {  	vm0 =	vmand vm0, vm1  }
0x409: {  	v24 =	vmpcnt.ones.xlane vm0;
	_ =	sdelay $0x1  }
0x40a: {  	(v2sf) =	vpush v24, $0x0;
	_ =	sdelay $0xe  }
0x40b: {  	s7 =	spop (v2sf)  }
0x40c: {  	p0 =	slt.s32 s7, $0x1;
	s1 =	sadd.s32 s1, s7  }
0x40d: {  	p3 =	slt.s32 @!p0 s14, $0x1000;
	s7 =	simm.s32 @!p0 $0x3100;
	v23 =	vand.u32 @!p0 $0x3, v23  }
0x40e: {  	p3 =	por !p3, p0;
	v24 =	vld.idx.msk @!p0 [tilespmem:v21+s7+$0x0], $0xffff;
	_ =	sdelay $0x3  }
0x40f: {  	s7 =	smov.u32 s14  }
0x410: {  	s14 =	smov.u32 s1;
	s7 =	simm.s32 @p3 $0x1000  }
0x411: {  	s22 =	simm.s32 @!p0 $0x1000;
	[tilespmem:s7+$0x5580] =	vst.msk @!p0 vm0, v24  }
0x412: {  	v24 =	vld.idx.msk @!p0 [tilespmem:v21+s22+$0x0], $0xffff;
	_ =	sdelay $0x1  }
.Ltmp25:
0x413: {  	s3 =	sadd.s32 $0x10, s3;
	(pc) =	sbr.rel @p2 .LBB2_39-.Ltmp25, $2  }
0x414: {  	v21 =	vor.u32 s3, v2;
	_ =	sdelay $0x2  }
0x415: {  	[tilespmem:s7+$0x6600] =	vst.msk @!p0 vm0, v24  }
.LBB2_40:
0x416: {  	_ =	sdelay $0x1  }
0x417: {  	p0 =	por p0, !p1  }
0x418: {  	[tilespmem:s7+$0x7680] =	vst.msk @!p0 vm0, v23  }
0x419: {  	v23 =	vld.idx.msk [tilespmem:v21+s16+$0x0], $0xffff;
	_ =	sdelay $0x2  }
0x41a: {  	s3 =	sadd.s32 @p1 $0xFFFFFFF0, s13;
	s7 =	smov.u32 s23  }
0x41b: {  	s7 =	smov.u32 @p1 s3  }
0x41c: {  	v24 =	vmov s7;
	v25 =	vshra.s32 v23, $0x2  }
0x41d: {  	vm15 =	vgt.s32 v24, v2;
	vm1 =	veq.s32 v25, v22  }
0x41e: {  	vm0 =	vmand vm15, vm1  }
0x41f: {  	v22 =	vmpcnt.ones.xlane vm0;
	_ =	sdelay $0x1  }
0x420: {  	(v2sf) =	vpush v22, $0x0;
	_ =	sdelay $0xe  }
0x421: {  	s30 =	spop (v2sf)  }
0x422: {  	p0 =	slt.s32 s30, $0x1  }
0x423: {  	s7 =	simm.s32 @!p0 $0x3100  }
0x424: {  	v22 =	vld.idx.msk @!p0 [tilespmem:v21+s7+$0x0], $0xffff  }
0x425: {  	p1 =	slt.s32 @!p0 s14, $0x1000  }
0x426: {  	s1 =	sadd.s32 s1, s30;
	p1 =	por !p1, p0  }
0x427: {  	s14 =	simm.s32 @p1 $0x1000;
	p1 =	slt.s32 s1, $0x1000  }
0x428: {  	s1 =	simm.s32 @!p1 $0x1000  }
0x429: {  	s7 =	simm.s32 @!p0 $0x1000;
	s31 =	sadd.s32 $0xF, s1;
	[tilespmem:s14+$0x5580] =	vst.msk @!p0 vm0, v22  }
0x42a: {  	s13 =	sshra.s32 s31, $0x4;
	v21 =	vld.idx.msk @!p0 [tilespmem:v21+s7+$0x0], $0xffff  }
0x42b: {  	p1 =	slt.s32 s13, $0x1  }
.Ltmp26:
0x42c: {  	_ = 	snop;
	(pc) =	sbr.rel @p1 .LBB2_42-.Ltmp26, $3  }
0x42d: {  	_ =	sdelay $0x1  }
0x42e: {  	v22 =	vand.u32 @!p0 $0x3, v23;
	[tilespmem:s14+$0x6600] =	vst.msk @!p0 vm0, v21  }
0x42f: {  	[tilespmem:s14+$0x7680] =	vst.msk @!p0 vm0, v22  }
.LBB2_41:
0x430: {  	v21 =	vor.u32 s0, v2;
	_ =	sdelay $0x4  }
0x431: {  	v22 =	vld.idx.msk [tilespmem:v21+s18+$0x0], $0xffff  }
0x432: {  	v23 =	vld.idx.msk [tilespmem:v21+s19+$0x0], $0xffff;
	_ =	sdelay $0x4  }
0x433: {  	v24 =	vand.u32 $0xFFFFFF80, v22;
	v23 =	vshll.u32 v23, $0xD  }
0x434: {  	v25 =	vmov s1;
	v22 =	vand.u32 $0x7F, v22;
	v23 =	vadd.s32 v24, v23  }
0x435: {  	vm0 =	vgt.s32 v25, v2;
	v22 =	vor.u32 v22, v23  }
0x436: {  	p0 =	slt.s32 s26, $0x2;
	v23 =	vadd.s32 $0x8000, v22  }
0x437: {  	s14 =	sand.u32 $0x1, s26;
	s3 =	simm.s32 @!p0 $0x3  }
0x438: {  	s7 =	sshll.u32 s14, $0x4;
	v21 =	vld.idx.msk [tilespmem:v21+s17+$0x0], $0xffff;
	_ =	swait.ge @!p0 [sflag:s3], $0x800  }
0x439: {  	v48 =	vmov s7;
	[sflag:s3] =	ssyncset.done @!p0 $0x0  }
0x43a: {  	[sflag:s3] =	ssyncadd.s32 @!p0 $0xFFFFF800;
	v24 =	vshll.u32 v48, $0x7  }
0x43b: {  	v25 =	vld.idx.msk [tilespmem:v23+s15+$0x0], vm0;
	v23 =	vor.u32 v20, v24  }
0x43c: {  	v49 =	vadd.s32 $0x8080, v22;
	_ =	sdelay $0x3  }
0x43d: {  	[tilespmem:v23+s20+$0x0] =	vst.idx.msk $0xffff, v25  }
0x43e: {  	v50 =	vor.u32 $0x1, v23;
	v24 =	vld.idx.msk [tilespmem:v49+s15+$0x0], vm0  }
0x43f: {  	v26 =	vadd.s32 $0x8100, v22;
	_ =	sdelay $0x3  }
0x440: {  	[tilespmem:v50+s20+$0x0] =	vst.idx.msk $0xffff, v24  }
0x441: {  	v51 =	vor.u32 $0x2, v23;
	v24 =	vld.idx.msk [tilespmem:v26+s15+$0x0], vm0  }
0x442: {  	v52 =	vadd.s32 $0x8180, v22;
	_ =	sdelay $0x3  }
0x443: {  	[tilespmem:v51+s20+$0x0] =	vst.idx.msk $0xffff, v24  }
0x444: {  	v53 =	vor.u32 $0x3, v23;
	v24 =	vld.idx.msk [tilespmem:v52+s15+$0x0], vm0  }
0x445: {  	v54 =	vadd.s32 $0x8200, v22;
	_ =	sdelay $0x3  }
0x446: {  	[tilespmem:v53+s20+$0x0] =	vst.idx.msk $0xffff, v24  }
0x447: {  	v55 =	vor.u32 $0x4, v23;
	v24 =	vld.idx.msk [tilespmem:v54+s15+$0x0], vm0  }
0x448: {  	v56 =	vadd.s32 $0x8280, v22;
	_ =	sdelay $0x3  }
0x449: {  	[tilespmem:v55+s20+$0x0] =	vst.idx.msk $0xffff, v24  }
0x44a: {  	v57 =	vor.u32 $0x5, v23;
	v24 =	vld.idx.msk [tilespmem:v56+s15+$0x0], vm0  }
0x44b: {  	v58 =	vadd.s32 $0x8300, v22;
	_ =	sdelay $0x3  }
0x44c: {  	[tilespmem:v57+s20+$0x0] =	vst.idx.msk $0xffff, v24  }
0x44d: {  	v59 =	vor.u32 $0x6, v23;
	v24 =	vld.idx.msk [tilespmem:v58+s15+$0x0], vm0  }
0x44e: {  	v60 =	vadd.s32 $0x8380, v22;
	_ =	sdelay $0x3  }
0x44f: {  	[tilespmem:v59+s20+$0x0] =	vst.idx.msk $0xffff, v24  }
0x450: {  	v61 =	vor.u32 $0x7, v23;
	v24 =	vld.idx.msk [tilespmem:v60+s15+$0x0], vm0  }
0x451: {  	v62 =	vadd.s32 $0x8400, v22;
	_ =	sdelay $0x3  }
0x452: {  	[tilespmem:v61+s20+$0x0] =	vst.idx.msk $0xffff, v24  }
0x453: {  	v63 =	vor.u32 $0x8, v23;
	v24 =	vld.idx.msk [tilespmem:v62+s15+$0x0], vm0  }
0x454: {  	v28 =	vadd.s32 $0x8480, v22;
	_ =	sdelay $0x3  }
0x455: {  	[tilespmem:v63+s20+$0x0] =	vst.idx.msk $0xffff, v24  }
0x456: {  	v29 =	vor.u32 $0x9, v23;
	v24 =	vld.idx.msk [tilespmem:v28+s15+$0x0], vm0  }
0x457: {  	v30 =	vadd.s32 $0x8500, v22;
	_ =	sdelay $0x3  }
0x458: {  	[tilespmem:v29+s20+$0x0] =	vst.idx.msk $0xffff, v24  }
0x459: {  	v31 =	vor.u32 $0xA, v23;
	v24 =	vld.idx.msk [tilespmem:v30+s15+$0x0], vm0  }
0x45a: {  	v32 =	vadd.s32 $0x8580, v22;
	_ =	sdelay $0x3  }
0x45b: {  	[tilespmem:v31+s20+$0x0] =	vst.idx.msk $0xffff, v24  }
0x45c: {  	v33 =	vor.u32 $0xB, v23;
	v24 =	vld.idx.msk [tilespmem:v32+s15+$0x0], vm0  }
0x45d: {  	v34 =	vadd.s32 $0x8600, v22;
	_ =	sdelay $0x3  }
0x45e: {  	[tilespmem:v33+s20+$0x0] =	vst.idx.msk $0xffff, v24  }
0x45f: {  	v35 =	vor.u32 $0xC, v23;
	v24 =	vld.idx.msk [tilespmem:v34+s15+$0x0], vm0  }
0x460: {  	v36 =	vadd.s32 $0x8680, v22;
	_ =	sdelay $0x3  }
0x461: {  	[tilespmem:v35+s20+$0x0] =	vst.idx.msk $0xffff, v24  }
0x462: {  	v37 =	vor.u32 $0xD, v23;
	v24 =	vld.idx.msk [tilespmem:v36+s15+$0x0], vm0  }
0x463: {  	v38 =	vadd.s32 $0x8700, v22;
	_ =	sdelay $0x3  }
0x464: {  	[tilespmem:v37+s20+$0x0] =	vst.idx.msk $0xffff, v24  }
0x465: {  	v39 =	vor.u32 $0xE, v23;
	v24 =	vld.idx.msk [tilespmem:v38+s15+$0x0], vm0  }
0x466: {  	v40 =	vadd.s32 $0x8780, v22;
	_ =	sdelay $0x3  }
0x467: {  	[tilespmem:v39+s20+$0x0] =	vst.idx.msk $0xffff, v24  }
0x468: {  	v41 =	vor.u32 $0xF, v23;
	v24 =	vld.idx.msk [tilespmem:v40+s15+$0x0], vm0  }
0x469: {  	v42 =	vadd.s32 $0x8800, v22;
	_ =	sdelay $0x3  }
0x46a: {  	[tilespmem:v41+s20+$0x0] =	vst.idx.msk $0xffff, v24  }
0x46b: {  	v43 =	vor.u32 $0x10, v23;
	v24 =	vld.idx.msk [tilespmem:v42+s15+$0x0], vm0  }
0x46c: {  	v44 =	vadd.s32 $0x8880, v22;
	_ =	sdelay $0x3  }
0x46d: {  	[tilespmem:v43+s20+$0x0] =	vst.idx.msk $0xffff, v24  }
0x46e: {  	v45 =	vor.u32 $0x11, v23;
	v24 =	vld.idx.msk [tilespmem:v44+s15+$0x0], vm0  }
0x46f: {  	v46 =	vadd.s32 $0x8900, v22;
	_ =	sdelay $0x3  }
0x470: {  	[tilespmem:v45+s20+$0x0] =	vst.idx.msk $0xffff, v24  }
0x471: {  	v47 =	vor.u32 $0x12, v23;
	v24 =	vld.idx.msk [tilespmem:v46+s15+$0x0], vm0  }
0x472: {  	v48 =	vadd.s32 $0x8980, v22;
	_ =	sdelay $0x3  }
0x473: {  	[tilespmem:v47+s20+$0x0] =	vst.idx.msk $0xffff, v24  }
0x474: {  	v49 =	vor.u32 $0x13, v23;
	v24 =	vld.idx.msk [tilespmem:v48+s15+$0x0], vm0  }
0x475: {  	v50 =	vadd.s32 $0x8A00, v22;
	_ =	sdelay $0x3  }
0x476: {  	[tilespmem:v49+s20+$0x0] =	vst.idx.msk $0xffff, v24  }
0x477: {  	v51 =	vor.u32 $0x14, v23;
	v24 =	vld.idx.msk [tilespmem:v50+s15+$0x0], vm0  }
0x478: {  	v52 =	vadd.s32 $0x8A80, v22;
	_ =	sdelay $0x3  }
0x479: {  	[tilespmem:v51+s20+$0x0] =	vst.idx.msk $0xffff, v24  }
0x47a: {  	v53 =	vor.u32 $0x15, v23;
	v24 =	vld.idx.msk [tilespmem:v52+s15+$0x0], vm0  }
0x47b: {  	v54 =	vadd.s32 $0x8B00, v22;
	_ =	sdelay $0x3  }
0x47c: {  	[tilespmem:v53+s20+$0x0] =	vst.idx.msk $0xffff, v24  }
0x47d: {  	v55 =	vor.u32 $0x16, v23;
	v24 =	vld.idx.msk [tilespmem:v54+s15+$0x0], vm0  }
0x47e: {  	v56 =	vadd.s32 $0x8B80, v22;
	_ =	sdelay $0x3  }
0x47f: {  	[tilespmem:v55+s20+$0x0] =	vst.idx.msk $0xffff, v24  }
0x480: {  	v57 =	vor.u32 $0x17, v23;
	v24 =	vld.idx.msk [tilespmem:v56+s15+$0x0], vm0  }
0x481: {  	v58 =	vadd.s32 $0x8C00, v22;
	_ =	sdelay $0x3  }
0x482: {  	[tilespmem:v57+s20+$0x0] =	vst.idx.msk $0xffff, v24  }
0x483: {  	v59 =	vor.u32 $0x18, v23;
	v24 =	vld.idx.msk [tilespmem:v58+s15+$0x0], vm0  }
0x484: {  	v60 =	vadd.s32 $0x8C80, v22;
	_ =	sdelay $0x3  }
0x485: {  	[tilespmem:v59+s20+$0x0] =	vst.idx.msk $0xffff, v24  }
0x486: {  	v61 =	vor.u32 $0x19, v23;
	v24 =	vld.idx.msk [tilespmem:v60+s15+$0x0], vm0  }
0x487: {  	v62 =	vadd.s32 $0x8D00, v22;
	_ =	sdelay $0x3  }
0x488: {  	[tilespmem:v61+s20+$0x0] =	vst.idx.msk $0xffff, v24  }
0x489: {  	v63 =	vor.u32 $0x1A, v23;
	v24 =	vld.idx.msk [tilespmem:v62+s15+$0x0], vm0  }
0x48a: {  	v28 =	vadd.s32 $0x8D80, v22;
	_ =	sdelay $0x3  }
0x48b: {  	[tilespmem:v63+s20+$0x0] =	vst.idx.msk $0xffff, v24  }
0x48c: {  	v29 =	vor.u32 $0x1B, v23;
	v24 =	vld.idx.msk [tilespmem:v28+s15+$0x0], vm0  }
0x48d: {  	v30 =	vadd.s32 $0x8E00, v22;
	_ =	sdelay $0x3  }
0x48e: {  	[tilespmem:v29+s20+$0x0] =	vst.idx.msk $0xffff, v24  }
0x48f: {  	v31 =	vor.u32 $0x1C, v23;
	v24 =	vld.idx.msk [tilespmem:v30+s15+$0x0], vm0  }
0x490: {  	v32 =	vadd.s32 $0x8E80, v22;
	_ =	sdelay $0x3  }
0x491: {  	[tilespmem:v31+s20+$0x0] =	vst.idx.msk $0xffff, v24  }
0x492: {  	v33 =	vor.u32 $0x1D, v23;
	v24 =	vld.idx.msk [tilespmem:v32+s15+$0x0], vm0  }
0x493: {  	v34 =	vadd.s32 $0x8F00, v22;
	_ =	sdelay $0x3  }
0x494: {  	[tilespmem:v33+s20+$0x0] =	vst.idx.msk $0xffff, v24  }
0x495: {  	v35 =	vor.u32 $0x1E, v23;
	v24 =	vld.idx.msk [tilespmem:v34+s15+$0x0], vm0  }
0x496: {  	v36 =	vadd.s32 $0x8F80, v22;
	_ =	sdelay $0x3  }
0x497: {  	[tilespmem:v35+s20+$0x0] =	vst.idx.msk $0xffff, v24  }
0x498: {  	v37 =	vor.u32 $0x1F, v23;
	v24 =	vld.idx.msk [tilespmem:v36+s15+$0x0], vm0  }
0x499: {  	v38 =	vadd.s32 $0x9000, v22;
	_ =	sdelay $0x3  }
0x49a: {  	[tilespmem:v37+s20+$0x0] =	vst.idx.msk $0xffff, v24  }
0x49b: {  	v39 =	vor.u32 $0x20, v23;
	v24 =	vld.idx.msk [tilespmem:v38+s15+$0x0], vm0  }
0x49c: {  	v40 =	vadd.s32 $0x9080, v22;
	_ =	sdelay $0x3  }
0x49d: {  	[tilespmem:v39+s20+$0x0] =	vst.idx.msk $0xffff, v24  }
0x49e: {  	v41 =	vor.u32 $0x21, v23;
	v24 =	vld.idx.msk [tilespmem:v40+s15+$0x0], vm0  }
0x49f: {  	v42 =	vadd.s32 $0x9100, v22;
	_ =	sdelay $0x3  }
0x4a0: {  	[tilespmem:v41+s20+$0x0] =	vst.idx.msk $0xffff, v24  }
0x4a1: {  	v43 =	vor.u32 $0x22, v23;
	v24 =	vld.idx.msk [tilespmem:v42+s15+$0x0], vm0  }
0x4a2: {  	v44 =	vadd.s32 $0x9180, v22;
	_ =	sdelay $0x3  }
0x4a3: {  	[tilespmem:v43+s20+$0x0] =	vst.idx.msk $0xffff, v24  }
0x4a4: {  	v45 =	vor.u32 $0x23, v23;
	v24 =	vld.idx.msk [tilespmem:v44+s15+$0x0], vm0  }
0x4a5: {  	v46 =	vadd.s32 $0x9200, v22;
	_ =	sdelay $0x3  }
0x4a6: {  	[tilespmem:v45+s20+$0x0] =	vst.idx.msk $0xffff, v24  }
0x4a7: {  	v47 =	vor.u32 $0x24, v23;
	v24 =	vld.idx.msk [tilespmem:v46+s15+$0x0], vm0  }
0x4a8: {  	v48 =	vadd.s32 $0x9280, v22;
	_ =	sdelay $0x3  }
0x4a9: {  	[tilespmem:v47+s20+$0x0] =	vst.idx.msk $0xffff, v24  }
0x4aa: {  	v49 =	vor.u32 $0x25, v23;
	v24 =	vld.idx.msk [tilespmem:v48+s15+$0x0], vm0  }
0x4ab: {  	v50 =	vadd.s32 $0x9300, v22;
	_ =	sdelay $0x3  }
0x4ac: {  	[tilespmem:v49+s20+$0x0] =	vst.idx.msk $0xffff, v24  }
0x4ad: {  	v51 =	vor.u32 $0x26, v23;
	v24 =	vld.idx.msk [tilespmem:v50+s15+$0x0], vm0  }
0x4ae: {  	v52 =	vadd.s32 $0x9380, v22;
	_ =	sdelay $0x3  }
0x4af: {  	[tilespmem:v51+s20+$0x0] =	vst.idx.msk $0xffff, v24  }
0x4b0: {  	v53 =	vor.u32 $0x27, v23;
	v24 =	vld.idx.msk [tilespmem:v52+s15+$0x0], vm0  }
0x4b1: {  	v54 =	vadd.s32 $0x9400, v22;
	_ =	sdelay $0x3  }
0x4b2: {  	[tilespmem:v53+s20+$0x0] =	vst.idx.msk $0xffff, v24  }
0x4b3: {  	v55 =	vor.u32 $0x28, v23;
	v24 =	vld.idx.msk [tilespmem:v54+s15+$0x0], vm0  }
0x4b4: {  	v56 =	vadd.s32 $0x9480, v22;
	_ =	sdelay $0x3  }
0x4b5: {  	[tilespmem:v55+s20+$0x0] =	vst.idx.msk $0xffff, v24  }
0x4b6: {  	v57 =	vor.u32 $0x29, v23;
	v24 =	vld.idx.msk [tilespmem:v56+s15+$0x0], vm0  }
0x4b7: {  	v58 =	vadd.s32 $0x9500, v22;
	_ =	sdelay $0x3  }
0x4b8: {  	[tilespmem:v57+s20+$0x0] =	vst.idx.msk $0xffff, v24  }
0x4b9: {  	v59 =	vor.u32 $0x2A, v23;
	v24 =	vld.idx.msk [tilespmem:v58+s15+$0x0], vm0  }
0x4ba: {  	v60 =	vadd.s32 $0x9580, v22;
	_ =	sdelay $0x3  }
0x4bb: {  	[tilespmem:v59+s20+$0x0] =	vst.idx.msk $0xffff, v24  }
0x4bc: {  	v61 =	vor.u32 $0x2B, v23;
	v24 =	vld.idx.msk [tilespmem:v60+s15+$0x0], vm0  }
0x4bd: {  	v62 =	vadd.s32 $0x9600, v22;
	_ =	sdelay $0x3  }
0x4be: {  	[tilespmem:v61+s20+$0x0] =	vst.idx.msk $0xffff, v24  }
0x4bf: {  	v63 =	vor.u32 $0x2C, v23;
	v24 =	vld.idx.msk [tilespmem:v62+s15+$0x0], vm0  }
0x4c0: {  	v28 =	vadd.s32 $0x9680, v22;
	_ =	sdelay $0x3  }
0x4c1: {  	[tilespmem:v63+s20+$0x0] =	vst.idx.msk $0xffff, v24  }
0x4c2: {  	v29 =	vor.u32 $0x2D, v23;
	v24 =	vld.idx.msk [tilespmem:v28+s15+$0x0], vm0  }
0x4c3: {  	v30 =	vadd.s32 $0x9700, v22;
	_ =	sdelay $0x3  }
0x4c4: {  	[tilespmem:v29+s20+$0x0] =	vst.idx.msk $0xffff, v24  }
0x4c5: {  	v31 =	vor.u32 $0x2E, v23;
	v24 =	vld.idx.msk [tilespmem:v30+s15+$0x0], vm0  }
0x4c6: {  	v32 =	vadd.s32 $0x9780, v22;
	_ =	sdelay $0x3  }
0x4c7: {  	[tilespmem:v31+s20+$0x0] =	vst.idx.msk $0xffff, v24  }
0x4c8: {  	v33 =	vor.u32 $0x2F, v23;
	v24 =	vld.idx.msk [tilespmem:v32+s15+$0x0], vm0  }
0x4c9: {  	v34 =	vadd.s32 $0x9800, v22;
	_ =	sdelay $0x3  }
0x4ca: {  	[tilespmem:v33+s20+$0x0] =	vst.idx.msk $0xffff, v24  }
0x4cb: {  	v35 =	vor.u32 $0x30, v23;
	v24 =	vld.idx.msk [tilespmem:v34+s15+$0x0], vm0  }
0x4cc: {  	v36 =	vadd.s32 $0x9880, v22;
	_ =	sdelay $0x3  }
0x4cd: {  	[tilespmem:v35+s20+$0x0] =	vst.idx.msk $0xffff, v24  }
0x4ce: {  	v37 =	vor.u32 $0x31, v23;
	v24 =	vld.idx.msk [tilespmem:v36+s15+$0x0], vm0  }
0x4cf: {  	v38 =	vadd.s32 $0x9900, v22;
	_ =	sdelay $0x3  }
0x4d0: {  	[tilespmem:v37+s20+$0x0] =	vst.idx.msk $0xffff, v24  }
0x4d1: {  	v39 =	vor.u32 $0x32, v23;
	v24 =	vld.idx.msk [tilespmem:v38+s15+$0x0], vm0  }
0x4d2: {  	v40 =	vadd.s32 $0x9980, v22;
	_ =	sdelay $0x3  }
0x4d3: {  	[tilespmem:v39+s20+$0x0] =	vst.idx.msk $0xffff, v24  }
0x4d4: {  	v41 =	vor.u32 $0x33, v23;
	v24 =	vld.idx.msk [tilespmem:v40+s15+$0x0], vm0  }
0x4d5: {  	v42 =	vadd.s32 $0x9A00, v22;
	_ =	sdelay $0x3  }
0x4d6: {  	[tilespmem:v41+s20+$0x0] =	vst.idx.msk $0xffff, v24  }
0x4d7: {  	v43 =	vor.u32 $0x34, v23;
	v24 =	vld.idx.msk [tilespmem:v42+s15+$0x0], vm0  }
0x4d8: {  	v44 =	vadd.s32 $0x9A80, v22;
	_ =	sdelay $0x3  }
0x4d9: {  	[tilespmem:v43+s20+$0x0] =	vst.idx.msk $0xffff, v24  }
0x4da: {  	v45 =	vor.u32 $0x35, v23;
	v24 =	vld.idx.msk [tilespmem:v44+s15+$0x0], vm0  }
0x4db: {  	v46 =	vadd.s32 $0x9B00, v22;
	_ =	sdelay $0x3  }
0x4dc: {  	[tilespmem:v45+s20+$0x0] =	vst.idx.msk $0xffff, v24  }
0x4dd: {  	v47 =	vor.u32 $0x36, v23;
	v24 =	vld.idx.msk [tilespmem:v46+s15+$0x0], vm0  }
0x4de: {  	v48 =	vadd.s32 $0x9B80, v22;
	_ =	sdelay $0x3  }
0x4df: {  	[tilespmem:v47+s20+$0x0] =	vst.idx.msk $0xffff, v24  }
0x4e0: {  	v49 =	vor.u32 $0x37, v23;
	v24 =	vld.idx.msk [tilespmem:v48+s15+$0x0], vm0  }
0x4e1: {  	v50 =	vadd.s32 $0x9C00, v22;
	_ =	sdelay $0x3  }
0x4e2: {  	[tilespmem:v49+s20+$0x0] =	vst.idx.msk $0xffff, v24  }
0x4e3: {  	v51 =	vor.u32 $0x38, v23;
	v24 =	vld.idx.msk [tilespmem:v50+s15+$0x0], vm0  }
0x4e4: {  	v52 =	vadd.s32 $0x9C80, v22;
	_ =	sdelay $0x3  }
0x4e5: {  	[tilespmem:v51+s20+$0x0] =	vst.idx.msk $0xffff, v24  }
0x4e6: {  	v53 =	vor.u32 $0x39, v23;
	v24 =	vld.idx.msk [tilespmem:v52+s15+$0x0], vm0  }
0x4e7: {  	v54 =	vadd.s32 $0x9D00, v22;
	_ =	sdelay $0x3  }
0x4e8: {  	[tilespmem:v53+s20+$0x0] =	vst.idx.msk $0xffff, v24  }
0x4e9: {  	v55 =	vor.u32 $0x3A, v23;
	v24 =	vld.idx.msk [tilespmem:v54+s15+$0x0], vm0  }
0x4ea: {  	v56 =	vadd.s32 $0x9D80, v22;
	_ =	sdelay $0x3  }
0x4eb: {  	[tilespmem:v55+s20+$0x0] =	vst.idx.msk $0xffff, v24  }
0x4ec: {  	v57 =	vor.u32 $0x3B, v23;
	v24 =	vld.idx.msk [tilespmem:v56+s15+$0x0], vm0  }
0x4ed: {  	v58 =	vadd.s32 $0x9E00, v22;
	_ =	sdelay $0x3  }
0x4ee: {  	[tilespmem:v57+s20+$0x0] =	vst.idx.msk $0xffff, v24  }
0x4ef: {  	v59 =	vor.u32 $0x3C, v23;
	v24 =	vld.idx.msk [tilespmem:v58+s15+$0x0], vm0  }
0x4f0: {  	v60 =	vadd.s32 $0x9E80, v22;
	_ =	sdelay $0x3  }
0x4f1: {  	[tilespmem:v59+s20+$0x0] =	vst.idx.msk $0xffff, v24  }
0x4f2: {  	v61 =	vor.u32 $0x3D, v23;
	v24 =	vld.idx.msk [tilespmem:v60+s15+$0x0], vm0  }
0x4f3: {  	v62 =	vadd.s32 $0x9F00, v22;
	_ =	sdelay $0x3  }
0x4f4: {  	[tilespmem:v61+s20+$0x0] =	vst.idx.msk $0xffff, v24  }
0x4f5: {  	v63 =	vor.u32 $0x3E, v23;
	v24 =	vld.idx.msk [tilespmem:v62+s15+$0x0], vm0  }
0x4f6: {  	v22 =	vadd.s32 $0x9F80, v22;
	_ =	sdelay $0x3  }
0x4f7: {  	[tilespmem:v63+s20+$0x0] =	vst.idx.msk $0xffff, v24  }
0x4f8: {  	v23 =	vor.u32 $0x3F, v23;
	v22 =	vld.idx.msk [tilespmem:v22+s15+$0x0], vm0  }
0x4f9: {  	s13 =	sadd.s32 $0xFFFFFFFF, s13  }
0x4fa: {  	p0 =	sne.s32 s13, $0x0  }
.Ltmp27:
0x4fb: {  	_ = 	snop;
	(pc) =	sbr.rel @p0 .LBB2_41-.Ltmp27, $4  }
0x4fc: {  	s26 =	sadd.s32 $0x1, s26  }
0x4fd: {  	s1 =	sadd.s32 $0xFFFFFFF0, s1;
	s29 =	sshll.u32 s14, $0x7;
	s30 =	sshll.u32 s14, $0xB;
	v21 =	vsel vm0, v21, v1;
	[tilespmem:v23+s20+$0x0] =	vst.idx.msk $0xffff, v22  }
0x4fe: {  	s0 =	sadd.s32 $0x10, s0;
	s11 =	sor.u32 $0x19700, s29;
	s31 =	sor.u32 $0x18700, s30;
	[tilespmem:s29+$0x19700] =	vst v21  }
0x4ff: {  	[hbm4b:s5+s21] =	stream.indirect.scatter [tilespmem:s31], [sflag:$0x3], $0x80, s11, s21, $0xb8;
	[tilespmem:$0x19800] =	vst v63  }
.Ltmp28:
0x500: {  	_ = 	snop;
	(pc) =	sbr.rel .LBB2_42-.Ltmp28, $1  }
0x501: {  	_ =	sdelay $0x3  }
.LBB2_27:
.Ltmp29:
0x502: {  	(pc) =	sbr.rel .LBB2_32-.Ltmp29, $2  }
0x503: {  	_ =	sdelay $0x2  }
0x504: {  	s13 =	smov.u32 s23;
	s1 =	simm.s32 $0x0;
	s7 =	simm.s32 $0x0  }
.LBB2_36:
.Ltmp30:
0x505: {  	(pc) =	sbr.rel .LBB2_40-.Ltmp30, $2  }
0x506: {  	_ =	sdelay $0x2  }
0x507: {  	s13 =	smov.u32 s23;
	s1 =	simm.s32 $0x0;
	s14 =	simm.s32 $0x0  }
.LBB2_29:
.Ltmp31:
0x508: {  	(pc) =	sbr.rel .LBB2_32-.Ltmp31, $3  }
0x509: {  	s3 =	sld [smem:$0x7FD];
	_ =	sdelay $0x1  }
0x50a: {  	s13 =	smov.u32 s23  }
0x50b: {  	s7 =	smov.u32 s1;
	p5 =	por $0x1, $0x1;
	p6 =	seq.s32 s3, $0x1  }
.LBB2_38:
.Ltmp32:
0x50c: {  	(pc) =	sbr.rel .LBB2_40-.Ltmp32, $2  }
0x50d: {  	_ =	sdelay $0x2  }
0x50e: {  	s13 =	smov.u32 s23;
	s14 =	smov.u32 s1  }
.LBB2_8:
.Ltmp33:
0x50f: {  	(pc) =	sbr.rel .LBB2_12-.Ltmp33, $2  }
0x510: {  	_ =	sdelay $0x2  }
0x511: {  	s0 =	smov.u32 s23  }
.LBB2_15:
.Ltmp34:
0x512: {  	(pc) =	sbr.rel .LBB2_21-.Ltmp34, $2  }
0x513: {  	_ =	sdelay $0x2  }
0x514: {  	s7 =	simm.s32 $0x4180  }
.LBB2_10:
.Ltmp35:
0x515: {  	(pc) =	sbr.rel .LBB2_12-.Ltmp35, $2  }
0x516: {  	_ =	sdelay $0x2  }
0x517: {  	s0 =	smov.u32 s23  }
.LBB2_17:
.Ltmp36:
0x518: {  	(pc) =	sbr.rel .LBB2_21-.Ltmp36, $2  }
0x519: {  	_ =	sdelay $0x2  }
0x51a: {  	s7 =	simm.s32 $0x4180  }
.LBB2_19:
.Ltmp37:
0x51b: {  	(pc) =	sbr.rel .LBB2_21-.Ltmp37, $2  }
0x51c: {  	_ =	sdelay $0x2  }
0x51d: {  	s7 =	simm.s32 $0x4180  }
.LBB2_44:
0x51e: {  	_ =	sfence.sel $0x180000  }
0x51f: {  	[bflag:$0x0] =	sbarrier.arrive $0xFFFF  }
0x520: {  	_ =	strace $0x90000047  }
0x521: {  	s0 =	stileid.u32;
	[bflag:$0x2] =	sbarrier.arrive $0xFFFF  }
0x522: {  	p0 =	sne.s32 s0, $0x0;
	s0 =	rddreg [dreg:$0x2]  }
0x523: {  	s0 =	sadd.s32 @!p0 $0x100000, s0  }
0x524: {  	[sflag:s0] =	ssyncadd.tile.s32 @!p0 $0x1;
	_ =	shalt  }
.Lfunc_end2:
_tile_overlayer_lowered:
.L_overlay_start_2:
0x525: {  	(tag) =	ssettag $0x2  }
0x526: {  	s0 =	rddreg [dreg:$0x0];
	s2 =	stileid.u32  }
0x527: {  	s1 =	rddreg [dreg:$0x1];
	p0 =	sne.s32 s2, $0x0  }
0x528: {  	s3 =	rddreg [dreg:$0x2];
	[bflag:$0x3] =	sbarrier.arrive $0xFFFF;
	s2 =	simm.s32 @!p0 $0x1C05  }
0x529: {  	[timem:s3], [sflag:s2] =	dma.local @!p0 [hbm:s0], s1  }
0x52a: {  	s0 =	simm.s32 @!p0 $0x5  }
0x52b: {  	_ =	swait.ge @!p0 [sflag:s0], s1  }
0x52c: {  	s1 =	ssub.s32 @!p0 $0x0, s1;
	[sflag:s0] =	ssyncset.done @!p0 $0x0  }
0x52d: {  	[sflag:s0] =	ssyncadd.s32 @!p0 s1  }
0x52e: {  	[bflag:$0x3] =	sbarrier.arrive $0xFFFF  }
0x52f: {  	_ =	shalt  }

</sc_bundles>
